<compile_context>
chip_gen: v7x
topology: tpu7x:2x2x1
jax: 0.10.2.dev20260603
libtpu: 0.0.44.dev20260713+nightly
codegen_flags: <defaults>
</compile_context>

<pallas_src>
import jax
import jax.numpy as jnp
from jax import lax
from jax.experimental import pallas as pl
from jax.experimental.pallas import tpu as pltpu
from jax.experimental.pallas import tpu_sc as plsc

_S = 13
_CELLS = _S * _S
_T = 20
_TP = 104
_L = 16
_NW = 32
_BATCH = 128
_BPW = _BATCH // _NW
_CONF1 = 18
_CONF2 = 23


def _body(preds_hbm, tg_hbm, out_hbm, tg_v, blk_v, cellbuf, acc_v):
    wid = lax.axis_index("s") * 2 + lax.axis_index("c")
    lanes = lax.iota(jnp.int32, _L)
    zeros = jnp.zeros((_L,), jnp.float32)

    def splat(v):
        return jnp.full((_L,), v, jnp.int32)

    b0 = wid * _BPW
    pltpu.sync_copy(preds_hbm.at[pl.ds(b0, _BPW)], blk_v)
    pltpu.sync_copy(tg_hbm.at[pl.ds(b0, _BPW)], tg_v)

    acc_m = zeros
    acc_c = zeros

    for i in range(_BPW):
        isp = splat(i)

        def pick(ch, hv, jv):
            return plsc.load_gather(
                blk_v, [isp, splat(ch // 8), hv, splat(ch % 8), jv])

        per_chunk = []
        for chunk in range(2):
            tvec = lanes + chunk * _L
            fidx = jnp.minimum(tvec, _T - 1) * 5

            def field(f):
                return plsc.load_gather(tg_v, [isp, fidx + f])

            cls = field(0)
            cx = field(1)
            cy = field(2)
            w = field(3)
            h = field(4)

            gx = (cx * _S).astype(jnp.int32)
            gy = (cy * _S).astype(jnp.int32)
            valid = (gx < _S) & (gy < _S) & (tvec < _T)
            gxc = jnp.clip(gx, 0, _S - 1)
            gyc = jnp.clip(gy, 0, _S - 1)
            cell = gyc * _S + gxc
            hv = lax.shift_right_logical(cell, 7)
            jv = cell & 127

            d1 = pick(1, hv, jv) - cx
            d2 = pick(2, hv, jv) - cy
            d3 = pick(3, hv, jv) - w
            d4 = pick(4, hv, jv) - h
            coord = d1 * d1 + d2 * d2 + d3 * d3 + d4 * d4

            k = cls.astype(jnp.int32)
            cls_l = zeros
            for c in range(13):
                p = pick(5 + c, hv, jv)
                d = jnp.where(k == c, p - 1.0, p)
                cls_l = cls_l + d * d

            contrib = 5.0 * coord + cls_l
            acc_m = acc_m + jnp.where(valid, contrib, 0.0)

            plsc.store_scatter(cellbuf, [cell], tvec, mask=valid)
            per_chunk.append((tvec, cell, hv, jv, valid))

        for tvec, cell, hv, jv, valid in per_chunk:
            rb = plsc.load_gather(cellbuf, [cell])
            winner = valid & (rb == tvec)
            c0t = pick(0, hv, jv)
            acc_c = acc_c - jnp.where(winner, c0t * c0t, 0.0)

        for ch in (0, _CONF1, _CONF2):
            for hh in range(2):
                for jj in range(8):
                    v = blk_v[i, ch // 8, hh, ch % 8, pl.ds(jj * _L, _L)]
                    acc_c = acc_c + v * v

    acc_v[...] = acc_m + 0.5 * acc_c
    pltpu.sync_copy(acc_v, out_hbm.at[wid])


def kernel(predictions, targets):
    p24 = jnp.concatenate(
        [predictions[:, :23], predictions[:, 36:37]], axis=1
    ).reshape(_BATCH, 24, _CELLS)
    p24 = jnp.pad(p24, ((0, 0), (0, 0), (0, 256 - _CELLS)))
    p24 = p24.reshape(_BATCH, 3, 8, 2, 128).transpose(0, 1, 3, 2, 4)
    tg2 = jnp.pad(targets.reshape(_BATCH, 5 * _T), ((0, 0), (0, _TP - 5 * _T)))
    mesh = plsc.VectorSubcoreMesh(
        core_axis_name="c", subcore_axis_name="s", num_cores=2, num_subcores=16)
    out = pl.kernel(
        _body,
        out_type=jax.ShapeDtypeStruct((_NW, _L), jnp.float32),
        mesh=mesh,
        compiler_params=pltpu.CompilerParams(
            use_tc_tiling_on_sc=False, needs_layout_passes=False),
        scratch_types=[
            pltpu.VMEM((_BPW, _TP), jnp.float32),
            pltpu.VMEM((_BPW, 3, 2, 8, 128), jnp.float32),
            pltpu.VMEM((_CELLS,), jnp.int32),
            pltpu.VMEM((_L,), jnp.float32),
        ],
    )(p24, tg2)
    return jnp.sum(out) / _BATCH

# --- scband reference (transcript-rebuilt; emitter-appended) ---
"""Pipeline reference for scband-yololoss-11398843203937 (READ-ONLY COPY).

The authoritative reference and input builder live on the scoring server;
editing this copy changes nothing except your own understanding.
"""

import jax, jax.numpy as jnp
import numpy as np

S = 13
B = 3
C = 13
LAMBDA_COORD = 5.0
LAMBDA_NOOBJ = 0.5


def setup_inputs(seed: int = 0):
    key = jax.random.key(seed)
    k1, k2 = jax.random.split(key)
    predictions = jax.random.normal(k1, (128, B * (5 + C), S, S), dtype=jnp.float32)
    targets = jax.random.uniform(k2, (128, 20, 5), dtype=jnp.float32)
    return {"predictions": predictions, "targets": targets}


def reference(predictions, targets):
    BATCH = predictions.shape[0]
    preds = jnp.transpose(predictions, (0, 2, 3, 1)).reshape(BATCH, S, S, B, 5 + C)
    cls = targets[..., 0]
    cx = targets[..., 1]
    cy = targets[..., 2]
    w = targets[..., 3]
    h = targets[..., 4]
    gx = jnp.floor(cx * S).astype(jnp.int32)
    gy = jnp.floor(cy * S).astype(jnp.int32)
    valid = ((gx < S) & (gy < S)).astype(jnp.float32)
    gx_c = jnp.clip(gx, 0, S - 1)
    gy_c = jnp.clip(gy, 0, S - 1)
    b_idx = jnp.broadcast_to(jnp.arange(BATCH)[:, None], gx.shape)
    # gather the first-anchor box prediction at each target's grid cell
    pred_box = preds[b_idx, gy_c, gx_c, 0]  # [BATCH, T, 5+C]
    coord = ((pred_box[..., 1] - cx) ** 2 + (pred_box[..., 2] - cy) ** 2
             + (pred_box[..., 3] - w) ** 2 + (pred_box[..., 4] - h) ** 2)
    true_cls = jax.nn.one_hot(cls.astype(jnp.int32), C, dtype=jnp.float32)
    cls_l = jnp.sum((pred_box[..., 5:] - true_cls) ** 2, axis=-1)
    loss = jnp.sum((LAMBDA_COORD * coord + cls_l) * valid)
    # noobj mask: 1 everywhere, 0 at cells containing a valid target (anchor 0)
    noobj = jnp.ones((BATCH, S, S, B), dtype=jnp.float32)
    noobj = noobj.at[b_idx, gy_c, gx_c, jnp.zeros_like(gx_c)].multiply(1.0 - valid)
    pred_conf = preds[..., 0]
    loss = loss + LAMBDA_NOOBJ * jnp.sum((pred_conf * noobj) ** 2)
    return loss / BATCH

if __name__ == "__main__":
    import jax
    _d = setup_inputs()
    print(jax.jit(kernel)(*tuple(_d.values())))

</pallas_src>

<mosaic_0001>
#map = affine_map<(d0, d1) -> (0, 0, 0, 0, 0)>
#map1 = affine_map<(d0, d1) -> (0, 0)>
module attributes {stable_mosaic.version = 14 : i64} {
  func.func @_body(%arg0: i32, %arg1: i32, %arg2: memref<128x3x2x8x128xf32, #tpu.memory_space<hbm>>, %arg3: memref<128x104xf32, #tpu.memory_space<hbm>>, %arg4: memref<32x16xf32, #tpu.memory_space<hbm>>, %arg5: memref<4x104xf32, #tpu.memory_space<vmem>>, %arg6: memref<4x3x2x8x128xf32, #tpu.memory_space<vmem>>, %arg7: memref<169xi32, #tpu.memory_space<vmem>>, %arg8: memref<16xf32, #tpu.memory_space<vmem>>) attributes {dimension_semantics = [#tpu.dimension_semantics<core_parallel>, #tpu.dimension_semantics<subcore_parallel>], iteration_bounds = array<i64: 2, 16>, scalar_prefetch = 0 : i64, scratch_operands = 4 : i64, tpu.core_type = #tpu.core_type<sc_vector_subcore>, window_params = [{transform_indices = #map}, {transform_indices = #map1}, {transform_indices = #map1}]} {
    %mul3A = arith.constant 2 : i32
    %mul3A_0 = arith.muli %arg1, %mul3A : i32
    %add3A = arith.addi %mul3A_0, %arg0 : i32
    %iota3A = tpu.iota {dimensions = array<i32: 0>} : vector<16xi32>
    %broadcast_in_dim3A = arith.constant 0.000000e+00 : f32
    %broadcast_in_dim3A_1 = vector.broadcast %broadcast_in_dim3A : f32 to vector<16xf32>
    %mul3A_2 = arith.constant 4 : i32
    %mul3A_3 = arith.muli %add3A, %mul3A_2 : i32
    "tpu.region"() ({
      %run_scoped3A = tpu.sem_alloc : memref<!tpu.dma_semaphore, #tpu.memory_space<semaphore_mem>>
      %dma_start3A = arith.constant 0 : i32
      %dma_start3A_4749 = arith.constant 0 : i32
      %dma_start3A_4750 = arith.constant 0 : i32
      %dma_start3A_4751 = arith.constant 0 : i32
      %dma_start3A_4752 = tpu.memref_slice %arg2[%mul3A_3, %dma_start3A, %dma_start3A_4749, %dma_start3A_4750, %dma_start3A_4751] : memref<128x3x2x8x128xf32, #tpu.memory_space<hbm>> -> memref<4x3x2x8x128xf32, #tpu.memory_space<hbm>>
      %dma_start3A_4753 = arith.constant 0 : i32
      %dma_start3A_4754 = arith.constant 0 : i32
      %dma_start3A_4755 = arith.constant 0 : i32
      %dma_start3A_4756 = arith.constant 0 : i32
      %dma_start3A_4757 = tpu.memref_slice %arg2[%mul3A_3, %dma_start3A_4753, %dma_start3A_4754, %dma_start3A_4755, %dma_start3A_4756] : memref<128x3x2x8x128xf32, #tpu.memory_space<hbm>> -> memref<4x3x2x8x128xf32, #tpu.memory_space<hbm>>
      tpu.enqueue_dma source(%dma_start3A_4757 : memref<4x3x2x8x128xf32, #tpu.memory_space<hbm>>) target(%arg6 : memref<4x3x2x8x128xf32, #tpu.memory_space<vmem>>) target_semaphore(%run_scoped3A : memref<!tpu.dma_semaphore, #tpu.memory_space<semaphore_mem>>)
      %dma_wait3A = arith.constant 0 : i32
      %dma_wait3A_4758 = arith.constant 0 : i32
      %dma_wait3A_4759 = arith.constant 0 : i32
      %dma_wait3A_4760 = arith.constant 0 : i32
      %dma_wait3A_4761 = tpu.memref_slice %arg2[%mul3A_3, %dma_wait3A, %dma_wait3A_4758, %dma_wait3A_4759, %dma_wait3A_4760] : memref<128x3x2x8x128xf32, #tpu.memory_space<hbm>> -> memref<4x3x2x8x128xf32, #tpu.memory_space<hbm>>
      %dma_wait3A_4762 = arith.constant 0 : i32
      %dma_wait3A_4763 = arith.constant 0 : i32
      %dma_wait3A_4764 = arith.constant 0 : i32
      %dma_wait3A_4765 = arith.constant 0 : i32
      %dma_wait3A_4766 = tpu.memref_slice %arg2[%mul3A_3, %dma_wait3A_4762, %dma_wait3A_4763, %dma_wait3A_4764, %dma_wait3A_4765] : memref<128x3x2x8x128xf32, #tpu.memory_space<hbm>> -> memref<4x3x2x8x128xf32, #tpu.memory_space<hbm>>
      tpu.wait_dma2 semaphore(%run_scoped3A : memref<!tpu.dma_semaphore, #tpu.memory_space<semaphore_mem>>) src(%dma_wait3A_4766 : memref<4x3x2x8x128xf32, #tpu.memory_space<hbm>>) dst(%arg6 : memref<4x3x2x8x128xf32, #tpu.memory_space<vmem>>)
      tpu.yield
    }) : () -> ()
    "tpu.region"() ({
      %run_scoped3A = tpu.sem_alloc : memref<!tpu.dma_semaphore, #tpu.memory_space<semaphore_mem>>
      %dma_start3A = arith.constant 0 : i32
      %dma_start3A_4749 = tpu.memref_slice %arg3[%mul3A_3, %dma_start3A] : memref<128x104xf32, #tpu.memory_space<hbm>> -> memref<4x104xf32, #tpu.memory_space<hbm>>
      %dma_start3A_4750 = arith.constant 0 : i32
      %dma_start3A_4751 = tpu.memref_slice %arg3[%mul3A_3, %dma_start3A_4750] : memref<128x104xf32, #tpu.memory_space<hbm>> -> memref<4x104xf32, #tpu.memory_space<hbm>>
      tpu.enqueue_dma source(%dma_start3A_4751 : memref<4x104xf32, #tpu.memory_space<hbm>>) target(%arg5 : memref<4x104xf32, #tpu.memory_space<vmem>>) target_semaphore(%run_scoped3A : memref<!tpu.dma_semaphore, #tpu.memory_space<semaphore_mem>>)
      %dma_wait3A = arith.constant 0 : i32
      %dma_wait3A_4752 = tpu.memref_slice %arg3[%mul3A_3, %dma_wait3A] : memref<128x104xf32, #tpu.memory_space<hbm>> -> memref<4x104xf32, #tpu.memory_space<hbm>>
      %dma_wait3A_4753 = arith.constant 0 : i32
      %dma_wait3A_4754 = tpu.memref_slice %arg3[%mul3A_3, %dma_wait3A_4753] : memref<128x104xf32, #tpu.memory_space<hbm>> -> memref<4x104xf32, #tpu.memory_space<hbm>>
      tpu.wait_dma2 semaphore(%run_scoped3A : memref<!tpu.dma_semaphore, #tpu.memory_space<semaphore_mem>>) src(%dma_wait3A_4754 : memref<4x104xf32, #tpu.memory_space<hbm>>) dst(%arg5 : memref<4x104xf32, #tpu.memory_space<vmem>>)
      tpu.yield
    }) : () -> ()
    %broadcast_in_dim3A_4 = arith.constant 0 : i32
    %broadcast_in_dim3A_5 = vector.broadcast %broadcast_in_dim3A_4 : i32 to vector<16xi32>
    %add3A_6 = arith.constant 0 : i32
    %add3A_7 = vector.broadcast %add3A_6 : i32 to vector<16xi32>
    %add3A_8 = arith.addi %iota3A, %add3A_7 : vector<16xi32>
    %min3A = arith.constant 19 : i32
    %min3A_9 = vector.broadcast %min3A : i32 to vector<16xi32>
    %min3A_10 = arith.minsi %add3A_8, %min3A_9 : vector<16xi32>
    %mul3A_11 = arith.constant 5 : i32
    %mul3A_12 = vector.broadcast %mul3A_11 : i32 to vector<16xi32>
    %mul3A_13 = arith.muli %min3A_10, %mul3A_12 : vector<16xi32>
    %add3A_14 = arith.constant 0 : i32
    %add3A_15 = vector.broadcast %add3A_14 : i32 to vector<16xi32>
    %add3A_16 = arith.addi %mul3A_13, %add3A_15 : vector<16xi32>
    %gather3A = tpu.vector_load_idx %arg5[%broadcast_in_dim3A_5, %add3A_16] : memref<4x104xf32, #tpu.memory_space<vmem>>[vector<16xi32>, vector<16xi32>], vector<16xf32>,
    %add3A_17 = arith.constant 1 : i32
    %add3A_18 = vector.broadcast %add3A_17 : i32 to vector<16xi32>
    %add3A_19 = arith.addi %mul3A_13, %add3A_18 : vector<16xi32>
    %gather3A_20 = tpu.vector_load_idx %arg5[%broadcast_in_dim3A_5, %add3A_19] : memref<4x104xf32, #tpu.memory_space<vmem>>[vector<16xi32>, vector<16xi32>], vector<16xf32>,
    %add3A_21 = arith.constant 2 : i32
    %add3A_22 = vector.broadcast %add3A_21 : i32 to vector<16xi32>
    %add3A_23 = arith.addi %mul3A_13, %add3A_22 : vector<16xi32>
    %gather3A_24 = tpu.vector_load_idx %arg5[%broadcast_in_dim3A_5, %add3A_23] : memref<4x104xf32, #tpu.memory_space<vmem>>[vector<16xi32>, vector<16xi32>], vector<16xf32>,
    %add3A_25 = arith.constant 3 : i32
    %add3A_26 = vector.broadcast %add3A_25 : i32 to vector<16xi32>
    %add3A_27 = arith.addi %mul3A_13, %add3A_26 : vector<16xi32>
    %gather3A_28 = tpu.vector_load_idx %arg5[%broadcast_in_dim3A_5, %add3A_27] : memref<4x104xf32, #tpu.memory_space<vmem>>[vector<16xi32>, vector<16xi32>], vector<16xf32>,
    %add3A_29 = arith.constant 4 : i32
    %add3A_30 = vector.broadcast %add3A_29 : i32 to vector<16xi32>
    %add3A_31 = arith.addi %mul3A_13, %add3A_30 : vector<16xi32>
    %gather3A_32 = tpu.vector_load_idx %arg5[%broadcast_in_dim3A_5, %add3A_31] : memref<4x104xf32, #tpu.memory_space<vmem>>[vector<16xi32>, vector<16xi32>], vector<16xf32>,
    %mul3A_33 = arith.constant 1.300000e+01 : f32
    %mul3A_34 = vector.broadcast %mul3A_33 : f32 to vector<16xf32>
    %mul3A_35 = arith.mulf %gather3A_20, %mul3A_34 : vector<16xf32>
    %convert_element_type3A = arith.fptosi %mul3A_35 : vector<16xf32> to vector<16xi32>
    %mul3A_36 = arith.constant 1.300000e+01 : f32
    %mul3A_37 = vector.broadcast %mul3A_36 : f32 to vector<16xf32>
    %mul3A_38 = arith.mulf %gather3A_24, %mul3A_37 : vector<16xf32>
    %convert_element_type3A_39 = arith.fptosi %mul3A_38 : vector<16xf32> to vector<16xi32>
    %lt3A = arith.constant 13 : i32
    %lt3A_40 = vector.broadcast %lt3A : i32 to vector<16xi32>
    %lt3A_41 = arith.cmpi slt, %convert_element_type3A, %lt3A_40 : vector<16xi32>
    %lt3A_42 = arith.constant 13 : i32
    %lt3A_43 = vector.broadcast %lt3A_42 : i32 to vector<16xi32>
    %lt3A_44 = arith.cmpi slt, %convert_element_type3A_39, %lt3A_43 : vector<16xi32>
    %and3A = arith.andi %lt3A_41, %lt3A_44 : vector<16xi1>
    %lt3A_45 = arith.constant 20 : i32
    %lt3A_46 = vector.broadcast %lt3A_45 : i32 to vector<16xi32>
    %lt3A_47 = arith.cmpi slt, %add3A_8, %lt3A_46 : vector<16xi32>
    %and3A_48 = arith.andi %and3A, %lt3A_47 : vector<16xi1>
    %jit3A = arith.constant 0 : i32
    %jit3A_49 = arith.constant 12 : i32
    %max3A = vector.broadcast %jit3A : i32 to vector<16xi32>
    %max3A_50 = arith.maxsi %max3A, %convert_element_type3A : vector<16xi32>
    %min3A_51 = vector.broadcast %jit3A_49 : i32 to vector<16xi32>
    %min3A_52 = arith.minsi %min3A_51, %max3A_50 : vector<16xi32>
    %jit3A_53 = arith.constant 0 : i32
    %jit3A_54 = arith.constant 12 : i32
    %max3A_55 = vector.broadcast %jit3A_53 : i32 to vector<16xi32>
    %max3A_56 = arith.maxsi %max3A_55, %convert_element_type3A_39 : vector<16xi32>
    %min3A_57 = vector.broadcast %jit3A_54 : i32 to vector<16xi32>
    %min3A_58 = arith.minsi %min3A_57, %max3A_56 : vector<16xi32>
    %mul3A_59 = arith.constant 13 : i32
    %mul3A_60 = vector.broadcast %mul3A_59 : i32 to vector<16xi32>
    %mul3A_61 = arith.muli %min3A_58, %mul3A_60 : vector<16xi32>
    %add3A_62 = arith.addi %mul3A_61, %min3A_52 : vector<16xi32>
    %shift_right_logical3A = arith.constant 7 : i32
    %shift_right_logical3A_63 = vector.broadcast %shift_right_logical3A : i32 to vector<16xi32>
    %shift_right_logical3A_64 = arith.shrui %add3A_62, %shift_right_logical3A_63 : vector<16xi32>
    %and3A_65 = arith.constant 127 : i32
    %and3A_66 = vector.broadcast %and3A_65 : i32 to vector<16xi32>
    %and3A_67 = arith.andi %add3A_62, %and3A_66 : vector<16xi32>
    %broadcast_in_dim3A_68 = arith.constant 0 : i32
    %broadcast_in_dim3A_69 = vector.broadcast %broadcast_in_dim3A_68 : i32 to vector<16xi32>
    %broadcast_in_dim3A_70 = arith.constant 1 : i32
    %broadcast_in_dim3A_71 = vector.broadcast %broadcast_in_dim3A_70 : i32 to vector<16xi32>
    %gather3A_72 = tpu.vector_load_idx %arg6[%broadcast_in_dim3A_5, %broadcast_in_dim3A_69, %shift_right_logical3A_64, %broadcast_in_dim3A_71, %and3A_67] : memref<4x3x2x8x128xf32, #tpu.memory_space<vmem>>[vector<16xi32>, vector<16xi32>, vector<16xi32>, vector<16xi32>, vector<16xi32>], vector<16xf32>,
    %sub3A = arith.subf %gather3A_72, %gather3A_20 : vector<16xf32>
    %broadcast_in_dim3A_73 = arith.constant 0 : i32
    %broadcast_in_dim3A_74 = vector.broadcast %broadcast_in_dim3A_73 : i32 to vector<16xi32>
    %broadcast_in_dim3A_75 = arith.constant 2 : i32
    %broadcast_in_dim3A_76 = vector.broadcast %broadcast_in_dim3A_75 : i32 to vector<16xi32>
    %gather3A_77 = tpu.vector_load_idx %arg6[%broadcast_in_dim3A_5, %broadcast_in_dim3A_74, %shift_right_logical3A_64, %broadcast_in_dim3A_76, %and3A_67] : memref<4x3x2x8x128xf32, #tpu.memory_space<vmem>>[vector<16xi32>, vector<16xi32>, vector<16xi32>, vector<16xi32>, vector<16xi32>], vector<16xf32>,
    %sub3A_78 = arith.subf %gather3A_77, %gather3A_24 : vector<16xf32>
    %broadcast_in_dim3A_79 = arith.constant 0 : i32
    %broadcast_in_dim3A_80 = vector.broadcast %broadcast_in_dim3A_79 : i32 to vector<16xi32>
    %broadcast_in_dim3A_81 = arith.constant 3 : i32
    %broadcast_in_dim3A_82 = vector.broadcast %broadcast_in_dim3A_81 : i32 to vector<16xi32>
    %gather3A_83 = tpu.vector_load_idx %arg6[%broadcast_in_dim3A_5, %broadcast_in_dim3A_80, %shift_right_logical3A_64, %broadcast_in_dim3A_82, %and3A_67] : memref<4x3x2x8x128xf32, #tpu.memory_space<vmem>>[vector<16xi32>, vector<16xi32>, vector<16xi32>, vector<16xi32>, vector<16xi32>], vector<16xf32>,
    %sub3A_84 = arith.subf %gather3A_83, %gather3A_28 : vector<16xf32>
    %broadcast_in_dim3A_85 = arith.constant 0 : i32
    %broadcast_in_dim3A_86 = vector.broadcast %broadcast_in_dim3A_85 : i32 to vector<16xi32>
    %broadcast_in_dim3A_87 = arith.constant 4 : i32
    %broadcast_in_dim3A_88 = vector.broadcast %broadcast_in_dim3A_87 : i32 to vector<16xi32>
    %gather3A_89 = tpu.vector_load_idx %arg6[%broadcast_in_dim3A_5, %broadcast_in_dim3A_86, %shift_right_logical3A_64, %broadcast_in_dim3A_88, %and3A_67] : memref<4x3x2x8x128xf32, #tpu.memory_space<vmem>>[vector<16xi32>, vector<16xi32>, vector<16xi32>, vector<16xi32>, vector<16xi32>], vector<16xf32>,
    %sub3A_90 = arith.subf %gather3A_89, %gather3A_32 : vector<16xf32>
    %mul3A_91 = arith.mulf %sub3A, %sub3A : vector<16xf32>
    %mul3A_92 = arith.mulf %sub3A_78, %sub3A_78 : vector<16xf32>
    %add3A_93 = arith.addf %mul3A_91, %mul3A_92 : vector<16xf32>
    %mul3A_94 = arith.mulf %sub3A_84, %sub3A_84 : vector<16xf32>
    %add3A_95 = arith.addf %add3A_93, %mul3A_94 : vector<16xf32>
    %mul3A_96 = arith.mulf %sub3A_90, %sub3A_90 : vector<16xf32>
    %add3A_97 = arith.addf %add3A_95, %mul3A_96 : vector<16xf32>
    %convert_element_type3A_98 = arith.fptosi %gather3A : vector<16xf32> to vector<16xi32>
    %broadcast_in_dim3A_99 = arith.constant 0 : i32
    %broadcast_in_dim3A_100 = vector.broadcast %broadcast_in_dim3A_99 : i32 to vector<16xi32>
    %broadcast_in_dim3A_101 = arith.constant 5 : i32
    %broadcast_in_dim3A_102 = vector.broadcast %broadcast_in_dim3A_101 : i32 to vector<16xi32>
    %gather3A_103 = tpu.vector_load_idx %arg6[%broadcast_in_dim3A_5, %broadcast_in_dim3A_100, %shift_right_logical3A_64, %broadcast_in_dim3A_102, %and3A_67] : memref<4x3x2x8x128xf32, #tpu.memory_space<vmem>>[vector<16xi32>, vector<16xi32>, vector<16xi32>, vector<16xi32>, vector<16xi32>], vector<16xf32>,
    %eq3A = arith.constant 0 : i32
    %eq3A_104 = vector.broadcast %eq3A : i32 to vector<16xi32>
    %eq3A_105 = arith.cmpi eq, %convert_element_type3A_98, %eq3A_104 : vector<16xi32>
    %sub3A_106 = arith.constant 1.000000e+00 : f32
    %sub3A_107 = vector.broadcast %sub3A_106 : f32 to vector<16xf32>
    %sub3A_108 = arith.subf %gather3A_103, %sub3A_107 : vector<16xf32>
    %select_n3A = arith.select %eq3A_105, %sub3A_108, %gather3A_103 : vector<16xi1>, vector<16xf32>
    %mul3A_109 = arith.mulf %select_n3A, %select_n3A : vector<16xf32>
    %add3A_110 = arith.addf %broadcast_in_dim3A_1, %mul3A_109 : vector<16xf32>
    %broadcast_in_dim3A_111 = arith.constant 0 : i32
    %broadcast_in_dim3A_112 = vector.broadcast %broadcast_in_dim3A_111 : i32 to vector<16xi32>
    %broadcast_in_dim3A_113 = arith.constant 6 : i32
    %broadcast_in_dim3A_114 = vector.broadcast %broadcast_in_dim3A_113 : i32 to vector<16xi32>
    %gather3A_115 = tpu.vector_load_idx %arg6[%broadcast_in_dim3A_5, %broadcast_in_dim3A_112, %shift_right_logical3A_64, %broadcast_in_dim3A_114, %and3A_67] : memref<4x3x2x8x128xf32, #tpu.memory_space<vmem>>[vector<16xi32>, vector<16xi32>, vector<16xi32>, vector<16xi32>, vector<16xi32>], vector<16xf32>,
    %eq3A_116 = arith.constant 1 : i32
    %eq3A_117 = vector.broadcast %eq3A_116 : i32 to vector<16xi32>
    %eq3A_118 = arith.cmpi eq, %convert_element_type3A_98, %eq3A_117 : vector<16xi32>
    %sub3A_119 = arith.constant 1.000000e+00 : f32
    %sub3A_120 = vector.broadcast %sub3A_119 : f32 to vector<16xf32>
    %sub3A_121 = arith.subf %gather3A_115, %sub3A_120 : vector<16xf32>
    %select_n3A_122 = arith.select %eq3A_118, %sub3A_121, %gather3A_115 : vector<16xi1>, vector<16xf32>
    %mul3A_123 = arith.mulf %select_n3A_122, %select_n3A_122 : vector<16xf32>
    %add3A_124 = arith.addf %add3A_110, %mul3A_123 : vector<16xf32>
    %broadcast_in_dim3A_125 = arith.constant 0 : i32
    %broadcast_in_dim3A_126 = vector.broadcast %broadcast_in_dim3A_125 : i32 to vector<16xi32>
    %broadcast_in_dim3A_127 = arith.constant 7 : i32
    %broadcast_in_dim3A_128 = vector.broadcast %broadcast_in_dim3A_127 : i32 to vector<16xi32>
    %gather3A_129 = tpu.vector_load_idx %arg6[%broadcast_in_dim3A_5, %broadcast_in_dim3A_126, %shift_right_logical3A_64, %broadcast_in_dim3A_128, %and3A_67] : memref<4x3x2x8x128xf32, #tpu.memory_space<vmem>>[vector<16xi32>, vector<16xi32>, vector<16xi32>, vector<16xi32>, vector<16xi32>], vector<16xf32>,
    %eq3A_130 = arith.constant 2 : i32
    %eq3A_131 = vector.broadcast %eq3A_130 : i32 to vector<16xi32>
    %eq3A_132 = arith.cmpi eq, %convert_element_type3A_98, %eq3A_131 : vector<16xi32>
    %sub3A_133 = arith.constant 1.000000e+00 : f32
    %sub3A_134 = vector.broadcast %sub3A_133 : f32 to vector<16xf32>
    %sub3A_135 = arith.subf %gather3A_129, %sub3A_134 : vector<16xf32>
    %select_n3A_136 = arith.select %eq3A_132, %sub3A_135, %gather3A_129 : vector<16xi1>, vector<16xf32>
    %mul3A_137 = arith.mulf %select_n3A_136, %select_n3A_136 : vector<16xf32>
    %add3A_138 = arith.addf %add3A_124, %mul3A_137 : vector<16xf32>
    %broadcast_in_dim3A_139 = arith.constant 1 : i32
    %broadcast_in_dim3A_140 = vector.broadcast %broadcast_in_dim3A_139 : i32 to vector<16xi32>
    %broadcast_in_dim3A_141 = arith.constant 0 : i32
    %broadcast_in_dim3A_142 = vector.broadcast %broadcast_in_dim3A_141 : i32 to vector<16xi32>
    %gather3A_143 = tpu.vector_load_idx %arg6[%broadcast_in_dim3A_5, %broadcast_in_dim3A_140, %shift_right_logical3A_64, %broadcast_in_dim3A_142, %and3A_67] : memref<4x3x2x8x128xf32, #tpu.memory_space<vmem>>[vector<16xi32>, vector<16xi32>, vector<16xi32>, vector<16xi32>, vector<16xi32>], vector<16xf32>,
    %eq3A_144 = arith.constant 3 : i32
    %eq3A_145 = vector.broadcast %eq3A_144 : i32 to vector<16xi32>
    %eq3A_146 = arith.cmpi eq, %convert_element_type3A_98, %eq3A_145 : vector<16xi32>
    %sub3A_147 = arith.constant 1.000000e+00 : f32
    %sub3A_148 = vector.broadcast %sub3A_147 : f32 to vector<16xf32>
    %sub3A_149 = arith.subf %gather3A_143, %sub3A_148 : vector<16xf32>
    %select_n3A_150 = arith.select %eq3A_146, %sub3A_149, %gather3A_143 : vector<16xi1>, vector<16xf32>
    %mul3A_151 = arith.mulf %select_n3A_150, %select_n3A_150 : vector<16xf32>
    %add3A_152 = arith.addf %add3A_138, %mul3A_151 : vector<16xf32>
    %broadcast_in_dim3A_153 = arith.constant 1 : i32
    %broadcast_in_dim3A_154 = vector.broadcast %broadcast_in_dim3A_153 : i32 to vector<16xi32>
    %broadcast_in_dim3A_155 = arith.constant 1 : i32
    %broadcast_in_dim3A_156 = vector.broadcast %broadcast_in_dim3A_155 : i32 to vector<16xi32>
    %gather3A_157 = tpu.vector_load_idx %arg6[%broadcast_in_dim3A_5, %broadcast_in_dim3A_154, %shift_right_logical3A_64, %broadcast_in_dim3A_156, %and3A_67] : memref<4x3x2x8x128xf32, #tpu.memory_space<vmem>>[vector<16xi32>, vector<16xi32>, vector<16xi32>, vector<16xi32>, vector<16xi32>], vector<16xf32>,
    %eq3A_158 = arith.constant 4 : i32
    %eq3A_159 = vector.broadcast %eq3A_158 : i32 to vector<16xi32>
    %eq3A_160 = arith.cmpi eq, %convert_element_type3A_98, %eq3A_159 : vector<16xi32>
    %sub3A_161 = arith.constant 1.000000e+00 : f32
    %sub3A_162 = vector.broadcast %sub3A_161 : f32 to vector<16xf32>
    %sub3A_163 = arith.subf %gather3A_157, %sub3A_162 : vector<16xf32>
    %select_n3A_164 = arith.select %eq3A_160, %sub3A_163, %gather3A_157 : vector<16xi1>, vector<16xf32>
    %mul3A_165 = arith.mulf %select_n3A_164, %select_n3A_164 : vector<16xf32>
    %add3A_166 = arith.addf %add3A_152, %mul3A_165 : vector<16xf32>
    %broadcast_in_dim3A_167 = arith.constant 1 : i32
    %broadcast_in_dim3A_168 = vector.broadcast %broadcast_in_dim3A_167 : i32 to vector<16xi32>
    %broadcast_in_dim3A_169 = arith.constant 2 : i32
    %broadcast_in_dim3A_170 = vector.broadcast %broadcast_in_dim3A_169 : i32 to vector<16xi32>
    %gather3A_171 = tpu.vector_load_idx %arg6[%broadcast_in_dim3A_5, %broadcast_in_dim3A_168, %shift_right_logical3A_64, %broadcast_in_dim3A_170, %and3A_67] : memref<4x3x2x8x128xf32, #tpu.memory_space<vmem>>[vector<16xi32>, vector<16xi32>, vector<16xi32>, vector<16xi32>, vector<16xi32>], vector<16xf32>,
    %eq3A_172 = arith.constant 5 : i32
    %eq3A_173 = vector.broadcast %eq3A_172 : i32 to vector<16xi32>
    %eq3A_174 = arith.cmpi eq, %convert_element_type3A_98, %eq3A_173 : vector<16xi32>
    %sub3A_175 = arith.constant 1.000000e+00 : f32
    %sub3A_176 = vector.broadcast %sub3A_175 : f32 to vector<16xf32>
    %sub3A_177 = arith.subf %gather3A_171, %sub3A_176 : vector<16xf32>
    %select_n3A_178 = arith.select %eq3A_174, %sub3A_177, %gather3A_171 : vector<16xi1>, vector<16xf32>
    %mul3A_179 = arith.mulf %select_n3A_178, %select_n3A_178 : vector<16xf32>
    %add3A_180 = arith.addf %add3A_166, %mul3A_179 : vector<16xf32>
    %broadcast_in_dim3A_181 = arith.constant 1 : i32
    %broadcast_in_dim3A_182 = vector.broadcast %broadcast_in_dim3A_181 : i32 to vector<16xi32>
    %broadcast_in_dim3A_183 = arith.constant 3 : i32
    %broadcast_in_dim3A_184 = vector.broadcast %broadcast_in_dim3A_183 : i32 to vector<16xi32>
    %gather3A_185 = tpu.vector_load_idx %arg6[%broadcast_in_dim3A_5, %broadcast_in_dim3A_182, %shift_right_logical3A_64, %broadcast_in_dim3A_184, %and3A_67] : memref<4x3x2x8x128xf32, #tpu.memory_space<vmem>>[vector<16xi32>, vector<16xi32>, vector<16xi32>, vector<16xi32>, vector<16xi32>], vector<16xf32>,
    %eq3A_186 = arith.constant 6 : i32
    %eq3A_187 = vector.broadcast %eq3A_186 : i32 to vector<16xi32>
    %eq3A_188 = arith.cmpi eq, %convert_element_type3A_98, %eq3A_187 : vector<16xi32>
    %sub3A_189 = arith.constant 1.000000e+00 : f32
    %sub3A_190 = vector.broadcast %sub3A_189 : f32 to vector<16xf32>
    %sub3A_191 = arith.subf %gather3A_185, %sub3A_190 : vector<16xf32>
    %select_n3A_192 = arith.select %eq3A_188, %sub3A_191, %gather3A_185 : vector<16xi1>, vector<16xf32>
    %mul3A_193 = arith.mulf %select_n3A_192, %select_n3A_192 : vector<16xf32>
    %add3A_194 = arith.addf %add3A_180, %mul3A_193 : vector<16xf32>
    %broadcast_in_dim3A_195 = arith.constant 1 : i32
    %broadcast_in_dim3A_196 = vector.broadcast %broadcast_in_dim3A_195 : i32 to vector<16xi32>
    %broadcast_in_dim3A_197 = arith.constant 4 : i32
    %broadcast_in_dim3A_198 = vector.broadcast %broadcast_in_dim3A_197 : i32 to vector<16xi32>
    %gather3A_199 = tpu.vector_load_idx %arg6[%broadcast_in_dim3A_5, %broadcast_in_dim3A_196, %shift_right_logical3A_64, %broadcast_in_dim3A_198, %and3A_67] : memref<4x3x2x8x128xf32, #tpu.memory_space<vmem>>[vector<16xi32>, vector<16xi32>, vector<16xi32>, vector<16xi32>, vector<16xi32>], vector<16xf32>,
    %eq3A_200 = arith.constant 7 : i32
    %eq3A_201 = vector.broadcast %eq3A_200 : i32 to vector<16xi32>
    %eq3A_202 = arith.cmpi eq, %convert_element_type3A_98, %eq3A_201 : vector<16xi32>
    %sub3A_203 = arith.constant 1.000000e+00 : f32
    %sub3A_204 = vector.broadcast %sub3A_203 : f32 to vector<16xf32>
    %sub3A_205 = arith.subf %gather3A_199, %sub3A_204 : vector<16xf32>
    %select_n3A_206 = arith.select %eq3A_202, %sub3A_205, %gather3A_199 : vector<16xi1>, vector<16xf32>
    %mul3A_207 = arith.mulf %select_n3A_206, %select_n3A_206 : vector<16xf32>
    %add3A_208 = arith.addf %add3A_194, %mul3A_207 : vector<16xf32>
    %broadcast_in_dim3A_209 = arith.constant 1 : i32
    %broadcast_in_dim3A_210 = vector.broadcast %broadcast_in_dim3A_209 : i32 to vector<16xi32>
    %broadcast_in_dim3A_211 = arith.constant 5 : i32
    %broadcast_in_dim3A_212 = vector.broadcast %broadcast_in_dim3A_211 : i32 to vector<16xi32>
    %gather3A_213 = tpu.vector_load_idx %arg6[%broadcast_in_dim3A_5, %broadcast_in_dim3A_210, %shift_right_logical3A_64, %broadcast_in_dim3A_212, %and3A_67] : memref<4x3x2x8x128xf32, #tpu.memory_space<vmem>>[vector<16xi32>, vector<16xi32>, vector<16xi32>, vector<16xi32>, vector<16xi32>], vector<16xf32>,
    %eq3A_214 = arith.constant 8 : i32
    %eq3A_215 = vector.broadcast %eq3A_214 : i32 to vector<16xi32>
    %eq3A_216 = arith.cmpi eq, %convert_element_type3A_98, %eq3A_215 : vector<16xi32>
    %sub3A_217 = arith.constant 1.000000e+00 : f32
    %sub3A_218 = vector.broadcast %sub3A_217 : f32 to vector<16xf32>
    %sub3A_219 = arith.subf %gather3A_213, %sub3A_218 : vector<16xf32>
    %select_n3A_220 = arith.select %eq3A_216, %sub3A_219, %gather3A_213 : vector<16xi1>, vector<16xf32>
    %mul3A_221 = arith.mulf %select_n3A_220, %select_n3A_220 : vector<16xf32>
    %add3A_222 = arith.addf %add3A_208, %mul3A_221 : vector<16xf32>
    %broadcast_in_dim3A_223 = arith.constant 1 : i32
    %broadcast_in_dim3A_224 = vector.broadcast %broadcast_in_dim3A_223 : i32 to vector<16xi32>
    %broadcast_in_dim3A_225 = arith.constant 6 : i32
    %broadcast_in_dim3A_226 = vector.broadcast %broadcast_in_dim3A_225 : i32 to vector<16xi32>
    %gather3A_227 = tpu.vector_load_idx %arg6[%broadcast_in_dim3A_5, %broadcast_in_dim3A_224, %shift_right_logical3A_64, %broadcast_in_dim3A_226, %and3A_67] : memref<4x3x2x8x128xf32, #tpu.memory_space<vmem>>[vector<16xi32>, vector<16xi32>, vector<16xi32>, vector<16xi32>, vector<16xi32>], vector<16xf32>,
    %eq3A_228 = arith.constant 9 : i32
    %eq3A_229 = vector.broadcast %eq3A_228 : i32 to vector<16xi32>
    %eq3A_230 = arith.cmpi eq, %convert_element_type3A_98, %eq3A_229 : vector<16xi32>
    %sub3A_231 = arith.constant 1.000000e+00 : f32
    %sub3A_232 = vector.broadcast %sub3A_231 : f32 to vector<16xf32>
    %sub3A_233 = arith.subf %gather3A_227, %sub3A_232 : vector<16xf32>
    %select_n3A_234 = arith.select %eq3A_230, %sub3A_233, %gather3A_227 : vector<16xi1>, vector<16xf32>
    %mul3A_235 = arith.mulf %select_n3A_234, %select_n3A_234 : vector<16xf32>
    %add3A_236 = arith.addf %add3A_222, %mul3A_235 : vector<16xf32>
    %broadcast_in_dim3A_237 = arith.constant 1 : i32
    %broadcast_in_dim3A_238 = vector.broadcast %broadcast_in_dim3A_237 : i32 to vector<16xi32>
    %broadcast_in_dim3A_239 = arith.constant 7 : i32
    %broadcast_in_dim3A_240 = vector.broadcast %broadcast_in_dim3A_239 : i32 to vector<16xi32>
    %gather3A_241 = tpu.vector_load_idx %arg6[%broadcast_in_dim3A_5, %broadcast_in_dim3A_238, %shift_right_logical3A_64, %broadcast_in_dim3A_240, %and3A_67] : memref<4x3x2x8x128xf32, #tpu.memory_space<vmem>>[vector<16xi32>, vector<16xi32>, vector<16xi32>, vector<16xi32>, vector<16xi32>], vector<16xf32>,
    %eq3A_242 = arith.constant 10 : i32
    %eq3A_243 = vector.broadcast %eq3A_242 : i32 to vector<16xi32>
    %eq3A_244 = arith.cmpi eq, %convert_element_type3A_98, %eq3A_243 : vector<16xi32>
    %sub3A_245 = arith.constant 1.000000e+00 : f32
    %sub3A_246 = vector.broadcast %sub3A_245 : f32 to vector<16xf32>
    %sub3A_247 = arith.subf %gather3A_241, %sub3A_246 : vector<16xf32>
    %select_n3A_248 = arith.select %eq3A_244, %sub3A_247, %gather3A_241 : vector<16xi1>, vector<16xf32>
    %mul3A_249 = arith.mulf %select_n3A_248, %select_n3A_248 : vector<16xf32>
    %add3A_250 = arith.addf %add3A_236, %mul3A_249 : vector<16xf32>
    %broadcast_in_dim3A_251 = arith.constant 2 : i32
    %broadcast_in_dim3A_252 = vector.broadcast %broadcast_in_dim3A_251 : i32 to vector<16xi32>
    %broadcast_in_dim3A_253 = arith.constant 0 : i32
    %broadcast_in_dim3A_254 = vector.broadcast %broadcast_in_dim3A_253 : i32 to vector<16xi32>
    %gather3A_255 = tpu.vector_load_idx %arg6[%broadcast_in_dim3A_5, %broadcast_in_dim3A_252, %shift_right_logical3A_64, %broadcast_in_dim3A_254, %and3A_67] : memref<4x3x2x8x128xf32, #tpu.memory_space<vmem>>[vector<16xi32>, vector<16xi32>, vector<16xi32>, vector<16xi32>, vector<16xi32>], vector<16xf32>,
    %eq3A_256 = arith.constant 11 : i32
    %eq3A_257 = vector.broadcast %eq3A_256 : i32 to vector<16xi32>
    %eq3A_258 = arith.cmpi eq, %convert_element_type3A_98, %eq3A_257 : vector<16xi32>
    %sub3A_259 = arith.constant 1.000000e+00 : f32
    %sub3A_260 = vector.broadcast %sub3A_259 : f32 to vector<16xf32>
    %sub3A_261 = arith.subf %gather3A_255, %sub3A_260 : vector<16xf32>
    %select_n3A_262 = arith.select %eq3A_258, %sub3A_261, %gather3A_255 : vector<16xi1>, vector<16xf32>
    %mul3A_263 = arith.mulf %select_n3A_262, %select_n3A_262 : vector<16xf32>
    %add3A_264 = arith.addf %add3A_250, %mul3A_263 : vector<16xf32>
    %broadcast_in_dim3A_265 = arith.constant 2 : i32
    %broadcast_in_dim3A_266 = vector.broadcast %broadcast_in_dim3A_265 : i32 to vector<16xi32>
    %broadcast_in_dim3A_267 = arith.constant 1 : i32
    %broadcast_in_dim3A_268 = vector.broadcast %broadcast_in_dim3A_267 : i32 to vector<16xi32>
    %gather3A_269 = tpu.vector_load_idx %arg6[%broadcast_in_dim3A_5, %broadcast_in_dim3A_266, %shift_right_logical3A_64, %broadcast_in_dim3A_268, %and3A_67] : memref<4x3x2x8x128xf32, #tpu.memory_space<vmem>>[vector<16xi32>, vector<16xi32>, vector<16xi32>, vector<16xi32>, vector<16xi32>], vector<16xf32>,
    %eq3A_270 = arith.constant 12 : i32
    %eq3A_271 = vector.broadcast %eq3A_270 : i32 to vector<16xi32>
    %eq3A_272 = arith.cmpi eq, %convert_element_type3A_98, %eq3A_271 : vector<16xi32>
    %sub3A_273 = arith.constant 1.000000e+00 : f32
    %sub3A_274 = vector.broadcast %sub3A_273 : f32 to vector<16xf32>
    %sub3A_275 = arith.subf %gather3A_269, %sub3A_274 : vector<16xf32>
    %select_n3A_276 = arith.select %eq3A_272, %sub3A_275, %gather3A_269 : vector<16xi1>, vector<16xf32>
    %mul3A_277 = arith.mulf %select_n3A_276, %select_n3A_276 : vector<16xf32>
    %add3A_278 = arith.addf %add3A_264, %mul3A_277 : vector<16xf32>
    %mul3A_279 = arith.constant 5.000000e+00 : f32
    %mul3A_280 = vector.broadcast %mul3A_279 : f32 to vector<16xf32>
    %mul3A_281 = arith.mulf %mul3A_280, %add3A_97 : vector<16xf32>
    %add3A_282 = arith.addf %mul3A_281, %add3A_278 : vector<16xf32>
    %jit3A_283 = arith.constant 0.000000e+00 : f32
    %broadcast_in_dim3A_284 = vector.broadcast %jit3A_283 : f32 to vector<16xf32>
    %select_n3A_285 = arith.select %and3A_48, %add3A_282, %broadcast_in_dim3A_284 : vector<16xi1>, vector<16xf32>
    %add3A_286 = arith.addf %broadcast_in_dim3A_1, %select_n3A_285 : vector<16xf32>
    tpu.vector_store_idx %arg7[%add3A_62], %add3A_8 masked %and3A_48 : memref<169xi32, #tpu.memory_space<vmem>>[vector<16xi32>], vector<16xi32>, vector<16xi1>
    %add3A_287 = arith.constant 16 : i32
    %add3A_288 = vector.broadcast %add3A_287 : i32 to vector<16xi32>
    %add3A_289 = arith.addi %iota3A, %add3A_288 : vector<16xi32>
    %min3A_290 = arith.constant 19 : i32
    %min3A_291 = vector.broadcast %min3A_290 : i32 to vector<16xi32>
    %min3A_292 = arith.minsi %add3A_289, %min3A_291 : vector<16xi32>
    %mul3A_293 = arith.constant 5 : i32
    %mul3A_294 = vector.broadcast %mul3A_293 : i32 to vector<16xi32>
    %mul3A_295 = arith.muli %min3A_292, %mul3A_294 : vector<16xi32>
    %add3A_296 = arith.constant 0 : i32
    %add3A_297 = vector.broadcast %add3A_296 : i32 to vector<16xi32>
    %add3A_298 = arith.addi %mul3A_295, %add3A_297 : vector<16xi32>
    %gather3A_299 = tpu.vector_load_idx %arg5[%broadcast_in_dim3A_5, %add3A_298] : memref<4x104xf32, #tpu.memory_space<vmem>>[vector<16xi32>, vector<16xi32>], vector<16xf32>,
    %add3A_300 = arith.constant 1 : i32
    %add3A_301 = vector.broadcast %add3A_300 : i32 to vector<16xi32>
    %add3A_302 = arith.addi %mul3A_295, %add3A_301 : vector<16xi32>
    %gather3A_303 = tpu.vector_load_idx %arg5[%broadcast_in_dim3A_5, %add3A_302] : memref<4x104xf32, #tpu.memory_space<vmem>>[vector<16xi32>, vector<16xi32>], vector<16xf32>,
    %add3A_304 = arith.constant 2 : i32
    %add3A_305 = vector.broadcast %add3A_304 : i32 to vector<16xi32>
    %add3A_306 = arith.addi %mul3A_295, %add3A_305 : vector<16xi32>
    %gather3A_307 = tpu.vector_load_idx %arg5[%broadcast_in_dim3A_5, %add3A_306] : memref<4x104xf32, #tpu.memory_space<vmem>>[vector<16xi32>, vector<16xi32>], vector<16xf32>,
    %add3A_308 = arith.constant 3 : i32
    %add3A_309 = vector.broadcast %add3A_308 : i32 to vector<16xi32>
    %add3A_310 = arith.addi %mul3A_295, %add3A_309 : vector<16xi32>
    %gather3A_311 = tpu.vector_load_idx %arg5[%broadcast_in_dim3A_5, %add3A_310] : memref<4x104xf32, #tpu.memory_space<vmem>>[vector<16xi32>, vector<16xi32>], vector<16xf32>,
    %add3A_312 = arith.constant 4 : i32
    %add3A_313 = vector.broadcast %add3A_312 : i32 to vector<16xi32>
    %add3A_314 = arith.addi %mul3A_295, %add3A_313 : vector<16xi32>
    %gather3A_315 = tpu.vector_load_idx %arg5[%broadcast_in_dim3A_5, %add3A_314] : memref<4x104xf32, #tpu.memory_space<vmem>>[vector<16xi32>, vector<16xi32>], vector<16xf32>,
    %mul3A_316 = arith.constant 1.300000e+01 : f32
    %mul3A_317 = vector.broadcast %mul3A_316 : f32 to vector<16xf32>
    %mul3A_318 = arith.mulf %gather3A_303, %mul3A_317 : vector<16xf32>
    %convert_element_type3A_319 = arith.fptosi %mul3A_318 : vector<16xf32> to vector<16xi32>
    %mul3A_320 = arith.constant 1.300000e+01 : f32
    %mul3A_321 = vector.broadcast %mul3A_320 : f32 to vector<16xf32>
    %mul3A_322 = arith.mulf %gather3A_307, %mul3A_321 : vector<16xf32>
    %convert_element_type3A_323 = arith.fptosi %mul3A_322 : vector<16xf32> to vector<16xi32>
    %lt3A_324 = arith.constant 13 : i32
    %lt3A_325 = vector.broadcast %lt3A_324 : i32 to vector<16xi32>
    %lt3A_326 = arith.cmpi slt, %convert_element_type3A_319, %lt3A_325 : vector<16xi32>
    %lt3A_327 = arith.constant 13 : i32
    %lt3A_328 = vector.broadcast %lt3A_327 : i32 to vector<16xi32>
    %lt3A_329 = arith.cmpi slt, %convert_element_type3A_323, %lt3A_328 : vector<16xi32>
    %and3A_330 = arith.andi %lt3A_326, %lt3A_329 : vector<16xi1>
    %lt3A_331 = arith.constant 20 : i32
    %lt3A_332 = vector.broadcast %lt3A_331 : i32 to vector<16xi32>
    %lt3A_333 = arith.cmpi slt, %add3A_289, %lt3A_332 : vector<16xi32>
    %and3A_334 = arith.andi %and3A_330, %lt3A_333 : vector<16xi1>
    %jit3A_335 = arith.constant 0 : i32
    %jit3A_336 = arith.constant 12 : i32
    %max3A_337 = vector.broadcast %jit3A_335 : i32 to vector<16xi32>
    %max3A_338 = arith.maxsi %max3A_337, %convert_element_type3A_319 : vector<16xi32>
    %min3A_339 = vector.broadcast %jit3A_336 : i32 to vector<16xi32>
    %min3A_340 = arith.minsi %min3A_339, %max3A_338 : vector<16xi32>
    %jit3A_341 = arith.constant 0 : i32
    %jit3A_342 = arith.constant 12 : i32
    %max3A_343 = vector.broadcast %jit3A_341 : i32 to vector<16xi32>
    %max3A_344 = arith.maxsi %max3A_343, %convert_element_type3A_323 : vector<16xi32>
    %min3A_345 = vector.broadcast %jit3A_342 : i32 to vector<16xi32>
    %min3A_346 = arith.minsi %min3A_345, %max3A_344 : vector<16xi32>
    %mul3A_347 = arith.constant 13 : i32
    %mul3A_348 = vector.broadcast %mul3A_347 : i32 to vector<16xi32>
    %mul3A_349 = arith.muli %min3A_346, %mul3A_348 : vector<16xi32>
    %add3A_350 = arith.addi %mul3A_349, %min3A_340 : vector<16xi32>
    %shift_right_logical3A_351 = arith.constant 7 : i32
    %shift_right_logical3A_352 = vector.broadcast %shift_right_logical3A_351 : i32 to vector<16xi32>
    %shift_right_logical3A_353 = arith.shrui %add3A_350, %shift_right_logical3A_352 : vector<16xi32>
    %and3A_354 = arith.constant 127 : i32
    %and3A_355 = vector.broadcast %and3A_354 : i32 to vector<16xi32>
    %and3A_356 = arith.andi %add3A_350, %and3A_355 : vector<16xi32>
    %broadcast_in_dim3A_357 = arith.constant 0 : i32
    %broadcast_in_dim3A_358 = vector.broadcast %broadcast_in_dim3A_357 : i32 to vector<16xi32>
    %broadcast_in_dim3A_359 = arith.constant 1 : i32
    %broadcast_in_dim3A_360 = vector.broadcast %broadcast_in_dim3A_359 : i32 to vector<16xi32>
    %gather3A_361 = tpu.vector_load_idx %arg6[%broadcast_in_dim3A_5, %broadcast_in_dim3A_358, %shift_right_logical3A_353, %broadcast_in_dim3A_360, %and3A_356] : memref<4x3x2x8x128xf32, #tpu.memory_space<vmem>>[vector<16xi32>, vector<16xi32>, vector<16xi32>, vector<16xi32>, vector<16xi32>], vector<16xf32>,
    %sub3A_362 = arith.subf %gather3A_361, %gather3A_303 : vector<16xf32>
    %broadcast_in_dim3A_363 = arith.constant 0 : i32
    %broadcast_in_dim3A_364 = vector.broadcast %broadcast_in_dim3A_363 : i32 to vector<16xi32>
    %broadcast_in_dim3A_365 = arith.constant 2 : i32
    %broadcast_in_dim3A_366 = vector.broadcast %broadcast_in_dim3A_365 : i32 to vector<16xi32>
    %gather3A_367 = tpu.vector_load_idx %arg6[%broadcast_in_dim3A_5, %broadcast_in_dim3A_364, %shift_right_logical3A_353, %broadcast_in_dim3A_366, %and3A_356] : memref<4x3x2x8x128xf32, #tpu.memory_space<vmem>>[vector<16xi32>, vector<16xi32>, vector<16xi32>, vector<16xi32>, vector<16xi32>], vector<16xf32>,
    %sub3A_368 = arith.subf %gather3A_367, %gather3A_307 : vector<16xf32>
    %broadcast_in_dim3A_369 = arith.constant 0 : i32
    %broadcast_in_dim3A_370 = vector.broadcast %broadcast_in_dim3A_369 : i32 to vector<16xi32>
    %broadcast_in_dim3A_371 = arith.constant 3 : i32
    %broadcast_in_dim3A_372 = vector.broadcast %broadcast_in_dim3A_371 : i32 to vector<16xi32>
    %gather3A_373 = tpu.vector_load_idx %arg6[%broadcast_in_dim3A_5, %broadcast_in_dim3A_370, %shift_right_logical3A_353, %broadcast_in_dim3A_372, %and3A_356] : memref<4x3x2x8x128xf32, #tpu.memory_space<vmem>>[vector<16xi32>, vector<16xi32>, vector<16xi32>, vector<16xi32>, vector<16xi32>], vector<16xf32>,
    %sub3A_374 = arith.subf %gather3A_373, %gather3A_311 : vector<16xf32>
    %broadcast_in_dim3A_375 = arith.constant 0 : i32
    %broadcast_in_dim3A_376 = vector.broadcast %broadcast_in_dim3A_375 : i32 to vector<16xi32>
    %broadcast_in_dim3A_377 = arith.constant 4 : i32
    %broadcast_in_dim3A_378 = vector.broadcast %broadcast_in_dim3A_377 : i32 to vector<16xi32>
    %gather3A_379 = tpu.vector_load_idx %arg6[%broadcast_in_dim3A_5, %broadcast_in_dim3A_376, %shift_right_logical3A_353, %broadcast_in_dim3A_378, %and3A_356] : memref<4x3x2x8x128xf32, #tpu.memory_space<vmem>>[vector<16xi32>, vector<16xi32>, vector<16xi32>, vector<16xi32>, vector<16xi32>], vector<16xf32>,
    %sub3A_380 = arith.subf %gather3A_379, %gather3A_315 : vector<16xf32>
    %mul3A_381 = arith.mulf %sub3A_362, %sub3A_362 : vector<16xf32>
    %mul3A_382 = arith.mulf %sub3A_368, %sub3A_368 : vector<16xf32>
    %add3A_383 = arith.addf %mul3A_381, %mul3A_382 : vector<16xf32>
    %mul3A_384 = arith.mulf %sub3A_374, %sub3A_374 : vector<16xf32>
    %add3A_385 = arith.addf %add3A_383, %mul3A_384 : vector<16xf32>
    %mul3A_386 = arith.mulf %sub3A_380, %sub3A_380 : vector<16xf32>
    %add3A_387 = arith.addf %add3A_385, %mul3A_386 : vector<16xf32>
    %convert_element_type3A_388 = arith.fptosi %gather3A_299 : vector<16xf32> to vector<16xi32>
    %broadcast_in_dim3A_389 = arith.constant 0 : i32
    %broadcast_in_dim3A_390 = vector.broadcast %broadcast_in_dim3A_389 : i32 to vector<16xi32>
    %broadcast_in_dim3A_391 = arith.constant 5 : i32
    %broadcast_in_dim3A_392 = vector.broadcast %broadcast_in_dim3A_391 : i32 to vector<16xi32>
    %gather3A_393 = tpu.vector_load_idx %arg6[%broadcast_in_dim3A_5, %broadcast_in_dim3A_390, %shift_right_logical3A_353, %broadcast_in_dim3A_392, %and3A_356] : memref<4x3x2x8x128xf32, #tpu.memory_space<vmem>>[vector<16xi32>, vector<16xi32>, vector<16xi32>, vector<16xi32>, vector<16xi32>], vector<16xf32>,
    %eq3A_394 = arith.constant 0 : i32
    %eq3A_395 = vector.broadcast %eq3A_394 : i32 to vector<16xi32>
    %eq3A_396 = arith.cmpi eq, %convert_element_type3A_388, %eq3A_395 : vector<16xi32>
    %sub3A_397 = arith.constant 1.000000e+00 : f32
    %sub3A_398 = vector.broadcast %sub3A_397 : f32 to vector<16xf32>
    %sub3A_399 = arith.subf %gather3A_393, %sub3A_398 : vector<16xf32>
    %select_n3A_400 = arith.select %eq3A_396, %sub3A_399, %gather3A_393 : vector<16xi1>, vector<16xf32>
    %mul3A_401 = arith.mulf %select_n3A_400, %select_n3A_400 : vector<16xf32>
    %add3A_402 = arith.addf %broadcast_in_dim3A_1, %mul3A_401 : vector<16xf32>
    %broadcast_in_dim3A_403 = arith.constant 0 : i32
    %broadcast_in_dim3A_404 = vector.broadcast %broadcast_in_dim3A_403 : i32 to vector<16xi32>
    %broadcast_in_dim3A_405 = arith.constant 6 : i32
    %broadcast_in_dim3A_406 = vector.broadcast %broadcast_in_dim3A_405 : i32 to vector<16xi32>
    %gather3A_407 = tpu.vector_load_idx %arg6[%broadcast_in_dim3A_5, %broadcast_in_dim3A_404, %shift_right_logical3A_353, %broadcast_in_dim3A_406, %and3A_356] : memref<4x3x2x8x128xf32, #tpu.memory_space<vmem>>[vector<16xi32>, vector<16xi32>, vector<16xi32>, vector<16xi32>, vector<16xi32>], vector<16xf32>,
    %eq3A_408 = arith.constant 1 : i32
    %eq3A_409 = vector.broadcast %eq3A_408 : i32 to vector<16xi32>
    %eq3A_410 = arith.cmpi eq, %convert_element_type3A_388, %eq3A_409 : vector<16xi32>
    %sub3A_411 = arith.constant 1.000000e+00 : f32
    %sub3A_412 = vector.broadcast %sub3A_411 : f32 to vector<16xf32>
    %sub3A_413 = arith.subf %gather3A_407, %sub3A_412 : vector<16xf32>
    %select_n3A_414 = arith.select %eq3A_410, %sub3A_413, %gather3A_407 : vector<16xi1>, vector<16xf32>
    %mul3A_415 = arith.mulf %select_n3A_414, %select_n3A_414 : vector<16xf32>
    %add3A_416 = arith.addf %add3A_402, %mul3A_415 : vector<16xf32>
    %broadcast_in_dim3A_417 = arith.constant 0 : i32
    %broadcast_in_dim3A_418 = vector.broadcast %broadcast_in_dim3A_417 : i32 to vector<16xi32>
    %broadcast_in_dim3A_419 = arith.constant 7 : i32
    %broadcast_in_dim3A_420 = vector.broadcast %broadcast_in_dim3A_419 : i32 to vector<16xi32>
    %gather3A_421 = tpu.vector_load_idx %arg6[%broadcast_in_dim3A_5, %broadcast_in_dim3A_418, %shift_right_logical3A_353, %broadcast_in_dim3A_420, %and3A_356] : memref<4x3x2x8x128xf32, #tpu.memory_space<vmem>>[vector<16xi32>, vector<16xi32>, vector<16xi32>, vector<16xi32>, vector<16xi32>], vector<16xf32>,
    %eq3A_422 = arith.constant 2 : i32
    %eq3A_423 = vector.broadcast %eq3A_422 : i32 to vector<16xi32>
    %eq3A_424 = arith.cmpi eq, %convert_element_type3A_388, %eq3A_423 : vector<16xi32>
    %sub3A_425 = arith.constant 1.000000e+00 : f32
    %sub3A_426 = vector.broadcast %sub3A_425 : f32 to vector<16xf32>
    %sub3A_427 = arith.subf %gather3A_421, %sub3A_426 : vector<16xf32>
    %select_n3A_428 = arith.select %eq3A_424, %sub3A_427, %gather3A_421 : vector<16xi1>, vector<16xf32>
    %mul3A_429 = arith.mulf %select_n3A_428, %select_n3A_428 : vector<16xf32>
    %add3A_430 = arith.addf %add3A_416, %mul3A_429 : vector<16xf32>
    %broadcast_in_dim3A_431 = arith.constant 1 : i32
    %broadcast_in_dim3A_432 = vector.broadcast %broadcast_in_dim3A_431 : i32 to vector<16xi32>
    %broadcast_in_dim3A_433 = arith.constant 0 : i32
    %broadcast_in_dim3A_434 = vector.broadcast %broadcast_in_dim3A_433 : i32 to vector<16xi32>
    %gather3A_435 = tpu.vector_load_idx %arg6[%broadcast_in_dim3A_5, %broadcast_in_dim3A_432, %shift_right_logical3A_353, %broadcast_in_dim3A_434, %and3A_356] : memref<4x3x2x8x128xf32, #tpu.memory_space<vmem>>[vector<16xi32>, vector<16xi32>, vector<16xi32>, vector<16xi32>, vector<16xi32>], vector<16xf32>,
    %eq3A_436 = arith.constant 3 : i32
    %eq3A_437 = vector.broadcast %eq3A_436 : i32 to vector<16xi32>
    %eq3A_438 = arith.cmpi eq, %convert_element_type3A_388, %eq3A_437 : vector<16xi32>
    %sub3A_439 = arith.constant 1.000000e+00 : f32
    %sub3A_440 = vector.broadcast %sub3A_439 : f32 to vector<16xf32>
    %sub3A_441 = arith.subf %gather3A_435, %sub3A_440 : vector<16xf32>
    %select_n3A_442 = arith.select %eq3A_438, %sub3A_441, %gather3A_435 : vector<16xi1>, vector<16xf32>
    %mul3A_443 = arith.mulf %select_n3A_442, %select_n3A_442 : vector<16xf32>
    %add3A_444 = arith.addf %add3A_430, %mul3A_443 : vector<16xf32>
    %broadcast_in_dim3A_445 = arith.constant 1 : i32
    %broadcast_in_dim3A_446 = vector.broadcast %broadcast_in_dim3A_445 : i32 to vector<16xi32>
    %broadcast_in_dim3A_447 = arith.constant 1 : i32
    %broadcast_in_dim3A_448 = vector.broadcast %broadcast_in_dim3A_447 : i32 to vector<16xi32>
    %gather3A_449 = tpu.vector_load_idx %arg6[%broadcast_in_dim3A_5, %broadcast_in_dim3A_446, %shift_right_logical3A_353, %broadcast_in_dim3A_448, %and3A_356] : memref<4x3x2x8x128xf32, #tpu.memory_space<vmem>>[vector<16xi32>, vector<16xi32>, vector<16xi32>, vector<16xi32>, vector<16xi32>], vector<16xf32>,
    %eq3A_450 = arith.constant 4 : i32
    %eq3A_451 = vector.broadcast %eq3A_450 : i32 to vector<16xi32>
    %eq3A_452 = arith.cmpi eq, %convert_element_type3A_388, %eq3A_451 : vector<16xi32>
    %sub3A_453 = arith.constant 1.000000e+00 : f32
    %sub3A_454 = vector.broadcast %sub3A_453 : f32 to vector<16xf32>
    %sub3A_455 = arith.subf %gather3A_449, %sub3A_454 : vector<16xf32>
    %select_n3A_456 = arith.select %eq3A_452, %sub3A_455, %gather3A_449 : vector<16xi1>, vector<16xf32>
    %mul3A_457 = arith.mulf %select_n3A_456, %select_n3A_456 : vector<16xf32>
    %add3A_458 = arith.addf %add3A_444, %mul3A_457 : vector<16xf32>
    %broadcast_in_dim3A_459 = arith.constant 1 : i32
    %broadcast_in_dim3A_460 = vector.broadcast %broadcast_in_dim3A_459 : i32 to vector<16xi32>
    %broadcast_in_dim3A_461 = arith.constant 2 : i32
    %broadcast_in_dim3A_462 = vector.broadcast %broadcast_in_dim3A_461 : i32 to vector<16xi32>
    %gather3A_463 = tpu.vector_load_idx %arg6[%broadcast_in_dim3A_5, %broadcast_in_dim3A_460, %shift_right_logical3A_353, %broadcast_in_dim3A_462, %and3A_356] : memref<4x3x2x8x128xf32, #tpu.memory_space<vmem>>[vector<16xi32>, vector<16xi32>, vector<16xi32>, vector<16xi32>, vector<16xi32>], vector<16xf32>,
    %eq3A_464 = arith.constant 5 : i32
    %eq3A_465 = vector.broadcast %eq3A_464 : i32 to vector<16xi32>
    %eq3A_466 = arith.cmpi eq, %convert_element_type3A_388, %eq3A_465 : vector<16xi32>
    %sub3A_467 = arith.constant 1.000000e+00 : f32
    %sub3A_468 = vector.broadcast %sub3A_467 : f32 to vector<16xf32>
    %sub3A_469 = arith.subf %gather3A_463, %sub3A_468 : vector<16xf32>
    %select_n3A_470 = arith.select %eq3A_466, %sub3A_469, %gather3A_463 : vector<16xi1>, vector<16xf32>
    %mul3A_471 = arith.mulf %select_n3A_470, %select_n3A_470 : vector<16xf32>
    %add3A_472 = arith.addf %add3A_458, %mul3A_471 : vector<16xf32>
    %broadcast_in_dim3A_473 = arith.constant 1 : i32
    %broadcast_in_dim3A_474 = vector.broadcast %broadcast_in_dim3A_473 : i32 to vector<16xi32>
    %broadcast_in_dim3A_475 = arith.constant 3 : i32
    %broadcast_in_dim3A_476 = vector.broadcast %broadcast_in_dim3A_475 : i32 to vector<16xi32>
    %gather3A_477 = tpu.vector_load_idx %arg6[%broadcast_in_dim3A_5, %broadcast_in_dim3A_474, %shift_right_logical3A_353, %broadcast_in_dim3A_476, %and3A_356] : memref<4x3x2x8x128xf32, #tpu.memory_space<vmem>>[vector<16xi32>, vector<16xi32>, vector<16xi32>, vector<16xi32>, vector<16xi32>], vector<16xf32>,
    %eq3A_478 = arith.constant 6 : i32
    %eq3A_479 = vector.broadcast %eq3A_478 : i32 to vector<16xi32>
    %eq3A_480 = arith.cmpi eq, %convert_element_type3A_388, %eq3A_479 : vector<16xi32>
    %sub3A_481 = arith.constant 1.000000e+00 : f32
    %sub3A_482 = vector.broadcast %sub3A_481 : f32 to vector<16xf32>
    %sub3A_483 = arith.subf %gather3A_477, %sub3A_482 : vector<16xf32>
    %select_n3A_484 = arith.select %eq3A_480, %sub3A_483, %gather3A_477 : vector<16xi1>, vector<16xf32>
    %mul3A_485 = arith.mulf %select_n3A_484, %select_n3A_484 : vector<16xf32>
    %add3A_486 = arith.addf %add3A_472, %mul3A_485 : vector<16xf32>
    %broadcast_in_dim3A_487 = arith.constant 1 : i32
    %broadcast_in_dim3A_488 = vector.broadcast %broadcast_in_dim3A_487 : i32 to vector<16xi32>
    %broadcast_in_dim3A_489 = arith.constant 4 : i32
    %broadcast_in_dim3A_490 = vector.broadcast %broadcast_in_dim3A_489 : i32 to vector<16xi32>
    %gather3A_491 = tpu.vector_load_idx %arg6[%broadcast_in_dim3A_5, %broadcast_in_dim3A_488, %shift_right_logical3A_353, %broadcast_in_dim3A_490, %and3A_356] : memref<4x3x2x8x128xf32, #tpu.memory_space<vmem>>[vector<16xi32>, vector<16xi32>, vector<16xi32>, vector<16xi32>, vector<16xi32>], vector<16xf32>,
    %eq3A_492 = arith.constant 7 : i32
    %eq3A_493 = vector.broadcast %eq3A_492 : i32 to vector<16xi32>
    %eq3A_494 = arith.cmpi eq, %convert_element_type3A_388, %eq3A_493 : vector<16xi32>
    %sub3A_495 = arith.constant 1.000000e+00 : f32
    %sub3A_496 = vector.broadcast %sub3A_495 : f32 to vector<16xf32>
    %sub3A_497 = arith.subf %gather3A_491, %sub3A_496 : vector<16xf32>
    %select_n3A_498 = arith.select %eq3A_494, %sub3A_497, %gather3A_491 : vector<16xi1>, vector<16xf32>
    %mul3A_499 = arith.mulf %select_n3A_498, %select_n3A_498 : vector<16xf32>
    %add3A_500 = arith.addf %add3A_486, %mul3A_499 : vector<16xf32>
    %broadcast_in_dim3A_501 = arith.constant 1 : i32
    %broadcast_in_dim3A_502 = vector.broadcast %broadcast_in_dim3A_501 : i32 to vector<16xi32>
    %broadcast_in_dim3A_503 = arith.constant 5 : i32
    %broadcast_in_dim3A_504 = vector.broadcast %broadcast_in_dim3A_503 : i32 to vector<16xi32>
    %gather3A_505 = tpu.vector_load_idx %arg6[%broadcast_in_dim3A_5, %broadcast_in_dim3A_502, %shift_right_logical3A_353, %broadcast_in_dim3A_504, %and3A_356] : memref<4x3x2x8x128xf32, #tpu.memory_space<vmem>>[vector<16xi32>, vector<16xi32>, vector<16xi32>, vector<16xi32>, vector<16xi32>], vector<16xf32>,
    %eq3A_506 = arith.constant 8 : i32
    %eq3A_507 = vector.broadcast %eq3A_506 : i32 to vector<16xi32>
    %eq3A_508 = arith.cmpi eq, %convert_element_type3A_388, %eq3A_507 : vector<16xi32>
    %sub3A_509 = arith.constant 1.000000e+00 : f32
    %sub3A_510 = vector.broadcast %sub3A_509 : f32 to vector<16xf32>
    %sub3A_511 = arith.subf %gather3A_505, %sub3A_510 : vector<16xf32>
    %select_n3A_512 = arith.select %eq3A_508, %sub3A_511, %gather3A_505 : vector<16xi1>, vector<16xf32>
    %mul3A_513 = arith.mulf %select_n3A_512, %select_n3A_512 : vector<16xf32>
    %add3A_514 = arith.addf %add3A_500, %mul3A_513 : vector<16xf32>
    %broadcast_in_dim3A_515 = arith.constant 1 : i32
    %broadcast_in_dim3A_516 = vector.broadcast %broadcast_in_dim3A_515 : i32 to vector<16xi32>
    %broadcast_in_dim3A_517 = arith.constant 6 : i32
    %broadcast_in_dim3A_518 = vector.broadcast %broadcast_in_dim3A_517 : i32 to vector<16xi32>
    %gather3A_519 = tpu.vector_load_idx %arg6[%broadcast_in_dim3A_5, %broadcast_in_dim3A_516, %shift_right_logical3A_353, %broadcast_in_dim3A_518, %and3A_356] : memref<4x3x2x8x128xf32, #tpu.memory_space<vmem>>[vector<16xi32>, vector<16xi32>, vector<16xi32>, vector<16xi32>, vector<16xi32>], vector<16xf32>,
    %eq3A_520 = arith.constant 9 : i32
    %eq3A_521 = vector.broadcast %eq3A_520 : i32 to vector<16xi32>
    %eq3A_522 = arith.cmpi eq, %convert_element_type3A_388, %eq3A_521 : vector<16xi32>
    %sub3A_523 = arith.constant 1.000000e+00 : f32
    %sub3A_524 = vector.broadcast %sub3A_523 : f32 to vector<16xf32>
    %sub3A_525 = arith.subf %gather3A_519, %sub3A_524 : vector<16xf32>
    %select_n3A_526 = arith.select %eq3A_522, %sub3A_525, %gather3A_519 : vector<16xi1>, vector<16xf32>
    %mul3A_527 = arith.mulf %select_n3A_526, %select_n3A_526 : vector<16xf32>
    %add3A_528 = arith.addf %add3A_514, %mul3A_527 : vector<16xf32>
    %broadcast_in_dim3A_529 = arith.constant 1 : i32
    %broadcast_in_dim3A_530 = vector.broadcast %broadcast_in_dim3A_529 : i32 to vector<16xi32>
    %broadcast_in_dim3A_531 = arith.constant 7 : i32
    %broadcast_in_dim3A_532 = vector.broadcast %broadcast_in_dim3A_531 : i32 to vector<16xi32>
    %gather3A_533 = tpu.vector_load_idx %arg6[%broadcast_in_dim3A_5, %broadcast_in_dim3A_530, %shift_right_logical3A_353, %broadcast_in_dim3A_532, %and3A_356] : memref<4x3x2x8x128xf32, #tpu.memory_space<vmem>>[vector<16xi32>, vector<16xi32>, vector<16xi32>, vector<16xi32>, vector<16xi32>], vector<16xf32>,
    %eq3A_534 = arith.constant 10 : i32
    %eq3A_535 = vector.broadcast %eq3A_534 : i32 to vector<16xi32>
    %eq3A_536 = arith.cmpi eq, %convert_element_type3A_388, %eq3A_535 : vector<16xi32>
    %sub3A_537 = arith.constant 1.000000e+00 : f32
    %sub3A_538 = vector.broadcast %sub3A_537 : f32 to vector<16xf32>
    %sub3A_539 = arith.subf %gather3A_533, %sub3A_538 : vector<16xf32>
    %select_n3A_540 = arith.select %eq3A_536, %sub3A_539, %gather3A_533 : vector<16xi1>, vector<16xf32>
    %mul3A_541 = arith.mulf %select_n3A_540, %select_n3A_540 : vector<16xf32>
    %add3A_542 = arith.addf %add3A_528, %mul3A_541 : vector<16xf32>
    %broadcast_in_dim3A_543 = arith.constant 2 : i32
    %broadcast_in_dim3A_544 = vector.broadcast %broadcast_in_dim3A_543 : i32 to vector<16xi32>
    %broadcast_in_dim3A_545 = arith.constant 0 : i32
    %broadcast_in_dim3A_546 = vector.broadcast %broadcast_in_dim3A_545 : i32 to vector<16xi32>
    %gather3A_547 = tpu.vector_load_idx %arg6[%broadcast_in_dim3A_5, %broadcast_in_dim3A_544, %shift_right_logical3A_353, %broadcast_in_dim3A_546, %and3A_356] : memref<4x3x2x8x128xf32, #tpu.memory_space<vmem>>[vector<16xi32>, vector<16xi32>, vector<16xi32>, vector<16xi32>, vector<16xi32>], vector<16xf32>,
    %eq3A_548 = arith.constant 11 : i32
    %eq3A_549 = vector.broadcast %eq3A_548 : i32 to vector<16xi32>
    %eq3A_550 = arith.cmpi eq, %convert_element_type3A_388, %eq3A_549 : vector<16xi32>
    %sub3A_551 = arith.constant 1.000000e+00 : f32
    %sub3A_552 = vector.broadcast %sub3A_551 : f32 to vector<16xf32>
    %sub3A_553 = arith.subf %gather3A_547, %sub3A_552 : vector<16xf32>
    %select_n3A_554 = arith.select %eq3A_550, %sub3A_553, %gather3A_547 : vector<16xi1>, vector<16xf32>
    %mul3A_555 = arith.mulf %select_n3A_554, %select_n3A_554 : vector<16xf32>
    %add3A_556 = arith.addf %add3A_542, %mul3A_555 : vector<16xf32>
    %broadcast_in_dim3A_557 = arith.constant 2 : i32
    %broadcast_in_dim3A_558 = vector.broadcast %broadcast_in_dim3A_557 : i32 to vector<16xi32>
    %broadcast_in_dim3A_559 = arith.constant 1 : i32
    %broadcast_in_dim3A_560 = vector.broadcast %broadcast_in_dim3A_559 : i32 to vector<16xi32>
    %gather3A_561 = tpu.vector_load_idx %arg6[%broadcast_in_dim3A_5, %broadcast_in_dim3A_558, %shift_right_logical3A_353, %broadcast_in_dim3A_560, %and3A_356] : memref<4x3x2x8x128xf32, #tpu.memory_space<vmem>>[vector<16xi32>, vector<16xi32>, vector<16xi32>, vector<16xi32>, vector<16xi32>], vector<16xf32>,
    %eq3A_562 = arith.constant 12 : i32
    %eq3A_563 = vector.broadcast %eq3A_562 : i32 to vector<16xi32>
    %eq3A_564 = arith.cmpi eq, %convert_element_type3A_388, %eq3A_563 : vector<16xi32>
    %sub3A_565 = arith.constant 1.000000e+00 : f32
    %sub3A_566 = vector.broadcast %sub3A_565 : f32 to vector<16xf32>
    %sub3A_567 = arith.subf %gather3A_561, %sub3A_566 : vector<16xf32>
    %select_n3A_568 = arith.select %eq3A_564, %sub3A_567, %gather3A_561 : vector<16xi1>, vector<16xf32>
    %mul3A_569 = arith.mulf %select_n3A_568, %select_n3A_568 : vector<16xf32>
    %add3A_570 = arith.addf %add3A_556, %mul3A_569 : vector<16xf32>
    %mul3A_571 = arith.constant 5.000000e+00 : f32
    %mul3A_572 = vector.broadcast %mul3A_571 : f32 to vector<16xf32>
    %mul3A_573 = arith.mulf %mul3A_572, %add3A_387 : vector<16xf32>
    %add3A_574 = arith.addf %mul3A_573, %add3A_570 : vector<16xf32>
    %jit3A_575 = arith.constant 0.000000e+00 : f32
    %broadcast_in_dim3A_576 = vector.broadcast %jit3A_575 : f32 to vector<16xf32>
    %select_n3A_577 = arith.select %and3A_334, %add3A_574, %broadcast_in_dim3A_576 : vector<16xi1>, vector<16xf32>
    %add3A_578 = arith.addf %add3A_286, %select_n3A_577 : vector<16xf32>
    tpu.vector_store_idx %arg7[%add3A_350], %add3A_289 masked %and3A_334 : memref<169xi32, #tpu.memory_space<vmem>>[vector<16xi32>], vector<16xi32>, vector<16xi1>
    %gather3A_579 = tpu.vector_load_idx %arg7[%add3A_62] : memref<169xi32, #tpu.memory_space<vmem>>[vector<16xi32>], vector<16xi32>,
    %eq3A_580 = arith.cmpi eq, %gather3A_579, %add3A_8 : vector<16xi32>
    %and3A_581 = arith.andi %and3A_48, %eq3A_580 : vector<16xi1>
    %broadcast_in_dim3A_582 = arith.constant 0 : i32
    %broadcast_in_dim3A_583 = vector.broadcast %broadcast_in_dim3A_582 : i32 to vector<16xi32>
    %broadcast_in_dim3A_584 = arith.constant 0 : i32
    %broadcast_in_dim3A_585 = vector.broadcast %broadcast_in_dim3A_584 : i32 to vector<16xi32>
    %gather3A_586 = tpu.vector_load_idx %arg6[%broadcast_in_dim3A_5, %broadcast_in_dim3A_583, %shift_right_logical3A_64, %broadcast_in_dim3A_585, %and3A_67] : memref<4x3x2x8x128xf32, #tpu.memory_space<vmem>>[vector<16xi32>, vector<16xi32>, vector<16xi32>, vector<16xi32>, vector<16xi32>], vector<16xf32>,
    %mul3A_587 = arith.mulf %gather3A_586, %gather3A_586 : vector<16xf32>
    %jit3A_588 = arith.constant 0.000000e+00 : f32
    %broadcast_in_dim3A_589 = vector.broadcast %jit3A_588 : f32 to vector<16xf32>
    %select_n3A_590 = arith.select %and3A_581, %mul3A_587, %broadcast_in_dim3A_589 : vector<16xi1>, vector<16xf32>
    %sub3A_591 = arith.subf %broadcast_in_dim3A_1, %select_n3A_590 : vector<16xf32>
    %gather3A_592 = tpu.vector_load_idx %arg7[%add3A_350] : memref<169xi32, #tpu.memory_space<vmem>>[vector<16xi32>], vector<16xi32>,
    %eq3A_593 = arith.cmpi eq, %gather3A_592, %add3A_289 : vector<16xi32>
    %and3A_594 = arith.andi %and3A_334, %eq3A_593 : vector<16xi1>
    %broadcast_in_dim3A_595 = arith.constant 0 : i32
    %broadcast_in_dim3A_596 = vector.broadcast %broadcast_in_dim3A_595 : i32 to vector<16xi32>
    %broadcast_in_dim3A_597 = arith.constant 0 : i32
    %broadcast_in_dim3A_598 = vector.broadcast %broadcast_in_dim3A_597 : i32 to vector<16xi32>
    %gather3A_599 = tpu.vector_load_idx %arg6[%broadcast_in_dim3A_5, %broadcast_in_dim3A_596, %shift_right_logical3A_353, %broadcast_in_dim3A_598, %and3A_356] : memref<4x3x2x8x128xf32, #tpu.memory_space<vmem>>[vector<16xi32>, vector<16xi32>, vector<16xi32>, vector<16xi32>, vector<16xi32>], vector<16xf32>,
    %mul3A_600 = arith.mulf %gather3A_599, %gather3A_599 : vector<16xf32>
    %jit3A_601 = arith.constant 0.000000e+00 : f32
    %broadcast_in_dim3A_602 = vector.broadcast %jit3A_601 : f32 to vector<16xf32>
    %select_n3A_603 = arith.select %and3A_594, %mul3A_600, %broadcast_in_dim3A_602 : vector<16xi1>, vector<16xf32>
    %sub3A_604 = arith.subf %sub3A_591, %select_n3A_603 : vector<16xf32>
    %get3A = arith.constant 0 : i32
    %get3A_605 = arith.constant 0 : i32
    %get3A_606 = arith.constant 0 : i32
    %get3A_607 = arith.constant 0 : i32
    %get3A_608 = arith.index_cast %get3A : i32 to index
    %get3A_609 = arith.index_cast %get3A_605 : i32 to index
    %get3A_610 = arith.index_cast %get3A_606 : i32 to index
    %get3A_611 = arith.index_cast %get3A_607 : i32 to index
    %get3A_612 = arith.constant 0 : index
    %get3A_613 = tpu.vector_load %arg6[%get3A_608, %get3A_609, %get3A_610, %get3A_611, %get3A_612] {strides = array<i32>} : memref<4x3x2x8x128xf32, #tpu.memory_space<vmem>>, vector<16xf32>,
    %mul3A_614 = arith.mulf %get3A_613, %get3A_613 : vector<16xf32>
    %add3A_615 = arith.addf %sub3A_604, %mul3A_614 : vector<16xf32>
    %get3A_616 = arith.constant 0 : i32
    %get3A_617 = arith.constant 0 : i32
    %get3A_618 = arith.constant 0 : i32
    %get3A_619 = arith.constant 0 : i32
    %get3A_620 = arith.index_cast %get3A_616 : i32 to index
    %get3A_621 = arith.index_cast %get3A_617 : i32 to index
    %get3A_622 = arith.index_cast %get3A_618 : i32 to index
    %get3A_623 = arith.index_cast %get3A_619 : i32 to index
    %get3A_624 = arith.constant 16 : index
    %get3A_625 = tpu.vector_load %arg6[%get3A_620, %get3A_621, %get3A_622, %get3A_623, %get3A_624] {strides = array<i32>} : memref<4x3x2x8x128xf32, #tpu.memory_space<vmem>>, vector<16xf32>,
    %mul3A_626 = arith.mulf %get3A_625, %get3A_625 : vector<16xf32>
    %add3A_627 = arith.addf %add3A_615, %mul3A_626 : vector<16xf32>
    %get3A_628 = arith.constant 0 : i32
    %get3A_629 = arith.constant 0 : i32
    %get3A_630 = arith.constant 0 : i32
    %get3A_631 = arith.constant 0 : i32
    %get3A_632 = arith.index_cast %get3A_628 : i32 to index
    %get3A_633 = arith.index_cast %get3A_629 : i32 to index
    %get3A_634 = arith.index_cast %get3A_630 : i32 to index
    %get3A_635 = arith.index_cast %get3A_631 : i32 to index
    %get3A_636 = arith.constant 32 : index
    %get3A_637 = tpu.vector_load %arg6[%get3A_632, %get3A_633, %get3A_634, %get3A_635, %get3A_636] {strides = array<i32>} : memref<4x3x2x8x128xf32, #tpu.memory_space<vmem>>, vector<16xf32>,
    %mul3A_638 = arith.mulf %get3A_637, %get3A_637 : vector<16xf32>
    %add3A_639 = arith.addf %add3A_627, %mul3A_638 : vector<16xf32>
    %get3A_640 = arith.constant 0 : i32
    %get3A_641 = arith.constant 0 : i32
    %get3A_642 = arith.constant 0 : i32
    %get3A_643 = arith.constant 0 : i32
    %get3A_644 = arith.index_cast %get3A_640 : i32 to index
    %get3A_645 = arith.index_cast %get3A_641 : i32 to index
    %get3A_646 = arith.index_cast %get3A_642 : i32 to index
    %get3A_647 = arith.index_cast %get3A_643 : i32 to index
    %get3A_648 = arith.constant 48 : index
    %get3A_649 = tpu.vector_load %arg6[%get3A_644, %get3A_645, %get3A_646, %get3A_647, %get3A_648] {strides = array<i32>} : memref<4x3x2x8x128xf32, #tpu.memory_space<vmem>>, vector<16xf32>,
    %mul3A_650 = arith.mulf %get3A_649, %get3A_649 : vector<16xf32>
    %add3A_651 = arith.addf %add3A_639, %mul3A_650 : vector<16xf32>
    %get3A_652 = arith.constant 0 : i32
    %get3A_653 = arith.constant 0 : i32
    %get3A_654 = arith.constant 0 : i32
    %get3A_655 = arith.constant 0 : i32
    %get3A_656 = arith.index_cast %get3A_652 : i32 to index
    %get3A_657 = arith.index_cast %get3A_653 : i32 to index
    %get3A_658 = arith.index_cast %get3A_654 : i32 to index
    %get3A_659 = arith.index_cast %get3A_655 : i32 to index
    %get3A_660 = arith.constant 64 : index
    %get3A_661 = tpu.vector_load %arg6[%get3A_656, %get3A_657, %get3A_658, %get3A_659, %get3A_660] {strides = array<i32>} : memref<4x3x2x8x128xf32, #tpu.memory_space<vmem>>, vector<16xf32>,
    %mul3A_662 = arith.mulf %get3A_661, %get3A_661 : vector<16xf32>
    %add3A_663 = arith.addf %add3A_651, %mul3A_662 : vector<16xf32>
    %get3A_664 = arith.constant 0 : i32
    %get3A_665 = arith.constant 0 : i32
    %get3A_666 = arith.constant 0 : i32
    %get3A_667 = arith.constant 0 : i32
    %get3A_668 = arith.index_cast %get3A_664 : i32 to index
    %get3A_669 = arith.index_cast %get3A_665 : i32 to index
    %get3A_670 = arith.index_cast %get3A_666 : i32 to index
    %get3A_671 = arith.index_cast %get3A_667 : i32 to index
    %get3A_672 = arith.constant 80 : index
    %get3A_673 = tpu.vector_load %arg6[%get3A_668, %get3A_669, %get3A_670, %get3A_671, %get3A_672] {strides = array<i32>} : memref<4x3x2x8x128xf32, #tpu.memory_space<vmem>>, vector<16xf32>,
    %mul3A_674 = arith.mulf %get3A_673, %get3A_673 : vector<16xf32>
    %add3A_675 = arith.addf %add3A_663, %mul3A_674 : vector<16xf32>
    %get3A_676 = arith.constant 0 : i32
    %get3A_677 = arith.constant 0 : i32
    %get3A_678 = arith.constant 0 : i32
    %get3A_679 = arith.constant 0 : i32
    %get3A_680 = arith.index_cast %get3A_676 : i32 to index
    %get3A_681 = arith.index_cast %get3A_677 : i32 to index
    %get3A_682 = arith.index_cast %get3A_678 : i32 to index
    %get3A_683 = arith.index_cast %get3A_679 : i32 to index
    %get3A_684 = arith.constant 96 : index
    %get3A_685 = tpu.vector_load %arg6[%get3A_680, %get3A_681, %get3A_682, %get3A_683, %get3A_684] {strides = array<i32>} : memref<4x3x2x8x128xf32, #tpu.memory_space<vmem>>, vector<16xf32>,
    %mul3A_686 = arith.mulf %get3A_685, %get3A_685 : vector<16xf32>
    %add3A_687 = arith.addf %add3A_675, %mul3A_686 : vector<16xf32>
    %get3A_688 = arith.constant 0 : i32
    %get3A_689 = arith.constant 0 : i32
    %get3A_690 = arith.constant 0 : i32
    %get3A_691 = arith.constant 0 : i32
    %get3A_692 = arith.index_cast %get3A_688 : i32 to index
    %get3A_693 = arith.index_cast %get3A_689 : i32 to index
    %get3A_694 = arith.index_cast %get3A_690 : i32 to index
    %get3A_695 = arith.index_cast %get3A_691 : i32 to index
    %get3A_696 = arith.constant 112 : index
    %get3A_697 = tpu.vector_load %arg6[%get3A_692, %get3A_693, %get3A_694, %get3A_695, %get3A_696] {strides = array<i32>} : memref<4x3x2x8x128xf32, #tpu.memory_space<vmem>>, vector<16xf32>,
    %mul3A_698 = arith.mulf %get3A_697, %get3A_697 : vector<16xf32>
    %add3A_699 = arith.addf %add3A_687, %mul3A_698 : vector<16xf32>
    %get3A_700 = arith.constant 0 : i32
    %get3A_701 = arith.constant 0 : i32
    %get3A_702 = arith.constant 1 : i32
    %get3A_703 = arith.constant 0 : i32
    %get3A_704 = arith.index_cast %get3A_700 : i32 to index
    %get3A_705 = arith.index_cast %get3A_701 : i32 to index
    %get3A_706 = arith.index_cast %get3A_702 : i32 to index
    %get3A_707 = arith.index_cast %get3A_703 : i32 to index
    %get3A_708 = arith.constant 0 : index
    %get3A_709 = tpu.vector_load %arg6[%get3A_704, %get3A_705, %get3A_706, %get3A_707, %get3A_708] {strides = array<i32>} : memref<4x3x2x8x128xf32, #tpu.memory_space<vmem>>, vector<16xf32>,
    %mul3A_710 = arith.mulf %get3A_709, %get3A_709 : vector<16xf32>
    %add3A_711 = arith.addf %add3A_699, %mul3A_710 : vector<16xf32>
    %get3A_712 = arith.constant 0 : i32
    %get3A_713 = arith.constant 0 : i32
    %get3A_714 = arith.constant 1 : i32
    %get3A_715 = arith.constant 0 : i32
    %get3A_716 = arith.index_cast %get3A_712 : i32 to index
    %get3A_717 = arith.index_cast %get3A_713 : i32 to index
    %get3A_718 = arith.index_cast %get3A_714 : i32 to index
    %get3A_719 = arith.index_cast %get3A_715 : i32 to index
    %get3A_720 = arith.constant 16 : index
    %get3A_721 = tpu.vector_load %arg6[%get3A_716, %get3A_717, %get3A_718, %get3A_719, %get3A_720] {strides = array<i32>} : memref<4x3x2x8x128xf32, #tpu.memory_space<vmem>>, vector<16xf32>,
    %mul3A_722 = arith.mulf %get3A_721, %get3A_721 : vector<16xf32>
    %add3A_723 = arith.addf %add3A_711, %mul3A_722 : vector<16xf32>
    %get3A_724 = arith.constant 0 : i32
    %get3A_725 = arith.constant 0 : i32
    %get3A_726 = arith.constant 1 : i32
    %get3A_727 = arith.constant 0 : i32
    %get3A_728 = arith.index_cast %get3A_724 : i32 to index
    %get3A_729 = arith.index_cast %get3A_725 : i32 to index
    %get3A_730 = arith.index_cast %get3A_726 : i32 to index
    %get3A_731 = arith.index_cast %get3A_727 : i32 to index
    %get3A_732 = arith.constant 32 : index
    %get3A_733 = tpu.vector_load %arg6[%get3A_728, %get3A_729, %get3A_730, %get3A_731, %get3A_732] {strides = array<i32>} : memref<4x3x2x8x128xf32, #tpu.memory_space<vmem>>, vector<16xf32>,
    %mul3A_734 = arith.mulf %get3A_733, %get3A_733 : vector<16xf32>
    %add3A_735 = arith.addf %add3A_723, %mul3A_734 : vector<16xf32>
    %get3A_736 = arith.constant 0 : i32
    %get3A_737 = arith.constant 0 : i32
    %get3A_738 = arith.constant 1 : i32
    %get3A_739 = arith.constant 0 : i32
    %get3A_740 = arith.index_cast %get3A_736 : i32 to index
    %get3A_741 = arith.index_cast %get3A_737 : i32 to index
    %get3A_742 = arith.index_cast %get3A_738 : i32 to index
    %get3A_743 = arith.index_cast %get3A_739 : i32 to index
    %get3A_744 = arith.constant 48 : index
    %get3A_745 = tpu.vector_load %arg6[%get3A_740, %get3A_741, %get3A_742, %get3A_743, %get3A_744] {strides = array<i32>} : memref<4x3x2x8x128xf32, #tpu.memory_space<vmem>>, vector<16xf32>,
    %mul3A_746 = arith.mulf %get3A_745, %get3A_745 : vector<16xf32>
    %add3A_747 = arith.addf %add3A_735, %mul3A_746 : vector<16xf32>
    %get3A_748 = arith.constant 0 : i32
    %get3A_749 = arith.constant 0 : i32
    %get3A_750 = arith.constant 1 : i32
    %get3A_751 = arith.constant 0 : i32
    %get3A_752 = arith.index_cast %get3A_748 : i32 to index
    %get3A_753 = arith.index_cast %get3A_749 : i32 to index
    %get3A_754 = arith.index_cast %get3A_750 : i32 to index
    %get3A_755 = arith.index_cast %get3A_751 : i32 to index
    %get3A_756 = arith.constant 64 : index
    %get3A_757 = tpu.vector_load %arg6[%get3A_752, %get3A_753, %get3A_754, %get3A_755, %get3A_756] {strides = array<i32>} : memref<4x3x2x8x128xf32, #tpu.memory_space<vmem>>, vector<16xf32>,
    %mul3A_758 = arith.mulf %get3A_757, %get3A_757 : vector<16xf32>
    %add3A_759 = arith.addf %add3A_747, %mul3A_758 : vector<16xf32>
    %get3A_760 = arith.constant 0 : i32
    %get3A_761 = arith.constant 0 : i32
    %get3A_762 = arith.constant 1 : i32
    %get3A_763 = arith.constant 0 : i32
    %get3A_764 = arith.index_cast %get3A_760 : i32 to index
    %get3A_765 = arith.index_cast %get3A_761 : i32 to index
    %get3A_766 = arith.index_cast %get3A_762 : i32 to index
    %get3A_767 = arith.index_cast %get3A_763 : i32 to index
    %get3A_768 = arith.constant 80 : index
    %get3A_769 = tpu.vector_load %arg6[%get3A_764, %get3A_765, %get3A_766, %get3A_767, %get3A_768] {strides = array<i32>} : memref<4x3x2x8x128xf32, #tpu.memory_space<vmem>>, vector<16xf32>,
    %mul3A_770 = arith.mulf %get3A_769, %get3A_769 : vector<16xf32>
    %add3A_771 = arith.addf %add3A_759, %mul3A_770 : vector<16xf32>
    %get3A_772 = arith.constant 0 : i32
    %get3A_773 = arith.constant 0 : i32
    %get3A_774 = arith.constant 1 : i32
    %get3A_775 = arith.constant 0 : i32
    %get3A_776 = arith.index_cast %get3A_772 : i32 to index
    %get3A_777 = arith.index_cast %get3A_773 : i32 to index
    %get3A_778 = arith.index_cast %get3A_774 : i32 to index
    %get3A_779 = arith.index_cast %get3A_775 : i32 to index
    %get3A_780 = arith.constant 96 : index
    %get3A_781 = tpu.vector_load %arg6[%get3A_776, %get3A_777, %get3A_778, %get3A_779, %get3A_780] {strides = array<i32>} : memref<4x3x2x8x128xf32, #tpu.memory_space<vmem>>, vector<16xf32>,
    %mul3A_782 = arith.mulf %get3A_781, %get3A_781 : vector<16xf32>
    %add3A_783 = arith.addf %add3A_771, %mul3A_782 : vector<16xf32>
    %get3A_784 = arith.constant 0 : i32
    %get3A_785 = arith.constant 0 : i32
    %get3A_786 = arith.constant 1 : i32
    %get3A_787 = arith.constant 0 : i32
    %get3A_788 = arith.index_cast %get3A_784 : i32 to index
    %get3A_789 = arith.index_cast %get3A_785 : i32 to index
    %get3A_790 = arith.index_cast %get3A_786 : i32 to index
    %get3A_791 = arith.index_cast %get3A_787 : i32 to index
    %get3A_792 = arith.constant 112 : index
    %get3A_793 = tpu.vector_load %arg6[%get3A_788, %get3A_789, %get3A_790, %get3A_791, %get3A_792] {strides = array<i32>} : memref<4x3x2x8x128xf32, #tpu.memory_space<vmem>>, vector<16xf32>,
    %mul3A_794 = arith.mulf %get3A_793, %get3A_793 : vector<16xf32>
    %add3A_795 = arith.addf %add3A_783, %mul3A_794 : vector<16xf32>
    %get3A_796 = arith.constant 0 : i32
    %get3A_797 = arith.constant 2 : i32
    %get3A_798 = arith.constant 0 : i32
    %get3A_799 = arith.constant 2 : i32
    %get3A_800 = arith.index_cast %get3A_796 : i32 to index
    %get3A_801 = arith.index_cast %get3A_797 : i32 to index
    %get3A_802 = arith.index_cast %get3A_798 : i32 to index
    %get3A_803 = arith.index_cast %get3A_799 : i32 to index
    %get3A_804 = arith.constant 0 : index
    %get3A_805 = tpu.vector_load %arg6[%get3A_800, %get3A_801, %get3A_802, %get3A_803, %get3A_804] {strides = array<i32>} : memref<4x3x2x8x128xf32, #tpu.memory_space<vmem>>, vector<16xf32>,
    %mul3A_806 = arith.mulf %get3A_805, %get3A_805 : vector<16xf32>
    %add3A_807 = arith.addf %add3A_795, %mul3A_806 : vector<16xf32>
    %get3A_808 = arith.constant 0 : i32
    %get3A_809 = arith.constant 2 : i32
    %get3A_810 = arith.constant 0 : i32
    %get3A_811 = arith.constant 2 : i32
    %get3A_812 = arith.index_cast %get3A_808 : i32 to index
    %get3A_813 = arith.index_cast %get3A_809 : i32 to index
    %get3A_814 = arith.index_cast %get3A_810 : i32 to index
    %get3A_815 = arith.index_cast %get3A_811 : i32 to index
    %get3A_816 = arith.constant 16 : index
    %get3A_817 = tpu.vector_load %arg6[%get3A_812, %get3A_813, %get3A_814, %get3A_815, %get3A_816] {strides = array<i32>} : memref<4x3x2x8x128xf32, #tpu.memory_space<vmem>>, vector<16xf32>,
    %mul3A_818 = arith.mulf %get3A_817, %get3A_817 : vector<16xf32>
    %add3A_819 = arith.addf %add3A_807, %mul3A_818 : vector<16xf32>
    %get3A_820 = arith.constant 0 : i32
    %get3A_821 = arith.constant 2 : i32
    %get3A_822 = arith.constant 0 : i32
    %get3A_823 = arith.constant 2 : i32
    %get3A_824 = arith.index_cast %get3A_820 : i32 to index
    %get3A_825 = arith.index_cast %get3A_821 : i32 to index
    %get3A_826 = arith.index_cast %get3A_822 : i32 to index
    %get3A_827 = arith.index_cast %get3A_823 : i32 to index
    %get3A_828 = arith.constant 32 : index
    %get3A_829 = tpu.vector_load %arg6[%get3A_824, %get3A_825, %get3A_826, %get3A_827, %get3A_828] {strides = array<i32>} : memref<4x3x2x8x128xf32, #tpu.memory_space<vmem>>, vector<16xf32>,
    %mul3A_830 = arith.mulf %get3A_829, %get3A_829 : vector<16xf32>
    %add3A_831 = arith.addf %add3A_819, %mul3A_830 : vector<16xf32>
    %get3A_832 = arith.constant 0 : i32
    %get3A_833 = arith.constant 2 : i32
    %get3A_834 = arith.constant 0 : i32
    %get3A_835 = arith.constant 2 : i32
    %get3A_836 = arith.index_cast %get3A_832 : i32 to index
    %get3A_837 = arith.index_cast %get3A_833 : i32 to index
    %get3A_838 = arith.index_cast %get3A_834 : i32 to index
    %get3A_839 = arith.index_cast %get3A_835 : i32 to index
    %get3A_840 = arith.constant 48 : index
    %get3A_841 = tpu.vector_load %arg6[%get3A_836, %get3A_837, %get3A_838, %get3A_839, %get3A_840] {strides = array<i32>} : memref<4x3x2x8x128xf32, #tpu.memory_space<vmem>>, vector<16xf32>,
    %mul3A_842 = arith.mulf %get3A_841, %get3A_841 : vector<16xf32>
    %add3A_843 = arith.addf %add3A_831, %mul3A_842 : vector<16xf32>
    %get3A_844 = arith.constant 0 : i32
    %get3A_845 = arith.constant 2 : i32
    %get3A_846 = arith.constant 0 : i32
    %get3A_847 = arith.constant 2 : i32
    %get3A_848 = arith.index_cast %get3A_844 : i32 to index
    %get3A_849 = arith.index_cast %get3A_845 : i32 to index
    %get3A_850 = arith.index_cast %get3A_846 : i32 to index
    %get3A_851 = arith.index_cast %get3A_847 : i32 to index
    %get3A_852 = arith.constant 64 : index
    %get3A_853 = tpu.vector_load %arg6[%get3A_848, %get3A_849, %get3A_850, %get3A_851, %get3A_852] {strides = array<i32>} : memref<4x3x2x8x128xf32, #tpu.memory_space<vmem>>, vector<16xf32>,
    %mul3A_854 = arith.mulf %get3A_853, %get3A_853 : vector<16xf32>
    %add3A_855 = arith.addf %add3A_843, %mul3A_854 : vector<16xf32>
    %get3A_856 = arith.constant 0 : i32
    %get3A_857 = arith.constant 2 : i32
    %get3A_858 = arith.constant 0 : i32
    %get3A_859 = arith.constant 2 : i32
    %get3A_860 = arith.index_cast %get3A_856 : i32 to index
    %get3A_861 = arith.index_cast %get3A_857 : i32 to index
    %get3A_862 = arith.index_cast %get3A_858 : i32 to index
    %get3A_863 = arith.index_cast %get3A_859 : i32 to index
    %get3A_864 = arith.constant 80 : index
    %get3A_865 = tpu.vector_load %arg6[%get3A_860, %get3A_861, %get3A_862, %get3A_863, %get3A_864] {strides = array<i32>} : memref<4x3x2x8x128xf32, #tpu.memory_space<vmem>>, vector<16xf32>,
    %mul3A_866 = arith.mulf %get3A_865, %get3A_865 : vector<16xf32>
    %add3A_867 = arith.addf %add3A_855, %mul3A_866 : vector<16xf32>
    %get3A_868 = arith.constant 0 : i32
    %get3A_869 = arith.constant 2 : i32
    %get3A_870 = arith.constant 0 : i32
    %get3A_871 = arith.constant 2 : i32
    %get3A_872 = arith.index_cast %get3A_868 : i32 to index
    %get3A_873 = arith.index_cast %get3A_869 : i32 to index
    %get3A_874 = arith.index_cast %get3A_870 : i32 to index
    %get3A_875 = arith.index_cast %get3A_871 : i32 to index
    %get3A_876 = arith.constant 96 : index
    %get3A_877 = tpu.vector_load %arg6[%get3A_872, %get3A_873, %get3A_874, %get3A_875, %get3A_876] {strides = array<i32>} : memref<4x3x2x8x128xf32, #tpu.memory_space<vmem>>, vector<16xf32>,
    %mul3A_878 = arith.mulf %get3A_877, %get3A_877 : vector<16xf32>
    %add3A_879 = arith.addf %add3A_867, %mul3A_878 : vector<16xf32>
    %get3A_880 = arith.constant 0 : i32
    %get3A_881 = arith.constant 2 : i32
    %get3A_882 = arith.constant 0 : i32
    %get3A_883 = arith.constant 2 : i32
    %get3A_884 = arith.index_cast %get3A_880 : i32 to index
    %get3A_885 = arith.index_cast %get3A_881 : i32 to index
    %get3A_886 = arith.index_cast %get3A_882 : i32 to index
    %get3A_887 = arith.index_cast %get3A_883 : i32 to index
    %get3A_888 = arith.constant 112 : index
    %get3A_889 = tpu.vector_load %arg6[%get3A_884, %get3A_885, %get3A_886, %get3A_887, %get3A_888] {strides = array<i32>} : memref<4x3x2x8x128xf32, #tpu.memory_space<vmem>>, vector<16xf32>,
    %mul3A_890 = arith.mulf %get3A_889, %get3A_889 : vector<16xf32>
    %add3A_891 = arith.addf %add3A_879, %mul3A_890 : vector<16xf32>
    %get3A_892 = arith.constant 0 : i32
    %get3A_893 = arith.constant 2 : i32
    %get3A_894 = arith.constant 1 : i32
    %get3A_895 = arith.constant 2 : i32
    %get3A_896 = arith.index_cast %get3A_892 : i32 to index
    %get3A_897 = arith.index_cast %get3A_893 : i32 to index
    %get3A_898 = arith.index_cast %get3A_894 : i32 to index
    %get3A_899 = arith.index_cast %get3A_895 : i32 to index
    %get3A_900 = arith.constant 0 : index
    %get3A_901 = tpu.vector_load %arg6[%get3A_896, %get3A_897, %get3A_898, %get3A_899, %get3A_900] {strides = array<i32>} : memref<4x3x2x8x128xf32, #tpu.memory_space<vmem>>, vector<16xf32>,
    %mul3A_902 = arith.mulf %get3A_901, %get3A_901 : vector<16xf32>
    %add3A_903 = arith.addf %add3A_891, %mul3A_902 : vector<16xf32>
    %get3A_904 = arith.constant 0 : i32
    %get3A_905 = arith.constant 2 : i32
    %get3A_906 = arith.constant 1 : i32
    %get3A_907 = arith.constant 2 : i32
    %get3A_908 = arith.index_cast %get3A_904 : i32 to index
    %get3A_909 = arith.index_cast %get3A_905 : i32 to index
    %get3A_910 = arith.index_cast %get3A_906 : i32 to index
    %get3A_911 = arith.index_cast %get3A_907 : i32 to index
    %get3A_912 = arith.constant 16 : index
    %get3A_913 = tpu.vector_load %arg6[%get3A_908, %get3A_909, %get3A_910, %get3A_911, %get3A_912] {strides = array<i32>} : memref<4x3x2x8x128xf32, #tpu.memory_space<vmem>>, vector<16xf32>,
    %mul3A_914 = arith.mulf %get3A_913, %get3A_913 : vector<16xf32>
    %add3A_915 = arith.addf %add3A_903, %mul3A_914 : vector<16xf32>
    %get3A_916 = arith.constant 0 : i32
    %get3A_917 = arith.constant 2 : i32
    %get3A_918 = arith.constant 1 : i32
    %get3A_919 = arith.constant 2 : i32
    %get3A_920 = arith.index_cast %get3A_916 : i32 to index
    %get3A_921 = arith.index_cast %get3A_917 : i32 to index
    %get3A_922 = arith.index_cast %get3A_918 : i32 to index
    %get3A_923 = arith.index_cast %get3A_919 : i32 to index
    %get3A_924 = arith.constant 32 : index
    %get3A_925 = tpu.vector_load %arg6[%get3A_920, %get3A_921, %get3A_922, %get3A_923, %get3A_924] {strides = array<i32>} : memref<4x3x2x8x128xf32, #tpu.memory_space<vmem>>, vector<16xf32>,
    %mul3A_926 = arith.mulf %get3A_925, %get3A_925 : vector<16xf32>
    %add3A_927 = arith.addf %add3A_915, %mul3A_926 : vector<16xf32>
    %get3A_928 = arith.constant 0 : i32
    %get3A_929 = arith.constant 2 : i32
    %get3A_930 = arith.constant 1 : i32
    %get3A_931 = arith.constant 2 : i32
    %get3A_932 = arith.index_cast %get3A_928 : i32 to index
    %get3A_933 = arith.index_cast %get3A_929 : i32 to index
    %get3A_934 = arith.index_cast %get3A_930 : i32 to index
    %get3A_935 = arith.index_cast %get3A_931 : i32 to index
    %get3A_936 = arith.constant 48 : index
    %get3A_937 = tpu.vector_load %arg6[%get3A_932, %get3A_933, %get3A_934, %get3A_935, %get3A_936] {strides = array<i32>} : memref<4x3x2x8x128xf32, #tpu.memory_space<vmem>>, vector<16xf32>,
    %mul3A_938 = arith.mulf %get3A_937, %get3A_937 : vector<16xf32>
    %add3A_939 = arith.addf %add3A_927, %mul3A_938 : vector<16xf32>
    %get3A_940 = arith.constant 0 : i32
    %get3A_941 = arith.constant 2 : i32
    %get3A_942 = arith.constant 1 : i32
    %get3A_943 = arith.constant 2 : i32
    %get3A_944 = arith.index_cast %get3A_940 : i32 to index
    %get3A_945 = arith.index_cast %get3A_941 : i32 to index
    %get3A_946 = arith.index_cast %get3A_942 : i32 to index
    %get3A_947 = arith.index_cast %get3A_943 : i32 to index
    %get3A_948 = arith.constant 64 : index
    %get3A_949 = tpu.vector_load %arg6[%get3A_944, %get3A_945, %get3A_946, %get3A_947, %get3A_948] {strides = array<i32>} : memref<4x3x2x8x128xf32, #tpu.memory_space<vmem>>, vector<16xf32>,
    %mul3A_950 = arith.mulf %get3A_949, %get3A_949 : vector<16xf32>
    %add3A_951 = arith.addf %add3A_939, %mul3A_950 : vector<16xf32>
    %get3A_952 = arith.constant 0 : i32
    %get3A_953 = arith.constant 2 : i32
    %get3A_954 = arith.constant 1 : i32
    %get3A_955 = arith.constant 2 : i32
    %get3A_956 = arith.index_cast %get3A_952 : i32 to index
    %get3A_957 = arith.index_cast %get3A_953 : i32 to index
    %get3A_958 = arith.index_cast %get3A_954 : i32 to index
    %get3A_959 = arith.index_cast %get3A_955 : i32 to index
    %get3A_960 = arith.constant 80 : index
    %get3A_961 = tpu.vector_load %arg6[%get3A_956, %get3A_957, %get3A_958, %get3A_959, %get3A_960] {strides = array<i32>} : memref<4x3x2x8x128xf32, #tpu.memory_space<vmem>>, vector<16xf32>,
    %mul3A_962 = arith.mulf %get3A_961, %get3A_961 : vector<16xf32>
    %add3A_963 = arith.addf %add3A_951, %mul3A_962 : vector<16xf32>
    %get3A_964 = arith.constant 0 : i32
    %get3A_965 = arith.constant 2 : i32
    %get3A_966 = arith.constant 1 : i32
    %get3A_967 = arith.constant 2 : i32
    %get3A_968 = arith.index_cast %get3A_964 : i32 to index
    %get3A_969 = arith.index_cast %get3A_965 : i32 to index
    %get3A_970 = arith.index_cast %get3A_966 : i32 to index
    %get3A_971 = arith.index_cast %get3A_967 : i32 to index
    %get3A_972 = arith.constant 96 : index
    %get3A_973 = tpu.vector_load %arg6[%get3A_968, %get3A_969, %get3A_970, %get3A_971, %get3A_972] {strides = array<i32>} : memref<4x3x2x8x128xf32, #tpu.memory_space<vmem>>, vector<16xf32>,
    %mul3A_974 = arith.mulf %get3A_973, %get3A_973 : vector<16xf32>
    %add3A_975 = arith.addf %add3A_963, %mul3A_974 : vector<16xf32>
    %get3A_976 = arith.constant 0 : i32
    %get3A_977 = arith.constant 2 : i32
    %get3A_978 = arith.constant 1 : i32
    %get3A_979 = arith.constant 2 : i32
    %get3A_980 = arith.index_cast %get3A_976 : i32 to index
    %get3A_981 = arith.index_cast %get3A_977 : i32 to index
    %get3A_982 = arith.index_cast %get3A_978 : i32 to index
    %get3A_983 = arith.index_cast %get3A_979 : i32 to index
    %get3A_984 = arith.constant 112 : index
    %get3A_985 = tpu.vector_load %arg6[%get3A_980, %get3A_981, %get3A_982, %get3A_983, %get3A_984] {strides = array<i32>} : memref<4x3x2x8x128xf32, #tpu.memory_space<vmem>>, vector<16xf32>,
    %mul3A_986 = arith.mulf %get3A_985, %get3A_985 : vector<16xf32>
    %add3A_987 = arith.addf %add3A_975, %mul3A_986 : vector<16xf32>
    %get3A_988 = arith.constant 0 : i32
    %get3A_989 = arith.constant 2 : i32
    %get3A_990 = arith.constant 0 : i32
    %get3A_991 = arith.constant 7 : i32
    %get3A_992 = arith.index_cast %get3A_988 : i32 to index
    %get3A_993 = arith.index_cast %get3A_989 : i32 to index
    %get3A_994 = arith.index_cast %get3A_990 : i32 to index
    %get3A_995 = arith.index_cast %get3A_991 : i32 to index
    %get3A_996 = arith.constant 0 : index
    %get3A_997 = tpu.vector_load %arg6[%get3A_992, %get3A_993, %get3A_994, %get3A_995, %get3A_996] {strides = array<i32>} : memref<4x3x2x8x128xf32, #tpu.memory_space<vmem>>, vector<16xf32>,
    %mul3A_998 = arith.mulf %get3A_997, %get3A_997 : vector<16xf32>
    %add3A_999 = arith.addf %add3A_987, %mul3A_998 : vector<16xf32>
    %get3A_1000 = arith.constant 0 : i32
    %get3A_1001 = arith.constant 2 : i32
    %get3A_1002 = arith.constant 0 : i32
    %get3A_1003 = arith.constant 7 : i32
    %get3A_1004 = arith.index_cast %get3A_1000 : i32 to index
    %get3A_1005 = arith.index_cast %get3A_1001 : i32 to index
    %get3A_1006 = arith.index_cast %get3A_1002 : i32 to index
    %get3A_1007 = arith.index_cast %get3A_1003 : i32 to index
    %get3A_1008 = arith.constant 16 : index
    %get3A_1009 = tpu.vector_load %arg6[%get3A_1004, %get3A_1005, %get3A_1006, %get3A_1007, %get3A_1008] {strides = array<i32>} : memref<4x3x2x8x128xf32, #tpu.memory_space<vmem>>, vector<16xf32>,
    %mul3A_1010 = arith.mulf %get3A_1009, %get3A_1009 : vector<16xf32>
    %add3A_1011 = arith.addf %add3A_999, %mul3A_1010 : vector<16xf32>
    %get3A_1012 = arith.constant 0 : i32
    %get3A_1013 = arith.constant 2 : i32
    %get3A_1014 = arith.constant 0 : i32
    %get3A_1015 = arith.constant 7 : i32
    %get3A_1016 = arith.index_cast %get3A_1012 : i32 to index
    %get3A_1017 = arith.index_cast %get3A_1013 : i32 to index
    %get3A_1018 = arith.index_cast %get3A_1014 : i32 to index
    %get3A_1019 = arith.index_cast %get3A_1015 : i32 to index
    %get3A_1020 = arith.constant 32 : index
    %get3A_1021 = tpu.vector_load %arg6[%get3A_1016, %get3A_1017, %get3A_1018, %get3A_1019, %get3A_1020] {strides = array<i32>} : memref<4x3x2x8x128xf32, #tpu.memory_space<vmem>>, vector<16xf32>,
    %mul3A_1022 = arith.mulf %get3A_1021, %get3A_1021 : vector<16xf32>
    %add3A_1023 = arith.addf %add3A_1011, %mul3A_1022 : vector<16xf32>
    %get3A_1024 = arith.constant 0 : i32
    %get3A_1025 = arith.constant 2 : i32
    %get3A_1026 = arith.constant 0 : i32
    %get3A_1027 = arith.constant 7 : i32
    %get3A_1028 = arith.index_cast %get3A_1024 : i32 to index
    %get3A_1029 = arith.index_cast %get3A_1025 : i32 to index
    %get3A_1030 = arith.index_cast %get3A_1026 : i32 to index
    %get3A_1031 = arith.index_cast %get3A_1027 : i32 to index
    %get3A_1032 = arith.constant 48 : index
    %get3A_1033 = tpu.vector_load %arg6[%get3A_1028, %get3A_1029, %get3A_1030, %get3A_1031, %get3A_1032] {strides = array<i32>} : memref<4x3x2x8x128xf32, #tpu.memory_space<vmem>>, vector<16xf32>,
    %mul3A_1034 = arith.mulf %get3A_1033, %get3A_1033 : vector<16xf32>
    %add3A_1035 = arith.addf %add3A_1023, %mul3A_1034 : vector<16xf32>
    %get3A_1036 = arith.constant 0 : i32
    %get3A_1037 = arith.constant 2 : i32
    %get3A_1038 = arith.constant 0 : i32
    %get3A_1039 = arith.constant 7 : i32
    %get3A_1040 = arith.index_cast %get3A_1036 : i32 to index
    %get3A_1041 = arith.index_cast %get3A_1037 : i32 to index
    %get3A_1042 = arith.index_cast %get3A_1038 : i32 to index
    %get3A_1043 = arith.index_cast %get3A_1039 : i32 to index
    %get3A_1044 = arith.constant 64 : index
    %get3A_1045 = tpu.vector_load %arg6[%get3A_1040, %get3A_1041, %get3A_1042, %get3A_1043, %get3A_1044] {strides = array<i32>} : memref<4x3x2x8x128xf32, #tpu.memory_space<vmem>>, vector<16xf32>,
    %mul3A_1046 = arith.mulf %get3A_1045, %get3A_1045 : vector<16xf32>
    %add3A_1047 = arith.addf %add3A_1035, %mul3A_1046 : vector<16xf32>
    %get3A_1048 = arith.constant 0 : i32
    %get3A_1049 = arith.constant 2 : i32
    %get3A_1050 = arith.constant 0 : i32
    %get3A_1051 = arith.constant 7 : i32
    %get3A_1052 = arith.index_cast %get3A_1048 : i32 to index
    %get3A_1053 = arith.index_cast %get3A_1049 : i32 to index
    %get3A_1054 = arith.index_cast %get3A_1050 : i32 to index
    %get3A_1055 = arith.index_cast %get3A_1051 : i32 to index
    %get3A_1056 = arith.constant 80 : index
    %get3A_1057 = tpu.vector_load %arg6[%get3A_1052, %get3A_1053, %get3A_1054, %get3A_1055, %get3A_1056] {strides = array<i32>} : memref<4x3x2x8x128xf32, #tpu.memory_space<vmem>>, vector<16xf32>,
    %mul3A_1058 = arith.mulf %get3A_1057, %get3A_1057 : vector<16xf32>
    %add3A_1059 = arith.addf %add3A_1047, %mul3A_1058 : vector<16xf32>
    %get3A_1060 = arith.constant 0 : i32
    %get3A_1061 = arith.constant 2 : i32
    %get3A_1062 = arith.constant 0 : i32
    %get3A_1063 = arith.constant 7 : i32
    %get3A_1064 = arith.index_cast %get3A_1060 : i32 to index
    %get3A_1065 = arith.index_cast %get3A_1061 : i32 to index
    %get3A_1066 = arith.index_cast %get3A_1062 : i32 to index
    %get3A_1067 = arith.index_cast %get3A_1063 : i32 to index
    %get3A_1068 = arith.constant 96 : index
    %get3A_1069 = tpu.vector_load %arg6[%get3A_1064, %get3A_1065, %get3A_1066, %get3A_1067, %get3A_1068] {strides = array<i32>} : memref<4x3x2x8x128xf32, #tpu.memory_space<vmem>>, vector<16xf32>,
    %mul3A_1070 = arith.mulf %get3A_1069, %get3A_1069 : vector<16xf32>
    %add3A_1071 = arith.addf %add3A_1059, %mul3A_1070 : vector<16xf32>
    %get3A_1072 = arith.constant 0 : i32
    %get3A_1073 = arith.constant 2 : i32
    %get3A_1074 = arith.constant 0 : i32
    %get3A_1075 = arith.constant 7 : i32
    %get3A_1076 = arith.index_cast %get3A_1072 : i32 to index
    %get3A_1077 = arith.index_cast %get3A_1073 : i32 to index
    %get3A_1078 = arith.index_cast %get3A_1074 : i32 to index
    %get3A_1079 = arith.index_cast %get3A_1075 : i32 to index
    %get3A_1080 = arith.constant 112 : index
    %get3A_1081 = tpu.vector_load %arg6[%get3A_1076, %get3A_1077, %get3A_1078, %get3A_1079, %get3A_1080] {strides = array<i32>} : memref<4x3x2x8x128xf32, #tpu.memory_space<vmem>>, vector<16xf32>,
    %mul3A_1082 = arith.mulf %get3A_1081, %get3A_1081 : vector<16xf32>
    %add3A_1083 = arith.addf %add3A_1071, %mul3A_1082 : vector<16xf32>
    %get3A_1084 = arith.constant 0 : i32
    %get3A_1085 = arith.constant 2 : i32
    %get3A_1086 = arith.constant 1 : i32
    %get3A_1087 = arith.constant 7 : i32
    %get3A_1088 = arith.index_cast %get3A_1084 : i32 to index
    %get3A_1089 = arith.index_cast %get3A_1085 : i32 to index
    %get3A_1090 = arith.index_cast %get3A_1086 : i32 to index
    %get3A_1091 = arith.index_cast %get3A_1087 : i32 to index
    %get3A_1092 = arith.constant 0 : index
    %get3A_1093 = tpu.vector_load %arg6[%get3A_1088, %get3A_1089, %get3A_1090, %get3A_1091, %get3A_1092] {strides = array<i32>} : memref<4x3x2x8x128xf32, #tpu.memory_space<vmem>>, vector<16xf32>,
    %mul3A_1094 = arith.mulf %get3A_1093, %get3A_1093 : vector<16xf32>
    %add3A_1095 = arith.addf %add3A_1083, %mul3A_1094 : vector<16xf32>
    %get3A_1096 = arith.constant 0 : i32
    %get3A_1097 = arith.constant 2 : i32
    %get3A_1098 = arith.constant 1 : i32
    %get3A_1099 = arith.constant 7 : i32
    %get3A_1100 = arith.index_cast %get3A_1096 : i32 to index
    %get3A_1101 = arith.index_cast %get3A_1097 : i32 to index
    %get3A_1102 = arith.index_cast %get3A_1098 : i32 to index
    %get3A_1103 = arith.index_cast %get3A_1099 : i32 to index
    %get3A_1104 = arith.constant 16 : index
    %get3A_1105 = tpu.vector_load %arg6[%get3A_1100, %get3A_1101, %get3A_1102, %get3A_1103, %get3A_1104] {strides = array<i32>} : memref<4x3x2x8x128xf32, #tpu.memory_space<vmem>>, vector<16xf32>,
    %mul3A_1106 = arith.mulf %get3A_1105, %get3A_1105 : vector<16xf32>
    %add3A_1107 = arith.addf %add3A_1095, %mul3A_1106 : vector<16xf32>
    %get3A_1108 = arith.constant 0 : i32
    %get3A_1109 = arith.constant 2 : i32
    %get3A_1110 = arith.constant 1 : i32
    %get3A_1111 = arith.constant 7 : i32
    %get3A_1112 = arith.index_cast %get3A_1108 : i32 to index
    %get3A_1113 = arith.index_cast %get3A_1109 : i32 to index
    %get3A_1114 = arith.index_cast %get3A_1110 : i32 to index
    %get3A_1115 = arith.index_cast %get3A_1111 : i32 to index
    %get3A_1116 = arith.constant 32 : index
    %get3A_1117 = tpu.vector_load %arg6[%get3A_1112, %get3A_1113, %get3A_1114, %get3A_1115, %get3A_1116] {strides = array<i32>} : memref<4x3x2x8x128xf32, #tpu.memory_space<vmem>>, vector<16xf32>,
    %mul3A_1118 = arith.mulf %get3A_1117, %get3A_1117 : vector<16xf32>
    %add3A_1119 = arith.addf %add3A_1107, %mul3A_1118 : vector<16xf32>
    %get3A_1120 = arith.constant 0 : i32
    %get3A_1121 = arith.constant 2 : i32
    %get3A_1122 = arith.constant 1 : i32
    %get3A_1123 = arith.constant 7 : i32
    %get3A_1124 = arith.index_cast %get3A_1120 : i32 to index
    %get3A_1125 = arith.index_cast %get3A_1121 : i32 to index
    %get3A_1126 = arith.index_cast %get3A_1122 : i32 to index
    %get3A_1127 = arith.index_cast %get3A_1123 : i32 to index
    %get3A_1128 = arith.constant 48 : index
    %get3A_1129 = tpu.vector_load %arg6[%get3A_1124, %get3A_1125, %get3A_1126, %get3A_1127, %get3A_1128] {strides = array<i32>} : memref<4x3x2x8x128xf32, #tpu.memory_space<vmem>>, vector<16xf32>,
    %mul3A_1130 = arith.mulf %get3A_1129, %get3A_1129 : vector<16xf32>
    %add3A_1131 = arith.addf %add3A_1119, %mul3A_1130 : vector<16xf32>
    %get3A_1132 = arith.constant 0 : i32
    %get3A_1133 = arith.constant 2 : i32
    %get3A_1134 = arith.constant 1 : i32
    %get3A_1135 = arith.constant 7 : i32
    %get3A_1136 = arith.index_cast %get3A_1132 : i32 to index
    %get3A_1137 = arith.index_cast %get3A_1133 : i32 to index
    %get3A_1138 = arith.index_cast %get3A_1134 : i32 to index
    %get3A_1139 = arith.index_cast %get3A_1135 : i32 to index
    %get3A_1140 = arith.constant 64 : index
    %get3A_1141 = tpu.vector_load %arg6[%get3A_1136, %get3A_1137, %get3A_1138, %get3A_1139, %get3A_1140] {strides = array<i32>} : memref<4x3x2x8x128xf32, #tpu.memory_space<vmem>>, vector<16xf32>,
    %mul3A_1142 = arith.mulf %get3A_1141, %get3A_1141 : vector<16xf32>
    %add3A_1143 = arith.addf %add3A_1131, %mul3A_1142 : vector<16xf32>
    %get3A_1144 = arith.constant 0 : i32
    %get3A_1145 = arith.constant 2 : i32
    %get3A_1146 = arith.constant 1 : i32
    %get3A_1147 = arith.constant 7 : i32
    %get3A_1148 = arith.index_cast %get3A_1144 : i32 to index
    %get3A_1149 = arith.index_cast %get3A_1145 : i32 to index
    %get3A_1150 = arith.index_cast %get3A_1146 : i32 to index
    %get3A_1151 = arith.index_cast %get3A_1147 : i32 to index
    %get3A_1152 = arith.constant 80 : index
    %get3A_1153 = tpu.vector_load %arg6[%get3A_1148, %get3A_1149, %get3A_1150, %get3A_1151, %get3A_1152] {strides = array<i32>} : memref<4x3x2x8x128xf32, #tpu.memory_space<vmem>>, vector<16xf32>,
    %mul3A_1154 = arith.mulf %get3A_1153, %get3A_1153 : vector<16xf32>
    %add3A_1155 = arith.addf %add3A_1143, %mul3A_1154 : vector<16xf32>
    %get3A_1156 = arith.constant 0 : i32
    %get3A_1157 = arith.constant 2 : i32
    %get3A_1158 = arith.constant 1 : i32
    %get3A_1159 = arith.constant 7 : i32
    %get3A_1160 = arith.index_cast %get3A_1156 : i32 to index
    %get3A_1161 = arith.index_cast %get3A_1157 : i32 to index
    %get3A_1162 = arith.index_cast %get3A_1158 : i32 to index
    %get3A_1163 = arith.index_cast %get3A_1159 : i32 to index
    %get3A_1164 = arith.constant 96 : index
    %get3A_1165 = tpu.vector_load %arg6[%get3A_1160, %get3A_1161, %get3A_1162, %get3A_1163, %get3A_1164] {strides = array<i32>} : memref<4x3x2x8x128xf32, #tpu.memory_space<vmem>>, vector<16xf32>,
    %mul3A_1166 = arith.mulf %get3A_1165, %get3A_1165 : vector<16xf32>
    %add3A_1167 = arith.addf %add3A_1155, %mul3A_1166 : vector<16xf32>
    %get3A_1168 = arith.constant 0 : i32
    %get3A_1169 = arith.constant 2 : i32
    %get3A_1170 = arith.constant 1 : i32
    %get3A_1171 = arith.constant 7 : i32
    %get3A_1172 = arith.index_cast %get3A_1168 : i32 to index
    %get3A_1173 = arith.index_cast %get3A_1169 : i32 to index
    %get3A_1174 = arith.index_cast %get3A_1170 : i32 to index
    %get3A_1175 = arith.index_cast %get3A_1171 : i32 to index
    %get3A_1176 = arith.constant 112 : index
    %get3A_1177 = tpu.vector_load %arg6[%get3A_1172, %get3A_1173, %get3A_1174, %get3A_1175, %get3A_1176] {strides = array<i32>} : memref<4x3x2x8x128xf32, #tpu.memory_space<vmem>>, vector<16xf32>,
    %mul3A_1178 = arith.mulf %get3A_1177, %get3A_1177 : vector<16xf32>
    %add3A_1179 = arith.addf %add3A_1167, %mul3A_1178 : vector<16xf32>
    %broadcast_in_dim3A_1180 = arith.constant 1 : i32
    %broadcast_in_dim3A_1181 = vector.broadcast %broadcast_in_dim3A_1180 : i32 to vector<16xi32>
    %add3A_1182 = arith.constant 0 : i32
    %add3A_1183 = vector.broadcast %add3A_1182 : i32 to vector<16xi32>
    %add3A_1184 = arith.addi %iota3A, %add3A_1183 : vector<16xi32>
    %min3A_1185 = arith.constant 19 : i32
    %min3A_1186 = vector.broadcast %min3A_1185 : i32 to vector<16xi32>
    %min3A_1187 = arith.minsi %add3A_1184, %min3A_1186 : vector<16xi32>
    %mul3A_1188 = arith.constant 5 : i32
    %mul3A_1189 = vector.broadcast %mul3A_1188 : i32 to vector<16xi32>
    %mul3A_1190 = arith.muli %min3A_1187, %mul3A_1189 : vector<16xi32>
    %add3A_1191 = arith.constant 0 : i32
    %add3A_1192 = vector.broadcast %add3A_1191 : i32 to vector<16xi32>
    %add3A_1193 = arith.addi %mul3A_1190, %add3A_1192 : vector<16xi32>
    %gather3A_1194 = tpu.vector_load_idx %arg5[%broadcast_in_dim3A_1181, %add3A_1193] : memref<4x104xf32, #tpu.memory_space<vmem>>[vector<16xi32>, vector<16xi32>], vector<16xf32>,
    %add3A_1195 = arith.constant 1 : i32
    %add3A_1196 = vector.broadcast %add3A_1195 : i32 to vector<16xi32>
    %add3A_1197 = arith.addi %mul3A_1190, %add3A_1196 : vector<16xi32>
    %gather3A_1198 = tpu.vector_load_idx %arg5[%broadcast_in_dim3A_1181, %add3A_1197] : memref<4x104xf32, #tpu.memory_space<vmem>>[vector<16xi32>, vector<16xi32>], vector<16xf32>,
    %add3A_1199 = arith.constant 2 : i32
    %add3A_1200 = vector.broadcast %add3A_1199 : i32 to vector<16xi32>
    %add3A_1201 = arith.addi %mul3A_1190, %add3A_1200 : vector<16xi32>
    %gather3A_1202 = tpu.vector_load_idx %arg5[%broadcast_in_dim3A_1181, %add3A_1201] : memref<4x104xf32, #tpu.memory_space<vmem>>[vector<16xi32>, vector<16xi32>], vector<16xf32>,
    %add3A_1203 = arith.constant 3 : i32
    %add3A_1204 = vector.broadcast %add3A_1203 : i32 to vector<16xi32>
    %add3A_1205 = arith.addi %mul3A_1190, %add3A_1204 : vector<16xi32>
    %gather3A_1206 = tpu.vector_load_idx %arg5[%broadcast_in_dim3A_1181, %add3A_1205] : memref<4x104xf32, #tpu.memory_space<vmem>>[vector<16xi32>, vector<16xi32>], vector<16xf32>,
    %add3A_1207 = arith.constant 4 : i32
    %add3A_1208 = vector.broadcast %add3A_1207 : i32 to vector<16xi32>
    %add3A_1209 = arith.addi %mul3A_1190, %add3A_1208 : vector<16xi32>
    %gather3A_1210 = tpu.vector_load_idx %arg5[%broadcast_in_dim3A_1181, %add3A_1209] : memref<4x104xf32, #tpu.memory_space<vmem>>[vector<16xi32>, vector<16xi32>], vector<16xf32>,
    %mul3A_1211 = arith.constant 1.300000e+01 : f32
    %mul3A_1212 = vector.broadcast %mul3A_1211 : f32 to vector<16xf32>
    %mul3A_1213 = arith.mulf %gather3A_1198, %mul3A_1212 : vector<16xf32>
    %convert_element_type3A_1214 = arith.fptosi %mul3A_1213 : vector<16xf32> to vector<16xi32>
    %mul3A_1215 = arith.constant 1.300000e+01 : f32
    %mul3A_1216 = vector.broadcast %mul3A_1215 : f32 to vector<16xf32>
    %mul3A_1217 = arith.mulf %gather3A_1202, %mul3A_1216 : vector<16xf32>
    %convert_element_type3A_1218 = arith.fptosi %mul3A_1217 : vector<16xf32> to vector<16xi32>
    %lt3A_1219 = arith.constant 13 : i32
    %lt3A_1220 = vector.broadcast %lt3A_1219 : i32 to vector<16xi32>
    %lt3A_1221 = arith.cmpi slt, %convert_element_type3A_1214, %lt3A_1220 : vector<16xi32>
    %lt3A_1222 = arith.constant 13 : i32
    %lt3A_1223 = vector.broadcast %lt3A_1222 : i32 to vector<16xi32>
    %lt3A_1224 = arith.cmpi slt, %convert_element_type3A_1218, %lt3A_1223 : vector<16xi32>
    %and3A_1225 = arith.andi %lt3A_1221, %lt3A_1224 : vector<16xi1>
    %lt3A_1226 = arith.constant 20 : i32
    %lt3A_1227 = vector.broadcast %lt3A_1226 : i32 to vector<16xi32>
    %lt3A_1228 = arith.cmpi slt, %add3A_1184, %lt3A_1227 : vector<16xi32>
    %and3A_1229 = arith.andi %and3A_1225, %lt3A_1228 : vector<16xi1>
    %jit3A_1230 = arith.constant 0 : i32
    %jit3A_1231 = arith.constant 12 : i32
    %max3A_1232 = vector.broadcast %jit3A_1230 : i32 to vector<16xi32>
    %max3A_1233 = arith.maxsi %max3A_1232, %convert_element_type3A_1214 : vector<16xi32>
    %min3A_1234 = vector.broadcast %jit3A_1231 : i32 to vector<16xi32>
    %min3A_1235 = arith.minsi %min3A_1234, %max3A_1233 : vector<16xi32>
    %jit3A_1236 = arith.constant 0 : i32
    %jit3A_1237 = arith.constant 12 : i32
    %max3A_1238 = vector.broadcast %jit3A_1236 : i32 to vector<16xi32>
    %max3A_1239 = arith.maxsi %max3A_1238, %convert_element_type3A_1218 : vector<16xi32>
    %min3A_1240 = vector.broadcast %jit3A_1237 : i32 to vector<16xi32>
    %min3A_1241 = arith.minsi %min3A_1240, %max3A_1239 : vector<16xi32>
    %mul3A_1242 = arith.constant 13 : i32
    %mul3A_1243 = vector.broadcast %mul3A_1242 : i32 to vector<16xi32>
    %mul3A_1244 = arith.muli %min3A_1241, %mul3A_1243 : vector<16xi32>
    %add3A_1245 = arith.addi %mul3A_1244, %min3A_1235 : vector<16xi32>
    %shift_right_logical3A_1246 = arith.constant 7 : i32
    %shift_right_logical3A_1247 = vector.broadcast %shift_right_logical3A_1246 : i32 to vector<16xi32>
    %shift_right_logical3A_1248 = arith.shrui %add3A_1245, %shift_right_logical3A_1247 : vector<16xi32>
    %and3A_1249 = arith.constant 127 : i32
    %and3A_1250 = vector.broadcast %and3A_1249 : i32 to vector<16xi32>
    %and3A_1251 = arith.andi %add3A_1245, %and3A_1250 : vector<16xi32>
    %broadcast_in_dim3A_1252 = arith.constant 0 : i32
    %broadcast_in_dim3A_1253 = vector.broadcast %broadcast_in_dim3A_1252 : i32 to vector<16xi32>
    %broadcast_in_dim3A_1254 = arith.constant 1 : i32
    %broadcast_in_dim3A_1255 = vector.broadcast %broadcast_in_dim3A_1254 : i32 to vector<16xi32>
    %gather3A_1256 = tpu.vector_load_idx %arg6[%broadcast_in_dim3A_1181, %broadcast_in_dim3A_1253, %shift_right_logical3A_1248, %broadcast_in_dim3A_1255, %and3A_1251] : memref<4x3x2x8x128xf32, #tpu.memory_space<vmem>>[vector<16xi32>, vector<16xi32>, vector<16xi32>, vector<16xi32>, vector<16xi32>], vector<16xf32>,
    %sub3A_1257 = arith.subf %gather3A_1256, %gather3A_1198 : vector<16xf32>
    %broadcast_in_dim3A_1258 = arith.constant 0 : i32
    %broadcast_in_dim3A_1259 = vector.broadcast %broadcast_in_dim3A_1258 : i32 to vector<16xi32>
    %broadcast_in_dim3A_1260 = arith.constant 2 : i32
    %broadcast_in_dim3A_1261 = vector.broadcast %broadcast_in_dim3A_1260 : i32 to vector<16xi32>
    %gather3A_1262 = tpu.vector_load_idx %arg6[%broadcast_in_dim3A_1181, %broadcast_in_dim3A_1259, %shift_right_logical3A_1248, %broadcast_in_dim3A_1261, %and3A_1251] : memref<4x3x2x8x128xf32, #tpu.memory_space<vmem>>[vector<16xi32>, vector<16xi32>, vector<16xi32>, vector<16xi32>, vector<16xi32>], vector<16xf32>,
    %sub3A_1263 = arith.subf %gather3A_1262, %gather3A_1202 : vector<16xf32>
    %broadcast_in_dim3A_1264 = arith.constant 0 : i32
    %broadcast_in_dim3A_1265 = vector.broadcast %broadcast_in_dim3A_1264 : i32 to vector<16xi32>
    %broadcast_in_dim3A_1266 = arith.constant 3 : i32
    %broadcast_in_dim3A_1267 = vector.broadcast %broadcast_in_dim3A_1266 : i32 to vector<16xi32>
    %gather3A_1268 = tpu.vector_load_idx %arg6[%broadcast_in_dim3A_1181, %broadcast_in_dim3A_1265, %shift_right_logical3A_1248, %broadcast_in_dim3A_1267, %and3A_1251] : memref<4x3x2x8x128xf32, #tpu.memory_space<vmem>>[vector<16xi32>, vector<16xi32>, vector<16xi32>, vector<16xi32>, vector<16xi32>], vector<16xf32>,
    %sub3A_1269 = arith.subf %gather3A_1268, %gather3A_1206 : vector<16xf32>
    %broadcast_in_dim3A_1270 = arith.constant 0 : i32
    %broadcast_in_dim3A_1271 = vector.broadcast %broadcast_in_dim3A_1270 : i32 to vector<16xi32>
    %broadcast_in_dim3A_1272 = arith.constant 4 : i32
    %broadcast_in_dim3A_1273 = vector.broadcast %broadcast_in_dim3A_1272 : i32 to vector<16xi32>
    %gather3A_1274 = tpu.vector_load_idx %arg6[%broadcast_in_dim3A_1181, %broadcast_in_dim3A_1271, %shift_right_logical3A_1248, %broadcast_in_dim3A_1273, %and3A_1251] : memref<4x3x2x8x128xf32, #tpu.memory_space<vmem>>[vector<16xi32>, vector<16xi32>, vector<16xi32>, vector<16xi32>, vector<16xi32>], vector<16xf32>,
    %sub3A_1275 = arith.subf %gather3A_1274, %gather3A_1210 : vector<16xf32>
    %mul3A_1276 = arith.mulf %sub3A_1257, %sub3A_1257 : vector<16xf32>
    %mul3A_1277 = arith.mulf %sub3A_1263, %sub3A_1263 : vector<16xf32>
    %add3A_1278 = arith.addf %mul3A_1276, %mul3A_1277 : vector<16xf32>
    %mul3A_1279 = arith.mulf %sub3A_1269, %sub3A_1269 : vector<16xf32>
    %add3A_1280 = arith.addf %add3A_1278, %mul3A_1279 : vector<16xf32>
    %mul3A_1281 = arith.mulf %sub3A_1275, %sub3A_1275 : vector<16xf32>
    %add3A_1282 = arith.addf %add3A_1280, %mul3A_1281 : vector<16xf32>
    %convert_element_type3A_1283 = arith.fptosi %gather3A_1194 : vector<16xf32> to vector<16xi32>
    %broadcast_in_dim3A_1284 = arith.constant 0 : i32
    %broadcast_in_dim3A_1285 = vector.broadcast %broadcast_in_dim3A_1284 : i32 to vector<16xi32>
    %broadcast_in_dim3A_1286 = arith.constant 5 : i32
    %broadcast_in_dim3A_1287 = vector.broadcast %broadcast_in_dim3A_1286 : i32 to vector<16xi32>
    %gather3A_1288 = tpu.vector_load_idx %arg6[%broadcast_in_dim3A_1181, %broadcast_in_dim3A_1285, %shift_right_logical3A_1248, %broadcast_in_dim3A_1287, %and3A_1251] : memref<4x3x2x8x128xf32, #tpu.memory_space<vmem>>[vector<16xi32>, vector<16xi32>, vector<16xi32>, vector<16xi32>, vector<16xi32>], vector<16xf32>,
    %eq3A_1289 = arith.constant 0 : i32
    %eq3A_1290 = vector.broadcast %eq3A_1289 : i32 to vector<16xi32>
    %eq3A_1291 = arith.cmpi eq, %convert_element_type3A_1283, %eq3A_1290 : vector<16xi32>
    %sub3A_1292 = arith.constant 1.000000e+00 : f32
    %sub3A_1293 = vector.broadcast %sub3A_1292 : f32 to vector<16xf32>
    %sub3A_1294 = arith.subf %gather3A_1288, %sub3A_1293 : vector<16xf32>
    %select_n3A_1295 = arith.select %eq3A_1291, %sub3A_1294, %gather3A_1288 : vector<16xi1>, vector<16xf32>
    %mul3A_1296 = arith.mulf %select_n3A_1295, %select_n3A_1295 : vector<16xf32>
    %add3A_1297 = arith.addf %broadcast_in_dim3A_1, %mul3A_1296 : vector<16xf32>
    %broadcast_in_dim3A_1298 = arith.constant 0 : i32
    %broadcast_in_dim3A_1299 = vector.broadcast %broadcast_in_dim3A_1298 : i32 to vector<16xi32>
    %broadcast_in_dim3A_1300 = arith.constant 6 : i32
    %broadcast_in_dim3A_1301 = vector.broadcast %broadcast_in_dim3A_1300 : i32 to vector<16xi32>
    %gather3A_1302 = tpu.vector_load_idx %arg6[%broadcast_in_dim3A_1181, %broadcast_in_dim3A_1299, %shift_right_logical3A_1248, %broadcast_in_dim3A_1301, %and3A_1251] : memref<4x3x2x8x128xf32, #tpu.memory_space<vmem>>[vector<16xi32>, vector<16xi32>, vector<16xi32>, vector<16xi32>, vector<16xi32>], vector<16xf32>,
    %eq3A_1303 = arith.constant 1 : i32
    %eq3A_1304 = vector.broadcast %eq3A_1303 : i32 to vector<16xi32>
    %eq3A_1305 = arith.cmpi eq, %convert_element_type3A_1283, %eq3A_1304 : vector<16xi32>
    %sub3A_1306 = arith.constant 1.000000e+00 : f32
    %sub3A_1307 = vector.broadcast %sub3A_1306 : f32 to vector<16xf32>
    %sub3A_1308 = arith.subf %gather3A_1302, %sub3A_1307 : vector<16xf32>
    %select_n3A_1309 = arith.select %eq3A_1305, %sub3A_1308, %gather3A_1302 : vector<16xi1>, vector<16xf32>
    %mul3A_1310 = arith.mulf %select_n3A_1309, %select_n3A_1309 : vector<16xf32>
    %add3A_1311 = arith.addf %add3A_1297, %mul3A_1310 : vector<16xf32>
    %broadcast_in_dim3A_1312 = arith.constant 0 : i32
    %broadcast_in_dim3A_1313 = vector.broadcast %broadcast_in_dim3A_1312 : i32 to vector<16xi32>
    %broadcast_in_dim3A_1314 = arith.constant 7 : i32
    %broadcast_in_dim3A_1315 = vector.broadcast %broadcast_in_dim3A_1314 : i32 to vector<16xi32>
    %gather3A_1316 = tpu.vector_load_idx %arg6[%broadcast_in_dim3A_1181, %broadcast_in_dim3A_1313, %shift_right_logical3A_1248, %broadcast_in_dim3A_1315, %and3A_1251] : memref<4x3x2x8x128xf32, #tpu.memory_space<vmem>>[vector<16xi32>, vector<16xi32>, vector<16xi32>, vector<16xi32>, vector<16xi32>], vector<16xf32>,
    %eq3A_1317 = arith.constant 2 : i32
    %eq3A_1318 = vector.broadcast %eq3A_1317 : i32 to vector<16xi32>
    %eq3A_1319 = arith.cmpi eq, %convert_element_type3A_1283, %eq3A_1318 : vector<16xi32>
    %sub3A_1320 = arith.constant 1.000000e+00 : f32
    %sub3A_1321 = vector.broadcast %sub3A_1320 : f32 to vector<16xf32>
    %sub3A_1322 = arith.subf %gather3A_1316, %sub3A_1321 : vector<16xf32>
    %select_n3A_1323 = arith.select %eq3A_1319, %sub3A_1322, %gather3A_1316 : vector<16xi1>, vector<16xf32>
    %mul3A_1324 = arith.mulf %select_n3A_1323, %select_n3A_1323 : vector<16xf32>
    %add3A_1325 = arith.addf %add3A_1311, %mul3A_1324 : vector<16xf32>
    %broadcast_in_dim3A_1326 = arith.constant 1 : i32
    %broadcast_in_dim3A_1327 = vector.broadcast %broadcast_in_dim3A_1326 : i32 to vector<16xi32>
    %broadcast_in_dim3A_1328 = arith.constant 0 : i32
    %broadcast_in_dim3A_1329 = vector.broadcast %broadcast_in_dim3A_1328 : i32 to vector<16xi32>
    %gather3A_1330 = tpu.vector_load_idx %arg6[%broadcast_in_dim3A_1181, %broadcast_in_dim3A_1327, %shift_right_logical3A_1248, %broadcast_in_dim3A_1329, %and3A_1251] : memref<4x3x2x8x128xf32, #tpu.memory_space<vmem>>[vector<16xi32>, vector<16xi32>, vector<16xi32>, vector<16xi32>, vector<16xi32>], vector<16xf32>,
    %eq3A_1331 = arith.constant 3 : i32
    %eq3A_1332 = vector.broadcast %eq3A_1331 : i32 to vector<16xi32>
    %eq3A_1333 = arith.cmpi eq, %convert_element_type3A_1283, %eq3A_1332 : vector<16xi32>
    %sub3A_1334 = arith.constant 1.000000e+00 : f32
    %sub3A_1335 = vector.broadcast %sub3A_1334 : f32 to vector<16xf32>
    %sub3A_1336 = arith.subf %gather3A_1330, %sub3A_1335 : vector<16xf32>
    %select_n3A_1337 = arith.select %eq3A_1333, %sub3A_1336, %gather3A_1330 : vector<16xi1>, vector<16xf32>
    %mul3A_1338 = arith.mulf %select_n3A_1337, %select_n3A_1337 : vector<16xf32>
    %add3A_1339 = arith.addf %add3A_1325, %mul3A_1338 : vector<16xf32>
    %broadcast_in_dim3A_1340 = arith.constant 1 : i32
    %broadcast_in_dim3A_1341 = vector.broadcast %broadcast_in_dim3A_1340 : i32 to vector<16xi32>
    %broadcast_in_dim3A_1342 = arith.constant 1 : i32
    %broadcast_in_dim3A_1343 = vector.broadcast %broadcast_in_dim3A_1342 : i32 to vector<16xi32>
    %gather3A_1344 = tpu.vector_load_idx %arg6[%broadcast_in_dim3A_1181, %broadcast_in_dim3A_1341, %shift_right_logical3A_1248, %broadcast_in_dim3A_1343, %and3A_1251] : memref<4x3x2x8x128xf32, #tpu.memory_space<vmem>>[vector<16xi32>, vector<16xi32>, vector<16xi32>, vector<16xi32>, vector<16xi32>], vector<16xf32>,
    %eq3A_1345 = arith.constant 4 : i32
    %eq3A_1346 = vector.broadcast %eq3A_1345 : i32 to vector<16xi32>
    %eq3A_1347 = arith.cmpi eq, %convert_element_type3A_1283, %eq3A_1346 : vector<16xi32>
    %sub3A_1348 = arith.constant 1.000000e+00 : f32
    %sub3A_1349 = vector.broadcast %sub3A_1348 : f32 to vector<16xf32>
    %sub3A_1350 = arith.subf %gather3A_1344, %sub3A_1349 : vector<16xf32>
    %select_n3A_1351 = arith.select %eq3A_1347, %sub3A_1350, %gather3A_1344 : vector<16xi1>, vector<16xf32>
    %mul3A_1352 = arith.mulf %select_n3A_1351, %select_n3A_1351 : vector<16xf32>
    %add3A_1353 = arith.addf %add3A_1339, %mul3A_1352 : vector<16xf32>
    %broadcast_in_dim3A_1354 = arith.constant 1 : i32
    %broadcast_in_dim3A_1355 = vector.broadcast %broadcast_in_dim3A_1354 : i32 to vector<16xi32>
    %broadcast_in_dim3A_1356 = arith.constant 2 : i32
    %broadcast_in_dim3A_1357 = vector.broadcast %broadcast_in_dim3A_1356 : i32 to vector<16xi32>
    %gather3A_1358 = tpu.vector_load_idx %arg6[%broadcast_in_dim3A_1181, %broadcast_in_dim3A_1355, %shift_right_logical3A_1248, %broadcast_in_dim3A_1357, %and3A_1251] : memref<4x3x2x8x128xf32, #tpu.memory_space<vmem>>[vector<16xi32>, vector<16xi32>, vector<16xi32>, vector<16xi32>, vector<16xi32>], vector<16xf32>,
    %eq3A_1359 = arith.constant 5 : i32
    %eq3A_1360 = vector.broadcast %eq3A_1359 : i32 to vector<16xi32>
    %eq3A_1361 = arith.cmpi eq, %convert_element_type3A_1283, %eq3A_1360 : vector<16xi32>
    %sub3A_1362 = arith.constant 1.000000e+00 : f32
    %sub3A_1363 = vector.broadcast %sub3A_1362 : f32 to vector<16xf32>
    %sub3A_1364 = arith.subf %gather3A_1358, %sub3A_1363 : vector<16xf32>
    %select_n3A_1365 = arith.select %eq3A_1361, %sub3A_1364, %gather3A_1358 : vector<16xi1>, vector<16xf32>
    %mul3A_1366 = arith.mulf %select_n3A_1365, %select_n3A_1365 : vector<16xf32>
    %add3A_1367 = arith.addf %add3A_1353, %mul3A_1366 : vector<16xf32>
    %broadcast_in_dim3A_1368 = arith.constant 1 : i32
    %broadcast_in_dim3A_1369 = vector.broadcast %broadcast_in_dim3A_1368 : i32 to vector<16xi32>
    %broadcast_in_dim3A_1370 = arith.constant 3 : i32
    %broadcast_in_dim3A_1371 = vector.broadcast %broadcast_in_dim3A_1370 : i32 to vector<16xi32>
    %gather3A_1372 = tpu.vector_load_idx %arg6[%broadcast_in_dim3A_1181, %broadcast_in_dim3A_1369, %shift_right_logical3A_1248, %broadcast_in_dim3A_1371, %and3A_1251] : memref<4x3x2x8x128xf32, #tpu.memory_space<vmem>>[vector<16xi32>, vector<16xi32>, vector<16xi32>, vector<16xi32>, vector<16xi32>], vector<16xf32>,
    %eq3A_1373 = arith.constant 6 : i32
    %eq3A_1374 = vector.broadcast %eq3A_1373 : i32 to vector<16xi32>
    %eq3A_1375 = arith.cmpi eq, %convert_element_type3A_1283, %eq3A_1374 : vector<16xi32>
    %sub3A_1376 = arith.constant 1.000000e+00 : f32
    %sub3A_1377 = vector.broadcast %sub3A_1376 : f32 to vector<16xf32>
    %sub3A_1378 = arith.subf %gather3A_1372, %sub3A_1377 : vector<16xf32>
    %select_n3A_1379 = arith.select %eq3A_1375, %sub3A_1378, %gather3A_1372 : vector<16xi1>, vector<16xf32>
    %mul3A_1380 = arith.mulf %select_n3A_1379, %select_n3A_1379 : vector<16xf32>
    %add3A_1381 = arith.addf %add3A_1367, %mul3A_1380 : vector<16xf32>
    %broadcast_in_dim3A_1382 = arith.constant 1 : i32
    %broadcast_in_dim3A_1383 = vector.broadcast %broadcast_in_dim3A_1382 : i32 to vector<16xi32>
    %broadcast_in_dim3A_1384 = arith.constant 4 : i32
    %broadcast_in_dim3A_1385 = vector.broadcast %broadcast_in_dim3A_1384 : i32 to vector<16xi32>
    %gather3A_1386 = tpu.vector_load_idx %arg6[%broadcast_in_dim3A_1181, %broadcast_in_dim3A_1383, %shift_right_logical3A_1248, %broadcast_in_dim3A_1385, %and3A_1251] : memref<4x3x2x8x128xf32, #tpu.memory_space<vmem>>[vector<16xi32>, vector<16xi32>, vector<16xi32>, vector<16xi32>, vector<16xi32>], vector<16xf32>,
    %eq3A_1387 = arith.constant 7 : i32
    %eq3A_1388 = vector.broadcast %eq3A_1387 : i32 to vector<16xi32>
    %eq3A_1389 = arith.cmpi eq, %convert_element_type3A_1283, %eq3A_1388 : vector<16xi32>
    %sub3A_1390 = arith.constant 1.000000e+00 : f32
    %sub3A_1391 = vector.broadcast %sub3A_1390 : f32 to vector<16xf32>
    %sub3A_1392 = arith.subf %gather3A_1386, %sub3A_1391 : vector<16xf32>
    %select_n3A_1393 = arith.select %eq3A_1389, %sub3A_1392, %gather3A_1386 : vector<16xi1>, vector<16xf32>
    %mul3A_1394 = arith.mulf %select_n3A_1393, %select_n3A_1393 : vector<16xf32>
    %add3A_1395 = arith.addf %add3A_1381, %mul3A_1394 : vector<16xf32>
    %broadcast_in_dim3A_1396 = arith.constant 1 : i32
    %broadcast_in_dim3A_1397 = vector.broadcast %broadcast_in_dim3A_1396 : i32 to vector<16xi32>
    %broadcast_in_dim3A_1398 = arith.constant 5 : i32
    %broadcast_in_dim3A_1399 = vector.broadcast %broadcast_in_dim3A_1398 : i32 to vector<16xi32>
    %gather3A_1400 = tpu.vector_load_idx %arg6[%broadcast_in_dim3A_1181, %broadcast_in_dim3A_1397, %shift_right_logical3A_1248, %broadcast_in_dim3A_1399, %and3A_1251] : memref<4x3x2x8x128xf32, #tpu.memory_space<vmem>>[vector<16xi32>, vector<16xi32>, vector<16xi32>, vector<16xi32>, vector<16xi32>], vector<16xf32>,
    %eq3A_1401 = arith.constant 8 : i32
    %eq3A_1402 = vector.broadcast %eq3A_1401 : i32 to vector<16xi32>
    %eq3A_1403 = arith.cmpi eq, %convert_element_type3A_1283, %eq3A_1402 : vector<16xi32>
    %sub3A_1404 = arith.constant 1.000000e+00 : f32
    %sub3A_1405 = vector.broadcast %sub3A_1404 : f32 to vector<16xf32>
    %sub3A_1406 = arith.subf %gather3A_1400, %sub3A_1405 : vector<16xf32>
    %select_n3A_1407 = arith.select %eq3A_1403, %sub3A_1406, %gather3A_1400 : vector<16xi1>, vector<16xf32>
    %mul3A_1408 = arith.mulf %select_n3A_1407, %select_n3A_1407 : vector<16xf32>
    %add3A_1409 = arith.addf %add3A_1395, %mul3A_1408 : vector<16xf32>
    %broadcast_in_dim3A_1410 = arith.constant 1 : i32
    %broadcast_in_dim3A_1411 = vector.broadcast %broadcast_in_dim3A_1410 : i32 to vector<16xi32>
    %broadcast_in_dim3A_1412 = arith.constant 6 : i32
    %broadcast_in_dim3A_1413 = vector.broadcast %broadcast_in_dim3A_1412 : i32 to vector<16xi32>
    %gather3A_1414 = tpu.vector_load_idx %arg6[%broadcast_in_dim3A_1181, %broadcast_in_dim3A_1411, %shift_right_logical3A_1248, %broadcast_in_dim3A_1413, %and3A_1251] : memref<4x3x2x8x128xf32, #tpu.memory_space<vmem>>[vector<16xi32>, vector<16xi32>, vector<16xi32>, vector<16xi32>, vector<16xi32>], vector<16xf32>,
    %eq3A_1415 = arith.constant 9 : i32
    %eq3A_1416 = vector.broadcast %eq3A_1415 : i32 to vector<16xi32>
    %eq3A_1417 = arith.cmpi eq, %convert_element_type3A_1283, %eq3A_1416 : vector<16xi32>
    %sub3A_1418 = arith.constant 1.000000e+00 : f32
    %sub3A_1419 = vector.broadcast %sub3A_1418 : f32 to vector<16xf32>
    %sub3A_1420 = arith.subf %gather3A_1414, %sub3A_1419 : vector<16xf32>
    %select_n3A_1421 = arith.select %eq3A_1417, %sub3A_1420, %gather3A_1414 : vector<16xi1>, vector<16xf32>
    %mul3A_1422 = arith.mulf %select_n3A_1421, %select_n3A_1421 : vector<16xf32>
    %add3A_1423 = arith.addf %add3A_1409, %mul3A_1422 : vector<16xf32>
    %broadcast_in_dim3A_1424 = arith.constant 1 : i32
    %broadcast_in_dim3A_1425 = vector.broadcast %broadcast_in_dim3A_1424 : i32 to vector<16xi32>
    %broadcast_in_dim3A_1426 = arith.constant 7 : i32
    %broadcast_in_dim3A_1427 = vector.broadcast %broadcast_in_dim3A_1426 : i32 to vector<16xi32>
    %gather3A_1428 = tpu.vector_load_idx %arg6[%broadcast_in_dim3A_1181, %broadcast_in_dim3A_1425, %shift_right_logical3A_1248, %broadcast_in_dim3A_1427, %and3A_1251] : memref<4x3x2x8x128xf32, #tpu.memory_space<vmem>>[vector<16xi32>, vector<16xi32>, vector<16xi32>, vector<16xi32>, vector<16xi32>], vector<16xf32>,
    %eq3A_1429 = arith.constant 10 : i32
    %eq3A_1430 = vector.broadcast %eq3A_1429 : i32 to vector<16xi32>
    %eq3A_1431 = arith.cmpi eq, %convert_element_type3A_1283, %eq3A_1430 : vector<16xi32>
    %sub3A_1432 = arith.constant 1.000000e+00 : f32
    %sub3A_1433 = vector.broadcast %sub3A_1432 : f32 to vector<16xf32>
    %sub3A_1434 = arith.subf %gather3A_1428, %sub3A_1433 : vector<16xf32>
    %select_n3A_1435 = arith.select %eq3A_1431, %sub3A_1434, %gather3A_1428 : vector<16xi1>, vector<16xf32>
    %mul3A_1436 = arith.mulf %select_n3A_1435, %select_n3A_1435 : vector<16xf32>
    %add3A_1437 = arith.addf %add3A_1423, %mul3A_1436 : vector<16xf32>
    %broadcast_in_dim3A_1438 = arith.constant 2 : i32
    %broadcast_in_dim3A_1439 = vector.broadcast %broadcast_in_dim3A_1438 : i32 to vector<16xi32>
    %broadcast_in_dim3A_1440 = arith.constant 0 : i32
    %broadcast_in_dim3A_1441 = vector.broadcast %broadcast_in_dim3A_1440 : i32 to vector<16xi32>
    %gather3A_1442 = tpu.vector_load_idx %arg6[%broadcast_in_dim3A_1181, %broadcast_in_dim3A_1439, %shift_right_logical3A_1248, %broadcast_in_dim3A_1441, %and3A_1251] : memref<4x3x2x8x128xf32, #tpu.memory_space<vmem>>[vector<16xi32>, vector<16xi32>, vector<16xi32>, vector<16xi32>, vector<16xi32>], vector<16xf32>,
    %eq3A_1443 = arith.constant 11 : i32
    %eq3A_1444 = vector.broadcast %eq3A_1443 : i32 to vector<16xi32>
    %eq3A_1445 = arith.cmpi eq, %convert_element_type3A_1283, %eq3A_1444 : vector<16xi32>
    %sub3A_1446 = arith.constant 1.000000e+00 : f32
    %sub3A_1447 = vector.broadcast %sub3A_1446 : f32 to vector<16xf32>
    %sub3A_1448 = arith.subf %gather3A_1442, %sub3A_1447 : vector<16xf32>
    %select_n3A_1449 = arith.select %eq3A_1445, %sub3A_1448, %gather3A_1442 : vector<16xi1>, vector<16xf32>
    %mul3A_1450 = arith.mulf %select_n3A_1449, %select_n3A_1449 : vector<16xf32>
    %add3A_1451 = arith.addf %add3A_1437, %mul3A_1450 : vector<16xf32>
    %broadcast_in_dim3A_1452 = arith.constant 2 : i32
    %broadcast_in_dim3A_1453 = vector.broadcast %broadcast_in_dim3A_1452 : i32 to vector<16xi32>
    %broadcast_in_dim3A_1454 = arith.constant 1 : i32
    %broadcast_in_dim3A_1455 = vector.broadcast %broadcast_in_dim3A_1454 : i32 to vector<16xi32>
    %gather3A_1456 = tpu.vector_load_idx %arg6[%broadcast_in_dim3A_1181, %broadcast_in_dim3A_1453, %shift_right_logical3A_1248, %broadcast_in_dim3A_1455, %and3A_1251] : memref<4x3x2x8x128xf32, #tpu.memory_space<vmem>>[vector<16xi32>, vector<16xi32>, vector<16xi32>, vector<16xi32>, vector<16xi32>], vector<16xf32>,
    %eq3A_1457 = arith.constant 12 : i32
    %eq3A_1458 = vector.broadcast %eq3A_1457 : i32 to vector<16xi32>
    %eq3A_1459 = arith.cmpi eq, %convert_element_type3A_1283, %eq3A_1458 : vector<16xi32>
    %sub3A_1460 = arith.constant 1.000000e+00 : f32
    %sub3A_1461 = vector.broadcast %sub3A_1460 : f32 to vector<16xf32>
    %sub3A_1462 = arith.subf %gather3A_1456, %sub3A_1461 : vector<16xf32>
    %select_n3A_1463 = arith.select %eq3A_1459, %sub3A_1462, %gather3A_1456 : vector<16xi1>, vector<16xf32>
    %mul3A_1464 = arith.mulf %select_n3A_1463, %select_n3A_1463 : vector<16xf32>
    %add3A_1465 = arith.addf %add3A_1451, %mul3A_1464 : vector<16xf32>
    %mul3A_1466 = arith.constant 5.000000e+00 : f32
    %mul3A_1467 = vector.broadcast %mul3A_1466 : f32 to vector<16xf32>
    %mul3A_1468 = arith.mulf %mul3A_1467, %add3A_1282 : vector<16xf32>
    %add3A_1469 = arith.addf %mul3A_1468, %add3A_1465 : vector<16xf32>
    %jit3A_1470 = arith.constant 0.000000e+00 : f32
    %broadcast_in_dim3A_1471 = vector.broadcast %jit3A_1470 : f32 to vector<16xf32>
    %select_n3A_1472 = arith.select %and3A_1229, %add3A_1469, %broadcast_in_dim3A_1471 : vector<16xi1>, vector<16xf32>
    %add3A_1473 = arith.addf %add3A_578, %select_n3A_1472 : vector<16xf32>
    tpu.vector_store_idx %arg7[%add3A_1245], %add3A_1184 masked %and3A_1229 : memref<169xi32, #tpu.memory_space<vmem>>[vector<16xi32>], vector<16xi32>, vector<16xi1>
    %add3A_1474 = arith.constant 16 : i32
    %add3A_1475 = vector.broadcast %add3A_1474 : i32 to vector<16xi32>
    %add3A_1476 = arith.addi %iota3A, %add3A_1475 : vector<16xi32>
    %min3A_1477 = arith.constant 19 : i32
    %min3A_1478 = vector.broadcast %min3A_1477 : i32 to vector<16xi32>
    %min3A_1479 = arith.minsi %add3A_1476, %min3A_1478 : vector<16xi32>
    %mul3A_1480 = arith.constant 5 : i32
    %mul3A_1481 = vector.broadcast %mul3A_1480 : i32 to vector<16xi32>
    %mul3A_1482 = arith.muli %min3A_1479, %mul3A_1481 : vector<16xi32>
    %add3A_1483 = arith.constant 0 : i32
    %add3A_1484 = vector.broadcast %add3A_1483 : i32 to vector<16xi32>
    %add3A_1485 = arith.addi %mul3A_1482, %add3A_1484 : vector<16xi32>
    %gather3A_1486 = tpu.vector_load_idx %arg5[%broadcast_in_dim3A_1181, %add3A_1485] : memref<4x104xf32, #tpu.memory_space<vmem>>[vector<16xi32>, vector<16xi32>], vector<16xf32>,
    %add3A_1487 = arith.constant 1 : i32
    %add3A_1488 = vector.broadcast %add3A_1487 : i32 to vector<16xi32>
    %add3A_1489 = arith.addi %mul3A_1482, %add3A_1488 : vector<16xi32>
    %gather3A_1490 = tpu.vector_load_idx %arg5[%broadcast_in_dim3A_1181, %add3A_1489] : memref<4x104xf32, #tpu.memory_space<vmem>>[vector<16xi32>, vector<16xi32>], vector<16xf32>,
    %add3A_1491 = arith.constant 2 : i32
    %add3A_1492 = vector.broadcast %add3A_1491 : i32 to vector<16xi32>
    %add3A_1493 = arith.addi %mul3A_1482, %add3A_1492 : vector<16xi32>
    %gather3A_1494 = tpu.vector_load_idx %arg5[%broadcast_in_dim3A_1181, %add3A_1493] : memref<4x104xf32, #tpu.memory_space<vmem>>[vector<16xi32>, vector<16xi32>], vector<16xf32>,
    %add3A_1495 = arith.constant 3 : i32
    %add3A_1496 = vector.broadcast %add3A_1495 : i32 to vector<16xi32>
    %add3A_1497 = arith.addi %mul3A_1482, %add3A_1496 : vector<16xi32>
    %gather3A_1498 = tpu.vector_load_idx %arg5[%broadcast_in_dim3A_1181, %add3A_1497] : memref<4x104xf32, #tpu.memory_space<vmem>>[vector<16xi32>, vector<16xi32>], vector<16xf32>,
    %add3A_1499 = arith.constant 4 : i32
    %add3A_1500 = vector.broadcast %add3A_1499 : i32 to vector<16xi32>
    %add3A_1501 = arith.addi %mul3A_1482, %add3A_1500 : vector<16xi32>
    %gather3A_1502 = tpu.vector_load_idx %arg5[%broadcast_in_dim3A_1181, %add3A_1501] : memref<4x104xf32, #tpu.memory_space<vmem>>[vector<16xi32>, vector<16xi32>], vector<16xf32>,
    %mul3A_1503 = arith.constant 1.300000e+01 : f32
    %mul3A_1504 = vector.broadcast %mul3A_1503 : f32 to vector<16xf32>
    %mul3A_1505 = arith.mulf %gather3A_1490, %mul3A_1504 : vector<16xf32>
    %convert_element_type3A_1506 = arith.fptosi %mul3A_1505 : vector<16xf32> to vector<16xi32>
    %mul3A_1507 = arith.constant 1.300000e+01 : f32
    %mul3A_1508 = vector.broadcast %mul3A_1507 : f32 to vector<16xf32>
    %mul3A_1509 = arith.mulf %gather3A_1494, %mul3A_1508 : vector<16xf32>
    %convert_element_type3A_1510 = arith.fptosi %mul3A_1509 : vector<16xf32> to vector<16xi32>
    %lt3A_1511 = arith.constant 13 : i32
    %lt3A_1512 = vector.broadcast %lt3A_1511 : i32 to vector<16xi32>
    %lt3A_1513 = arith.cmpi slt, %convert_element_type3A_1506, %lt3A_1512 : vector<16xi32>
    %lt3A_1514 = arith.constant 13 : i32
    %lt3A_1515 = vector.broadcast %lt3A_1514 : i32 to vector<16xi32>
    %lt3A_1516 = arith.cmpi slt, %convert_element_type3A_1510, %lt3A_1515 : vector<16xi32>
    %and3A_1517 = arith.andi %lt3A_1513, %lt3A_1516 : vector<16xi1>
    %lt3A_1518 = arith.constant 20 : i32
    %lt3A_1519 = vector.broadcast %lt3A_1518 : i32 to vector<16xi32>
    %lt3A_1520 = arith.cmpi slt, %add3A_1476, %lt3A_1519 : vector<16xi32>
    %and3A_1521 = arith.andi %and3A_1517, %lt3A_1520 : vector<16xi1>
    %jit3A_1522 = arith.constant 0 : i32
    %jit3A_1523 = arith.constant 12 : i32
    %max3A_1524 = vector.broadcast %jit3A_1522 : i32 to vector<16xi32>
    %max3A_1525 = arith.maxsi %max3A_1524, %convert_element_type3A_1506 : vector<16xi32>
    %min3A_1526 = vector.broadcast %jit3A_1523 : i32 to vector<16xi32>
    %min3A_1527 = arith.minsi %min3A_1526, %max3A_1525 : vector<16xi32>
    %jit3A_1528 = arith.constant 0 : i32
    %jit3A_1529 = arith.constant 12 : i32
    %max3A_1530 = vector.broadcast %jit3A_1528 : i32 to vector<16xi32>
    %max3A_1531 = arith.maxsi %max3A_1530, %convert_element_type3A_1510 : vector<16xi32>
    %min3A_1532 = vector.broadcast %jit3A_1529 : i32 to vector<16xi32>
    %min3A_1533 = arith.minsi %min3A_1532, %max3A_1531 : vector<16xi32>
    %mul3A_1534 = arith.constant 13 : i32
    %mul3A_1535 = vector.broadcast %mul3A_1534 : i32 to vector<16xi32>
    %mul3A_1536 = arith.muli %min3A_1533, %mul3A_1535 : vector<16xi32>
    %add3A_1537 = arith.addi %mul3A_1536, %min3A_1527 : vector<16xi32>
    %shift_right_logical3A_1538 = arith.constant 7 : i32
    %shift_right_logical3A_1539 = vector.broadcast %shift_right_logical3A_1538 : i32 to vector<16xi32>
    %shift_right_logical3A_1540 = arith.shrui %add3A_1537, %shift_right_logical3A_1539 : vector<16xi32>
    %and3A_1541 = arith.constant 127 : i32
    %and3A_1542 = vector.broadcast %and3A_1541 : i32 to vector<16xi32>
    %and3A_1543 = arith.andi %add3A_1537, %and3A_1542 : vector<16xi32>
    %broadcast_in_dim3A_1544 = arith.constant 0 : i32
    %broadcast_in_dim3A_1545 = vector.broadcast %broadcast_in_dim3A_1544 : i32 to vector<16xi32>
    %broadcast_in_dim3A_1546 = arith.constant 1 : i32
    %broadcast_in_dim3A_1547 = vector.broadcast %broadcast_in_dim3A_1546 : i32 to vector<16xi32>
    %gather3A_1548 = tpu.vector_load_idx %arg6[%broadcast_in_dim3A_1181, %broadcast_in_dim3A_1545, %shift_right_logical3A_1540, %broadcast_in_dim3A_1547, %and3A_1543] : memref<4x3x2x8x128xf32, #tpu.memory_space<vmem>>[vector<16xi32>, vector<16xi32>, vector<16xi32>, vector<16xi32>, vector<16xi32>], vector<16xf32>,
    %sub3A_1549 = arith.subf %gather3A_1548, %gather3A_1490 : vector<16xf32>
    %broadcast_in_dim3A_1550 = arith.constant 0 : i32
    %broadcast_in_dim3A_1551 = vector.broadcast %broadcast_in_dim3A_1550 : i32 to vector<16xi32>
    %broadcast_in_dim3A_1552 = arith.constant 2 : i32
    %broadcast_in_dim3A_1553 = vector.broadcast %broadcast_in_dim3A_1552 : i32 to vector<16xi32>
    %gather3A_1554 = tpu.vector_load_idx %arg6[%broadcast_in_dim3A_1181, %broadcast_in_dim3A_1551, %shift_right_logical3A_1540, %broadcast_in_dim3A_1553, %and3A_1543] : memref<4x3x2x8x128xf32, #tpu.memory_space<vmem>>[vector<16xi32>, vector<16xi32>, vector<16xi32>, vector<16xi32>, vector<16xi32>], vector<16xf32>,
    %sub3A_1555 = arith.subf %gather3A_1554, %gather3A_1494 : vector<16xf32>
    %broadcast_in_dim3A_1556 = arith.constant 0 : i32
    %broadcast_in_dim3A_1557 = vector.broadcast %broadcast_in_dim3A_1556 : i32 to vector<16xi32>
    %broadcast_in_dim3A_1558 = arith.constant 3 : i32
    %broadcast_in_dim3A_1559 = vector.broadcast %broadcast_in_dim3A_1558 : i32 to vector<16xi32>
    %gather3A_1560 = tpu.vector_load_idx %arg6[%broadcast_in_dim3A_1181, %broadcast_in_dim3A_1557, %shift_right_logical3A_1540, %broadcast_in_dim3A_1559, %and3A_1543] : memref<4x3x2x8x128xf32, #tpu.memory_space<vmem>>[vector<16xi32>, vector<16xi32>, vector<16xi32>, vector<16xi32>, vector<16xi32>], vector<16xf32>,
    %sub3A_1561 = arith.subf %gather3A_1560, %gather3A_1498 : vector<16xf32>
    %broadcast_in_dim3A_1562 = arith.constant 0 : i32
    %broadcast_in_dim3A_1563 = vector.broadcast %broadcast_in_dim3A_1562 : i32 to vector<16xi32>
    %broadcast_in_dim3A_1564 = arith.constant 4 : i32
    %broadcast_in_dim3A_1565 = vector.broadcast %broadcast_in_dim3A_1564 : i32 to vector<16xi32>
    %gather3A_1566 = tpu.vector_load_idx %arg6[%broadcast_in_dim3A_1181, %broadcast_in_dim3A_1563, %shift_right_logical3A_1540, %broadcast_in_dim3A_1565, %and3A_1543] : memref<4x3x2x8x128xf32, #tpu.memory_space<vmem>>[vector<16xi32>, vector<16xi32>, vector<16xi32>, vector<16xi32>, vector<16xi32>], vector<16xf32>,
    %sub3A_1567 = arith.subf %gather3A_1566, %gather3A_1502 : vector<16xf32>
    %mul3A_1568 = arith.mulf %sub3A_1549, %sub3A_1549 : vector<16xf32>
    %mul3A_1569 = arith.mulf %sub3A_1555, %sub3A_1555 : vector<16xf32>
    %add3A_1570 = arith.addf %mul3A_1568, %mul3A_1569 : vector<16xf32>
    %mul3A_1571 = arith.mulf %sub3A_1561, %sub3A_1561 : vector<16xf32>
    %add3A_1572 = arith.addf %add3A_1570, %mul3A_1571 : vector<16xf32>
    %mul3A_1573 = arith.mulf %sub3A_1567, %sub3A_1567 : vector<16xf32>
    %add3A_1574 = arith.addf %add3A_1572, %mul3A_1573 : vector<16xf32>
    %convert_element_type3A_1575 = arith.fptosi %gather3A_1486 : vector<16xf32> to vector<16xi32>
    %broadcast_in_dim3A_1576 = arith.constant 0 : i32
    %broadcast_in_dim3A_1577 = vector.broadcast %broadcast_in_dim3A_1576 : i32 to vector<16xi32>
    %broadcast_in_dim3A_1578 = arith.constant 5 : i32
    %broadcast_in_dim3A_1579 = vector.broadcast %broadcast_in_dim3A_1578 : i32 to vector<16xi32>
    %gather3A_1580 = tpu.vector_load_idx %arg6[%broadcast_in_dim3A_1181, %broadcast_in_dim3A_1577, %shift_right_logical3A_1540, %broadcast_in_dim3A_1579, %and3A_1543] : memref<4x3x2x8x128xf32, #tpu.memory_space<vmem>>[vector<16xi32>, vector<16xi32>, vector<16xi32>, vector<16xi32>, vector<16xi32>], vector<16xf32>,
    %eq3A_1581 = arith.constant 0 : i32
    %eq3A_1582 = vector.broadcast %eq3A_1581 : i32 to vector<16xi32>
    %eq3A_1583 = arith.cmpi eq, %convert_element_type3A_1575, %eq3A_1582 : vector<16xi32>
    %sub3A_1584 = arith.constant 1.000000e+00 : f32
    %sub3A_1585 = vector.broadcast %sub3A_1584 : f32 to vector<16xf32>
    %sub3A_1586 = arith.subf %gather3A_1580, %sub3A_1585 : vector<16xf32>
    %select_n3A_1587 = arith.select %eq3A_1583, %sub3A_1586, %gather3A_1580 : vector<16xi1>, vector<16xf32>
    %mul3A_1588 = arith.mulf %select_n3A_1587, %select_n3A_1587 : vector<16xf32>
    %add3A_1589 = arith.addf %broadcast_in_dim3A_1, %mul3A_1588 : vector<16xf32>
    %broadcast_in_dim3A_1590 = arith.constant 0 : i32
    %broadcast_in_dim3A_1591 = vector.broadcast %broadcast_in_dim3A_1590 : i32 to vector<16xi32>
    %broadcast_in_dim3A_1592 = arith.constant 6 : i32
    %broadcast_in_dim3A_1593 = vector.broadcast %broadcast_in_dim3A_1592 : i32 to vector<16xi32>
    %gather3A_1594 = tpu.vector_load_idx %arg6[%broadcast_in_dim3A_1181, %broadcast_in_dim3A_1591, %shift_right_logical3A_1540, %broadcast_in_dim3A_1593, %and3A_1543] : memref<4x3x2x8x128xf32, #tpu.memory_space<vmem>>[vector<16xi32>, vector<16xi32>, vector<16xi32>, vector<16xi32>, vector<16xi32>], vector<16xf32>,
    %eq3A_1595 = arith.constant 1 : i32
    %eq3A_1596 = vector.broadcast %eq3A_1595 : i32 to vector<16xi32>
    %eq3A_1597 = arith.cmpi eq, %convert_element_type3A_1575, %eq3A_1596 : vector<16xi32>
    %sub3A_1598 = arith.constant 1.000000e+00 : f32
    %sub3A_1599 = vector.broadcast %sub3A_1598 : f32 to vector<16xf32>
    %sub3A_1600 = arith.subf %gather3A_1594, %sub3A_1599 : vector<16xf32>
    %select_n3A_1601 = arith.select %eq3A_1597, %sub3A_1600, %gather3A_1594 : vector<16xi1>, vector<16xf32>
    %mul3A_1602 = arith.mulf %select_n3A_1601, %select_n3A_1601 : vector<16xf32>
    %add3A_1603 = arith.addf %add3A_1589, %mul3A_1602 : vector<16xf32>
    %broadcast_in_dim3A_1604 = arith.constant 0 : i32
    %broadcast_in_dim3A_1605 = vector.broadcast %broadcast_in_dim3A_1604 : i32 to vector<16xi32>
    %broadcast_in_dim3A_1606 = arith.constant 7 : i32
    %broadcast_in_dim3A_1607 = vector.broadcast %broadcast_in_dim3A_1606 : i32 to vector<16xi32>
    %gather3A_1608 = tpu.vector_load_idx %arg6[%broadcast_in_dim3A_1181, %broadcast_in_dim3A_1605, %shift_right_logical3A_1540, %broadcast_in_dim3A_1607, %and3A_1543] : memref<4x3x2x8x128xf32, #tpu.memory_space<vmem>>[vector<16xi32>, vector<16xi32>, vector<16xi32>, vector<16xi32>, vector<16xi32>], vector<16xf32>,
    %eq3A_1609 = arith.constant 2 : i32
    %eq3A_1610 = vector.broadcast %eq3A_1609 : i32 to vector<16xi32>
    %eq3A_1611 = arith.cmpi eq, %convert_element_type3A_1575, %eq3A_1610 : vector<16xi32>
    %sub3A_1612 = arith.constant 1.000000e+00 : f32
    %sub3A_1613 = vector.broadcast %sub3A_1612 : f32 to vector<16xf32>
    %sub3A_1614 = arith.subf %gather3A_1608, %sub3A_1613 : vector<16xf32>
    %select_n3A_1615 = arith.select %eq3A_1611, %sub3A_1614, %gather3A_1608 : vector<16xi1>, vector<16xf32>
    %mul3A_1616 = arith.mulf %select_n3A_1615, %select_n3A_1615 : vector<16xf32>
    %add3A_1617 = arith.addf %add3A_1603, %mul3A_1616 : vector<16xf32>
    %broadcast_in_dim3A_1618 = arith.constant 1 : i32
    %broadcast_in_dim3A_1619 = vector.broadcast %broadcast_in_dim3A_1618 : i32 to vector<16xi32>
    %broadcast_in_dim3A_1620 = arith.constant 0 : i32
    %broadcast_in_dim3A_1621 = vector.broadcast %broadcast_in_dim3A_1620 : i32 to vector<16xi32>
    %gather3A_1622 = tpu.vector_load_idx %arg6[%broadcast_in_dim3A_1181, %broadcast_in_dim3A_1619, %shift_right_logical3A_1540, %broadcast_in_dim3A_1621, %and3A_1543] : memref<4x3x2x8x128xf32, #tpu.memory_space<vmem>>[vector<16xi32>, vector<16xi32>, vector<16xi32>, vector<16xi32>, vector<16xi32>], vector<16xf32>,
    %eq3A_1623 = arith.constant 3 : i32
    %eq3A_1624 = vector.broadcast %eq3A_1623 : i32 to vector<16xi32>
    %eq3A_1625 = arith.cmpi eq, %convert_element_type3A_1575, %eq3A_1624 : vector<16xi32>
    %sub3A_1626 = arith.constant 1.000000e+00 : f32
    %sub3A_1627 = vector.broadcast %sub3A_1626 : f32 to vector<16xf32>
    %sub3A_1628 = arith.subf %gather3A_1622, %sub3A_1627 : vector<16xf32>
    %select_n3A_1629 = arith.select %eq3A_1625, %sub3A_1628, %gather3A_1622 : vector<16xi1>, vector<16xf32>
    %mul3A_1630 = arith.mulf %select_n3A_1629, %select_n3A_1629 : vector<16xf32>
    %add3A_1631 = arith.addf %add3A_1617, %mul3A_1630 : vector<16xf32>
    %broadcast_in_dim3A_1632 = arith.constant 1 : i32
    %broadcast_in_dim3A_1633 = vector.broadcast %broadcast_in_dim3A_1632 : i32 to vector<16xi32>
    %broadcast_in_dim3A_1634 = arith.constant 1 : i32
    %broadcast_in_dim3A_1635 = vector.broadcast %broadcast_in_dim3A_1634 : i32 to vector<16xi32>
    %gather3A_1636 = tpu.vector_load_idx %arg6[%broadcast_in_dim3A_1181, %broadcast_in_dim3A_1633, %shift_right_logical3A_1540, %broadcast_in_dim3A_1635, %and3A_1543] : memref<4x3x2x8x128xf32, #tpu.memory_space<vmem>>[vector<16xi32>, vector<16xi32>, vector<16xi32>, vector<16xi32>, vector<16xi32>], vector<16xf32>,
    %eq3A_1637 = arith.constant 4 : i32
    %eq3A_1638 = vector.broadcast %eq3A_1637 : i32 to vector<16xi32>
    %eq3A_1639 = arith.cmpi eq, %convert_element_type3A_1575, %eq3A_1638 : vector<16xi32>
    %sub3A_1640 = arith.constant 1.000000e+00 : f32
    %sub3A_1641 = vector.broadcast %sub3A_1640 : f32 to vector<16xf32>
    %sub3A_1642 = arith.subf %gather3A_1636, %sub3A_1641 : vector<16xf32>
    %select_n3A_1643 = arith.select %eq3A_1639, %sub3A_1642, %gather3A_1636 : vector<16xi1>, vector<16xf32>
    %mul3A_1644 = arith.mulf %select_n3A_1643, %select_n3A_1643 : vector<16xf32>
    %add3A_1645 = arith.addf %add3A_1631, %mul3A_1644 : vector<16xf32>
    %broadcast_in_dim3A_1646 = arith.constant 1 : i32
    %broadcast_in_dim3A_1647 = vector.broadcast %broadcast_in_dim3A_1646 : i32 to vector<16xi32>
    %broadcast_in_dim3A_1648 = arith.constant 2 : i32
    %broadcast_in_dim3A_1649 = vector.broadcast %broadcast_in_dim3A_1648 : i32 to vector<16xi32>
    %gather3A_1650 = tpu.vector_load_idx %arg6[%broadcast_in_dim3A_1181, %broadcast_in_dim3A_1647, %shift_right_logical3A_1540, %broadcast_in_dim3A_1649, %and3A_1543] : memref<4x3x2x8x128xf32, #tpu.memory_space<vmem>>[vector<16xi32>, vector<16xi32>, vector<16xi32>, vector<16xi32>, vector<16xi32>], vector<16xf32>,
    %eq3A_1651 = arith.constant 5 : i32
    %eq3A_1652 = vector.broadcast %eq3A_1651 : i32 to vector<16xi32>
    %eq3A_1653 = arith.cmpi eq, %convert_element_type3A_1575, %eq3A_1652 : vector<16xi32>
    %sub3A_1654 = arith.constant 1.000000e+00 : f32
    %sub3A_1655 = vector.broadcast %sub3A_1654 : f32 to vector<16xf32>
    %sub3A_1656 = arith.subf %gather3A_1650, %sub3A_1655 : vector<16xf32>
    %select_n3A_1657 = arith.select %eq3A_1653, %sub3A_1656, %gather3A_1650 : vector<16xi1>, vector<16xf32>
    %mul3A_1658 = arith.mulf %select_n3A_1657, %select_n3A_1657 : vector<16xf32>
    %add3A_1659 = arith.addf %add3A_1645, %mul3A_1658 : vector<16xf32>
    %broadcast_in_dim3A_1660 = arith.constant 1 : i32
    %broadcast_in_dim3A_1661 = vector.broadcast %broadcast_in_dim3A_1660 : i32 to vector<16xi32>
    %broadcast_in_dim3A_1662 = arith.constant 3 : i32
    %broadcast_in_dim3A_1663 = vector.broadcast %broadcast_in_dim3A_1662 : i32 to vector<16xi32>
    %gather3A_1664 = tpu.vector_load_idx %arg6[%broadcast_in_dim3A_1181, %broadcast_in_dim3A_1661, %shift_right_logical3A_1540, %broadcast_in_dim3A_1663, %and3A_1543] : memref<4x3x2x8x128xf32, #tpu.memory_space<vmem>>[vector<16xi32>, vector<16xi32>, vector<16xi32>, vector<16xi32>, vector<16xi32>], vector<16xf32>,
    %eq3A_1665 = arith.constant 6 : i32
    %eq3A_1666 = vector.broadcast %eq3A_1665 : i32 to vector<16xi32>
    %eq3A_1667 = arith.cmpi eq, %convert_element_type3A_1575, %eq3A_1666 : vector<16xi32>
    %sub3A_1668 = arith.constant 1.000000e+00 : f32
    %sub3A_1669 = vector.broadcast %sub3A_1668 : f32 to vector<16xf32>
    %sub3A_1670 = arith.subf %gather3A_1664, %sub3A_1669 : vector<16xf32>
    %select_n3A_1671 = arith.select %eq3A_1667, %sub3A_1670, %gather3A_1664 : vector<16xi1>, vector<16xf32>
    %mul3A_1672 = arith.mulf %select_n3A_1671, %select_n3A_1671 : vector<16xf32>
    %add3A_1673 = arith.addf %add3A_1659, %mul3A_1672 : vector<16xf32>
    %broadcast_in_dim3A_1674 = arith.constant 1 : i32
    %broadcast_in_dim3A_1675 = vector.broadcast %broadcast_in_dim3A_1674 : i32 to vector<16xi32>
    %broadcast_in_dim3A_1676 = arith.constant 4 : i32
    %broadcast_in_dim3A_1677 = vector.broadcast %broadcast_in_dim3A_1676 : i32 to vector<16xi32>
    %gather3A_1678 = tpu.vector_load_idx %arg6[%broadcast_in_dim3A_1181, %broadcast_in_dim3A_1675, %shift_right_logical3A_1540, %broadcast_in_dim3A_1677, %and3A_1543] : memref<4x3x2x8x128xf32, #tpu.memory_space<vmem>>[vector<16xi32>, vector<16xi32>, vector<16xi32>, vector<16xi32>, vector<16xi32>], vector<16xf32>,
    %eq3A_1679 = arith.constant 7 : i32
    %eq3A_1680 = vector.broadcast %eq3A_1679 : i32 to vector<16xi32>
    %eq3A_1681 = arith.cmpi eq, %convert_element_type3A_1575, %eq3A_1680 : vector<16xi32>
    %sub3A_1682 = arith.constant 1.000000e+00 : f32
    %sub3A_1683 = vector.broadcast %sub3A_1682 : f32 to vector<16xf32>
    %sub3A_1684 = arith.subf %gather3A_1678, %sub3A_1683 : vector<16xf32>
    %select_n3A_1685 = arith.select %eq3A_1681, %sub3A_1684, %gather3A_1678 : vector<16xi1>, vector<16xf32>
    %mul3A_1686 = arith.mulf %select_n3A_1685, %select_n3A_1685 : vector<16xf32>
    %add3A_1687 = arith.addf %add3A_1673, %mul3A_1686 : vector<16xf32>
    %broadcast_in_dim3A_1688 = arith.constant 1 : i32
    %broadcast_in_dim3A_1689 = vector.broadcast %broadcast_in_dim3A_1688 : i32 to vector<16xi32>
    %broadcast_in_dim3A_1690 = arith.constant 5 : i32
    %broadcast_in_dim3A_1691 = vector.broadcast %broadcast_in_dim3A_1690 : i32 to vector<16xi32>
    %gather3A_1692 = tpu.vector_load_idx %arg6[%broadcast_in_dim3A_1181, %broadcast_in_dim3A_1689, %shift_right_logical3A_1540, %broadcast_in_dim3A_1691, %and3A_1543] : memref<4x3x2x8x128xf32, #tpu.memory_space<vmem>>[vector<16xi32>, vector<16xi32>, vector<16xi32>, vector<16xi32>, vector<16xi32>], vector<16xf32>,
    %eq3A_1693 = arith.constant 8 : i32
    %eq3A_1694 = vector.broadcast %eq3A_1693 : i32 to vector<16xi32>
    %eq3A_1695 = arith.cmpi eq, %convert_element_type3A_1575, %eq3A_1694 : vector<16xi32>
    %sub3A_1696 = arith.constant 1.000000e+00 : f32
    %sub3A_1697 = vector.broadcast %sub3A_1696 : f32 to vector<16xf32>
    %sub3A_1698 = arith.subf %gather3A_1692, %sub3A_1697 : vector<16xf32>
    %select_n3A_1699 = arith.select %eq3A_1695, %sub3A_1698, %gather3A_1692 : vector<16xi1>, vector<16xf32>
    %mul3A_1700 = arith.mulf %select_n3A_1699, %select_n3A_1699 : vector<16xf32>
    %add3A_1701 = arith.addf %add3A_1687, %mul3A_1700 : vector<16xf32>
    %broadcast_in_dim3A_1702 = arith.constant 1 : i32
    %broadcast_in_dim3A_1703 = vector.broadcast %broadcast_in_dim3A_1702 : i32 to vector<16xi32>
    %broadcast_in_dim3A_1704 = arith.constant 6 : i32
    %broadcast_in_dim3A_1705 = vector.broadcast %broadcast_in_dim3A_1704 : i32 to vector<16xi32>
    %gather3A_1706 = tpu.vector_load_idx %arg6[%broadcast_in_dim3A_1181, %broadcast_in_dim3A_1703, %shift_right_logical3A_1540, %broadcast_in_dim3A_1705, %and3A_1543] : memref<4x3x2x8x128xf32, #tpu.memory_space<vmem>>[vector<16xi32>, vector<16xi32>, vector<16xi32>, vector<16xi32>, vector<16xi32>], vector<16xf32>,
    %eq3A_1707 = arith.constant 9 : i32
    %eq3A_1708 = vector.broadcast %eq3A_1707 : i32 to vector<16xi32>
    %eq3A_1709 = arith.cmpi eq, %convert_element_type3A_1575, %eq3A_1708 : vector<16xi32>
    %sub3A_1710 = arith.constant 1.000000e+00 : f32
    %sub3A_1711 = vector.broadcast %sub3A_1710 : f32 to vector<16xf32>
    %sub3A_1712 = arith.subf %gather3A_1706, %sub3A_1711 : vector<16xf32>
    %select_n3A_1713 = arith.select %eq3A_1709, %sub3A_1712, %gather3A_1706 : vector<16xi1>, vector<16xf32>
    %mul3A_1714 = arith.mulf %select_n3A_1713, %select_n3A_1713 : vector<16xf32>
    %add3A_1715 = arith.addf %add3A_1701, %mul3A_1714 : vector<16xf32>
    %broadcast_in_dim3A_1716 = arith.constant 1 : i32
    %broadcast_in_dim3A_1717 = vector.broadcast %broadcast_in_dim3A_1716 : i32 to vector<16xi32>
    %broadcast_in_dim3A_1718 = arith.constant 7 : i32
    %broadcast_in_dim3A_1719 = vector.broadcast %broadcast_in_dim3A_1718 : i32 to vector<16xi32>
    %gather3A_1720 = tpu.vector_load_idx %arg6[%broadcast_in_dim3A_1181, %broadcast_in_dim3A_1717, %shift_right_logical3A_1540, %broadcast_in_dim3A_1719, %and3A_1543] : memref<4x3x2x8x128xf32, #tpu.memory_space<vmem>>[vector<16xi32>, vector<16xi32>, vector<16xi32>, vector<16xi32>, vector<16xi32>], vector<16xf32>,
    %eq3A_1721 = arith.constant 10 : i32
    %eq3A_1722 = vector.broadcast %eq3A_1721 : i32 to vector<16xi32>
    %eq3A_1723 = arith.cmpi eq, %convert_element_type3A_1575, %eq3A_1722 : vector<16xi32>
    %sub3A_1724 = arith.constant 1.000000e+00 : f32
    %sub3A_1725 = vector.broadcast %sub3A_1724 : f32 to vector<16xf32>
    %sub3A_1726 = arith.subf %gather3A_1720, %sub3A_1725 : vector<16xf32>
    %select_n3A_1727 = arith.select %eq3A_1723, %sub3A_1726, %gather3A_1720 : vector<16xi1>, vector<16xf32>
    %mul3A_1728 = arith.mulf %select_n3A_1727, %select_n3A_1727 : vector<16xf32>
    %add3A_1729 = arith.addf %add3A_1715, %mul3A_1728 : vector<16xf32>
    %broadcast_in_dim3A_1730 = arith.constant 2 : i32
    %broadcast_in_dim3A_1731 = vector.broadcast %broadcast_in_dim3A_1730 : i32 to vector<16xi32>
    %broadcast_in_dim3A_1732 = arith.constant 0 : i32
    %broadcast_in_dim3A_1733 = vector.broadcast %broadcast_in_dim3A_1732 : i32 to vector<16xi32>
    %gather3A_1734 = tpu.vector_load_idx %arg6[%broadcast_in_dim3A_1181, %broadcast_in_dim3A_1731, %shift_right_logical3A_1540, %broadcast_in_dim3A_1733, %and3A_1543] : memref<4x3x2x8x128xf32, #tpu.memory_space<vmem>>[vector<16xi32>, vector<16xi32>, vector<16xi32>, vector<16xi32>, vector<16xi32>], vector<16xf32>,
    %eq3A_1735 = arith.constant 11 : i32
    %eq3A_1736 = vector.broadcast %eq3A_1735 : i32 to vector<16xi32>
    %eq3A_1737 = arith.cmpi eq, %convert_element_type3A_1575, %eq3A_1736 : vector<16xi32>
    %sub3A_1738 = arith.constant 1.000000e+00 : f32
    %sub3A_1739 = vector.broadcast %sub3A_1738 : f32 to vector<16xf32>
    %sub3A_1740 = arith.subf %gather3A_1734, %sub3A_1739 : vector<16xf32>
    %select_n3A_1741 = arith.select %eq3A_1737, %sub3A_1740, %gather3A_1734 : vector<16xi1>, vector<16xf32>
    %mul3A_1742 = arith.mulf %select_n3A_1741, %select_n3A_1741 : vector<16xf32>
    %add3A_1743 = arith.addf %add3A_1729, %mul3A_1742 : vector<16xf32>
    %broadcast_in_dim3A_1744 = arith.constant 2 : i32
    %broadcast_in_dim3A_1745 = vector.broadcast %broadcast_in_dim3A_1744 : i32 to vector<16xi32>
    %broadcast_in_dim3A_1746 = arith.constant 1 : i32
    %broadcast_in_dim3A_1747 = vector.broadcast %broadcast_in_dim3A_1746 : i32 to vector<16xi32>
    %gather3A_1748 = tpu.vector_load_idx %arg6[%broadcast_in_dim3A_1181, %broadcast_in_dim3A_1745, %shift_right_logical3A_1540, %broadcast_in_dim3A_1747, %and3A_1543] : memref<4x3x2x8x128xf32, #tpu.memory_space<vmem>>[vector<16xi32>, vector<16xi32>, vector<16xi32>, vector<16xi32>, vector<16xi32>], vector<16xf32>,
    %eq3A_1749 = arith.constant 12 : i32
    %eq3A_1750 = vector.broadcast %eq3A_1749 : i32 to vector<16xi32>
    %eq3A_1751 = arith.cmpi eq, %convert_element_type3A_1575, %eq3A_1750 : vector<16xi32>
    %sub3A_1752 = arith.constant 1.000000e+00 : f32
    %sub3A_1753 = vector.broadcast %sub3A_1752 : f32 to vector<16xf32>
    %sub3A_1754 = arith.subf %gather3A_1748, %sub3A_1753 : vector<16xf32>
    %select_n3A_1755 = arith.select %eq3A_1751, %sub3A_1754, %gather3A_1748 : vector<16xi1>, vector<16xf32>
    %mul3A_1756 = arith.mulf %select_n3A_1755, %select_n3A_1755 : vector<16xf32>
    %add3A_1757 = arith.addf %add3A_1743, %mul3A_1756 : vector<16xf32>
    %mul3A_1758 = arith.constant 5.000000e+00 : f32
    %mul3A_1759 = vector.broadcast %mul3A_1758 : f32 to vector<16xf32>
    %mul3A_1760 = arith.mulf %mul3A_1759, %add3A_1574 : vector<16xf32>
    %add3A_1761 = arith.addf %mul3A_1760, %add3A_1757 : vector<16xf32>
    %jit3A_1762 = arith.constant 0.000000e+00 : f32
    %broadcast_in_dim3A_1763 = vector.broadcast %jit3A_1762 : f32 to vector<16xf32>
    %select_n3A_1764 = arith.select %and3A_1521, %add3A_1761, %broadcast_in_dim3A_1763 : vector<16xi1>, vector<16xf32>
    %add3A_1765 = arith.addf %add3A_1473, %select_n3A_1764 : vector<16xf32>
    tpu.vector_store_idx %arg7[%add3A_1537], %add3A_1476 masked %and3A_1521 : memref<169xi32, #tpu.memory_space<vmem>>[vector<16xi32>], vector<16xi32>, vector<16xi1>
    %gather3A_1766 = tpu.vector_load_idx %arg7[%add3A_1245] : memref<169xi32, #tpu.memory_space<vmem>>[vector<16xi32>], vector<16xi32>,
    %eq3A_1767 = arith.cmpi eq, %gather3A_1766, %add3A_1184 : vector<16xi32>
    %and3A_1768 = arith.andi %and3A_1229, %eq3A_1767 : vector<16xi1>
    %broadcast_in_dim3A_1769 = arith.constant 0 : i32
    %broadcast_in_dim3A_1770 = vector.broadcast %broadcast_in_dim3A_1769 : i32 to vector<16xi32>
    %broadcast_in_dim3A_1771 = arith.constant 0 : i32
    %broadcast_in_dim3A_1772 = vector.broadcast %broadcast_in_dim3A_1771 : i32 to vector<16xi32>
    %gather3A_1773 = tpu.vector_load_idx %arg6[%broadcast_in_dim3A_1181, %broadcast_in_dim3A_1770, %shift_right_logical3A_1248, %broadcast_in_dim3A_1772, %and3A_1251] : memref<4x3x2x8x128xf32, #tpu.memory_space<vmem>>[vector<16xi32>, vector<16xi32>, vector<16xi32>, vector<16xi32>, vector<16xi32>], vector<16xf32>,
    %mul3A_1774 = arith.mulf %gather3A_1773, %gather3A_1773 : vector<16xf32>
    %jit3A_1775 = arith.constant 0.000000e+00 : f32
    %broadcast_in_dim3A_1776 = vector.broadcast %jit3A_1775 : f32 to vector<16xf32>
    %select_n3A_1777 = arith.select %and3A_1768, %mul3A_1774, %broadcast_in_dim3A_1776 : vector<16xi1>, vector<16xf32>
    %sub3A_1778 = arith.subf %add3A_1179, %select_n3A_1777 : vector<16xf32>
    %gather3A_1779 = tpu.vector_load_idx %arg7[%add3A_1537] : memref<169xi32, #tpu.memory_space<vmem>>[vector<16xi32>], vector<16xi32>,
    %eq3A_1780 = arith.cmpi eq, %gather3A_1779, %add3A_1476 : vector<16xi32>
    %and3A_1781 = arith.andi %and3A_1521, %eq3A_1780 : vector<16xi1>
    %broadcast_in_dim3A_1782 = arith.constant 0 : i32
    %broadcast_in_dim3A_1783 = vector.broadcast %broadcast_in_dim3A_1782 : i32 to vector<16xi32>
    %broadcast_in_dim3A_1784 = arith.constant 0 : i32
    %broadcast_in_dim3A_1785 = vector.broadcast %broadcast_in_dim3A_1784 : i32 to vector<16xi32>
    %gather3A_1786 = tpu.vector_load_idx %arg6[%broadcast_in_dim3A_1181, %broadcast_in_dim3A_1783, %shift_right_logical3A_1540, %broadcast_in_dim3A_1785, %and3A_1543] : memref<4x3x2x8x128xf32, #tpu.memory_space<vmem>>[vector<16xi32>, vector<16xi32>, vector<16xi32>, vector<16xi32>, vector<16xi32>], vector<16xf32>,
    %mul3A_1787 = arith.mulf %gather3A_1786, %gather3A_1786 : vector<16xf32>
    %jit3A_1788 = arith.constant 0.000000e+00 : f32
    %broadcast_in_dim3A_1789 = vector.broadcast %jit3A_1788 : f32 to vector<16xf32>
    %select_n3A_1790 = arith.select %and3A_1781, %mul3A_1787, %broadcast_in_dim3A_1789 : vector<16xi1>, vector<16xf32>
    %sub3A_1791 = arith.subf %sub3A_1778, %select_n3A_1790 : vector<16xf32>
    %get3A_1792 = arith.constant 1 : i32
    %get3A_1793 = arith.constant 0 : i32
    %get3A_1794 = arith.constant 0 : i32
    %get3A_1795 = arith.constant 0 : i32
    %get3A_1796 = arith.index_cast %get3A_1792 : i32 to index
    %get3A_1797 = arith.index_cast %get3A_1793 : i32 to index
    %get3A_1798 = arith.index_cast %get3A_1794 : i32 to index
    %get3A_1799 = arith.index_cast %get3A_1795 : i32 to index
    %get3A_1800 = arith.constant 0 : index
    %get3A_1801 = tpu.vector_load %arg6[%get3A_1796, %get3A_1797, %get3A_1798, %get3A_1799, %get3A_1800] {strides = array<i32>} : memref<4x3x2x8x128xf32, #tpu.memory_space<vmem>>, vector<16xf32>,
    %mul3A_1802 = arith.mulf %get3A_1801, %get3A_1801 : vector<16xf32>
    %add3A_1803 = arith.addf %sub3A_1791, %mul3A_1802 : vector<16xf32>
    %get3A_1804 = arith.constant 1 : i32
    %get3A_1805 = arith.constant 0 : i32
    %get3A_1806 = arith.constant 0 : i32
    %get3A_1807 = arith.constant 0 : i32
    %get3A_1808 = arith.index_cast %get3A_1804 : i32 to index
    %get3A_1809 = arith.index_cast %get3A_1805 : i32 to index
    %get3A_1810 = arith.index_cast %get3A_1806 : i32 to index
    %get3A_1811 = arith.index_cast %get3A_1807 : i32 to index
    %get3A_1812 = arith.constant 16 : index
    %get3A_1813 = tpu.vector_load %arg6[%get3A_1808, %get3A_1809, %get3A_1810, %get3A_1811, %get3A_1812] {strides = array<i32>} : memref<4x3x2x8x128xf32, #tpu.memory_space<vmem>>, vector<16xf32>,
    %mul3A_1814 = arith.mulf %get3A_1813, %get3A_1813 : vector<16xf32>
    %add3A_1815 = arith.addf %add3A_1803, %mul3A_1814 : vector<16xf32>
    %get3A_1816 = arith.constant 1 : i32
    %get3A_1817 = arith.constant 0 : i32
    %get3A_1818 = arith.constant 0 : i32
    %get3A_1819 = arith.constant 0 : i32
    %get3A_1820 = arith.index_cast %get3A_1816 : i32 to index
    %get3A_1821 = arith.index_cast %get3A_1817 : i32 to index
    %get3A_1822 = arith.index_cast %get3A_1818 : i32 to index
    %get3A_1823 = arith.index_cast %get3A_1819 : i32 to index
    %get3A_1824 = arith.constant 32 : index
    %get3A_1825 = tpu.vector_load %arg6[%get3A_1820, %get3A_1821, %get3A_1822, %get3A_1823, %get3A_1824] {strides = array<i32>} : memref<4x3x2x8x128xf32, #tpu.memory_space<vmem>>, vector<16xf32>,
    %mul3A_1826 = arith.mulf %get3A_1825, %get3A_1825 : vector<16xf32>
    %add3A_1827 = arith.addf %add3A_1815, %mul3A_1826 : vector<16xf32>
    %get3A_1828 = arith.constant 1 : i32
    %get3A_1829 = arith.constant 0 : i32
    %get3A_1830 = arith.constant 0 : i32
    %get3A_1831 = arith.constant 0 : i32
    %get3A_1832 = arith.index_cast %get3A_1828 : i32 to index
    %get3A_1833 = arith.index_cast %get3A_1829 : i32 to index
    %get3A_1834 = arith.index_cast %get3A_1830 : i32 to index
    %get3A_1835 = arith.index_cast %get3A_1831 : i32 to index
    %get3A_1836 = arith.constant 48 : index
    %get3A_1837 = tpu.vector_load %arg6[%get3A_1832, %get3A_1833, %get3A_1834, %get3A_1835, %get3A_1836] {strides = array<i32>} : memref<4x3x2x8x128xf32, #tpu.memory_space<vmem>>, vector<16xf32>,
    %mul3A_1838 = arith.mulf %get3A_1837, %get3A_1837 : vector<16xf32>
    %add3A_1839 = arith.addf %add3A_1827, %mul3A_1838 : vector<16xf32>
    %get3A_1840 = arith.constant 1 : i32
    %get3A_1841 = arith.constant 0 : i32
    %get3A_1842 = arith.constant 0 : i32
    %get3A_1843 = arith.constant 0 : i32
    %get3A_1844 = arith.index_cast %get3A_1840 : i32 to index
    %get3A_1845 = arith.index_cast %get3A_1841 : i32 to index
    %get3A_1846 = arith.index_cast %get3A_1842 : i32 to index
    %get3A_1847 = arith.index_cast %get3A_1843 : i32 to index
    %get3A_1848 = arith.constant 64 : index
    %get3A_1849 = tpu.vector_load %arg6[%get3A_1844, %get3A_1845, %get3A_1846, %get3A_1847, %get3A_1848] {strides = array<i32>} : memref<4x3x2x8x128xf32, #tpu.memory_space<vmem>>, vector<16xf32>,
    %mul3A_1850 = arith.mulf %get3A_1849, %get3A_1849 : vector<16xf32>
    %add3A_1851 = arith.addf %add3A_1839, %mul3A_1850 : vector<16xf32>
    %get3A_1852 = arith.constant 1 : i32
    %get3A_1853 = arith.constant 0 : i32
    %get3A_1854 = arith.constant 0 : i32
    %get3A_1855 = arith.constant 0 : i32
    %get3A_1856 = arith.index_cast %get3A_1852 : i32 to index
    %get3A_1857 = arith.index_cast %get3A_1853 : i32 to index
    %get3A_1858 = arith.index_cast %get3A_1854 : i32 to index
    %get3A_1859 = arith.index_cast %get3A_1855 : i32 to index
    %get3A_1860 = arith.constant 80 : index
    %get3A_1861 = tpu.vector_load %arg6[%get3A_1856, %get3A_1857, %get3A_1858, %get3A_1859, %get3A_1860] {strides = array<i32>} : memref<4x3x2x8x128xf32, #tpu.memory_space<vmem>>, vector<16xf32>,
    %mul3A_1862 = arith.mulf %get3A_1861, %get3A_1861 : vector<16xf32>
    %add3A_1863 = arith.addf %add3A_1851, %mul3A_1862 : vector<16xf32>
    %get3A_1864 = arith.constant 1 : i32
    %get3A_1865 = arith.constant 0 : i32
    %get3A_1866 = arith.constant 0 : i32
    %get3A_1867 = arith.constant 0 : i32
    %get3A_1868 = arith.index_cast %get3A_1864 : i32 to index
    %get3A_1869 = arith.index_cast %get3A_1865 : i32 to index
    %get3A_1870 = arith.index_cast %get3A_1866 : i32 to index
    %get3A_1871 = arith.index_cast %get3A_1867 : i32 to index
    %get3A_1872 = arith.constant 96 : index
    %get3A_1873 = tpu.vector_load %arg6[%get3A_1868, %get3A_1869, %get3A_1870, %get3A_1871, %get3A_1872] {strides = array<i32>} : memref<4x3x2x8x128xf32, #tpu.memory_space<vmem>>, vector<16xf32>,
    %mul3A_1874 = arith.mulf %get3A_1873, %get3A_1873 : vector<16xf32>
    %add3A_1875 = arith.addf %add3A_1863, %mul3A_1874 : vector<16xf32>
    %get3A_1876 = arith.constant 1 : i32
    %get3A_1877 = arith.constant 0 : i32
    %get3A_1878 = arith.constant 0 : i32
    %get3A_1879 = arith.constant 0 : i32
    %get3A_1880 = arith.index_cast %get3A_1876 : i32 to index
    %get3A_1881 = arith.index_cast %get3A_1877 : i32 to index
    %get3A_1882 = arith.index_cast %get3A_1878 : i32 to index
    %get3A_1883 = arith.index_cast %get3A_1879 : i32 to index
    %get3A_1884 = arith.constant 112 : index
    %get3A_1885 = tpu.vector_load %arg6[%get3A_1880, %get3A_1881, %get3A_1882, %get3A_1883, %get3A_1884] {strides = array<i32>} : memref<4x3x2x8x128xf32, #tpu.memory_space<vmem>>, vector<16xf32>,
    %mul3A_1886 = arith.mulf %get3A_1885, %get3A_1885 : vector<16xf32>
    %add3A_1887 = arith.addf %add3A_1875, %mul3A_1886 : vector<16xf32>
    %get3A_1888 = arith.constant 1 : i32
    %get3A_1889 = arith.constant 0 : i32
    %get3A_1890 = arith.constant 1 : i32
    %get3A_1891 = arith.constant 0 : i32
    %get3A_1892 = arith.index_cast %get3A_1888 : i32 to index
    %get3A_1893 = arith.index_cast %get3A_1889 : i32 to index
    %get3A_1894 = arith.index_cast %get3A_1890 : i32 to index
    %get3A_1895 = arith.index_cast %get3A_1891 : i32 to index
    %get3A_1896 = arith.constant 0 : index
    %get3A_1897 = tpu.vector_load %arg6[%get3A_1892, %get3A_1893, %get3A_1894, %get3A_1895, %get3A_1896] {strides = array<i32>} : memref<4x3x2x8x128xf32, #tpu.memory_space<vmem>>, vector<16xf32>,
    %mul3A_1898 = arith.mulf %get3A_1897, %get3A_1897 : vector<16xf32>
    %add3A_1899 = arith.addf %add3A_1887, %mul3A_1898 : vector<16xf32>
    %get3A_1900 = arith.constant 1 : i32
    %get3A_1901 = arith.constant 0 : i32
    %get3A_1902 = arith.constant 1 : i32
    %get3A_1903 = arith.constant 0 : i32
    %get3A_1904 = arith.index_cast %get3A_1900 : i32 to index
    %get3A_1905 = arith.index_cast %get3A_1901 : i32 to index
    %get3A_1906 = arith.index_cast %get3A_1902 : i32 to index
    %get3A_1907 = arith.index_cast %get3A_1903 : i32 to index
    %get3A_1908 = arith.constant 16 : index
    %get3A_1909 = tpu.vector_load %arg6[%get3A_1904, %get3A_1905, %get3A_1906, %get3A_1907, %get3A_1908] {strides = array<i32>} : memref<4x3x2x8x128xf32, #tpu.memory_space<vmem>>, vector<16xf32>,
    %mul3A_1910 = arith.mulf %get3A_1909, %get3A_1909 : vector<16xf32>
    %add3A_1911 = arith.addf %add3A_1899, %mul3A_1910 : vector<16xf32>
    %get3A_1912 = arith.constant 1 : i32
    %get3A_1913 = arith.constant 0 : i32
    %get3A_1914 = arith.constant 1 : i32
    %get3A_1915 = arith.constant 0 : i32
    %get3A_1916 = arith.index_cast %get3A_1912 : i32 to index
    %get3A_1917 = arith.index_cast %get3A_1913 : i32 to index
    %get3A_1918 = arith.index_cast %get3A_1914 : i32 to index
    %get3A_1919 = arith.index_cast %get3A_1915 : i32 to index
    %get3A_1920 = arith.constant 32 : index
    %get3A_1921 = tpu.vector_load %arg6[%get3A_1916, %get3A_1917, %get3A_1918, %get3A_1919, %get3A_1920] {strides = array<i32>} : memref<4x3x2x8x128xf32, #tpu.memory_space<vmem>>, vector<16xf32>,
    %mul3A_1922 = arith.mulf %get3A_1921, %get3A_1921 : vector<16xf32>
    %add3A_1923 = arith.addf %add3A_1911, %mul3A_1922 : vector<16xf32>
    %get3A_1924 = arith.constant 1 : i32
    %get3A_1925 = arith.constant 0 : i32
    %get3A_1926 = arith.constant 1 : i32
    %get3A_1927 = arith.constant 0 : i32
    %get3A_1928 = arith.index_cast %get3A_1924 : i32 to index
    %get3A_1929 = arith.index_cast %get3A_1925 : i32 to index
    %get3A_1930 = arith.index_cast %get3A_1926 : i32 to index
    %get3A_1931 = arith.index_cast %get3A_1927 : i32 to index
    %get3A_1932 = arith.constant 48 : index
    %get3A_1933 = tpu.vector_load %arg6[%get3A_1928, %get3A_1929, %get3A_1930, %get3A_1931, %get3A_1932] {strides = array<i32>} : memref<4x3x2x8x128xf32, #tpu.memory_space<vmem>>, vector<16xf32>,
    %mul3A_1934 = arith.mulf %get3A_1933, %get3A_1933 : vector<16xf32>
    %add3A_1935 = arith.addf %add3A_1923, %mul3A_1934 : vector<16xf32>
    %get3A_1936 = arith.constant 1 : i32
    %get3A_1937 = arith.constant 0 : i32
    %get3A_1938 = arith.constant 1 : i32
    %get3A_1939 = arith.constant 0 : i32
    %get3A_1940 = arith.index_cast %get3A_1936 : i32 to index
    %get3A_1941 = arith.index_cast %get3A_1937 : i32 to index
    %get3A_1942 = arith.index_cast %get3A_1938 : i32 to index
    %get3A_1943 = arith.index_cast %get3A_1939 : i32 to index
    %get3A_1944 = arith.constant 64 : index
    %get3A_1945 = tpu.vector_load %arg6[%get3A_1940, %get3A_1941, %get3A_1942, %get3A_1943, %get3A_1944] {strides = array<i32>} : memref<4x3x2x8x128xf32, #tpu.memory_space<vmem>>, vector<16xf32>,
    %mul3A_1946 = arith.mulf %get3A_1945, %get3A_1945 : vector<16xf32>
    %add3A_1947 = arith.addf %add3A_1935, %mul3A_1946 : vector<16xf32>
    %get3A_1948 = arith.constant 1 : i32
    %get3A_1949 = arith.constant 0 : i32
    %get3A_1950 = arith.constant 1 : i32
    %get3A_1951 = arith.constant 0 : i32
    %get3A_1952 = arith.index_cast %get3A_1948 : i32 to index
    %get3A_1953 = arith.index_cast %get3A_1949 : i32 to index
    %get3A_1954 = arith.index_cast %get3A_1950 : i32 to index
    %get3A_1955 = arith.index_cast %get3A_1951 : i32 to index
    %get3A_1956 = arith.constant 80 : index
    %get3A_1957 = tpu.vector_load %arg6[%get3A_1952, %get3A_1953, %get3A_1954, %get3A_1955, %get3A_1956] {strides = array<i32>} : memref<4x3x2x8x128xf32, #tpu.memory_space<vmem>>, vector<16xf32>,
    %mul3A_1958 = arith.mulf %get3A_1957, %get3A_1957 : vector<16xf32>
    %add3A_1959 = arith.addf %add3A_1947, %mul3A_1958 : vector<16xf32>
    %get3A_1960 = arith.constant 1 : i32
    %get3A_1961 = arith.constant 0 : i32
    %get3A_1962 = arith.constant 1 : i32
    %get3A_1963 = arith.constant 0 : i32
    %get3A_1964 = arith.index_cast %get3A_1960 : i32 to index
    %get3A_1965 = arith.index_cast %get3A_1961 : i32 to index
    %get3A_1966 = arith.index_cast %get3A_1962 : i32 to index
    %get3A_1967 = arith.index_cast %get3A_1963 : i32 to index
    %get3A_1968 = arith.constant 96 : index
    %get3A_1969 = tpu.vector_load %arg6[%get3A_1964, %get3A_1965, %get3A_1966, %get3A_1967, %get3A_1968] {strides = array<i32>} : memref<4x3x2x8x128xf32, #tpu.memory_space<vmem>>, vector<16xf32>,
    %mul3A_1970 = arith.mulf %get3A_1969, %get3A_1969 : vector<16xf32>
    %add3A_1971 = arith.addf %add3A_1959, %mul3A_1970 : vector<16xf32>
    %get3A_1972 = arith.constant 1 : i32
    %get3A_1973 = arith.constant 0 : i32
    %get3A_1974 = arith.constant 1 : i32
    %get3A_1975 = arith.constant 0 : i32
    %get3A_1976 = arith.index_cast %get3A_1972 : i32 to index
    %get3A_1977 = arith.index_cast %get3A_1973 : i32 to index
    %get3A_1978 = arith.index_cast %get3A_1974 : i32 to index
    %get3A_1979 = arith.index_cast %get3A_1975 : i32 to index
    %get3A_1980 = arith.constant 112 : index
    %get3A_1981 = tpu.vector_load %arg6[%get3A_1976, %get3A_1977, %get3A_1978, %get3A_1979, %get3A_1980] {strides = array<i32>} : memref<4x3x2x8x128xf32, #tpu.memory_space<vmem>>, vector<16xf32>,
    %mul3A_1982 = arith.mulf %get3A_1981, %get3A_1981 : vector<16xf32>
    %add3A_1983 = arith.addf %add3A_1971, %mul3A_1982 : vector<16xf32>
    %get3A_1984 = arith.constant 1 : i32
    %get3A_1985 = arith.constant 2 : i32
    %get3A_1986 = arith.constant 0 : i32
    %get3A_1987 = arith.constant 2 : i32
    %get3A_1988 = arith.index_cast %get3A_1984 : i32 to index
    %get3A_1989 = arith.index_cast %get3A_1985 : i32 to index
    %get3A_1990 = arith.index_cast %get3A_1986 : i32 to index
    %get3A_1991 = arith.index_cast %get3A_1987 : i32 to index
    %get3A_1992 = arith.constant 0 : index
    %get3A_1993 = tpu.vector_load %arg6[%get3A_1988, %get3A_1989, %get3A_1990, %get3A_1991, %get3A_1992] {strides = array<i32>} : memref<4x3x2x8x128xf32, #tpu.memory_space<vmem>>, vector<16xf32>,
    %mul3A_1994 = arith.mulf %get3A_1993, %get3A_1993 : vector<16xf32>
    %add3A_1995 = arith.addf %add3A_1983, %mul3A_1994 : vector<16xf32>
    %get3A_1996 = arith.constant 1 : i32
    %get3A_1997 = arith.constant 2 : i32
    %get3A_1998 = arith.constant 0 : i32
    %get3A_1999 = arith.constant 2 : i32
    %get3A_2000 = arith.index_cast %get3A_1996 : i32 to index
    %get3A_2001 = arith.index_cast %get3A_1997 : i32 to index
    %get3A_2002 = arith.index_cast %get3A_1998 : i32 to index
    %get3A_2003 = arith.index_cast %get3A_1999 : i32 to index
    %get3A_2004 = arith.constant 16 : index
    %get3A_2005 = tpu.vector_load %arg6[%get3A_2000, %get3A_2001, %get3A_2002, %get3A_2003, %get3A_2004] {strides = array<i32>} : memref<4x3x2x8x128xf32, #tpu.memory_space<vmem>>, vector<16xf32>,
    %mul3A_2006 = arith.mulf %get3A_2005, %get3A_2005 : vector<16xf32>
    %add3A_2007 = arith.addf %add3A_1995, %mul3A_2006 : vector<16xf32>
    %get3A_2008 = arith.constant 1 : i32
    %get3A_2009 = arith.constant 2 : i32
    %get3A_2010 = arith.constant 0 : i32
    %get3A_2011 = arith.constant 2 : i32
    %get3A_2012 = arith.index_cast %get3A_2008 : i32 to index
    %get3A_2013 = arith.index_cast %get3A_2009 : i32 to index
    %get3A_2014 = arith.index_cast %get3A_2010 : i32 to index
    %get3A_2015 = arith.index_cast %get3A_2011 : i32 to index
    %get3A_2016 = arith.constant 32 : index
    %get3A_2017 = tpu.vector_load %arg6[%get3A_2012, %get3A_2013, %get3A_2014, %get3A_2015, %get3A_2016] {strides = array<i32>} : memref<4x3x2x8x128xf32, #tpu.memory_space<vmem>>, vector<16xf32>,
    %mul3A_2018 = arith.mulf %get3A_2017, %get3A_2017 : vector<16xf32>
    %add3A_2019 = arith.addf %add3A_2007, %mul3A_2018 : vector<16xf32>
    %get3A_2020 = arith.constant 1 : i32
    %get3A_2021 = arith.constant 2 : i32
    %get3A_2022 = arith.constant 0 : i32
    %get3A_2023 = arith.constant 2 : i32
    %get3A_2024 = arith.index_cast %get3A_2020 : i32 to index
    %get3A_2025 = arith.index_cast %get3A_2021 : i32 to index
    %get3A_2026 = arith.index_cast %get3A_2022 : i32 to index
    %get3A_2027 = arith.index_cast %get3A_2023 : i32 to index
    %get3A_2028 = arith.constant 48 : index
    %get3A_2029 = tpu.vector_load %arg6[%get3A_2024, %get3A_2025, %get3A_2026, %get3A_2027, %get3A_2028] {strides = array<i32>} : memref<4x3x2x8x128xf32, #tpu.memory_space<vmem>>, vector<16xf32>,
    %mul3A_2030 = arith.mulf %get3A_2029, %get3A_2029 : vector<16xf32>
    %add3A_2031 = arith.addf %add3A_2019, %mul3A_2030 : vector<16xf32>
    %get3A_2032 = arith.constant 1 : i32
    %get3A_2033 = arith.constant 2 : i32
    %get3A_2034 = arith.constant 0 : i32
    %get3A_2035 = arith.constant 2 : i32
    %get3A_2036 = arith.index_cast %get3A_2032 : i32 to index
    %get3A_2037 = arith.index_cast %get3A_2033 : i32 to index
    %get3A_2038 = arith.index_cast %get3A_2034 : i32 to index
    %get3A_2039 = arith.index_cast %get3A_2035 : i32 to index
    %get3A_2040 = arith.constant 64 : index
    %get3A_2041 = tpu.vector_load %arg6[%get3A_2036, %get3A_2037, %get3A_2038, %get3A_2039, %get3A_2040] {strides = array<i32>} : memref<4x3x2x8x128xf32, #tpu.memory_space<vmem>>, vector<16xf32>,
    %mul3A_2042 = arith.mulf %get3A_2041, %get3A_2041 : vector<16xf32>
    %add3A_2043 = arith.addf %add3A_2031, %mul3A_2042 : vector<16xf32>
    %get3A_2044 = arith.constant 1 : i32
    %get3A_2045 = arith.constant 2 : i32
    %get3A_2046 = arith.constant 0 : i32
    %get3A_2047 = arith.constant 2 : i32
    %get3A_2048 = arith.index_cast %get3A_2044 : i32 to index
    %get3A_2049 = arith.index_cast %get3A_2045 : i32 to index
    %get3A_2050 = arith.index_cast %get3A_2046 : i32 to index
    %get3A_2051 = arith.index_cast %get3A_2047 : i32 to index
    %get3A_2052 = arith.constant 80 : index
    %get3A_2053 = tpu.vector_load %arg6[%get3A_2048, %get3A_2049, %get3A_2050, %get3A_2051, %get3A_2052] {strides = array<i32>} : memref<4x3x2x8x128xf32, #tpu.memory_space<vmem>>, vector<16xf32>,
    %mul3A_2054 = arith.mulf %get3A_2053, %get3A_2053 : vector<16xf32>
    %add3A_2055 = arith.addf %add3A_2043, %mul3A_2054 : vector<16xf32>
    %get3A_2056 = arith.constant 1 : i32
    %get3A_2057 = arith.constant 2 : i32
    %get3A_2058 = arith.constant 0 : i32
    %get3A_2059 = arith.constant 2 : i32
    %get3A_2060 = arith.index_cast %get3A_2056 : i32 to index
    %get3A_2061 = arith.index_cast %get3A_2057 : i32 to index
    %get3A_2062 = arith.index_cast %get3A_2058 : i32 to index
    %get3A_2063 = arith.index_cast %get3A_2059 : i32 to index
    %get3A_2064 = arith.constant 96 : index
    %get3A_2065 = tpu.vector_load %arg6[%get3A_2060, %get3A_2061, %get3A_2062, %get3A_2063, %get3A_2064] {strides = array<i32>} : memref<4x3x2x8x128xf32, #tpu.memory_space<vmem>>, vector<16xf32>,
    %mul3A_2066 = arith.mulf %get3A_2065, %get3A_2065 : vector<16xf32>
    %add3A_2067 = arith.addf %add3A_2055, %mul3A_2066 : vector<16xf32>
    %get3A_2068 = arith.constant 1 : i32
    %get3A_2069 = arith.constant 2 : i32
    %get3A_2070 = arith.constant 0 : i32
    %get3A_2071 = arith.constant 2 : i32
    %get3A_2072 = arith.index_cast %get3A_2068 : i32 to index
    %get3A_2073 = arith.index_cast %get3A_2069 : i32 to index
    %get3A_2074 = arith.index_cast %get3A_2070 : i32 to index
    %get3A_2075 = arith.index_cast %get3A_2071 : i32 to index
    %get3A_2076 = arith.constant 112 : index
    %get3A_2077 = tpu.vector_load %arg6[%get3A_2072, %get3A_2073, %get3A_2074, %get3A_2075, %get3A_2076] {strides = array<i32>} : memref<4x3x2x8x128xf32, #tpu.memory_space<vmem>>, vector<16xf32>,
    %mul3A_2078 = arith.mulf %get3A_2077, %get3A_2077 : vector<16xf32>
    %add3A_2079 = arith.addf %add3A_2067, %mul3A_2078 : vector<16xf32>
    %get3A_2080 = arith.constant 1 : i32
    %get3A_2081 = arith.constant 2 : i32
    %get3A_2082 = arith.constant 1 : i32
    %get3A_2083 = arith.constant 2 : i32
    %get3A_2084 = arith.index_cast %get3A_2080 : i32 to index
    %get3A_2085 = arith.index_cast %get3A_2081 : i32 to index
    %get3A_2086 = arith.index_cast %get3A_2082 : i32 to index
    %get3A_2087 = arith.index_cast %get3A_2083 : i32 to index
    %get3A_2088 = arith.constant 0 : index
    %get3A_2089 = tpu.vector_load %arg6[%get3A_2084, %get3A_2085, %get3A_2086, %get3A_2087, %get3A_2088] {strides = array<i32>} : memref<4x3x2x8x128xf32, #tpu.memory_space<vmem>>, vector<16xf32>,
    %mul3A_2090 = arith.mulf %get3A_2089, %get3A_2089 : vector<16xf32>
    %add3A_2091 = arith.addf %add3A_2079, %mul3A_2090 : vector<16xf32>
    %get3A_2092 = arith.constant 1 : i32
    %get3A_2093 = arith.constant 2 : i32
    %get3A_2094 = arith.constant 1 : i32
    %get3A_2095 = arith.constant 2 : i32
    %get3A_2096 = arith.index_cast %get3A_2092 : i32 to index
    %get3A_2097 = arith.index_cast %get3A_2093 : i32 to index
    %get3A_2098 = arith.index_cast %get3A_2094 : i32 to index
    %get3A_2099 = arith.index_cast %get3A_2095 : i32 to index
    %get3A_2100 = arith.constant 16 : index
    %get3A_2101 = tpu.vector_load %arg6[%get3A_2096, %get3A_2097, %get3A_2098, %get3A_2099, %get3A_2100] {strides = array<i32>} : memref<4x3x2x8x128xf32, #tpu.memory_space<vmem>>, vector<16xf32>,
    %mul3A_2102 = arith.mulf %get3A_2101, %get3A_2101 : vector<16xf32>
    %add3A_2103 = arith.addf %add3A_2091, %mul3A_2102 : vector<16xf32>
    %get3A_2104 = arith.constant 1 : i32
    %get3A_2105 = arith.constant 2 : i32
    %get3A_2106 = arith.constant 1 : i32
    %get3A_2107 = arith.constant 2 : i32
    %get3A_2108 = arith.index_cast %get3A_2104 : i32 to index
    %get3A_2109 = arith.index_cast %get3A_2105 : i32 to index
    %get3A_2110 = arith.index_cast %get3A_2106 : i32 to index
    %get3A_2111 = arith.index_cast %get3A_2107 : i32 to index
    %get3A_2112 = arith.constant 32 : index
    %get3A_2113 = tpu.vector_load %arg6[%get3A_2108, %get3A_2109, %get3A_2110, %get3A_2111, %get3A_2112] {strides = array<i32>} : memref<4x3x2x8x128xf32, #tpu.memory_space<vmem>>, vector<16xf32>,
    %mul3A_2114 = arith.mulf %get3A_2113, %get3A_2113 : vector<16xf32>
    %add3A_2115 = arith.addf %add3A_2103, %mul3A_2114 : vector<16xf32>
    %get3A_2116 = arith.constant 1 : i32
    %get3A_2117 = arith.constant 2 : i32
    %get3A_2118 = arith.constant 1 : i32
    %get3A_2119 = arith.constant 2 : i32
    %get3A_2120 = arith.index_cast %get3A_2116 : i32 to index
    %get3A_2121 = arith.index_cast %get3A_2117 : i32 to index
    %get3A_2122 = arith.index_cast %get3A_2118 : i32 to index
    %get3A_2123 = arith.index_cast %get3A_2119 : i32 to index
    %get3A_2124 = arith.constant 48 : index
    %get3A_2125 = tpu.vector_load %arg6[%get3A_2120, %get3A_2121, %get3A_2122, %get3A_2123, %get3A_2124] {strides = array<i32>} : memref<4x3x2x8x128xf32, #tpu.memory_space<vmem>>, vector<16xf32>,
    %mul3A_2126 = arith.mulf %get3A_2125, %get3A_2125 : vector<16xf32>
    %add3A_2127 = arith.addf %add3A_2115, %mul3A_2126 : vector<16xf32>
    %get3A_2128 = arith.constant 1 : i32
    %get3A_2129 = arith.constant 2 : i32
    %get3A_2130 = arith.constant 1 : i32
    %get3A_2131 = arith.constant 2 : i32
    %get3A_2132 = arith.index_cast %get3A_2128 : i32 to index
    %get3A_2133 = arith.index_cast %get3A_2129 : i32 to index
    %get3A_2134 = arith.index_cast %get3A_2130 : i32 to index
    %get3A_2135 = arith.index_cast %get3A_2131 : i32 to index
    %get3A_2136 = arith.constant 64 : index
    %get3A_2137 = tpu.vector_load %arg6[%get3A_2132, %get3A_2133, %get3A_2134, %get3A_2135, %get3A_2136] {strides = array<i32>} : memref<4x3x2x8x128xf32, #tpu.memory_space<vmem>>, vector<16xf32>,
    %mul3A_2138 = arith.mulf %get3A_2137, %get3A_2137 : vector<16xf32>
    %add3A_2139 = arith.addf %add3A_2127, %mul3A_2138 : vector<16xf32>
    %get3A_2140 = arith.constant 1 : i32
    %get3A_2141 = arith.constant 2 : i32
    %get3A_2142 = arith.constant 1 : i32
    %get3A_2143 = arith.constant 2 : i32
    %get3A_2144 = arith.index_cast %get3A_2140 : i32 to index
    %get3A_2145 = arith.index_cast %get3A_2141 : i32 to index
    %get3A_2146 = arith.index_cast %get3A_2142 : i32 to index
    %get3A_2147 = arith.index_cast %get3A_2143 : i32 to index
    %get3A_2148 = arith.constant 80 : index
    %get3A_2149 = tpu.vector_load %arg6[%get3A_2144, %get3A_2145, %get3A_2146, %get3A_2147, %get3A_2148] {strides = array<i32>} : memref<4x3x2x8x128xf32, #tpu.memory_space<vmem>>, vector<16xf32>,
    %mul3A_2150 = arith.mulf %get3A_2149, %get3A_2149 : vector<16xf32>
    %add3A_2151 = arith.addf %add3A_2139, %mul3A_2150 : vector<16xf32>
    %get3A_2152 = arith.constant 1 : i32
    %get3A_2153 = arith.constant 2 : i32
    %get3A_2154 = arith.constant 1 : i32
    %get3A_2155 = arith.constant 2 : i32
    %get3A_2156 = arith.index_cast %get3A_2152 : i32 to index
    %get3A_2157 = arith.index_cast %get3A_2153 : i32 to index
    %get3A_2158 = arith.index_cast %get3A_2154 : i32 to index
    %get3A_2159 = arith.index_cast %get3A_2155 : i32 to index
    %get3A_2160 = arith.constant 96 : index
    %get3A_2161 = tpu.vector_load %arg6[%get3A_2156, %get3A_2157, %get3A_2158, %get3A_2159, %get3A_2160] {strides = array<i32>} : memref<4x3x2x8x128xf32, #tpu.memory_space<vmem>>, vector<16xf32>,
    %mul3A_2162 = arith.mulf %get3A_2161, %get3A_2161 : vector<16xf32>
    %add3A_2163 = arith.addf %add3A_2151, %mul3A_2162 : vector<16xf32>
    %get3A_2164 = arith.constant 1 : i32
    %get3A_2165 = arith.constant 2 : i32
    %get3A_2166 = arith.constant 1 : i32
    %get3A_2167 = arith.constant 2 : i32
    %get3A_2168 = arith.index_cast %get3A_2164 : i32 to index
    %get3A_2169 = arith.index_cast %get3A_2165 : i32 to index
    %get3A_2170 = arith.index_cast %get3A_2166 : i32 to index
    %get3A_2171 = arith.index_cast %get3A_2167 : i32 to index
    %get3A_2172 = arith.constant 112 : index
    %get3A_2173 = tpu.vector_load %arg6[%get3A_2168, %get3A_2169, %get3A_2170, %get3A_2171, %get3A_2172] {strides = array<i32>} : memref<4x3x2x8x128xf32, #tpu.memory_space<vmem>>, vector<16xf32>,
    %mul3A_2174 = arith.mulf %get3A_2173, %get3A_2173 : vector<16xf32>
    %add3A_2175 = arith.addf %add3A_2163, %mul3A_2174 : vector<16xf32>
    %get3A_2176 = arith.constant 1 : i32
    %get3A_2177 = arith.constant 2 : i32
    %get3A_2178 = arith.constant 0 : i32
    %get3A_2179 = arith.constant 7 : i32
    %get3A_2180 = arith.index_cast %get3A_2176 : i32 to index
    %get3A_2181 = arith.index_cast %get3A_2177 : i32 to index
    %get3A_2182 = arith.index_cast %get3A_2178 : i32 to index
    %get3A_2183 = arith.index_cast %get3A_2179 : i32 to index
    %get3A_2184 = arith.constant 0 : index
    %get3A_2185 = tpu.vector_load %arg6[%get3A_2180, %get3A_2181, %get3A_2182, %get3A_2183, %get3A_2184] {strides = array<i32>} : memref<4x3x2x8x128xf32, #tpu.memory_space<vmem>>, vector<16xf32>,
    %mul3A_2186 = arith.mulf %get3A_2185, %get3A_2185 : vector<16xf32>
    %add3A_2187 = arith.addf %add3A_2175, %mul3A_2186 : vector<16xf32>
    %get3A_2188 = arith.constant 1 : i32
    %get3A_2189 = arith.constant 2 : i32
    %get3A_2190 = arith.constant 0 : i32
    %get3A_2191 = arith.constant 7 : i32
    %get3A_2192 = arith.index_cast %get3A_2188 : i32 to index
    %get3A_2193 = arith.index_cast %get3A_2189 : i32 to index
    %get3A_2194 = arith.index_cast %get3A_2190 : i32 to index
    %get3A_2195 = arith.index_cast %get3A_2191 : i32 to index
    %get3A_2196 = arith.constant 16 : index
    %get3A_2197 = tpu.vector_load %arg6[%get3A_2192, %get3A_2193, %get3A_2194, %get3A_2195, %get3A_2196] {strides = array<i32>} : memref<4x3x2x8x128xf32, #tpu.memory_space<vmem>>, vector<16xf32>,
    %mul3A_2198 = arith.mulf %get3A_2197, %get3A_2197 : vector<16xf32>
    %add3A_2199 = arith.addf %add3A_2187, %mul3A_2198 : vector<16xf32>
    %get3A_2200 = arith.constant 1 : i32
    %get3A_2201 = arith.constant 2 : i32
    %get3A_2202 = arith.constant 0 : i32
    %get3A_2203 = arith.constant 7 : i32
    %get3A_2204 = arith.index_cast %get3A_2200 : i32 to index
    %get3A_2205 = arith.index_cast %get3A_2201 : i32 to index
    %get3A_2206 = arith.index_cast %get3A_2202 : i32 to index
    %get3A_2207 = arith.index_cast %get3A_2203 : i32 to index
    %get3A_2208 = arith.constant 32 : index
    %get3A_2209 = tpu.vector_load %arg6[%get3A_2204, %get3A_2205, %get3A_2206, %get3A_2207, %get3A_2208] {strides = array<i32>} : memref<4x3x2x8x128xf32, #tpu.memory_space<vmem>>, vector<16xf32>,
    %mul3A_2210 = arith.mulf %get3A_2209, %get3A_2209 : vector<16xf32>
    %add3A_2211 = arith.addf %add3A_2199, %mul3A_2210 : vector<16xf32>
    %get3A_2212 = arith.constant 1 : i32
    %get3A_2213 = arith.constant 2 : i32
    %get3A_2214 = arith.constant 0 : i32
    %get3A_2215 = arith.constant 7 : i32
    %get3A_2216 = arith.index_cast %get3A_2212 : i32 to index
    %get3A_2217 = arith.index_cast %get3A_2213 : i32 to index
    %get3A_2218 = arith.index_cast %get3A_2214 : i32 to index
    %get3A_2219 = arith.index_cast %get3A_2215 : i32 to index
    %get3A_2220 = arith.constant 48 : index
    %get3A_2221 = tpu.vector_load %arg6[%get3A_2216, %get3A_2217, %get3A_2218, %get3A_2219, %get3A_2220] {strides = array<i32>} : memref<4x3x2x8x128xf32, #tpu.memory_space<vmem>>, vector<16xf32>,
    %mul3A_2222 = arith.mulf %get3A_2221, %get3A_2221 : vector<16xf32>
    %add3A_2223 = arith.addf %add3A_2211, %mul3A_2222 : vector<16xf32>
    %get3A_2224 = arith.constant 1 : i32
    %get3A_2225 = arith.constant 2 : i32
    %get3A_2226 = arith.constant 0 : i32
    %get3A_2227 = arith.constant 7 : i32
    %get3A_2228 = arith.index_cast %get3A_2224 : i32 to index
    %get3A_2229 = arith.index_cast %get3A_2225 : i32 to index
    %get3A_2230 = arith.index_cast %get3A_2226 : i32 to index
    %get3A_2231 = arith.index_cast %get3A_2227 : i32 to index
    %get3A_2232 = arith.constant 64 : index
    %get3A_2233 = tpu.vector_load %arg6[%get3A_2228, %get3A_2229, %get3A_2230, %get3A_2231, %get3A_2232] {strides = array<i32>} : memref<4x3x2x8x128xf32, #tpu.memory_space<vmem>>, vector<16xf32>,
    %mul3A_2234 = arith.mulf %get3A_2233, %get3A_2233 : vector<16xf32>
    %add3A_2235 = arith.addf %add3A_2223, %mul3A_2234 : vector<16xf32>
    %get3A_2236 = arith.constant 1 : i32
    %get3A_2237 = arith.constant 2 : i32
    %get3A_2238 = arith.constant 0 : i32
    %get3A_2239 = arith.constant 7 : i32
    %get3A_2240 = arith.index_cast %get3A_2236 : i32 to index
    %get3A_2241 = arith.index_cast %get3A_2237 : i32 to index
    %get3A_2242 = arith.index_cast %get3A_2238 : i32 to index
    %get3A_2243 = arith.index_cast %get3A_2239 : i32 to index
    %get3A_2244 = arith.constant 80 : index
    %get3A_2245 = tpu.vector_load %arg6[%get3A_2240, %get3A_2241, %get3A_2242, %get3A_2243, %get3A_2244] {strides = array<i32>} : memref<4x3x2x8x128xf32, #tpu.memory_space<vmem>>, vector<16xf32>,
    %mul3A_2246 = arith.mulf %get3A_2245, %get3A_2245 : vector<16xf32>
    %add3A_2247 = arith.addf %add3A_2235, %mul3A_2246 : vector<16xf32>
    %get3A_2248 = arith.constant 1 : i32
    %get3A_2249 = arith.constant 2 : i32
    %get3A_2250 = arith.constant 0 : i32
    %get3A_2251 = arith.constant 7 : i32
    %get3A_2252 = arith.index_cast %get3A_2248 : i32 to index
    %get3A_2253 = arith.index_cast %get3A_2249 : i32 to index
    %get3A_2254 = arith.index_cast %get3A_2250 : i32 to index
    %get3A_2255 = arith.index_cast %get3A_2251 : i32 to index
    %get3A_2256 = arith.constant 96 : index
    %get3A_2257 = tpu.vector_load %arg6[%get3A_2252, %get3A_2253, %get3A_2254, %get3A_2255, %get3A_2256] {strides = array<i32>} : memref<4x3x2x8x128xf32, #tpu.memory_space<vmem>>, vector<16xf32>,
    %mul3A_2258 = arith.mulf %get3A_2257, %get3A_2257 : vector<16xf32>
    %add3A_2259 = arith.addf %add3A_2247, %mul3A_2258 : vector<16xf32>
    %get3A_2260 = arith.constant 1 : i32
    %get3A_2261 = arith.constant 2 : i32
    %get3A_2262 = arith.constant 0 : i32
    %get3A_2263 = arith.constant 7 : i32
    %get3A_2264 = arith.index_cast %get3A_2260 : i32 to index
    %get3A_2265 = arith.index_cast %get3A_2261 : i32 to index
    %get3A_2266 = arith.index_cast %get3A_2262 : i32 to index
    %get3A_2267 = arith.index_cast %get3A_2263 : i32 to index
    %get3A_2268 = arith.constant 112 : index
    %get3A_2269 = tpu.vector_load %arg6[%get3A_2264, %get3A_2265, %get3A_2266, %get3A_2267, %get3A_2268] {strides = array<i32>} : memref<4x3x2x8x128xf32, #tpu.memory_space<vmem>>, vector<16xf32>,
    %mul3A_2270 = arith.mulf %get3A_2269, %get3A_2269 : vector<16xf32>
    %add3A_2271 = arith.addf %add3A_2259, %mul3A_2270 : vector<16xf32>
    %get3A_2272 = arith.constant 1 : i32
    %get3A_2273 = arith.constant 2 : i32
    %get3A_2274 = arith.constant 1 : i32
    %get3A_2275 = arith.constant 7 : i32
    %get3A_2276 = arith.index_cast %get3A_2272 : i32 to index
    %get3A_2277 = arith.index_cast %get3A_2273 : i32 to index
    %get3A_2278 = arith.index_cast %get3A_2274 : i32 to index
    %get3A_2279 = arith.index_cast %get3A_2275 : i32 to index
    %get3A_2280 = arith.constant 0 : index
    %get3A_2281 = tpu.vector_load %arg6[%get3A_2276, %get3A_2277, %get3A_2278, %get3A_2279, %get3A_2280] {strides = array<i32>} : memref<4x3x2x8x128xf32, #tpu.memory_space<vmem>>, vector<16xf32>,
    %mul3A_2282 = arith.mulf %get3A_2281, %get3A_2281 : vector<16xf32>
    %add3A_2283 = arith.addf %add3A_2271, %mul3A_2282 : vector<16xf32>
    %get3A_2284 = arith.constant 1 : i32
    %get3A_2285 = arith.constant 2 : i32
    %get3A_2286 = arith.constant 1 : i32
    %get3A_2287 = arith.constant 7 : i32
    %get3A_2288 = arith.index_cast %get3A_2284 : i32 to index
    %get3A_2289 = arith.index_cast %get3A_2285 : i32 to index
    %get3A_2290 = arith.index_cast %get3A_2286 : i32 to index
    %get3A_2291 = arith.index_cast %get3A_2287 : i32 to index
    %get3A_2292 = arith.constant 16 : index
    %get3A_2293 = tpu.vector_load %arg6[%get3A_2288, %get3A_2289, %get3A_2290, %get3A_2291, %get3A_2292] {strides = array<i32>} : memref<4x3x2x8x128xf32, #tpu.memory_space<vmem>>, vector<16xf32>,
    %mul3A_2294 = arith.mulf %get3A_2293, %get3A_2293 : vector<16xf32>
    %add3A_2295 = arith.addf %add3A_2283, %mul3A_2294 : vector<16xf32>
    %get3A_2296 = arith.constant 1 : i32
    %get3A_2297 = arith.constant 2 : i32
    %get3A_2298 = arith.constant 1 : i32
    %get3A_2299 = arith.constant 7 : i32
    %get3A_2300 = arith.index_cast %get3A_2296 : i32 to index
    %get3A_2301 = arith.index_cast %get3A_2297 : i32 to index
    %get3A_2302 = arith.index_cast %get3A_2298 : i32 to index
    %get3A_2303 = arith.index_cast %get3A_2299 : i32 to index
    %get3A_2304 = arith.constant 32 : index
    %get3A_2305 = tpu.vector_load %arg6[%get3A_2300, %get3A_2301, %get3A_2302, %get3A_2303, %get3A_2304] {strides = array<i32>} : memref<4x3x2x8x128xf32, #tpu.memory_space<vmem>>, vector<16xf32>,
    %mul3A_2306 = arith.mulf %get3A_2305, %get3A_2305 : vector<16xf32>
    %add3A_2307 = arith.addf %add3A_2295, %mul3A_2306 : vector<16xf32>
    %get3A_2308 = arith.constant 1 : i32
    %get3A_2309 = arith.constant 2 : i32
    %get3A_2310 = arith.constant 1 : i32
    %get3A_2311 = arith.constant 7 : i32
    %get3A_2312 = arith.index_cast %get3A_2308 : i32 to index
    %get3A_2313 = arith.index_cast %get3A_2309 : i32 to index
    %get3A_2314 = arith.index_cast %get3A_2310 : i32 to index
    %get3A_2315 = arith.index_cast %get3A_2311 : i32 to index
    %get3A_2316 = arith.constant 48 : index
    %get3A_2317 = tpu.vector_load %arg6[%get3A_2312, %get3A_2313, %get3A_2314, %get3A_2315, %get3A_2316] {strides = array<i32>} : memref<4x3x2x8x128xf32, #tpu.memory_space<vmem>>, vector<16xf32>,
    %mul3A_2318 = arith.mulf %get3A_2317, %get3A_2317 : vector<16xf32>
    %add3A_2319 = arith.addf %add3A_2307, %mul3A_2318 : vector<16xf32>
    %get3A_2320 = arith.constant 1 : i32
    %get3A_2321 = arith.constant 2 : i32
    %get3A_2322 = arith.constant 1 : i32
    %get3A_2323 = arith.constant 7 : i32
    %get3A_2324 = arith.index_cast %get3A_2320 : i32 to index
    %get3A_2325 = arith.index_cast %get3A_2321 : i32 to index
    %get3A_2326 = arith.index_cast %get3A_2322 : i32 to index
    %get3A_2327 = arith.index_cast %get3A_2323 : i32 to index
    %get3A_2328 = arith.constant 64 : index
    %get3A_2329 = tpu.vector_load %arg6[%get3A_2324, %get3A_2325, %get3A_2326, %get3A_2327, %get3A_2328] {strides = array<i32>} : memref<4x3x2x8x128xf32, #tpu.memory_space<vmem>>, vector<16xf32>,
    %mul3A_2330 = arith.mulf %get3A_2329, %get3A_2329 : vector<16xf32>
    %add3A_2331 = arith.addf %add3A_2319, %mul3A_2330 : vector<16xf32>
    %get3A_2332 = arith.constant 1 : i32
    %get3A_2333 = arith.constant 2 : i32
    %get3A_2334 = arith.constant 1 : i32
    %get3A_2335 = arith.constant 7 : i32
    %get3A_2336 = arith.index_cast %get3A_2332 : i32 to index
    %get3A_2337 = arith.index_cast %get3A_2333 : i32 to index
    %get3A_2338 = arith.index_cast %get3A_2334 : i32 to index
    %get3A_2339 = arith.index_cast %get3A_2335 : i32 to index
    %get3A_2340 = arith.constant 80 : index
    %get3A_2341 = tpu.vector_load %arg6[%get3A_2336, %get3A_2337, %get3A_2338, %get3A_2339, %get3A_2340] {strides = array<i32>} : memref<4x3x2x8x128xf32, #tpu.memory_space<vmem>>, vector<16xf32>,
    %mul3A_2342 = arith.mulf %get3A_2341, %get3A_2341 : vector<16xf32>
    %add3A_2343 = arith.addf %add3A_2331, %mul3A_2342 : vector<16xf32>
    %get3A_2344 = arith.constant 1 : i32
    %get3A_2345 = arith.constant 2 : i32
    %get3A_2346 = arith.constant 1 : i32
    %get3A_2347 = arith.constant 7 : i32
    %get3A_2348 = arith.index_cast %get3A_2344 : i32 to index
    %get3A_2349 = arith.index_cast %get3A_2345 : i32 to index
    %get3A_2350 = arith.index_cast %get3A_2346 : i32 to index
    %get3A_2351 = arith.index_cast %get3A_2347 : i32 to index
    %get3A_2352 = arith.constant 96 : index
    %get3A_2353 = tpu.vector_load %arg6[%get3A_2348, %get3A_2349, %get3A_2350, %get3A_2351, %get3A_2352] {strides = array<i32>} : memref<4x3x2x8x128xf32, #tpu.memory_space<vmem>>, vector<16xf32>,
    %mul3A_2354 = arith.mulf %get3A_2353, %get3A_2353 : vector<16xf32>
    %add3A_2355 = arith.addf %add3A_2343, %mul3A_2354 : vector<16xf32>
    %get3A_2356 = arith.constant 1 : i32
    %get3A_2357 = arith.constant 2 : i32
    %get3A_2358 = arith.constant 1 : i32
    %get3A_2359 = arith.constant 7 : i32
    %get3A_2360 = arith.index_cast %get3A_2356 : i32 to index
    %get3A_2361 = arith.index_cast %get3A_2357 : i32 to index
    %get3A_2362 = arith.index_cast %get3A_2358 : i32 to index
    %get3A_2363 = arith.index_cast %get3A_2359 : i32 to index
    %get3A_2364 = arith.constant 112 : index
    %get3A_2365 = tpu.vector_load %arg6[%get3A_2360, %get3A_2361, %get3A_2362, %get3A_2363, %get3A_2364] {strides = array<i32>} : memref<4x3x2x8x128xf32, #tpu.memory_space<vmem>>, vector<16xf32>,
    %mul3A_2366 = arith.mulf %get3A_2365, %get3A_2365 : vector<16xf32>
    %add3A_2367 = arith.addf %add3A_2355, %mul3A_2366 : vector<16xf32>
    %broadcast_in_dim3A_2368 = arith.constant 2 : i32
    %broadcast_in_dim3A_2369 = vector.broadcast %broadcast_in_dim3A_2368 : i32 to vector<16xi32>
    %add3A_2370 = arith.constant 0 : i32
    %add3A_2371 = vector.broadcast %add3A_2370 : i32 to vector<16xi32>
    %add3A_2372 = arith.addi %iota3A, %add3A_2371 : vector<16xi32>
    %min3A_2373 = arith.constant 19 : i32
    %min3A_2374 = vector.broadcast %min3A_2373 : i32 to vector<16xi32>
    %min3A_2375 = arith.minsi %add3A_2372, %min3A_2374 : vector<16xi32>
    %mul3A_2376 = arith.constant 5 : i32
    %mul3A_2377 = vector.broadcast %mul3A_2376 : i32 to vector<16xi32>
    %mul3A_2378 = arith.muli %min3A_2375, %mul3A_2377 : vector<16xi32>
    %add3A_2379 = arith.constant 0 : i32
    %add3A_2380 = vector.broadcast %add3A_2379 : i32 to vector<16xi32>
    %add3A_2381 = arith.addi %mul3A_2378, %add3A_2380 : vector<16xi32>
    %gather3A_2382 = tpu.vector_load_idx %arg5[%broadcast_in_dim3A_2369, %add3A_2381] : memref<4x104xf32, #tpu.memory_space<vmem>>[vector<16xi32>, vector<16xi32>], vector<16xf32>,
    %add3A_2383 = arith.constant 1 : i32
    %add3A_2384 = vector.broadcast %add3A_2383 : i32 to vector<16xi32>
    %add3A_2385 = arith.addi %mul3A_2378, %add3A_2384 : vector<16xi32>
    %gather3A_2386 = tpu.vector_load_idx %arg5[%broadcast_in_dim3A_2369, %add3A_2385] : memref<4x104xf32, #tpu.memory_space<vmem>>[vector<16xi32>, vector<16xi32>], vector<16xf32>,
    %add3A_2387 = arith.constant 2 : i32
    %add3A_2388 = vector.broadcast %add3A_2387 : i32 to vector<16xi32>
    %add3A_2389 = arith.addi %mul3A_2378, %add3A_2388 : vector<16xi32>
    %gather3A_2390 = tpu.vector_load_idx %arg5[%broadcast_in_dim3A_2369, %add3A_2389] : memref<4x104xf32, #tpu.memory_space<vmem>>[vector<16xi32>, vector<16xi32>], vector<16xf32>,
    %add3A_2391 = arith.constant 3 : i32
    %add3A_2392 = vector.broadcast %add3A_2391 : i32 to vector<16xi32>
    %add3A_2393 = arith.addi %mul3A_2378, %add3A_2392 : vector<16xi32>
    %gather3A_2394 = tpu.vector_load_idx %arg5[%broadcast_in_dim3A_2369, %add3A_2393] : memref<4x104xf32, #tpu.memory_space<vmem>>[vector<16xi32>, vector<16xi32>], vector<16xf32>,
    %add3A_2395 = arith.constant 4 : i32
    %add3A_2396 = vector.broadcast %add3A_2395 : i32 to vector<16xi32>
    %add3A_2397 = arith.addi %mul3A_2378, %add3A_2396 : vector<16xi32>
    %gather3A_2398 = tpu.vector_load_idx %arg5[%broadcast_in_dim3A_2369, %add3A_2397] : memref<4x104xf32, #tpu.memory_space<vmem>>[vector<16xi32>, vector<16xi32>], vector<16xf32>,
    %mul3A_2399 = arith.constant 1.300000e+01 : f32
    %mul3A_2400 = vector.broadcast %mul3A_2399 : f32 to vector<16xf32>
    %mul3A_2401 = arith.mulf %gather3A_2386, %mul3A_2400 : vector<16xf32>
    %convert_element_type3A_2402 = arith.fptosi %mul3A_2401 : vector<16xf32> to vector<16xi32>
    %mul3A_2403 = arith.constant 1.300000e+01 : f32
    %mul3A_2404 = vector.broadcast %mul3A_2403 : f32 to vector<16xf32>
    %mul3A_2405 = arith.mulf %gather3A_2390, %mul3A_2404 : vector<16xf32>
    %convert_element_type3A_2406 = arith.fptosi %mul3A_2405 : vector<16xf32> to vector<16xi32>
    %lt3A_2407 = arith.constant 13 : i32
    %lt3A_2408 = vector.broadcast %lt3A_2407 : i32 to vector<16xi32>
    %lt3A_2409 = arith.cmpi slt, %convert_element_type3A_2402, %lt3A_2408 : vector<16xi32>
    %lt3A_2410 = arith.constant 13 : i32
    %lt3A_2411 = vector.broadcast %lt3A_2410 : i32 to vector<16xi32>
    %lt3A_2412 = arith.cmpi slt, %convert_element_type3A_2406, %lt3A_2411 : vector<16xi32>
    %and3A_2413 = arith.andi %lt3A_2409, %lt3A_2412 : vector<16xi1>
    %lt3A_2414 = arith.constant 20 : i32
    %lt3A_2415 = vector.broadcast %lt3A_2414 : i32 to vector<16xi32>
    %lt3A_2416 = arith.cmpi slt, %add3A_2372, %lt3A_2415 : vector<16xi32>
    %and3A_2417 = arith.andi %and3A_2413, %lt3A_2416 : vector<16xi1>
    %jit3A_2418 = arith.constant 0 : i32
    %jit3A_2419 = arith.constant 12 : i32
    %max3A_2420 = vector.broadcast %jit3A_2418 : i32 to vector<16xi32>
    %max3A_2421 = arith.maxsi %max3A_2420, %convert_element_type3A_2402 : vector<16xi32>
    %min3A_2422 = vector.broadcast %jit3A_2419 : i32 to vector<16xi32>
    %min3A_2423 = arith.minsi %min3A_2422, %max3A_2421 : vector<16xi32>
    %jit3A_2424 = arith.constant 0 : i32
    %jit3A_2425 = arith.constant 12 : i32
    %max3A_2426 = vector.broadcast %jit3A_2424 : i32 to vector<16xi32>
    %max3A_2427 = arith.maxsi %max3A_2426, %convert_element_type3A_2406 : vector<16xi32>
    %min3A_2428 = vector.broadcast %jit3A_2425 : i32 to vector<16xi32>
    %min3A_2429 = arith.minsi %min3A_2428, %max3A_2427 : vector<16xi32>
    %mul3A_2430 = arith.constant 13 : i32
    %mul3A_2431 = vector.broadcast %mul3A_2430 : i32 to vector<16xi32>
    %mul3A_2432 = arith.muli %min3A_2429, %mul3A_2431 : vector<16xi32>
    %add3A_2433 = arith.addi %mul3A_2432, %min3A_2423 : vector<16xi32>
    %shift_right_logical3A_2434 = arith.constant 7 : i32
    %shift_right_logical3A_2435 = vector.broadcast %shift_right_logical3A_2434 : i32 to vector<16xi32>
    %shift_right_logical3A_2436 = arith.shrui %add3A_2433, %shift_right_logical3A_2435 : vector<16xi32>
    %and3A_2437 = arith.constant 127 : i32
    %and3A_2438 = vector.broadcast %and3A_2437 : i32 to vector<16xi32>
    %and3A_2439 = arith.andi %add3A_2433, %and3A_2438 : vector<16xi32>
    %broadcast_in_dim3A_2440 = arith.constant 0 : i32
    %broadcast_in_dim3A_2441 = vector.broadcast %broadcast_in_dim3A_2440 : i32 to vector<16xi32>
    %broadcast_in_dim3A_2442 = arith.constant 1 : i32
    %broadcast_in_dim3A_2443 = vector.broadcast %broadcast_in_dim3A_2442 : i32 to vector<16xi32>
    %gather3A_2444 = tpu.vector_load_idx %arg6[%broadcast_in_dim3A_2369, %broadcast_in_dim3A_2441, %shift_right_logical3A_2436, %broadcast_in_dim3A_2443, %and3A_2439] : memref<4x3x2x8x128xf32, #tpu.memory_space<vmem>>[vector<16xi32>, vector<16xi32>, vector<16xi32>, vector<16xi32>, vector<16xi32>], vector<16xf32>,
    %sub3A_2445 = arith.subf %gather3A_2444, %gather3A_2386 : vector<16xf32>
    %broadcast_in_dim3A_2446 = arith.constant 0 : i32
    %broadcast_in_dim3A_2447 = vector.broadcast %broadcast_in_dim3A_2446 : i32 to vector<16xi32>
    %broadcast_in_dim3A_2448 = arith.constant 2 : i32
    %broadcast_in_dim3A_2449 = vector.broadcast %broadcast_in_dim3A_2448 : i32 to vector<16xi32>
    %gather3A_2450 = tpu.vector_load_idx %arg6[%broadcast_in_dim3A_2369, %broadcast_in_dim3A_2447, %shift_right_logical3A_2436, %broadcast_in_dim3A_2449, %and3A_2439] : memref<4x3x2x8x128xf32, #tpu.memory_space<vmem>>[vector<16xi32>, vector<16xi32>, vector<16xi32>, vector<16xi32>, vector<16xi32>], vector<16xf32>,
    %sub3A_2451 = arith.subf %gather3A_2450, %gather3A_2390 : vector<16xf32>
    %broadcast_in_dim3A_2452 = arith.constant 0 : i32
    %broadcast_in_dim3A_2453 = vector.broadcast %broadcast_in_dim3A_2452 : i32 to vector<16xi32>
    %broadcast_in_dim3A_2454 = arith.constant 3 : i32
    %broadcast_in_dim3A_2455 = vector.broadcast %broadcast_in_dim3A_2454 : i32 to vector<16xi32>
    %gather3A_2456 = tpu.vector_load_idx %arg6[%broadcast_in_dim3A_2369, %broadcast_in_dim3A_2453, %shift_right_logical3A_2436, %broadcast_in_dim3A_2455, %and3A_2439] : memref<4x3x2x8x128xf32, #tpu.memory_space<vmem>>[vector<16xi32>, vector<16xi32>, vector<16xi32>, vector<16xi32>, vector<16xi32>], vector<16xf32>,
    %sub3A_2457 = arith.subf %gather3A_2456, %gather3A_2394 : vector<16xf32>
    %broadcast_in_dim3A_2458 = arith.constant 0 : i32
    %broadcast_in_dim3A_2459 = vector.broadcast %broadcast_in_dim3A_2458 : i32 to vector<16xi32>
    %broadcast_in_dim3A_2460 = arith.constant 4 : i32
    %broadcast_in_dim3A_2461 = vector.broadcast %broadcast_in_dim3A_2460 : i32 to vector<16xi32>
    %gather3A_2462 = tpu.vector_load_idx %arg6[%broadcast_in_dim3A_2369, %broadcast_in_dim3A_2459, %shift_right_logical3A_2436, %broadcast_in_dim3A_2461, %and3A_2439] : memref<4x3x2x8x128xf32, #tpu.memory_space<vmem>>[vector<16xi32>, vector<16xi32>, vector<16xi32>, vector<16xi32>, vector<16xi32>], vector<16xf32>,
    %sub3A_2463 = arith.subf %gather3A_2462, %gather3A_2398 : vector<16xf32>
    %mul3A_2464 = arith.mulf %sub3A_2445, %sub3A_2445 : vector<16xf32>
    %mul3A_2465 = arith.mulf %sub3A_2451, %sub3A_2451 : vector<16xf32>
    %add3A_2466 = arith.addf %mul3A_2464, %mul3A_2465 : vector<16xf32>
    %mul3A_2467 = arith.mulf %sub3A_2457, %sub3A_2457 : vector<16xf32>
    %add3A_2468 = arith.addf %add3A_2466, %mul3A_2467 : vector<16xf32>
    %mul3A_2469 = arith.mulf %sub3A_2463, %sub3A_2463 : vector<16xf32>
    %add3A_2470 = arith.addf %add3A_2468, %mul3A_2469 : vector<16xf32>
    %convert_element_type3A_2471 = arith.fptosi %gather3A_2382 : vector<16xf32> to vector<16xi32>
    %broadcast_in_dim3A_2472 = arith.constant 0 : i32
    %broadcast_in_dim3A_2473 = vector.broadcast %broadcast_in_dim3A_2472 : i32 to vector<16xi32>
    %broadcast_in_dim3A_2474 = arith.constant 5 : i32
    %broadcast_in_dim3A_2475 = vector.broadcast %broadcast_in_dim3A_2474 : i32 to vector<16xi32>
    %gather3A_2476 = tpu.vector_load_idx %arg6[%broadcast_in_dim3A_2369, %broadcast_in_dim3A_2473, %shift_right_logical3A_2436, %broadcast_in_dim3A_2475, %and3A_2439] : memref<4x3x2x8x128xf32, #tpu.memory_space<vmem>>[vector<16xi32>, vector<16xi32>, vector<16xi32>, vector<16xi32>, vector<16xi32>], vector<16xf32>,
    %eq3A_2477 = arith.constant 0 : i32
    %eq3A_2478 = vector.broadcast %eq3A_2477 : i32 to vector<16xi32>
    %eq3A_2479 = arith.cmpi eq, %convert_element_type3A_2471, %eq3A_2478 : vector<16xi32>
    %sub3A_2480 = arith.constant 1.000000e+00 : f32
    %sub3A_2481 = vector.broadcast %sub3A_2480 : f32 to vector<16xf32>
    %sub3A_2482 = arith.subf %gather3A_2476, %sub3A_2481 : vector<16xf32>
    %select_n3A_2483 = arith.select %eq3A_2479, %sub3A_2482, %gather3A_2476 : vector<16xi1>, vector<16xf32>
    %mul3A_2484 = arith.mulf %select_n3A_2483, %select_n3A_2483 : vector<16xf32>
    %add3A_2485 = arith.addf %broadcast_in_dim3A_1, %mul3A_2484 : vector<16xf32>
    %broadcast_in_dim3A_2486 = arith.constant 0 : i32
    %broadcast_in_dim3A_2487 = vector.broadcast %broadcast_in_dim3A_2486 : i32 to vector<16xi32>
    %broadcast_in_dim3A_2488 = arith.constant 6 : i32
    %broadcast_in_dim3A_2489 = vector.broadcast %broadcast_in_dim3A_2488 : i32 to vector<16xi32>
    %gather3A_2490 = tpu.vector_load_idx %arg6[%broadcast_in_dim3A_2369, %broadcast_in_dim3A_2487, %shift_right_logical3A_2436, %broadcast_in_dim3A_2489, %and3A_2439] : memref<4x3x2x8x128xf32, #tpu.memory_space<vmem>>[vector<16xi32>, vector<16xi32>, vector<16xi32>, vector<16xi32>, vector<16xi32>], vector<16xf32>,
    %eq3A_2491 = arith.constant 1 : i32
    %eq3A_2492 = vector.broadcast %eq3A_2491 : i32 to vector<16xi32>
    %eq3A_2493 = arith.cmpi eq, %convert_element_type3A_2471, %eq3A_2492 : vector<16xi32>
    %sub3A_2494 = arith.constant 1.000000e+00 : f32
    %sub3A_2495 = vector.broadcast %sub3A_2494 : f32 to vector<16xf32>
    %sub3A_2496 = arith.subf %gather3A_2490, %sub3A_2495 : vector<16xf32>
    %select_n3A_2497 = arith.select %eq3A_2493, %sub3A_2496, %gather3A_2490 : vector<16xi1>, vector<16xf32>
    %mul3A_2498 = arith.mulf %select_n3A_2497, %select_n3A_2497 : vector<16xf32>
    %add3A_2499 = arith.addf %add3A_2485, %mul3A_2498 : vector<16xf32>
    %broadcast_in_dim3A_2500 = arith.constant 0 : i32
    %broadcast_in_dim3A_2501 = vector.broadcast %broadcast_in_dim3A_2500 : i32 to vector<16xi32>
    %broadcast_in_dim3A_2502 = arith.constant 7 : i32
    %broadcast_in_dim3A_2503 = vector.broadcast %broadcast_in_dim3A_2502 : i32 to vector<16xi32>
    %gather3A_2504 = tpu.vector_load_idx %arg6[%broadcast_in_dim3A_2369, %broadcast_in_dim3A_2501, %shift_right_logical3A_2436, %broadcast_in_dim3A_2503, %and3A_2439] : memref<4x3x2x8x128xf32, #tpu.memory_space<vmem>>[vector<16xi32>, vector<16xi32>, vector<16xi32>, vector<16xi32>, vector<16xi32>], vector<16xf32>,
    %eq3A_2505 = arith.constant 2 : i32
    %eq3A_2506 = vector.broadcast %eq3A_2505 : i32 to vector<16xi32>
    %eq3A_2507 = arith.cmpi eq, %convert_element_type3A_2471, %eq3A_2506 : vector<16xi32>
    %sub3A_2508 = arith.constant 1.000000e+00 : f32
    %sub3A_2509 = vector.broadcast %sub3A_2508 : f32 to vector<16xf32>
    %sub3A_2510 = arith.subf %gather3A_2504, %sub3A_2509 : vector<16xf32>
    %select_n3A_2511 = arith.select %eq3A_2507, %sub3A_2510, %gather3A_2504 : vector<16xi1>, vector<16xf32>
    %mul3A_2512 = arith.mulf %select_n3A_2511, %select_n3A_2511 : vector<16xf32>
    %add3A_2513 = arith.addf %add3A_2499, %mul3A_2512 : vector<16xf32>
    %broadcast_in_dim3A_2514 = arith.constant 1 : i32
    %broadcast_in_dim3A_2515 = vector.broadcast %broadcast_in_dim3A_2514 : i32 to vector<16xi32>
    %broadcast_in_dim3A_2516 = arith.constant 0 : i32
    %broadcast_in_dim3A_2517 = vector.broadcast %broadcast_in_dim3A_2516 : i32 to vector<16xi32>
    %gather3A_2518 = tpu.vector_load_idx %arg6[%broadcast_in_dim3A_2369, %broadcast_in_dim3A_2515, %shift_right_logical3A_2436, %broadcast_in_dim3A_2517, %and3A_2439] : memref<4x3x2x8x128xf32, #tpu.memory_space<vmem>>[vector<16xi32>, vector<16xi32>, vector<16xi32>, vector<16xi32>, vector<16xi32>], vector<16xf32>,
    %eq3A_2519 = arith.constant 3 : i32
    %eq3A_2520 = vector.broadcast %eq3A_2519 : i32 to vector<16xi32>
    %eq3A_2521 = arith.cmpi eq, %convert_element_type3A_2471, %eq3A_2520 : vector<16xi32>
    %sub3A_2522 = arith.constant 1.000000e+00 : f32
    %sub3A_2523 = vector.broadcast %sub3A_2522 : f32 to vector<16xf32>
    %sub3A_2524 = arith.subf %gather3A_2518, %sub3A_2523 : vector<16xf32>
    %select_n3A_2525 = arith.select %eq3A_2521, %sub3A_2524, %gather3A_2518 : vector<16xi1>, vector<16xf32>
    %mul3A_2526 = arith.mulf %select_n3A_2525, %select_n3A_2525 : vector<16xf32>
    %add3A_2527 = arith.addf %add3A_2513, %mul3A_2526 : vector<16xf32>
    %broadcast_in_dim3A_2528 = arith.constant 1 : i32
    %broadcast_in_dim3A_2529 = vector.broadcast %broadcast_in_dim3A_2528 : i32 to vector<16xi32>
    %broadcast_in_dim3A_2530 = arith.constant 1 : i32
    %broadcast_in_dim3A_2531 = vector.broadcast %broadcast_in_dim3A_2530 : i32 to vector<16xi32>
    %gather3A_2532 = tpu.vector_load_idx %arg6[%broadcast_in_dim3A_2369, %broadcast_in_dim3A_2529, %shift_right_logical3A_2436, %broadcast_in_dim3A_2531, %and3A_2439] : memref<4x3x2x8x128xf32, #tpu.memory_space<vmem>>[vector<16xi32>, vector<16xi32>, vector<16xi32>, vector<16xi32>, vector<16xi32>], vector<16xf32>,
    %eq3A_2533 = arith.constant 4 : i32
    %eq3A_2534 = vector.broadcast %eq3A_2533 : i32 to vector<16xi32>
    %eq3A_2535 = arith.cmpi eq, %convert_element_type3A_2471, %eq3A_2534 : vector<16xi32>
    %sub3A_2536 = arith.constant 1.000000e+00 : f32
    %sub3A_2537 = vector.broadcast %sub3A_2536 : f32 to vector<16xf32>
    %sub3A_2538 = arith.subf %gather3A_2532, %sub3A_2537 : vector<16xf32>
    %select_n3A_2539 = arith.select %eq3A_2535, %sub3A_2538, %gather3A_2532 : vector<16xi1>, vector<16xf32>
    %mul3A_2540 = arith.mulf %select_n3A_2539, %select_n3A_2539 : vector<16xf32>
    %add3A_2541 = arith.addf %add3A_2527, %mul3A_2540 : vector<16xf32>
    %broadcast_in_dim3A_2542 = arith.constant 1 : i32
    %broadcast_in_dim3A_2543 = vector.broadcast %broadcast_in_dim3A_2542 : i32 to vector<16xi32>
    %broadcast_in_dim3A_2544 = arith.constant 2 : i32
    %broadcast_in_dim3A_2545 = vector.broadcast %broadcast_in_dim3A_2544 : i32 to vector<16xi32>
    %gather3A_2546 = tpu.vector_load_idx %arg6[%broadcast_in_dim3A_2369, %broadcast_in_dim3A_2543, %shift_right_logical3A_2436, %broadcast_in_dim3A_2545, %and3A_2439] : memref<4x3x2x8x128xf32, #tpu.memory_space<vmem>>[vector<16xi32>, vector<16xi32>, vector<16xi32>, vector<16xi32>, vector<16xi32>], vector<16xf32>,
    %eq3A_2547 = arith.constant 5 : i32
    %eq3A_2548 = vector.broadcast %eq3A_2547 : i32 to vector<16xi32>
    %eq3A_2549 = arith.cmpi eq, %convert_element_type3A_2471, %eq3A_2548 : vector<16xi32>
    %sub3A_2550 = arith.constant 1.000000e+00 : f32
    %sub3A_2551 = vector.broadcast %sub3A_2550 : f32 to vector<16xf32>
    %sub3A_2552 = arith.subf %gather3A_2546, %sub3A_2551 : vector<16xf32>
    %select_n3A_2553 = arith.select %eq3A_2549, %sub3A_2552, %gather3A_2546 : vector<16xi1>, vector<16xf32>
    %mul3A_2554 = arith.mulf %select_n3A_2553, %select_n3A_2553 : vector<16xf32>
    %add3A_2555 = arith.addf %add3A_2541, %mul3A_2554 : vector<16xf32>
    %broadcast_in_dim3A_2556 = arith.constant 1 : i32
    %broadcast_in_dim3A_2557 = vector.broadcast %broadcast_in_dim3A_2556 : i32 to vector<16xi32>
    %broadcast_in_dim3A_2558 = arith.constant 3 : i32
    %broadcast_in_dim3A_2559 = vector.broadcast %broadcast_in_dim3A_2558 : i32 to vector<16xi32>
    %gather3A_2560 = tpu.vector_load_idx %arg6[%broadcast_in_dim3A_2369, %broadcast_in_dim3A_2557, %shift_right_logical3A_2436, %broadcast_in_dim3A_2559, %and3A_2439] : memref<4x3x2x8x128xf32, #tpu.memory_space<vmem>>[vector<16xi32>, vector<16xi32>, vector<16xi32>, vector<16xi32>, vector<16xi32>], vector<16xf32>,
    %eq3A_2561 = arith.constant 6 : i32
    %eq3A_2562 = vector.broadcast %eq3A_2561 : i32 to vector<16xi32>
    %eq3A_2563 = arith.cmpi eq, %convert_element_type3A_2471, %eq3A_2562 : vector<16xi32>
    %sub3A_2564 = arith.constant 1.000000e+00 : f32
    %sub3A_2565 = vector.broadcast %sub3A_2564 : f32 to vector<16xf32>
    %sub3A_2566 = arith.subf %gather3A_2560, %sub3A_2565 : vector<16xf32>
    %select_n3A_2567 = arith.select %eq3A_2563, %sub3A_2566, %gather3A_2560 : vector<16xi1>, vector<16xf32>
    %mul3A_2568 = arith.mulf %select_n3A_2567, %select_n3A_2567 : vector<16xf32>
    %add3A_2569 = arith.addf %add3A_2555, %mul3A_2568 : vector<16xf32>
    %broadcast_in_dim3A_2570 = arith.constant 1 : i32
    %broadcast_in_dim3A_2571 = vector.broadcast %broadcast_in_dim3A_2570 : i32 to vector<16xi32>
    %broadcast_in_dim3A_2572 = arith.constant 4 : i32
    %broadcast_in_dim3A_2573 = vector.broadcast %broadcast_in_dim3A_2572 : i32 to vector<16xi32>
    %gather3A_2574 = tpu.vector_load_idx %arg6[%broadcast_in_dim3A_2369, %broadcast_in_dim3A_2571, %shift_right_logical3A_2436, %broadcast_in_dim3A_2573, %and3A_2439] : memref<4x3x2x8x128xf32, #tpu.memory_space<vmem>>[vector<16xi32>, vector<16xi32>, vector<16xi32>, vector<16xi32>, vector<16xi32>], vector<16xf32>,
    %eq3A_2575 = arith.constant 7 : i32
    %eq3A_2576 = vector.broadcast %eq3A_2575 : i32 to vector<16xi32>
    %eq3A_2577 = arith.cmpi eq, %convert_element_type3A_2471, %eq3A_2576 : vector<16xi32>
    %sub3A_2578 = arith.constant 1.000000e+00 : f32
    %sub3A_2579 = vector.broadcast %sub3A_2578 : f32 to vector<16xf32>
    %sub3A_2580 = arith.subf %gather3A_2574, %sub3A_2579 : vector<16xf32>
    %select_n3A_2581 = arith.select %eq3A_2577, %sub3A_2580, %gather3A_2574 : vector<16xi1>, vector<16xf32>
    %mul3A_2582 = arith.mulf %select_n3A_2581, %select_n3A_2581 : vector<16xf32>
    %add3A_2583 = arith.addf %add3A_2569, %mul3A_2582 : vector<16xf32>
    %broadcast_in_dim3A_2584 = arith.constant 1 : i32
    %broadcast_in_dim3A_2585 = vector.broadcast %broadcast_in_dim3A_2584 : i32 to vector<16xi32>
    %broadcast_in_dim3A_2586 = arith.constant 5 : i32
    %broadcast_in_dim3A_2587 = vector.broadcast %broadcast_in_dim3A_2586 : i32 to vector<16xi32>
    %gather3A_2588 = tpu.vector_load_idx %arg6[%broadcast_in_dim3A_2369, %broadcast_in_dim3A_2585, %shift_right_logical3A_2436, %broadcast_in_dim3A_2587, %and3A_2439] : memref<4x3x2x8x128xf32, #tpu.memory_space<vmem>>[vector<16xi32>, vector<16xi32>, vector<16xi32>, vector<16xi32>, vector<16xi32>], vector<16xf32>,
    %eq3A_2589 = arith.constant 8 : i32
    %eq3A_2590 = vector.broadcast %eq3A_2589 : i32 to vector<16xi32>
    %eq3A_2591 = arith.cmpi eq, %convert_element_type3A_2471, %eq3A_2590 : vector<16xi32>
    %sub3A_2592 = arith.constant 1.000000e+00 : f32
    %sub3A_2593 = vector.broadcast %sub3A_2592 : f32 to vector<16xf32>
    %sub3A_2594 = arith.subf %gather3A_2588, %sub3A_2593 : vector<16xf32>
    %select_n3A_2595 = arith.select %eq3A_2591, %sub3A_2594, %gather3A_2588 : vector<16xi1>, vector<16xf32>
    %mul3A_2596 = arith.mulf %select_n3A_2595, %select_n3A_2595 : vector<16xf32>
    %add3A_2597 = arith.addf %add3A_2583, %mul3A_2596 : vector<16xf32>
    %broadcast_in_dim3A_2598 = arith.constant 1 : i32
    %broadcast_in_dim3A_2599 = vector.broadcast %broadcast_in_dim3A_2598 : i32 to vector<16xi32>
    %broadcast_in_dim3A_2600 = arith.constant 6 : i32
    %broadcast_in_dim3A_2601 = vector.broadcast %broadcast_in_dim3A_2600 : i32 to vector<16xi32>
    %gather3A_2602 = tpu.vector_load_idx %arg6[%broadcast_in_dim3A_2369, %broadcast_in_dim3A_2599, %shift_right_logical3A_2436, %broadcast_in_dim3A_2601, %and3A_2439] : memref<4x3x2x8x128xf32, #tpu.memory_space<vmem>>[vector<16xi32>, vector<16xi32>, vector<16xi32>, vector<16xi32>, vector<16xi32>], vector<16xf32>,
    %eq3A_2603 = arith.constant 9 : i32
    %eq3A_2604 = vector.broadcast %eq3A_2603 : i32 to vector<16xi32>
    %eq3A_2605 = arith.cmpi eq, %convert_element_type3A_2471, %eq3A_2604 : vector<16xi32>
    %sub3A_2606 = arith.constant 1.000000e+00 : f32
    %sub3A_2607 = vector.broadcast %sub3A_2606 : f32 to vector<16xf32>
    %sub3A_2608 = arith.subf %gather3A_2602, %sub3A_2607 : vector<16xf32>
    %select_n3A_2609 = arith.select %eq3A_2605, %sub3A_2608, %gather3A_2602 : vector<16xi1>, vector<16xf32>
    %mul3A_2610 = arith.mulf %select_n3A_2609, %select_n3A_2609 : vector<16xf32>
    %add3A_2611 = arith.addf %add3A_2597, %mul3A_2610 : vector<16xf32>
    %broadcast_in_dim3A_2612 = arith.constant 1 : i32
    %broadcast_in_dim3A_2613 = vector.broadcast %broadcast_in_dim3A_2612 : i32 to vector<16xi32>
    %broadcast_in_dim3A_2614 = arith.constant 7 : i32
    %broadcast_in_dim3A_2615 = vector.broadcast %broadcast_in_dim3A_2614 : i32 to vector<16xi32>
    %gather3A_2616 = tpu.vector_load_idx %arg6[%broadcast_in_dim3A_2369, %broadcast_in_dim3A_2613, %shift_right_logical3A_2436, %broadcast_in_dim3A_2615, %and3A_2439] : memref<4x3x2x8x128xf32, #tpu.memory_space<vmem>>[vector<16xi32>, vector<16xi32>, vector<16xi32>, vector<16xi32>, vector<16xi32>], vector<16xf32>,
    %eq3A_2617 = arith.constant 10 : i32
    %eq3A_2618 = vector.broadcast %eq3A_2617 : i32 to vector<16xi32>
    %eq3A_2619 = arith.cmpi eq, %convert_element_type3A_2471, %eq3A_2618 : vector<16xi32>
    %sub3A_2620 = arith.constant 1.000000e+00 : f32
    %sub3A_2621 = vector.broadcast %sub3A_2620 : f32 to vector<16xf32>
    %sub3A_2622 = arith.subf %gather3A_2616, %sub3A_2621 : vector<16xf32>
    %select_n3A_2623 = arith.select %eq3A_2619, %sub3A_2622, %gather3A_2616 : vector<16xi1>, vector<16xf32>
    %mul3A_2624 = arith.mulf %select_n3A_2623, %select_n3A_2623 : vector<16xf32>
    %add3A_2625 = arith.addf %add3A_2611, %mul3A_2624 : vector<16xf32>
    %broadcast_in_dim3A_2626 = arith.constant 2 : i32
    %broadcast_in_dim3A_2627 = vector.broadcast %broadcast_in_dim3A_2626 : i32 to vector<16xi32>
    %broadcast_in_dim3A_2628 = arith.constant 0 : i32
    %broadcast_in_dim3A_2629 = vector.broadcast %broadcast_in_dim3A_2628 : i32 to vector<16xi32>
    %gather3A_2630 = tpu.vector_load_idx %arg6[%broadcast_in_dim3A_2369, %broadcast_in_dim3A_2627, %shift_right_logical3A_2436, %broadcast_in_dim3A_2629, %and3A_2439] : memref<4x3x2x8x128xf32, #tpu.memory_space<vmem>>[vector<16xi32>, vector<16xi32>, vector<16xi32>, vector<16xi32>, vector<16xi32>], vector<16xf32>,
    %eq3A_2631 = arith.constant 11 : i32
    %eq3A_2632 = vector.broadcast %eq3A_2631 : i32 to vector<16xi32>
    %eq3A_2633 = arith.cmpi eq, %convert_element_type3A_2471, %eq3A_2632 : vector<16xi32>
    %sub3A_2634 = arith.constant 1.000000e+00 : f32
    %sub3A_2635 = vector.broadcast %sub3A_2634 : f32 to vector<16xf32>
    %sub3A_2636 = arith.subf %gather3A_2630, %sub3A_2635 : vector<16xf32>
    %select_n3A_2637 = arith.select %eq3A_2633, %sub3A_2636, %gather3A_2630 : vector<16xi1>, vector<16xf32>
    %mul3A_2638 = arith.mulf %select_n3A_2637, %select_n3A_2637 : vector<16xf32>
    %add3A_2639 = arith.addf %add3A_2625, %mul3A_2638 : vector<16xf32>
    %broadcast_in_dim3A_2640 = arith.constant 2 : i32
    %broadcast_in_dim3A_2641 = vector.broadcast %broadcast_in_dim3A_2640 : i32 to vector<16xi32>
    %broadcast_in_dim3A_2642 = arith.constant 1 : i32
    %broadcast_in_dim3A_2643 = vector.broadcast %broadcast_in_dim3A_2642 : i32 to vector<16xi32>
    %gather3A_2644 = tpu.vector_load_idx %arg6[%broadcast_in_dim3A_2369, %broadcast_in_dim3A_2641, %shift_right_logical3A_2436, %broadcast_in_dim3A_2643, %and3A_2439] : memref<4x3x2x8x128xf32, #tpu.memory_space<vmem>>[vector<16xi32>, vector<16xi32>, vector<16xi32>, vector<16xi32>, vector<16xi32>], vector<16xf32>,
    %eq3A_2645 = arith.constant 12 : i32
    %eq3A_2646 = vector.broadcast %eq3A_2645 : i32 to vector<16xi32>
    %eq3A_2647 = arith.cmpi eq, %convert_element_type3A_2471, %eq3A_2646 : vector<16xi32>
    %sub3A_2648 = arith.constant 1.000000e+00 : f32
    %sub3A_2649 = vector.broadcast %sub3A_2648 : f32 to vector<16xf32>
    %sub3A_2650 = arith.subf %gather3A_2644, %sub3A_2649 : vector<16xf32>
    %select_n3A_2651 = arith.select %eq3A_2647, %sub3A_2650, %gather3A_2644 : vector<16xi1>, vector<16xf32>
    %mul3A_2652 = arith.mulf %select_n3A_2651, %select_n3A_2651 : vector<16xf32>
    %add3A_2653 = arith.addf %add3A_2639, %mul3A_2652 : vector<16xf32>
    %mul3A_2654 = arith.constant 5.000000e+00 : f32
    %mul3A_2655 = vector.broadcast %mul3A_2654 : f32 to vector<16xf32>
    %mul3A_2656 = arith.mulf %mul3A_2655, %add3A_2470 : vector<16xf32>
    %add3A_2657 = arith.addf %mul3A_2656, %add3A_2653 : vector<16xf32>
    %jit3A_2658 = arith.constant 0.000000e+00 : f32
    %broadcast_in_dim3A_2659 = vector.broadcast %jit3A_2658 : f32 to vector<16xf32>
    %select_n3A_2660 = arith.select %and3A_2417, %add3A_2657, %broadcast_in_dim3A_2659 : vector<16xi1>, vector<16xf32>
    %add3A_2661 = arith.addf %add3A_1765, %select_n3A_2660 : vector<16xf32>
    tpu.vector_store_idx %arg7[%add3A_2433], %add3A_2372 masked %and3A_2417 : memref<169xi32, #tpu.memory_space<vmem>>[vector<16xi32>], vector<16xi32>, vector<16xi1>
    %add3A_2662 = arith.constant 16 : i32
    %add3A_2663 = vector.broadcast %add3A_2662 : i32 to vector<16xi32>
    %add3A_2664 = arith.addi %iota3A, %add3A_2663 : vector<16xi32>
    %min3A_2665 = arith.constant 19 : i32
    %min3A_2666 = vector.broadcast %min3A_2665 : i32 to vector<16xi32>
    %min3A_2667 = arith.minsi %add3A_2664, %min3A_2666 : vector<16xi32>
    %mul3A_2668 = arith.constant 5 : i32
    %mul3A_2669 = vector.broadcast %mul3A_2668 : i32 to vector<16xi32>
    %mul3A_2670 = arith.muli %min3A_2667, %mul3A_2669 : vector<16xi32>
    %add3A_2671 = arith.constant 0 : i32
    %add3A_2672 = vector.broadcast %add3A_2671 : i32 to vector<16xi32>
    %add3A_2673 = arith.addi %mul3A_2670, %add3A_2672 : vector<16xi32>
    %gather3A_2674 = tpu.vector_load_idx %arg5[%broadcast_in_dim3A_2369, %add3A_2673] : memref<4x104xf32, #tpu.memory_space<vmem>>[vector<16xi32>, vector<16xi32>], vector<16xf32>,
    %add3A_2675 = arith.constant 1 : i32
    %add3A_2676 = vector.broadcast %add3A_2675 : i32 to vector<16xi32>
    %add3A_2677 = arith.addi %mul3A_2670, %add3A_2676 : vector<16xi32>
    %gather3A_2678 = tpu.vector_load_idx %arg5[%broadcast_in_dim3A_2369, %add3A_2677] : memref<4x104xf32, #tpu.memory_space<vmem>>[vector<16xi32>, vector<16xi32>], vector<16xf32>,
    %add3A_2679 = arith.constant 2 : i32
    %add3A_2680 = vector.broadcast %add3A_2679 : i32 to vector<16xi32>
    %add3A_2681 = arith.addi %mul3A_2670, %add3A_2680 : vector<16xi32>
    %gather3A_2682 = tpu.vector_load_idx %arg5[%broadcast_in_dim3A_2369, %add3A_2681] : memref<4x104xf32, #tpu.memory_space<vmem>>[vector<16xi32>, vector<16xi32>], vector<16xf32>,
    %add3A_2683 = arith.constant 3 : i32
    %add3A_2684 = vector.broadcast %add3A_2683 : i32 to vector<16xi32>
    %add3A_2685 = arith.addi %mul3A_2670, %add3A_2684 : vector<16xi32>
    %gather3A_2686 = tpu.vector_load_idx %arg5[%broadcast_in_dim3A_2369, %add3A_2685] : memref<4x104xf32, #tpu.memory_space<vmem>>[vector<16xi32>, vector<16xi32>], vector<16xf32>,
    %add3A_2687 = arith.constant 4 : i32
    %add3A_2688 = vector.broadcast %add3A_2687 : i32 to vector<16xi32>
    %add3A_2689 = arith.addi %mul3A_2670, %add3A_2688 : vector<16xi32>
    %gather3A_2690 = tpu.vector_load_idx %arg5[%broadcast_in_dim3A_2369, %add3A_2689] : memref<4x104xf32, #tpu.memory_space<vmem>>[vector<16xi32>, vector<16xi32>], vector<16xf32>,
    %mul3A_2691 = arith.constant 1.300000e+01 : f32
    %mul3A_2692 = vector.broadcast %mul3A_2691 : f32 to vector<16xf32>
    %mul3A_2693 = arith.mulf %gather3A_2678, %mul3A_2692 : vector<16xf32>
    %convert_element_type3A_2694 = arith.fptosi %mul3A_2693 : vector<16xf32> to vector<16xi32>
    %mul3A_2695 = arith.constant 1.300000e+01 : f32
    %mul3A_2696 = vector.broadcast %mul3A_2695 : f32 to vector<16xf32>
    %mul3A_2697 = arith.mulf %gather3A_2682, %mul3A_2696 : vector<16xf32>
    %convert_element_type3A_2698 = arith.fptosi %mul3A_2697 : vector<16xf32> to vector<16xi32>
    %lt3A_2699 = arith.constant 13 : i32
    %lt3A_2700 = vector.broadcast %lt3A_2699 : i32 to vector<16xi32>
    %lt3A_2701 = arith.cmpi slt, %convert_element_type3A_2694, %lt3A_2700 : vector<16xi32>
    %lt3A_2702 = arith.constant 13 : i32
    %lt3A_2703 = vector.broadcast %lt3A_2702 : i32 to vector<16xi32>
    %lt3A_2704 = arith.cmpi slt, %convert_element_type3A_2698, %lt3A_2703 : vector<16xi32>
    %and3A_2705 = arith.andi %lt3A_2701, %lt3A_2704 : vector<16xi1>
    %lt3A_2706 = arith.constant 20 : i32
    %lt3A_2707 = vector.broadcast %lt3A_2706 : i32 to vector<16xi32>
    %lt3A_2708 = arith.cmpi slt, %add3A_2664, %lt3A_2707 : vector<16xi32>
    %and3A_2709 = arith.andi %and3A_2705, %lt3A_2708 : vector<16xi1>
    %jit3A_2710 = arith.constant 0 : i32
    %jit3A_2711 = arith.constant 12 : i32
    %max3A_2712 = vector.broadcast %jit3A_2710 : i32 to vector<16xi32>
    %max3A_2713 = arith.maxsi %max3A_2712, %convert_element_type3A_2694 : vector<16xi32>
    %min3A_2714 = vector.broadcast %jit3A_2711 : i32 to vector<16xi32>
    %min3A_2715 = arith.minsi %min3A_2714, %max3A_2713 : vector<16xi32>
    %jit3A_2716 = arith.constant 0 : i32
    %jit3A_2717 = arith.constant 12 : i32
    %max3A_2718 = vector.broadcast %jit3A_2716 : i32 to vector<16xi32>
    %max3A_2719 = arith.maxsi %max3A_2718, %convert_element_type3A_2698 : vector<16xi32>
    %min3A_2720 = vector.broadcast %jit3A_2717 : i32 to vector<16xi32>
    %min3A_2721 = arith.minsi %min3A_2720, %max3A_2719 : vector<16xi32>
    %mul3A_2722 = arith.constant 13 : i32
    %mul3A_2723 = vector.broadcast %mul3A_2722 : i32 to vector<16xi32>
    %mul3A_2724 = arith.muli %min3A_2721, %mul3A_2723 : vector<16xi32>
    %add3A_2725 = arith.addi %mul3A_2724, %min3A_2715 : vector<16xi32>
    %shift_right_logical3A_2726 = arith.constant 7 : i32
    %shift_right_logical3A_2727 = vector.broadcast %shift_right_logical3A_2726 : i32 to vector<16xi32>
    %shift_right_logical3A_2728 = arith.shrui %add3A_2725, %shift_right_logical3A_2727 : vector<16xi32>
    %and3A_2729 = arith.constant 127 : i32
    %and3A_2730 = vector.broadcast %and3A_2729 : i32 to vector<16xi32>
    %and3A_2731 = arith.andi %add3A_2725, %and3A_2730 : vector<16xi32>
    %broadcast_in_dim3A_2732 = arith.constant 0 : i32
    %broadcast_in_dim3A_2733 = vector.broadcast %broadcast_in_dim3A_2732 : i32 to vector<16xi32>
    %broadcast_in_dim3A_2734 = arith.constant 1 : i32
    %broadcast_in_dim3A_2735 = vector.broadcast %broadcast_in_dim3A_2734 : i32 to vector<16xi32>
    %gather3A_2736 = tpu.vector_load_idx %arg6[%broadcast_in_dim3A_2369, %broadcast_in_dim3A_2733, %shift_right_logical3A_2728, %broadcast_in_dim3A_2735, %and3A_2731] : memref<4x3x2x8x128xf32, #tpu.memory_space<vmem>>[vector<16xi32>, vector<16xi32>, vector<16xi32>, vector<16xi32>, vector<16xi32>], vector<16xf32>,
    %sub3A_2737 = arith.subf %gather3A_2736, %gather3A_2678 : vector<16xf32>
    %broadcast_in_dim3A_2738 = arith.constant 0 : i32
    %broadcast_in_dim3A_2739 = vector.broadcast %broadcast_in_dim3A_2738 : i32 to vector<16xi32>
    %broadcast_in_dim3A_2740 = arith.constant 2 : i32
    %broadcast_in_dim3A_2741 = vector.broadcast %broadcast_in_dim3A_2740 : i32 to vector<16xi32>
    %gather3A_2742 = tpu.vector_load_idx %arg6[%broadcast_in_dim3A_2369, %broadcast_in_dim3A_2739, %shift_right_logical3A_2728, %broadcast_in_dim3A_2741, %and3A_2731] : memref<4x3x2x8x128xf32, #tpu.memory_space<vmem>>[vector<16xi32>, vector<16xi32>, vector<16xi32>, vector<16xi32>, vector<16xi32>], vector<16xf32>,
    %sub3A_2743 = arith.subf %gather3A_2742, %gather3A_2682 : vector<16xf32>
    %broadcast_in_dim3A_2744 = arith.constant 0 : i32
    %broadcast_in_dim3A_2745 = vector.broadcast %broadcast_in_dim3A_2744 : i32 to vector<16xi32>
    %broadcast_in_dim3A_2746 = arith.constant 3 : i32
    %broadcast_in_dim3A_2747 = vector.broadcast %broadcast_in_dim3A_2746 : i32 to vector<16xi32>
    %gather3A_2748 = tpu.vector_load_idx %arg6[%broadcast_in_dim3A_2369, %broadcast_in_dim3A_2745, %shift_right_logical3A_2728, %broadcast_in_dim3A_2747, %and3A_2731] : memref<4x3x2x8x128xf32, #tpu.memory_space<vmem>>[vector<16xi32>, vector<16xi32>, vector<16xi32>, vector<16xi32>, vector<16xi32>], vector<16xf32>,
    %sub3A_2749 = arith.subf %gather3A_2748, %gather3A_2686 : vector<16xf32>
    %broadcast_in_dim3A_2750 = arith.constant 0 : i32
    %broadcast_in_dim3A_2751 = vector.broadcast %broadcast_in_dim3A_2750 : i32 to vector<16xi32>
    %broadcast_in_dim3A_2752 = arith.constant 4 : i32
    %broadcast_in_dim3A_2753 = vector.broadcast %broadcast_in_dim3A_2752 : i32 to vector<16xi32>
    %gather3A_2754 = tpu.vector_load_idx %arg6[%broadcast_in_dim3A_2369, %broadcast_in_dim3A_2751, %shift_right_logical3A_2728, %broadcast_in_dim3A_2753, %and3A_2731] : memref<4x3x2x8x128xf32, #tpu.memory_space<vmem>>[vector<16xi32>, vector<16xi32>, vector<16xi32>, vector<16xi32>, vector<16xi32>], vector<16xf32>,
    %sub3A_2755 = arith.subf %gather3A_2754, %gather3A_2690 : vector<16xf32>
    %mul3A_2756 = arith.mulf %sub3A_2737, %sub3A_2737 : vector<16xf32>
    %mul3A_2757 = arith.mulf %sub3A_2743, %sub3A_2743 : vector<16xf32>
    %add3A_2758 = arith.addf %mul3A_2756, %mul3A_2757 : vector<16xf32>
    %mul3A_2759 = arith.mulf %sub3A_2749, %sub3A_2749 : vector<16xf32>
    %add3A_2760 = arith.addf %add3A_2758, %mul3A_2759 : vector<16xf32>
    %mul3A_2761 = arith.mulf %sub3A_2755, %sub3A_2755 : vector<16xf32>
    %add3A_2762 = arith.addf %add3A_2760, %mul3A_2761 : vector<16xf32>
    %convert_element_type3A_2763 = arith.fptosi %gather3A_2674 : vector<16xf32> to vector<16xi32>
    %broadcast_in_dim3A_2764 = arith.constant 0 : i32
    %broadcast_in_dim3A_2765 = vector.broadcast %broadcast_in_dim3A_2764 : i32 to vector<16xi32>
    %broadcast_in_dim3A_2766 = arith.constant 5 : i32
    %broadcast_in_dim3A_2767 = vector.broadcast %broadcast_in_dim3A_2766 : i32 to vector<16xi32>
    %gather3A_2768 = tpu.vector_load_idx %arg6[%broadcast_in_dim3A_2369, %broadcast_in_dim3A_2765, %shift_right_logical3A_2728, %broadcast_in_dim3A_2767, %and3A_2731] : memref<4x3x2x8x128xf32, #tpu.memory_space<vmem>>[vector<16xi32>, vector<16xi32>, vector<16xi32>, vector<16xi32>, vector<16xi32>], vector<16xf32>,
    %eq3A_2769 = arith.constant 0 : i32
    %eq3A_2770 = vector.broadcast %eq3A_2769 : i32 to vector<16xi32>
    %eq3A_2771 = arith.cmpi eq, %convert_element_type3A_2763, %eq3A_2770 : vector<16xi32>
    %sub3A_2772 = arith.constant 1.000000e+00 : f32
    %sub3A_2773 = vector.broadcast %sub3A_2772 : f32 to vector<16xf32>
    %sub3A_2774 = arith.subf %gather3A_2768, %sub3A_2773 : vector<16xf32>
    %select_n3A_2775 = arith.select %eq3A_2771, %sub3A_2774, %gather3A_2768 : vector<16xi1>, vector<16xf32>
    %mul3A_2776 = arith.mulf %select_n3A_2775, %select_n3A_2775 : vector<16xf32>
    %add3A_2777 = arith.addf %broadcast_in_dim3A_1, %mul3A_2776 : vector<16xf32>
    %broadcast_in_dim3A_2778 = arith.constant 0 : i32
    %broadcast_in_dim3A_2779 = vector.broadcast %broadcast_in_dim3A_2778 : i32 to vector<16xi32>
    %broadcast_in_dim3A_2780 = arith.constant 6 : i32
    %broadcast_in_dim3A_2781 = vector.broadcast %broadcast_in_dim3A_2780 : i32 to vector<16xi32>
    %gather3A_2782 = tpu.vector_load_idx %arg6[%broadcast_in_dim3A_2369, %broadcast_in_dim3A_2779, %shift_right_logical3A_2728, %broadcast_in_dim3A_2781, %and3A_2731] : memref<4x3x2x8x128xf32, #tpu.memory_space<vmem>>[vector<16xi32>, vector<16xi32>, vector<16xi32>, vector<16xi32>, vector<16xi32>], vector<16xf32>,
    %eq3A_2783 = arith.constant 1 : i32
    %eq3A_2784 = vector.broadcast %eq3A_2783 : i32 to vector<16xi32>
    %eq3A_2785 = arith.cmpi eq, %convert_element_type3A_2763, %eq3A_2784 : vector<16xi32>
    %sub3A_2786 = arith.constant 1.000000e+00 : f32
    %sub3A_2787 = vector.broadcast %sub3A_2786 : f32 to vector<16xf32>
    %sub3A_2788 = arith.subf %gather3A_2782, %sub3A_2787 : vector<16xf32>
    %select_n3A_2789 = arith.select %eq3A_2785, %sub3A_2788, %gather3A_2782 : vector<16xi1>, vector<16xf32>
    %mul3A_2790 = arith.mulf %select_n3A_2789, %select_n3A_2789 : vector<16xf32>
    %add3A_2791 = arith.addf %add3A_2777, %mul3A_2790 : vector<16xf32>
    %broadcast_in_dim3A_2792 = arith.constant 0 : i32
    %broadcast_in_dim3A_2793 = vector.broadcast %broadcast_in_dim3A_2792 : i32 to vector<16xi32>
    %broadcast_in_dim3A_2794 = arith.constant 7 : i32
    %broadcast_in_dim3A_2795 = vector.broadcast %broadcast_in_dim3A_2794 : i32 to vector<16xi32>
    %gather3A_2796 = tpu.vector_load_idx %arg6[%broadcast_in_dim3A_2369, %broadcast_in_dim3A_2793, %shift_right_logical3A_2728, %broadcast_in_dim3A_2795, %and3A_2731] : memref<4x3x2x8x128xf32, #tpu.memory_space<vmem>>[vector<16xi32>, vector<16xi32>, vector<16xi32>, vector<16xi32>, vector<16xi32>], vector<16xf32>,
    %eq3A_2797 = arith.constant 2 : i32
    %eq3A_2798 = vector.broadcast %eq3A_2797 : i32 to vector<16xi32>
    %eq3A_2799 = arith.cmpi eq, %convert_element_type3A_2763, %eq3A_2798 : vector<16xi32>
    %sub3A_2800 = arith.constant 1.000000e+00 : f32
    %sub3A_2801 = vector.broadcast %sub3A_2800 : f32 to vector<16xf32>
    %sub3A_2802 = arith.subf %gather3A_2796, %sub3A_2801 : vector<16xf32>
    %select_n3A_2803 = arith.select %eq3A_2799, %sub3A_2802, %gather3A_2796 : vector<16xi1>, vector<16xf32>
    %mul3A_2804 = arith.mulf %select_n3A_2803, %select_n3A_2803 : vector<16xf32>
    %add3A_2805 = arith.addf %add3A_2791, %mul3A_2804 : vector<16xf32>
    %broadcast_in_dim3A_2806 = arith.constant 1 : i32
    %broadcast_in_dim3A_2807 = vector.broadcast %broadcast_in_dim3A_2806 : i32 to vector<16xi32>
    %broadcast_in_dim3A_2808 = arith.constant 0 : i32
    %broadcast_in_dim3A_2809 = vector.broadcast %broadcast_in_dim3A_2808 : i32 to vector<16xi32>
    %gather3A_2810 = tpu.vector_load_idx %arg6[%broadcast_in_dim3A_2369, %broadcast_in_dim3A_2807, %shift_right_logical3A_2728, %broadcast_in_dim3A_2809, %and3A_2731] : memref<4x3x2x8x128xf32, #tpu.memory_space<vmem>>[vector<16xi32>, vector<16xi32>, vector<16xi32>, vector<16xi32>, vector<16xi32>], vector<16xf32>,
    %eq3A_2811 = arith.constant 3 : i32
    %eq3A_2812 = vector.broadcast %eq3A_2811 : i32 to vector<16xi32>
    %eq3A_2813 = arith.cmpi eq, %convert_element_type3A_2763, %eq3A_2812 : vector<16xi32>
    %sub3A_2814 = arith.constant 1.000000e+00 : f32
    %sub3A_2815 = vector.broadcast %sub3A_2814 : f32 to vector<16xf32>
    %sub3A_2816 = arith.subf %gather3A_2810, %sub3A_2815 : vector<16xf32>
    %select_n3A_2817 = arith.select %eq3A_2813, %sub3A_2816, %gather3A_2810 : vector<16xi1>, vector<16xf32>
    %mul3A_2818 = arith.mulf %select_n3A_2817, %select_n3A_2817 : vector<16xf32>
    %add3A_2819 = arith.addf %add3A_2805, %mul3A_2818 : vector<16xf32>
    %broadcast_in_dim3A_2820 = arith.constant 1 : i32
    %broadcast_in_dim3A_2821 = vector.broadcast %broadcast_in_dim3A_2820 : i32 to vector<16xi32>
    %broadcast_in_dim3A_2822 = arith.constant 1 : i32
    %broadcast_in_dim3A_2823 = vector.broadcast %broadcast_in_dim3A_2822 : i32 to vector<16xi32>
    %gather3A_2824 = tpu.vector_load_idx %arg6[%broadcast_in_dim3A_2369, %broadcast_in_dim3A_2821, %shift_right_logical3A_2728, %broadcast_in_dim3A_2823, %and3A_2731] : memref<4x3x2x8x128xf32, #tpu.memory_space<vmem>>[vector<16xi32>, vector<16xi32>, vector<16xi32>, vector<16xi32>, vector<16xi32>], vector<16xf32>,
    %eq3A_2825 = arith.constant 4 : i32
    %eq3A_2826 = vector.broadcast %eq3A_2825 : i32 to vector<16xi32>
    %eq3A_2827 = arith.cmpi eq, %convert_element_type3A_2763, %eq3A_2826 : vector<16xi32>
    %sub3A_2828 = arith.constant 1.000000e+00 : f32
    %sub3A_2829 = vector.broadcast %sub3A_2828 : f32 to vector<16xf32>
    %sub3A_2830 = arith.subf %gather3A_2824, %sub3A_2829 : vector<16xf32>
    %select_n3A_2831 = arith.select %eq3A_2827, %sub3A_2830, %gather3A_2824 : vector<16xi1>, vector<16xf32>
    %mul3A_2832 = arith.mulf %select_n3A_2831, %select_n3A_2831 : vector<16xf32>
    %add3A_2833 = arith.addf %add3A_2819, %mul3A_2832 : vector<16xf32>
    %broadcast_in_dim3A_2834 = arith.constant 1 : i32
    %broadcast_in_dim3A_2835 = vector.broadcast %broadcast_in_dim3A_2834 : i32 to vector<16xi32>
    %broadcast_in_dim3A_2836 = arith.constant 2 : i32
    %broadcast_in_dim3A_2837 = vector.broadcast %broadcast_in_dim3A_2836 : i32 to vector<16xi32>
    %gather3A_2838 = tpu.vector_load_idx %arg6[%broadcast_in_dim3A_2369, %broadcast_in_dim3A_2835, %shift_right_logical3A_2728, %broadcast_in_dim3A_2837, %and3A_2731] : memref<4x3x2x8x128xf32, #tpu.memory_space<vmem>>[vector<16xi32>, vector<16xi32>, vector<16xi32>, vector<16xi32>, vector<16xi32>], vector<16xf32>,
    %eq3A_2839 = arith.constant 5 : i32
    %eq3A_2840 = vector.broadcast %eq3A_2839 : i32 to vector<16xi32>
    %eq3A_2841 = arith.cmpi eq, %convert_element_type3A_2763, %eq3A_2840 : vector<16xi32>
    %sub3A_2842 = arith.constant 1.000000e+00 : f32
    %sub3A_2843 = vector.broadcast %sub3A_2842 : f32 to vector<16xf32>
    %sub3A_2844 = arith.subf %gather3A_2838, %sub3A_2843 : vector<16xf32>
    %select_n3A_2845 = arith.select %eq3A_2841, %sub3A_2844, %gather3A_2838 : vector<16xi1>, vector<16xf32>
    %mul3A_2846 = arith.mulf %select_n3A_2845, %select_n3A_2845 : vector<16xf32>
    %add3A_2847 = arith.addf %add3A_2833, %mul3A_2846 : vector<16xf32>
    %broadcast_in_dim3A_2848 = arith.constant 1 : i32
    %broadcast_in_dim3A_2849 = vector.broadcast %broadcast_in_dim3A_2848 : i32 to vector<16xi32>
    %broadcast_in_dim3A_2850 = arith.constant 3 : i32
    %broadcast_in_dim3A_2851 = vector.broadcast %broadcast_in_dim3A_2850 : i32 to vector<16xi32>
    %gather3A_2852 = tpu.vector_load_idx %arg6[%broadcast_in_dim3A_2369, %broadcast_in_dim3A_2849, %shift_right_logical3A_2728, %broadcast_in_dim3A_2851, %and3A_2731] : memref<4x3x2x8x128xf32, #tpu.memory_space<vmem>>[vector<16xi32>, vector<16xi32>, vector<16xi32>, vector<16xi32>, vector<16xi32>], vector<16xf32>,
    %eq3A_2853 = arith.constant 6 : i32
    %eq3A_2854 = vector.broadcast %eq3A_2853 : i32 to vector<16xi32>
    %eq3A_2855 = arith.cmpi eq, %convert_element_type3A_2763, %eq3A_2854 : vector<16xi32>
    %sub3A_2856 = arith.constant 1.000000e+00 : f32
    %sub3A_2857 = vector.broadcast %sub3A_2856 : f32 to vector<16xf32>
    %sub3A_2858 = arith.subf %gather3A_2852, %sub3A_2857 : vector<16xf32>
    %select_n3A_2859 = arith.select %eq3A_2855, %sub3A_2858, %gather3A_2852 : vector<16xi1>, vector<16xf32>
    %mul3A_2860 = arith.mulf %select_n3A_2859, %select_n3A_2859 : vector<16xf32>
    %add3A_2861 = arith.addf %add3A_2847, %mul3A_2860 : vector<16xf32>
    %broadcast_in_dim3A_2862 = arith.constant 1 : i32
    %broadcast_in_dim3A_2863 = vector.broadcast %broadcast_in_dim3A_2862 : i32 to vector<16xi32>
    %broadcast_in_dim3A_2864 = arith.constant 4 : i32
    %broadcast_in_dim3A_2865 = vector.broadcast %broadcast_in_dim3A_2864 : i32 to vector<16xi32>
    %gather3A_2866 = tpu.vector_load_idx %arg6[%broadcast_in_dim3A_2369, %broadcast_in_dim3A_2863, %shift_right_logical3A_2728, %broadcast_in_dim3A_2865, %and3A_2731] : memref<4x3x2x8x128xf32, #tpu.memory_space<vmem>>[vector<16xi32>, vector<16xi32>, vector<16xi32>, vector<16xi32>, vector<16xi32>], vector<16xf32>,
    %eq3A_2867 = arith.constant 7 : i32
    %eq3A_2868 = vector.broadcast %eq3A_2867 : i32 to vector<16xi32>
    %eq3A_2869 = arith.cmpi eq, %convert_element_type3A_2763, %eq3A_2868 : vector<16xi32>
    %sub3A_2870 = arith.constant 1.000000e+00 : f32
    %sub3A_2871 = vector.broadcast %sub3A_2870 : f32 to vector<16xf32>
    %sub3A_2872 = arith.subf %gather3A_2866, %sub3A_2871 : vector<16xf32>
    %select_n3A_2873 = arith.select %eq3A_2869, %sub3A_2872, %gather3A_2866 : vector<16xi1>, vector<16xf32>
    %mul3A_2874 = arith.mulf %select_n3A_2873, %select_n3A_2873 : vector<16xf32>
    %add3A_2875 = arith.addf %add3A_2861, %mul3A_2874 : vector<16xf32>
    %broadcast_in_dim3A_2876 = arith.constant 1 : i32
    %broadcast_in_dim3A_2877 = vector.broadcast %broadcast_in_dim3A_2876 : i32 to vector<16xi32>
    %broadcast_in_dim3A_2878 = arith.constant 5 : i32
    %broadcast_in_dim3A_2879 = vector.broadcast %broadcast_in_dim3A_2878 : i32 to vector<16xi32>
    %gather3A_2880 = tpu.vector_load_idx %arg6[%broadcast_in_dim3A_2369, %broadcast_in_dim3A_2877, %shift_right_logical3A_2728, %broadcast_in_dim3A_2879, %and3A_2731] : memref<4x3x2x8x128xf32, #tpu.memory_space<vmem>>[vector<16xi32>, vector<16xi32>, vector<16xi32>, vector<16xi32>, vector<16xi32>], vector<16xf32>,
    %eq3A_2881 = arith.constant 8 : i32
    %eq3A_2882 = vector.broadcast %eq3A_2881 : i32 to vector<16xi32>
    %eq3A_2883 = arith.cmpi eq, %convert_element_type3A_2763, %eq3A_2882 : vector<16xi32>
    %sub3A_2884 = arith.constant 1.000000e+00 : f32
    %sub3A_2885 = vector.broadcast %sub3A_2884 : f32 to vector<16xf32>
    %sub3A_2886 = arith.subf %gather3A_2880, %sub3A_2885 : vector<16xf32>
    %select_n3A_2887 = arith.select %eq3A_2883, %sub3A_2886, %gather3A_2880 : vector<16xi1>, vector<16xf32>
    %mul3A_2888 = arith.mulf %select_n3A_2887, %select_n3A_2887 : vector<16xf32>
    %add3A_2889 = arith.addf %add3A_2875, %mul3A_2888 : vector<16xf32>
    %broadcast_in_dim3A_2890 = arith.constant 1 : i32
    %broadcast_in_dim3A_2891 = vector.broadcast %broadcast_in_dim3A_2890 : i32 to vector<16xi32>
    %broadcast_in_dim3A_2892 = arith.constant 6 : i32
    %broadcast_in_dim3A_2893 = vector.broadcast %broadcast_in_dim3A_2892 : i32 to vector<16xi32>
    %gather3A_2894 = tpu.vector_load_idx %arg6[%broadcast_in_dim3A_2369, %broadcast_in_dim3A_2891, %shift_right_logical3A_2728, %broadcast_in_dim3A_2893, %and3A_2731] : memref<4x3x2x8x128xf32, #tpu.memory_space<vmem>>[vector<16xi32>, vector<16xi32>, vector<16xi32>, vector<16xi32>, vector<16xi32>], vector<16xf32>,
    %eq3A_2895 = arith.constant 9 : i32
    %eq3A_2896 = vector.broadcast %eq3A_2895 : i32 to vector<16xi32>
    %eq3A_2897 = arith.cmpi eq, %convert_element_type3A_2763, %eq3A_2896 : vector<16xi32>
    %sub3A_2898 = arith.constant 1.000000e+00 : f32
    %sub3A_2899 = vector.broadcast %sub3A_2898 : f32 to vector<16xf32>
    %sub3A_2900 = arith.subf %gather3A_2894, %sub3A_2899 : vector<16xf32>
    %select_n3A_2901 = arith.select %eq3A_2897, %sub3A_2900, %gather3A_2894 : vector<16xi1>, vector<16xf32>
    %mul3A_2902 = arith.mulf %select_n3A_2901, %select_n3A_2901 : vector<16xf32>
    %add3A_2903 = arith.addf %add3A_2889, %mul3A_2902 : vector<16xf32>
    %broadcast_in_dim3A_2904 = arith.constant 1 : i32
    %broadcast_in_dim3A_2905 = vector.broadcast %broadcast_in_dim3A_2904 : i32 to vector<16xi32>
    %broadcast_in_dim3A_2906 = arith.constant 7 : i32
    %broadcast_in_dim3A_2907 = vector.broadcast %broadcast_in_dim3A_2906 : i32 to vector<16xi32>
    %gather3A_2908 = tpu.vector_load_idx %arg6[%broadcast_in_dim3A_2369, %broadcast_in_dim3A_2905, %shift_right_logical3A_2728, %broadcast_in_dim3A_2907, %and3A_2731] : memref<4x3x2x8x128xf32, #tpu.memory_space<vmem>>[vector<16xi32>, vector<16xi32>, vector<16xi32>, vector<16xi32>, vector<16xi32>], vector<16xf32>,
    %eq3A_2909 = arith.constant 10 : i32
    %eq3A_2910 = vector.broadcast %eq3A_2909 : i32 to vector<16xi32>
    %eq3A_2911 = arith.cmpi eq, %convert_element_type3A_2763, %eq3A_2910 : vector<16xi32>
    %sub3A_2912 = arith.constant 1.000000e+00 : f32
    %sub3A_2913 = vector.broadcast %sub3A_2912 : f32 to vector<16xf32>
    %sub3A_2914 = arith.subf %gather3A_2908, %sub3A_2913 : vector<16xf32>
    %select_n3A_2915 = arith.select %eq3A_2911, %sub3A_2914, %gather3A_2908 : vector<16xi1>, vector<16xf32>
    %mul3A_2916 = arith.mulf %select_n3A_2915, %select_n3A_2915 : vector<16xf32>
    %add3A_2917 = arith.addf %add3A_2903, %mul3A_2916 : vector<16xf32>
    %broadcast_in_dim3A_2918 = arith.constant 2 : i32
    %broadcast_in_dim3A_2919 = vector.broadcast %broadcast_in_dim3A_2918 : i32 to vector<16xi32>
    %broadcast_in_dim3A_2920 = arith.constant 0 : i32
    %broadcast_in_dim3A_2921 = vector.broadcast %broadcast_in_dim3A_2920 : i32 to vector<16xi32>
    %gather3A_2922 = tpu.vector_load_idx %arg6[%broadcast_in_dim3A_2369, %broadcast_in_dim3A_2919, %shift_right_logical3A_2728, %broadcast_in_dim3A_2921, %and3A_2731] : memref<4x3x2x8x128xf32, #tpu.memory_space<vmem>>[vector<16xi32>, vector<16xi32>, vector<16xi32>, vector<16xi32>, vector<16xi32>], vector<16xf32>,
    %eq3A_2923 = arith.constant 11 : i32
    %eq3A_2924 = vector.broadcast %eq3A_2923 : i32 to vector<16xi32>
    %eq3A_2925 = arith.cmpi eq, %convert_element_type3A_2763, %eq3A_2924 : vector<16xi32>
    %sub3A_2926 = arith.constant 1.000000e+00 : f32
    %sub3A_2927 = vector.broadcast %sub3A_2926 : f32 to vector<16xf32>
    %sub3A_2928 = arith.subf %gather3A_2922, %sub3A_2927 : vector<16xf32>
    %select_n3A_2929 = arith.select %eq3A_2925, %sub3A_2928, %gather3A_2922 : vector<16xi1>, vector<16xf32>
    %mul3A_2930 = arith.mulf %select_n3A_2929, %select_n3A_2929 : vector<16xf32>
    %add3A_2931 = arith.addf %add3A_2917, %mul3A_2930 : vector<16xf32>
    %broadcast_in_dim3A_2932 = arith.constant 2 : i32
    %broadcast_in_dim3A_2933 = vector.broadcast %broadcast_in_dim3A_2932 : i32 to vector<16xi32>
    %broadcast_in_dim3A_2934 = arith.constant 1 : i32
    %broadcast_in_dim3A_2935 = vector.broadcast %broadcast_in_dim3A_2934 : i32 to vector<16xi32>
    %gather3A_2936 = tpu.vector_load_idx %arg6[%broadcast_in_dim3A_2369, %broadcast_in_dim3A_2933, %shift_right_logical3A_2728, %broadcast_in_dim3A_2935, %and3A_2731] : memref<4x3x2x8x128xf32, #tpu.memory_space<vmem>>[vector<16xi32>, vector<16xi32>, vector<16xi32>, vector<16xi32>, vector<16xi32>], vector<16xf32>,
    %eq3A_2937 = arith.constant 12 : i32
    %eq3A_2938 = vector.broadcast %eq3A_2937 : i32 to vector<16xi32>
    %eq3A_2939 = arith.cmpi eq, %convert_element_type3A_2763, %eq3A_2938 : vector<16xi32>
    %sub3A_2940 = arith.constant 1.000000e+00 : f32
    %sub3A_2941 = vector.broadcast %sub3A_2940 : f32 to vector<16xf32>
    %sub3A_2942 = arith.subf %gather3A_2936, %sub3A_2941 : vector<16xf32>
    %select_n3A_2943 = arith.select %eq3A_2939, %sub3A_2942, %gather3A_2936 : vector<16xi1>, vector<16xf32>
    %mul3A_2944 = arith.mulf %select_n3A_2943, %select_n3A_2943 : vector<16xf32>
    %add3A_2945 = arith.addf %add3A_2931, %mul3A_2944 : vector<16xf32>
    %mul3A_2946 = arith.constant 5.000000e+00 : f32
    %mul3A_2947 = vector.broadcast %mul3A_2946 : f32 to vector<16xf32>
    %mul3A_2948 = arith.mulf %mul3A_2947, %add3A_2762 : vector<16xf32>
    %add3A_2949 = arith.addf %mul3A_2948, %add3A_2945 : vector<16xf32>
    %jit3A_2950 = arith.constant 0.000000e+00 : f32
    %broadcast_in_dim3A_2951 = vector.broadcast %jit3A_2950 : f32 to vector<16xf32>
    %select_n3A_2952 = arith.select %and3A_2709, %add3A_2949, %broadcast_in_dim3A_2951 : vector<16xi1>, vector<16xf32>
    %add3A_2953 = arith.addf %add3A_2661, %select_n3A_2952 : vector<16xf32>
    tpu.vector_store_idx %arg7[%add3A_2725], %add3A_2664 masked %and3A_2709 : memref<169xi32, #tpu.memory_space<vmem>>[vector<16xi32>], vector<16xi32>, vector<16xi1>
    %gather3A_2954 = tpu.vector_load_idx %arg7[%add3A_2433] : memref<169xi32, #tpu.memory_space<vmem>>[vector<16xi32>], vector<16xi32>,
    %eq3A_2955 = arith.cmpi eq, %gather3A_2954, %add3A_2372 : vector<16xi32>
    %and3A_2956 = arith.andi %and3A_2417, %eq3A_2955 : vector<16xi1>
    %broadcast_in_dim3A_2957 = arith.constant 0 : i32
    %broadcast_in_dim3A_2958 = vector.broadcast %broadcast_in_dim3A_2957 : i32 to vector<16xi32>
    %broadcast_in_dim3A_2959 = arith.constant 0 : i32
    %broadcast_in_dim3A_2960 = vector.broadcast %broadcast_in_dim3A_2959 : i32 to vector<16xi32>
    %gather3A_2961 = tpu.vector_load_idx %arg6[%broadcast_in_dim3A_2369, %broadcast_in_dim3A_2958, %shift_right_logical3A_2436, %broadcast_in_dim3A_2960, %and3A_2439] : memref<4x3x2x8x128xf32, #tpu.memory_space<vmem>>[vector<16xi32>, vector<16xi32>, vector<16xi32>, vector<16xi32>, vector<16xi32>], vector<16xf32>,
    %mul3A_2962 = arith.mulf %gather3A_2961, %gather3A_2961 : vector<16xf32>
    %jit3A_2963 = arith.constant 0.000000e+00 : f32
    %broadcast_in_dim3A_2964 = vector.broadcast %jit3A_2963 : f32 to vector<16xf32>
    %select_n3A_2965 = arith.select %and3A_2956, %mul3A_2962, %broadcast_in_dim3A_2964 : vector<16xi1>, vector<16xf32>
    %sub3A_2966 = arith.subf %add3A_2367, %select_n3A_2965 : vector<16xf32>
    %gather3A_2967 = tpu.vector_load_idx %arg7[%add3A_2725] : memref<169xi32, #tpu.memory_space<vmem>>[vector<16xi32>], vector<16xi32>,
    %eq3A_2968 = arith.cmpi eq, %gather3A_2967, %add3A_2664 : vector<16xi32>
    %and3A_2969 = arith.andi %and3A_2709, %eq3A_2968 : vector<16xi1>
    %broadcast_in_dim3A_2970 = arith.constant 0 : i32
    %broadcast_in_dim3A_2971 = vector.broadcast %broadcast_in_dim3A_2970 : i32 to vector<16xi32>
    %broadcast_in_dim3A_2972 = arith.constant 0 : i32
    %broadcast_in_dim3A_2973 = vector.broadcast %broadcast_in_dim3A_2972 : i32 to vector<16xi32>
    %gather3A_2974 = tpu.vector_load_idx %arg6[%broadcast_in_dim3A_2369, %broadcast_in_dim3A_2971, %shift_right_logical3A_2728, %broadcast_in_dim3A_2973, %and3A_2731] : memref<4x3x2x8x128xf32, #tpu.memory_space<vmem>>[vector<16xi32>, vector<16xi32>, vector<16xi32>, vector<16xi32>, vector<16xi32>], vector<16xf32>,
    %mul3A_2975 = arith.mulf %gather3A_2974, %gather3A_2974 : vector<16xf32>
    %jit3A_2976 = arith.constant 0.000000e+00 : f32
    %broadcast_in_dim3A_2977 = vector.broadcast %jit3A_2976 : f32 to vector<16xf32>
    %select_n3A_2978 = arith.select %and3A_2969, %mul3A_2975, %broadcast_in_dim3A_2977 : vector<16xi1>, vector<16xf32>
    %sub3A_2979 = arith.subf %sub3A_2966, %select_n3A_2978 : vector<16xf32>
    %get3A_2980 = arith.constant 2 : i32
    %get3A_2981 = arith.constant 0 : i32
    %get3A_2982 = arith.constant 0 : i32
    %get3A_2983 = arith.constant 0 : i32
    %get3A_2984 = arith.index_cast %get3A_2980 : i32 to index
    %get3A_2985 = arith.index_cast %get3A_2981 : i32 to index
    %get3A_2986 = arith.index_cast %get3A_2982 : i32 to index
    %get3A_2987 = arith.index_cast %get3A_2983 : i32 to index
    %get3A_2988 = arith.constant 0 : index
    %get3A_2989 = tpu.vector_load %arg6[%get3A_2984, %get3A_2985, %get3A_2986, %get3A_2987, %get3A_2988] {strides = array<i32>} : memref<4x3x2x8x128xf32, #tpu.memory_space<vmem>>, vector<16xf32>,
    %mul3A_2990 = arith.mulf %get3A_2989, %get3A_2989 : vector<16xf32>
    %add3A_2991 = arith.addf %sub3A_2979, %mul3A_2990 : vector<16xf32>
    %get3A_2992 = arith.constant 2 : i32
    %get3A_2993 = arith.constant 0 : i32
    %get3A_2994 = arith.constant 0 : i32
    %get3A_2995 = arith.constant 0 : i32
    %get3A_2996 = arith.index_cast %get3A_2992 : i32 to index
    %get3A_2997 = arith.index_cast %get3A_2993 : i32 to index
    %get3A_2998 = arith.index_cast %get3A_2994 : i32 to index
    %get3A_2999 = arith.index_cast %get3A_2995 : i32 to index
    %get3A_3000 = arith.constant 16 : index
    %get3A_3001 = tpu.vector_load %arg6[%get3A_2996, %get3A_2997, %get3A_2998, %get3A_2999, %get3A_3000] {strides = array<i32>} : memref<4x3x2x8x128xf32, #tpu.memory_space<vmem>>, vector<16xf32>,
    %mul3A_3002 = arith.mulf %get3A_3001, %get3A_3001 : vector<16xf32>
    %add3A_3003 = arith.addf %add3A_2991, %mul3A_3002 : vector<16xf32>
    %get3A_3004 = arith.constant 2 : i32
    %get3A_3005 = arith.constant 0 : i32
    %get3A_3006 = arith.constant 0 : i32
    %get3A_3007 = arith.constant 0 : i32
    %get3A_3008 = arith.index_cast %get3A_3004 : i32 to index
    %get3A_3009 = arith.index_cast %get3A_3005 : i32 to index
    %get3A_3010 = arith.index_cast %get3A_3006 : i32 to index
    %get3A_3011 = arith.index_cast %get3A_3007 : i32 to index
    %get3A_3012 = arith.constant 32 : index
    %get3A_3013 = tpu.vector_load %arg6[%get3A_3008, %get3A_3009, %get3A_3010, %get3A_3011, %get3A_3012] {strides = array<i32>} : memref<4x3x2x8x128xf32, #tpu.memory_space<vmem>>, vector<16xf32>,
    %mul3A_3014 = arith.mulf %get3A_3013, %get3A_3013 : vector<16xf32>
    %add3A_3015 = arith.addf %add3A_3003, %mul3A_3014 : vector<16xf32>
    %get3A_3016 = arith.constant 2 : i32
    %get3A_3017 = arith.constant 0 : i32
    %get3A_3018 = arith.constant 0 : i32
    %get3A_3019 = arith.constant 0 : i32
    %get3A_3020 = arith.index_cast %get3A_3016 : i32 to index
    %get3A_3021 = arith.index_cast %get3A_3017 : i32 to index
    %get3A_3022 = arith.index_cast %get3A_3018 : i32 to index
    %get3A_3023 = arith.index_cast %get3A_3019 : i32 to index
    %get3A_3024 = arith.constant 48 : index
    %get3A_3025 = tpu.vector_load %arg6[%get3A_3020, %get3A_3021, %get3A_3022, %get3A_3023, %get3A_3024] {strides = array<i32>} : memref<4x3x2x8x128xf32, #tpu.memory_space<vmem>>, vector<16xf32>,
    %mul3A_3026 = arith.mulf %get3A_3025, %get3A_3025 : vector<16xf32>
    %add3A_3027 = arith.addf %add3A_3015, %mul3A_3026 : vector<16xf32>
    %get3A_3028 = arith.constant 2 : i32
    %get3A_3029 = arith.constant 0 : i32
    %get3A_3030 = arith.constant 0 : i32
    %get3A_3031 = arith.constant 0 : i32
    %get3A_3032 = arith.index_cast %get3A_3028 : i32 to index
    %get3A_3033 = arith.index_cast %get3A_3029 : i32 to index
    %get3A_3034 = arith.index_cast %get3A_3030 : i32 to index
    %get3A_3035 = arith.index_cast %get3A_3031 : i32 to index
    %get3A_3036 = arith.constant 64 : index
    %get3A_3037 = tpu.vector_load %arg6[%get3A_3032, %get3A_3033, %get3A_3034, %get3A_3035, %get3A_3036] {strides = array<i32>} : memref<4x3x2x8x128xf32, #tpu.memory_space<vmem>>, vector<16xf32>,
    %mul3A_3038 = arith.mulf %get3A_3037, %get3A_3037 : vector<16xf32>
    %add3A_3039 = arith.addf %add3A_3027, %mul3A_3038 : vector<16xf32>
    %get3A_3040 = arith.constant 2 : i32
    %get3A_3041 = arith.constant 0 : i32
    %get3A_3042 = arith.constant 0 : i32
    %get3A_3043 = arith.constant 0 : i32
    %get3A_3044 = arith.index_cast %get3A_3040 : i32 to index
    %get3A_3045 = arith.index_cast %get3A_3041 : i32 to index
    %get3A_3046 = arith.index_cast %get3A_3042 : i32 to index
    %get3A_3047 = arith.index_cast %get3A_3043 : i32 to index
    %get3A_3048 = arith.constant 80 : index
    %get3A_3049 = tpu.vector_load %arg6[%get3A_3044, %get3A_3045, %get3A_3046, %get3A_3047, %get3A_3048] {strides = array<i32>} : memref<4x3x2x8x128xf32, #tpu.memory_space<vmem>>, vector<16xf32>,
    %mul3A_3050 = arith.mulf %get3A_3049, %get3A_3049 : vector<16xf32>
    %add3A_3051 = arith.addf %add3A_3039, %mul3A_3050 : vector<16xf32>
    %get3A_3052 = arith.constant 2 : i32
    %get3A_3053 = arith.constant 0 : i32
    %get3A_3054 = arith.constant 0 : i32
    %get3A_3055 = arith.constant 0 : i32
    %get3A_3056 = arith.index_cast %get3A_3052 : i32 to index
    %get3A_3057 = arith.index_cast %get3A_3053 : i32 to index
    %get3A_3058 = arith.index_cast %get3A_3054 : i32 to index
    %get3A_3059 = arith.index_cast %get3A_3055 : i32 to index
    %get3A_3060 = arith.constant 96 : index
    %get3A_3061 = tpu.vector_load %arg6[%get3A_3056, %get3A_3057, %get3A_3058, %get3A_3059, %get3A_3060] {strides = array<i32>} : memref<4x3x2x8x128xf32, #tpu.memory_space<vmem>>, vector<16xf32>,
    %mul3A_3062 = arith.mulf %get3A_3061, %get3A_3061 : vector<16xf32>
    %add3A_3063 = arith.addf %add3A_3051, %mul3A_3062 : vector<16xf32>
    %get3A_3064 = arith.constant 2 : i32
    %get3A_3065 = arith.constant 0 : i32
    %get3A_3066 = arith.constant 0 : i32
    %get3A_3067 = arith.constant 0 : i32
    %get3A_3068 = arith.index_cast %get3A_3064 : i32 to index
    %get3A_3069 = arith.index_cast %get3A_3065 : i32 to index
    %get3A_3070 = arith.index_cast %get3A_3066 : i32 to index
    %get3A_3071 = arith.index_cast %get3A_3067 : i32 to index
    %get3A_3072 = arith.constant 112 : index
    %get3A_3073 = tpu.vector_load %arg6[%get3A_3068, %get3A_3069, %get3A_3070, %get3A_3071, %get3A_3072] {strides = array<i32>} : memref<4x3x2x8x128xf32, #tpu.memory_space<vmem>>, vector<16xf32>,
    %mul3A_3074 = arith.mulf %get3A_3073, %get3A_3073 : vector<16xf32>
    %add3A_3075 = arith.addf %add3A_3063, %mul3A_3074 : vector<16xf32>
    %get3A_3076 = arith.constant 2 : i32
    %get3A_3077 = arith.constant 0 : i32
    %get3A_3078 = arith.constant 1 : i32
    %get3A_3079 = arith.constant 0 : i32
    %get3A_3080 = arith.index_cast %get3A_3076 : i32 to index
    %get3A_3081 = arith.index_cast %get3A_3077 : i32 to index
    %get3A_3082 = arith.index_cast %get3A_3078 : i32 to index
    %get3A_3083 = arith.index_cast %get3A_3079 : i32 to index
    %get3A_3084 = arith.constant 0 : index
    %get3A_3085 = tpu.vector_load %arg6[%get3A_3080, %get3A_3081, %get3A_3082, %get3A_3083, %get3A_3084] {strides = array<i32>} : memref<4x3x2x8x128xf32, #tpu.memory_space<vmem>>, vector<16xf32>,
    %mul3A_3086 = arith.mulf %get3A_3085, %get3A_3085 : vector<16xf32>
    %add3A_3087 = arith.addf %add3A_3075, %mul3A_3086 : vector<16xf32>
    %get3A_3088 = arith.constant 2 : i32
    %get3A_3089 = arith.constant 0 : i32
    %get3A_3090 = arith.constant 1 : i32
    %get3A_3091 = arith.constant 0 : i32
    %get3A_3092 = arith.index_cast %get3A_3088 : i32 to index
    %get3A_3093 = arith.index_cast %get3A_3089 : i32 to index
    %get3A_3094 = arith.index_cast %get3A_3090 : i32 to index
    %get3A_3095 = arith.index_cast %get3A_3091 : i32 to index
    %get3A_3096 = arith.constant 16 : index
    %get3A_3097 = tpu.vector_load %arg6[%get3A_3092, %get3A_3093, %get3A_3094, %get3A_3095, %get3A_3096] {strides = array<i32>} : memref<4x3x2x8x128xf32, #tpu.memory_space<vmem>>, vector<16xf32>,
    %mul3A_3098 = arith.mulf %get3A_3097, %get3A_3097 : vector<16xf32>
    %add3A_3099 = arith.addf %add3A_3087, %mul3A_3098 : vector<16xf32>
    %get3A_3100 = arith.constant 2 : i32
    %get3A_3101 = arith.constant 0 : i32
    %get3A_3102 = arith.constant 1 : i32
    %get3A_3103 = arith.constant 0 : i32
    %get3A_3104 = arith.index_cast %get3A_3100 : i32 to index
    %get3A_3105 = arith.index_cast %get3A_3101 : i32 to index
    %get3A_3106 = arith.index_cast %get3A_3102 : i32 to index
    %get3A_3107 = arith.index_cast %get3A_3103 : i32 to index
    %get3A_3108 = arith.constant 32 : index
    %get3A_3109 = tpu.vector_load %arg6[%get3A_3104, %get3A_3105, %get3A_3106, %get3A_3107, %get3A_3108] {strides = array<i32>} : memref<4x3x2x8x128xf32, #tpu.memory_space<vmem>>, vector<16xf32>,
    %mul3A_3110 = arith.mulf %get3A_3109, %get3A_3109 : vector<16xf32>
    %add3A_3111 = arith.addf %add3A_3099, %mul3A_3110 : vector<16xf32>
    %get3A_3112 = arith.constant 2 : i32
    %get3A_3113 = arith.constant 0 : i32
    %get3A_3114 = arith.constant 1 : i32
    %get3A_3115 = arith.constant 0 : i32
    %get3A_3116 = arith.index_cast %get3A_3112 : i32 to index
    %get3A_3117 = arith.index_cast %get3A_3113 : i32 to index
    %get3A_3118 = arith.index_cast %get3A_3114 : i32 to index
    %get3A_3119 = arith.index_cast %get3A_3115 : i32 to index
    %get3A_3120 = arith.constant 48 : index
    %get3A_3121 = tpu.vector_load %arg6[%get3A_3116, %get3A_3117, %get3A_3118, %get3A_3119, %get3A_3120] {strides = array<i32>} : memref<4x3x2x8x128xf32, #tpu.memory_space<vmem>>, vector<16xf32>,
    %mul3A_3122 = arith.mulf %get3A_3121, %get3A_3121 : vector<16xf32>
    %add3A_3123 = arith.addf %add3A_3111, %mul3A_3122 : vector<16xf32>
    %get3A_3124 = arith.constant 2 : i32
    %get3A_3125 = arith.constant 0 : i32
    %get3A_3126 = arith.constant 1 : i32
    %get3A_3127 = arith.constant 0 : i32
    %get3A_3128 = arith.index_cast %get3A_3124 : i32 to index
    %get3A_3129 = arith.index_cast %get3A_3125 : i32 to index
    %get3A_3130 = arith.index_cast %get3A_3126 : i32 to index
    %get3A_3131 = arith.index_cast %get3A_3127 : i32 to index
    %get3A_3132 = arith.constant 64 : index
    %get3A_3133 = tpu.vector_load %arg6[%get3A_3128, %get3A_3129, %get3A_3130, %get3A_3131, %get3A_3132] {strides = array<i32>} : memref<4x3x2x8x128xf32, #tpu.memory_space<vmem>>, vector<16xf32>,
    %mul3A_3134 = arith.mulf %get3A_3133, %get3A_3133 : vector<16xf32>
    %add3A_3135 = arith.addf %add3A_3123, %mul3A_3134 : vector<16xf32>
    %get3A_3136 = arith.constant 2 : i32
    %get3A_3137 = arith.constant 0 : i32
    %get3A_3138 = arith.constant 1 : i32
    %get3A_3139 = arith.constant 0 : i32
    %get3A_3140 = arith.index_cast %get3A_3136 : i32 to index
    %get3A_3141 = arith.index_cast %get3A_3137 : i32 to index
    %get3A_3142 = arith.index_cast %get3A_3138 : i32 to index
    %get3A_3143 = arith.index_cast %get3A_3139 : i32 to index
    %get3A_3144 = arith.constant 80 : index
    %get3A_3145 = tpu.vector_load %arg6[%get3A_3140, %get3A_3141, %get3A_3142, %get3A_3143, %get3A_3144] {strides = array<i32>} : memref<4x3x2x8x128xf32, #tpu.memory_space<vmem>>, vector<16xf32>,
    %mul3A_3146 = arith.mulf %get3A_3145, %get3A_3145 : vector<16xf32>
    %add3A_3147 = arith.addf %add3A_3135, %mul3A_3146 : vector<16xf32>
    %get3A_3148 = arith.constant 2 : i32
    %get3A_3149 = arith.constant 0 : i32
    %get3A_3150 = arith.constant 1 : i32
    %get3A_3151 = arith.constant 0 : i32
    %get3A_3152 = arith.index_cast %get3A_3148 : i32 to index
    %get3A_3153 = arith.index_cast %get3A_3149 : i32 to index
    %get3A_3154 = arith.index_cast %get3A_3150 : i32 to index
    %get3A_3155 = arith.index_cast %get3A_3151 : i32 to index
    %get3A_3156 = arith.constant 96 : index
    %get3A_3157 = tpu.vector_load %arg6[%get3A_3152, %get3A_3153, %get3A_3154, %get3A_3155, %get3A_3156] {strides = array<i32>} : memref<4x3x2x8x128xf32, #tpu.memory_space<vmem>>, vector<16xf32>,
    %mul3A_3158 = arith.mulf %get3A_3157, %get3A_3157 : vector<16xf32>
    %add3A_3159 = arith.addf %add3A_3147, %mul3A_3158 : vector<16xf32>
    %get3A_3160 = arith.constant 2 : i32
    %get3A_3161 = arith.constant 0 : i32
    %get3A_3162 = arith.constant 1 : i32
    %get3A_3163 = arith.constant 0 : i32
    %get3A_3164 = arith.index_cast %get3A_3160 : i32 to index
    %get3A_3165 = arith.index_cast %get3A_3161 : i32 to index
    %get3A_3166 = arith.index_cast %get3A_3162 : i32 to index
    %get3A_3167 = arith.index_cast %get3A_3163 : i32 to index
    %get3A_3168 = arith.constant 112 : index
    %get3A_3169 = tpu.vector_load %arg6[%get3A_3164, %get3A_3165, %get3A_3166, %get3A_3167, %get3A_3168] {strides = array<i32>} : memref<4x3x2x8x128xf32, #tpu.memory_space<vmem>>, vector<16xf32>,
    %mul3A_3170 = arith.mulf %get3A_3169, %get3A_3169 : vector<16xf32>
    %add3A_3171 = arith.addf %add3A_3159, %mul3A_3170 : vector<16xf32>
    %get3A_3172 = arith.constant 2 : i32
    %get3A_3173 = arith.constant 2 : i32
    %get3A_3174 = arith.constant 0 : i32
    %get3A_3175 = arith.constant 2 : i32
    %get3A_3176 = arith.index_cast %get3A_3172 : i32 to index
    %get3A_3177 = arith.index_cast %get3A_3173 : i32 to index
    %get3A_3178 = arith.index_cast %get3A_3174 : i32 to index
    %get3A_3179 = arith.index_cast %get3A_3175 : i32 to index
    %get3A_3180 = arith.constant 0 : index
    %get3A_3181 = tpu.vector_load %arg6[%get3A_3176, %get3A_3177, %get3A_3178, %get3A_3179, %get3A_3180] {strides = array<i32>} : memref<4x3x2x8x128xf32, #tpu.memory_space<vmem>>, vector<16xf32>,
    %mul3A_3182 = arith.mulf %get3A_3181, %get3A_3181 : vector<16xf32>
    %add3A_3183 = arith.addf %add3A_3171, %mul3A_3182 : vector<16xf32>
    %get3A_3184 = arith.constant 2 : i32
    %get3A_3185 = arith.constant 2 : i32
    %get3A_3186 = arith.constant 0 : i32
    %get3A_3187 = arith.constant 2 : i32
    %get3A_3188 = arith.index_cast %get3A_3184 : i32 to index
    %get3A_3189 = arith.index_cast %get3A_3185 : i32 to index
    %get3A_3190 = arith.index_cast %get3A_3186 : i32 to index
    %get3A_3191 = arith.index_cast %get3A_3187 : i32 to index
    %get3A_3192 = arith.constant 16 : index
    %get3A_3193 = tpu.vector_load %arg6[%get3A_3188, %get3A_3189, %get3A_3190, %get3A_3191, %get3A_3192] {strides = array<i32>} : memref<4x3x2x8x128xf32, #tpu.memory_space<vmem>>, vector<16xf32>,
    %mul3A_3194 = arith.mulf %get3A_3193, %get3A_3193 : vector<16xf32>
    %add3A_3195 = arith.addf %add3A_3183, %mul3A_3194 : vector<16xf32>
    %get3A_3196 = arith.constant 2 : i32
    %get3A_3197 = arith.constant 2 : i32
    %get3A_3198 = arith.constant 0 : i32
    %get3A_3199 = arith.constant 2 : i32
    %get3A_3200 = arith.index_cast %get3A_3196 : i32 to index
    %get3A_3201 = arith.index_cast %get3A_3197 : i32 to index
    %get3A_3202 = arith.index_cast %get3A_3198 : i32 to index
    %get3A_3203 = arith.index_cast %get3A_3199 : i32 to index
    %get3A_3204 = arith.constant 32 : index
    %get3A_3205 = tpu.vector_load %arg6[%get3A_3200, %get3A_3201, %get3A_3202, %get3A_3203, %get3A_3204] {strides = array<i32>} : memref<4x3x2x8x128xf32, #tpu.memory_space<vmem>>, vector<16xf32>,
    %mul3A_3206 = arith.mulf %get3A_3205, %get3A_3205 : vector<16xf32>
    %add3A_3207 = arith.addf %add3A_3195, %mul3A_3206 : vector<16xf32>
    %get3A_3208 = arith.constant 2 : i32
    %get3A_3209 = arith.constant 2 : i32
    %get3A_3210 = arith.constant 0 : i32
    %get3A_3211 = arith.constant 2 : i32
    %get3A_3212 = arith.index_cast %get3A_3208 : i32 to index
    %get3A_3213 = arith.index_cast %get3A_3209 : i32 to index
    %get3A_3214 = arith.index_cast %get3A_3210 : i32 to index
    %get3A_3215 = arith.index_cast %get3A_3211 : i32 to index
    %get3A_3216 = arith.constant 48 : index
    %get3A_3217 = tpu.vector_load %arg6[%get3A_3212, %get3A_3213, %get3A_3214, %get3A_3215, %get3A_3216] {strides = array<i32>} : memref<4x3x2x8x128xf32, #tpu.memory_space<vmem>>, vector<16xf32>,
    %mul3A_3218 = arith.mulf %get3A_3217, %get3A_3217 : vector<16xf32>
    %add3A_3219 = arith.addf %add3A_3207, %mul3A_3218 : vector<16xf32>
    %get3A_3220 = arith.constant 2 : i32
    %get3A_3221 = arith.constant 2 : i32
    %get3A_3222 = arith.constant 0 : i32
    %get3A_3223 = arith.constant 2 : i32
    %get3A_3224 = arith.index_cast %get3A_3220 : i32 to index
    %get3A_3225 = arith.index_cast %get3A_3221 : i32 to index
    %get3A_3226 = arith.index_cast %get3A_3222 : i32 to index
    %get3A_3227 = arith.index_cast %get3A_3223 : i32 to index
    %get3A_3228 = arith.constant 64 : index
    %get3A_3229 = tpu.vector_load %arg6[%get3A_3224, %get3A_3225, %get3A_3226, %get3A_3227, %get3A_3228] {strides = array<i32>} : memref<4x3x2x8x128xf32, #tpu.memory_space<vmem>>, vector<16xf32>,
    %mul3A_3230 = arith.mulf %get3A_3229, %get3A_3229 : vector<16xf32>
    %add3A_3231 = arith.addf %add3A_3219, %mul3A_3230 : vector<16xf32>
    %get3A_3232 = arith.constant 2 : i32
    %get3A_3233 = arith.constant 2 : i32
    %get3A_3234 = arith.constant 0 : i32
    %get3A_3235 = arith.constant 2 : i32
    %get3A_3236 = arith.index_cast %get3A_3232 : i32 to index
    %get3A_3237 = arith.index_cast %get3A_3233 : i32 to index
    %get3A_3238 = arith.index_cast %get3A_3234 : i32 to index
    %get3A_3239 = arith.index_cast %get3A_3235 : i32 to index
    %get3A_3240 = arith.constant 80 : index
    %get3A_3241 = tpu.vector_load %arg6[%get3A_3236, %get3A_3237, %get3A_3238, %get3A_3239, %get3A_3240] {strides = array<i32>} : memref<4x3x2x8x128xf32, #tpu.memory_space<vmem>>, vector<16xf32>,
    %mul3A_3242 = arith.mulf %get3A_3241, %get3A_3241 : vector<16xf32>
    %add3A_3243 = arith.addf %add3A_3231, %mul3A_3242 : vector<16xf32>
    %get3A_3244 = arith.constant 2 : i32
    %get3A_3245 = arith.constant 2 : i32
    %get3A_3246 = arith.constant 0 : i32
    %get3A_3247 = arith.constant 2 : i32
    %get3A_3248 = arith.index_cast %get3A_3244 : i32 to index
    %get3A_3249 = arith.index_cast %get3A_3245 : i32 to index
    %get3A_3250 = arith.index_cast %get3A_3246 : i32 to index
    %get3A_3251 = arith.index_cast %get3A_3247 : i32 to index
    %get3A_3252 = arith.constant 96 : index
    %get3A_3253 = tpu.vector_load %arg6[%get3A_3248, %get3A_3249, %get3A_3250, %get3A_3251, %get3A_3252] {strides = array<i32>} : memref<4x3x2x8x128xf32, #tpu.memory_space<vmem>>, vector<16xf32>,
    %mul3A_3254 = arith.mulf %get3A_3253, %get3A_3253 : vector<16xf32>
    %add3A_3255 = arith.addf %add3A_3243, %mul3A_3254 : vector<16xf32>
    %get3A_3256 = arith.constant 2 : i32
    %get3A_3257 = arith.constant 2 : i32
    %get3A_3258 = arith.constant 0 : i32
    %get3A_3259 = arith.constant 2 : i32
    %get3A_3260 = arith.index_cast %get3A_3256 : i32 to index
    %get3A_3261 = arith.index_cast %get3A_3257 : i32 to index
    %get3A_3262 = arith.index_cast %get3A_3258 : i32 to index
    %get3A_3263 = arith.index_cast %get3A_3259 : i32 to index
    %get3A_3264 = arith.constant 112 : index
    %get3A_3265 = tpu.vector_load %arg6[%get3A_3260, %get3A_3261, %get3A_3262, %get3A_3263, %get3A_3264] {strides = array<i32>} : memref<4x3x2x8x128xf32, #tpu.memory_space<vmem>>, vector<16xf32>,
    %mul3A_3266 = arith.mulf %get3A_3265, %get3A_3265 : vector<16xf32>
    %add3A_3267 = arith.addf %add3A_3255, %mul3A_3266 : vector<16xf32>
    %get3A_3268 = arith.constant 2 : i32
    %get3A_3269 = arith.constant 2 : i32
    %get3A_3270 = arith.constant 1 : i32
    %get3A_3271 = arith.constant 2 : i32
    %get3A_3272 = arith.index_cast %get3A_3268 : i32 to index
    %get3A_3273 = arith.index_cast %get3A_3269 : i32 to index
    %get3A_3274 = arith.index_cast %get3A_3270 : i32 to index
    %get3A_3275 = arith.index_cast %get3A_3271 : i32 to index
    %get3A_3276 = arith.constant 0 : index
    %get3A_3277 = tpu.vector_load %arg6[%get3A_3272, %get3A_3273, %get3A_3274, %get3A_3275, %get3A_3276] {strides = array<i32>} : memref<4x3x2x8x128xf32, #tpu.memory_space<vmem>>, vector<16xf32>,
    %mul3A_3278 = arith.mulf %get3A_3277, %get3A_3277 : vector<16xf32>
    %add3A_3279 = arith.addf %add3A_3267, %mul3A_3278 : vector<16xf32>
    %get3A_3280 = arith.constant 2 : i32
    %get3A_3281 = arith.constant 2 : i32
    %get3A_3282 = arith.constant 1 : i32
    %get3A_3283 = arith.constant 2 : i32
    %get3A_3284 = arith.index_cast %get3A_3280 : i32 to index
    %get3A_3285 = arith.index_cast %get3A_3281 : i32 to index
    %get3A_3286 = arith.index_cast %get3A_3282 : i32 to index
    %get3A_3287 = arith.index_cast %get3A_3283 : i32 to index
    %get3A_3288 = arith.constant 16 : index
    %get3A_3289 = tpu.vector_load %arg6[%get3A_3284, %get3A_3285, %get3A_3286, %get3A_3287, %get3A_3288] {strides = array<i32>} : memref<4x3x2x8x128xf32, #tpu.memory_space<vmem>>, vector<16xf32>,
    %mul3A_3290 = arith.mulf %get3A_3289, %get3A_3289 : vector<16xf32>
    %add3A_3291 = arith.addf %add3A_3279, %mul3A_3290 : vector<16xf32>
    %get3A_3292 = arith.constant 2 : i32
    %get3A_3293 = arith.constant 2 : i32
    %get3A_3294 = arith.constant 1 : i32
    %get3A_3295 = arith.constant 2 : i32
    %get3A_3296 = arith.index_cast %get3A_3292 : i32 to index
    %get3A_3297 = arith.index_cast %get3A_3293 : i32 to index
    %get3A_3298 = arith.index_cast %get3A_3294 : i32 to index
    %get3A_3299 = arith.index_cast %get3A_3295 : i32 to index
    %get3A_3300 = arith.constant 32 : index
    %get3A_3301 = tpu.vector_load %arg6[%get3A_3296, %get3A_3297, %get3A_3298, %get3A_3299, %get3A_3300] {strides = array<i32>} : memref<4x3x2x8x128xf32, #tpu.memory_space<vmem>>, vector<16xf32>,
    %mul3A_3302 = arith.mulf %get3A_3301, %get3A_3301 : vector<16xf32>
    %add3A_3303 = arith.addf %add3A_3291, %mul3A_3302 : vector<16xf32>
    %get3A_3304 = arith.constant 2 : i32
    %get3A_3305 = arith.constant 2 : i32
    %get3A_3306 = arith.constant 1 : i32
    %get3A_3307 = arith.constant 2 : i32
    %get3A_3308 = arith.index_cast %get3A_3304 : i32 to index
    %get3A_3309 = arith.index_cast %get3A_3305 : i32 to index
    %get3A_3310 = arith.index_cast %get3A_3306 : i32 to index
    %get3A_3311 = arith.index_cast %get3A_3307 : i32 to index
    %get3A_3312 = arith.constant 48 : index
    %get3A_3313 = tpu.vector_load %arg6[%get3A_3308, %get3A_3309, %get3A_3310, %get3A_3311, %get3A_3312] {strides = array<i32>} : memref<4x3x2x8x128xf32, #tpu.memory_space<vmem>>, vector<16xf32>,
    %mul3A_3314 = arith.mulf %get3A_3313, %get3A_3313 : vector<16xf32>
    %add3A_3315 = arith.addf %add3A_3303, %mul3A_3314 : vector<16xf32>
    %get3A_3316 = arith.constant 2 : i32
    %get3A_3317 = arith.constant 2 : i32
    %get3A_3318 = arith.constant 1 : i32
    %get3A_3319 = arith.constant 2 : i32
    %get3A_3320 = arith.index_cast %get3A_3316 : i32 to index
    %get3A_3321 = arith.index_cast %get3A_3317 : i32 to index
    %get3A_3322 = arith.index_cast %get3A_3318 : i32 to index
    %get3A_3323 = arith.index_cast %get3A_3319 : i32 to index
    %get3A_3324 = arith.constant 64 : index
    %get3A_3325 = tpu.vector_load %arg6[%get3A_3320, %get3A_3321, %get3A_3322, %get3A_3323, %get3A_3324] {strides = array<i32>} : memref<4x3x2x8x128xf32, #tpu.memory_space<vmem>>, vector<16xf32>,
    %mul3A_3326 = arith.mulf %get3A_3325, %get3A_3325 : vector<16xf32>
    %add3A_3327 = arith.addf %add3A_3315, %mul3A_3326 : vector<16xf32>
    %get3A_3328 = arith.constant 2 : i32
    %get3A_3329 = arith.constant 2 : i32
    %get3A_3330 = arith.constant 1 : i32
    %get3A_3331 = arith.constant 2 : i32
    %get3A_3332 = arith.index_cast %get3A_3328 : i32 to index
    %get3A_3333 = arith.index_cast %get3A_3329 : i32 to index
    %get3A_3334 = arith.index_cast %get3A_3330 : i32 to index
    %get3A_3335 = arith.index_cast %get3A_3331 : i32 to index
    %get3A_3336 = arith.constant 80 : index
    %get3A_3337 = tpu.vector_load %arg6[%get3A_3332, %get3A_3333, %get3A_3334, %get3A_3335, %get3A_3336] {strides = array<i32>} : memref<4x3x2x8x128xf32, #tpu.memory_space<vmem>>, vector<16xf32>,
    %mul3A_3338 = arith.mulf %get3A_3337, %get3A_3337 : vector<16xf32>
    %add3A_3339 = arith.addf %add3A_3327, %mul3A_3338 : vector<16xf32>
    %get3A_3340 = arith.constant 2 : i32
    %get3A_3341 = arith.constant 2 : i32
    %get3A_3342 = arith.constant 1 : i32
    %get3A_3343 = arith.constant 2 : i32
    %get3A_3344 = arith.index_cast %get3A_3340 : i32 to index
    %get3A_3345 = arith.index_cast %get3A_3341 : i32 to index
    %get3A_3346 = arith.index_cast %get3A_3342 : i32 to index
    %get3A_3347 = arith.index_cast %get3A_3343 : i32 to index
    %get3A_3348 = arith.constant 96 : index
    %get3A_3349 = tpu.vector_load %arg6[%get3A_3344, %get3A_3345, %get3A_3346, %get3A_3347, %get3A_3348] {strides = array<i32>} : memref<4x3x2x8x128xf32, #tpu.memory_space<vmem>>, vector<16xf32>,
    %mul3A_3350 = arith.mulf %get3A_3349, %get3A_3349 : vector<16xf32>
    %add3A_3351 = arith.addf %add3A_3339, %mul3A_3350 : vector<16xf32>
    %get3A_3352 = arith.constant 2 : i32
    %get3A_3353 = arith.constant 2 : i32
    %get3A_3354 = arith.constant 1 : i32
    %get3A_3355 = arith.constant 2 : i32
    %get3A_3356 = arith.index_cast %get3A_3352 : i32 to index
    %get3A_3357 = arith.index_cast %get3A_3353 : i32 to index
    %get3A_3358 = arith.index_cast %get3A_3354 : i32 to index
    %get3A_3359 = arith.index_cast %get3A_3355 : i32 to index
    %get3A_3360 = arith.constant 112 : index
    %get3A_3361 = tpu.vector_load %arg6[%get3A_3356, %get3A_3357, %get3A_3358, %get3A_3359, %get3A_3360] {strides = array<i32>} : memref<4x3x2x8x128xf32, #tpu.memory_space<vmem>>, vector<16xf32>,
    %mul3A_3362 = arith.mulf %get3A_3361, %get3A_3361 : vector<16xf32>
    %add3A_3363 = arith.addf %add3A_3351, %mul3A_3362 : vector<16xf32>
    %get3A_3364 = arith.constant 2 : i32
    %get3A_3365 = arith.constant 2 : i32
    %get3A_3366 = arith.constant 0 : i32
    %get3A_3367 = arith.constant 7 : i32
    %get3A_3368 = arith.index_cast %get3A_3364 : i32 to index
    %get3A_3369 = arith.index_cast %get3A_3365 : i32 to index
    %get3A_3370 = arith.index_cast %get3A_3366 : i32 to index
    %get3A_3371 = arith.index_cast %get3A_3367 : i32 to index
    %get3A_3372 = arith.constant 0 : index
    %get3A_3373 = tpu.vector_load %arg6[%get3A_3368, %get3A_3369, %get3A_3370, %get3A_3371, %get3A_3372] {strides = array<i32>} : memref<4x3x2x8x128xf32, #tpu.memory_space<vmem>>, vector<16xf32>,
    %mul3A_3374 = arith.mulf %get3A_3373, %get3A_3373 : vector<16xf32>
    %add3A_3375 = arith.addf %add3A_3363, %mul3A_3374 : vector<16xf32>
    %get3A_3376 = arith.constant 2 : i32
    %get3A_3377 = arith.constant 2 : i32
    %get3A_3378 = arith.constant 0 : i32
    %get3A_3379 = arith.constant 7 : i32
    %get3A_3380 = arith.index_cast %get3A_3376 : i32 to index
    %get3A_3381 = arith.index_cast %get3A_3377 : i32 to index
    %get3A_3382 = arith.index_cast %get3A_3378 : i32 to index
    %get3A_3383 = arith.index_cast %get3A_3379 : i32 to index
    %get3A_3384 = arith.constant 16 : index
    %get3A_3385 = tpu.vector_load %arg6[%get3A_3380, %get3A_3381, %get3A_3382, %get3A_3383, %get3A_3384] {strides = array<i32>} : memref<4x3x2x8x128xf32, #tpu.memory_space<vmem>>, vector<16xf32>,
    %mul3A_3386 = arith.mulf %get3A_3385, %get3A_3385 : vector<16xf32>
    %add3A_3387 = arith.addf %add3A_3375, %mul3A_3386 : vector<16xf32>
    %get3A_3388 = arith.constant 2 : i32
    %get3A_3389 = arith.constant 2 : i32
    %get3A_3390 = arith.constant 0 : i32
    %get3A_3391 = arith.constant 7 : i32
    %get3A_3392 = arith.index_cast %get3A_3388 : i32 to index
    %get3A_3393 = arith.index_cast %get3A_3389 : i32 to index
    %get3A_3394 = arith.index_cast %get3A_3390 : i32 to index
    %get3A_3395 = arith.index_cast %get3A_3391 : i32 to index
    %get3A_3396 = arith.constant 32 : index
    %get3A_3397 = tpu.vector_load %arg6[%get3A_3392, %get3A_3393, %get3A_3394, %get3A_3395, %get3A_3396] {strides = array<i32>} : memref<4x3x2x8x128xf32, #tpu.memory_space<vmem>>, vector<16xf32>,
    %mul3A_3398 = arith.mulf %get3A_3397, %get3A_3397 : vector<16xf32>
    %add3A_3399 = arith.addf %add3A_3387, %mul3A_3398 : vector<16xf32>
    %get3A_3400 = arith.constant 2 : i32
    %get3A_3401 = arith.constant 2 : i32
    %get3A_3402 = arith.constant 0 : i32
    %get3A_3403 = arith.constant 7 : i32
    %get3A_3404 = arith.index_cast %get3A_3400 : i32 to index
    %get3A_3405 = arith.index_cast %get3A_3401 : i32 to index
    %get3A_3406 = arith.index_cast %get3A_3402 : i32 to index
    %get3A_3407 = arith.index_cast %get3A_3403 : i32 to index
    %get3A_3408 = arith.constant 48 : index
    %get3A_3409 = tpu.vector_load %arg6[%get3A_3404, %get3A_3405, %get3A_3406, %get3A_3407, %get3A_3408] {strides = array<i32>} : memref<4x3x2x8x128xf32, #tpu.memory_space<vmem>>, vector<16xf32>,
    %mul3A_3410 = arith.mulf %get3A_3409, %get3A_3409 : vector<16xf32>
    %add3A_3411 = arith.addf %add3A_3399, %mul3A_3410 : vector<16xf32>
    %get3A_3412 = arith.constant 2 : i32
    %get3A_3413 = arith.constant 2 : i32
    %get3A_3414 = arith.constant 0 : i32
    %get3A_3415 = arith.constant 7 : i32
    %get3A_3416 = arith.index_cast %get3A_3412 : i32 to index
    %get3A_3417 = arith.index_cast %get3A_3413 : i32 to index
    %get3A_3418 = arith.index_cast %get3A_3414 : i32 to index
    %get3A_3419 = arith.index_cast %get3A_3415 : i32 to index
    %get3A_3420 = arith.constant 64 : index
    %get3A_3421 = tpu.vector_load %arg6[%get3A_3416, %get3A_3417, %get3A_3418, %get3A_3419, %get3A_3420] {strides = array<i32>} : memref<4x3x2x8x128xf32, #tpu.memory_space<vmem>>, vector<16xf32>,
    %mul3A_3422 = arith.mulf %get3A_3421, %get3A_3421 : vector<16xf32>
    %add3A_3423 = arith.addf %add3A_3411, %mul3A_3422 : vector<16xf32>
    %get3A_3424 = arith.constant 2 : i32
    %get3A_3425 = arith.constant 2 : i32
    %get3A_3426 = arith.constant 0 : i32
    %get3A_3427 = arith.constant 7 : i32
    %get3A_3428 = arith.index_cast %get3A_3424 : i32 to index
    %get3A_3429 = arith.index_cast %get3A_3425 : i32 to index
    %get3A_3430 = arith.index_cast %get3A_3426 : i32 to index
    %get3A_3431 = arith.index_cast %get3A_3427 : i32 to index
    %get3A_3432 = arith.constant 80 : index
    %get3A_3433 = tpu.vector_load %arg6[%get3A_3428, %get3A_3429, %get3A_3430, %get3A_3431, %get3A_3432] {strides = array<i32>} : memref<4x3x2x8x128xf32, #tpu.memory_space<vmem>>, vector<16xf32>,
    %mul3A_3434 = arith.mulf %get3A_3433, %get3A_3433 : vector<16xf32>
    %add3A_3435 = arith.addf %add3A_3423, %mul3A_3434 : vector<16xf32>
    %get3A_3436 = arith.constant 2 : i32
    %get3A_3437 = arith.constant 2 : i32
    %get3A_3438 = arith.constant 0 : i32
    %get3A_3439 = arith.constant 7 : i32
    %get3A_3440 = arith.index_cast %get3A_3436 : i32 to index
    %get3A_3441 = arith.index_cast %get3A_3437 : i32 to index
    %get3A_3442 = arith.index_cast %get3A_3438 : i32 to index
    %get3A_3443 = arith.index_cast %get3A_3439 : i32 to index
    %get3A_3444 = arith.constant 96 : index
    %get3A_3445 = tpu.vector_load %arg6[%get3A_3440, %get3A_3441, %get3A_3442, %get3A_3443, %get3A_3444] {strides = array<i32>} : memref<4x3x2x8x128xf32, #tpu.memory_space<vmem>>, vector<16xf32>,
    %mul3A_3446 = arith.mulf %get3A_3445, %get3A_3445 : vector<16xf32>
    %add3A_3447 = arith.addf %add3A_3435, %mul3A_3446 : vector<16xf32>
    %get3A_3448 = arith.constant 2 : i32
    %get3A_3449 = arith.constant 2 : i32
    %get3A_3450 = arith.constant 0 : i32
    %get3A_3451 = arith.constant 7 : i32
    %get3A_3452 = arith.index_cast %get3A_3448 : i32 to index
    %get3A_3453 = arith.index_cast %get3A_3449 : i32 to index
    %get3A_3454 = arith.index_cast %get3A_3450 : i32 to index
    %get3A_3455 = arith.index_cast %get3A_3451 : i32 to index
    %get3A_3456 = arith.constant 112 : index
    %get3A_3457 = tpu.vector_load %arg6[%get3A_3452, %get3A_3453, %get3A_3454, %get3A_3455, %get3A_3456] {strides = array<i32>} : memref<4x3x2x8x128xf32, #tpu.memory_space<vmem>>, vector<16xf32>,
    %mul3A_3458 = arith.mulf %get3A_3457, %get3A_3457 : vector<16xf32>
    %add3A_3459 = arith.addf %add3A_3447, %mul3A_3458 : vector<16xf32>
    %get3A_3460 = arith.constant 2 : i32
    %get3A_3461 = arith.constant 2 : i32
    %get3A_3462 = arith.constant 1 : i32
    %get3A_3463 = arith.constant 7 : i32
    %get3A_3464 = arith.index_cast %get3A_3460 : i32 to index
    %get3A_3465 = arith.index_cast %get3A_3461 : i32 to index
    %get3A_3466 = arith.index_cast %get3A_3462 : i32 to index
    %get3A_3467 = arith.index_cast %get3A_3463 : i32 to index
    %get3A_3468 = arith.constant 0 : index
    %get3A_3469 = tpu.vector_load %arg6[%get3A_3464, %get3A_3465, %get3A_3466, %get3A_3467, %get3A_3468] {strides = array<i32>} : memref<4x3x2x8x128xf32, #tpu.memory_space<vmem>>, vector<16xf32>,
    %mul3A_3470 = arith.mulf %get3A_3469, %get3A_3469 : vector<16xf32>
    %add3A_3471 = arith.addf %add3A_3459, %mul3A_3470 : vector<16xf32>
    %get3A_3472 = arith.constant 2 : i32
    %get3A_3473 = arith.constant 2 : i32
    %get3A_3474 = arith.constant 1 : i32
    %get3A_3475 = arith.constant 7 : i32
    %get3A_3476 = arith.index_cast %get3A_3472 : i32 to index
    %get3A_3477 = arith.index_cast %get3A_3473 : i32 to index
    %get3A_3478 = arith.index_cast %get3A_3474 : i32 to index
    %get3A_3479 = arith.index_cast %get3A_3475 : i32 to index
    %get3A_3480 = arith.constant 16 : index
    %get3A_3481 = tpu.vector_load %arg6[%get3A_3476, %get3A_3477, %get3A_3478, %get3A_3479, %get3A_3480] {strides = array<i32>} : memref<4x3x2x8x128xf32, #tpu.memory_space<vmem>>, vector<16xf32>,
    %mul3A_3482 = arith.mulf %get3A_3481, %get3A_3481 : vector<16xf32>
    %add3A_3483 = arith.addf %add3A_3471, %mul3A_3482 : vector<16xf32>
    %get3A_3484 = arith.constant 2 : i32
    %get3A_3485 = arith.constant 2 : i32
    %get3A_3486 = arith.constant 1 : i32
    %get3A_3487 = arith.constant 7 : i32
    %get3A_3488 = arith.index_cast %get3A_3484 : i32 to index
    %get3A_3489 = arith.index_cast %get3A_3485 : i32 to index
    %get3A_3490 = arith.index_cast %get3A_3486 : i32 to index
    %get3A_3491 = arith.index_cast %get3A_3487 : i32 to index
    %get3A_3492 = arith.constant 32 : index
    %get3A_3493 = tpu.vector_load %arg6[%get3A_3488, %get3A_3489, %get3A_3490, %get3A_3491, %get3A_3492] {strides = array<i32>} : memref<4x3x2x8x128xf32, #tpu.memory_space<vmem>>, vector<16xf32>,
    %mul3A_3494 = arith.mulf %get3A_3493, %get3A_3493 : vector<16xf32>
    %add3A_3495 = arith.addf %add3A_3483, %mul3A_3494 : vector<16xf32>
    %get3A_3496 = arith.constant 2 : i32
    %get3A_3497 = arith.constant 2 : i32
    %get3A_3498 = arith.constant 1 : i32
    %get3A_3499 = arith.constant 7 : i32
    %get3A_3500 = arith.index_cast %get3A_3496 : i32 to index
    %get3A_3501 = arith.index_cast %get3A_3497 : i32 to index
    %get3A_3502 = arith.index_cast %get3A_3498 : i32 to index
    %get3A_3503 = arith.index_cast %get3A_3499 : i32 to index
    %get3A_3504 = arith.constant 48 : index
    %get3A_3505 = tpu.vector_load %arg6[%get3A_3500, %get3A_3501, %get3A_3502, %get3A_3503, %get3A_3504] {strides = array<i32>} : memref<4x3x2x8x128xf32, #tpu.memory_space<vmem>>, vector<16xf32>,
    %mul3A_3506 = arith.mulf %get3A_3505, %get3A_3505 : vector<16xf32>
    %add3A_3507 = arith.addf %add3A_3495, %mul3A_3506 : vector<16xf32>
    %get3A_3508 = arith.constant 2 : i32
    %get3A_3509 = arith.constant 2 : i32
    %get3A_3510 = arith.constant 1 : i32
    %get3A_3511 = arith.constant 7 : i32
    %get3A_3512 = arith.index_cast %get3A_3508 : i32 to index
    %get3A_3513 = arith.index_cast %get3A_3509 : i32 to index
    %get3A_3514 = arith.index_cast %get3A_3510 : i32 to index
    %get3A_3515 = arith.index_cast %get3A_3511 : i32 to index
    %get3A_3516 = arith.constant 64 : index
    %get3A_3517 = tpu.vector_load %arg6[%get3A_3512, %get3A_3513, %get3A_3514, %get3A_3515, %get3A_3516] {strides = array<i32>} : memref<4x3x2x8x128xf32, #tpu.memory_space<vmem>>, vector<16xf32>,
    %mul3A_3518 = arith.mulf %get3A_3517, %get3A_3517 : vector<16xf32>
    %add3A_3519 = arith.addf %add3A_3507, %mul3A_3518 : vector<16xf32>
    %get3A_3520 = arith.constant 2 : i32
    %get3A_3521 = arith.constant 2 : i32
    %get3A_3522 = arith.constant 1 : i32
    %get3A_3523 = arith.constant 7 : i32
    %get3A_3524 = arith.index_cast %get3A_3520 : i32 to index
    %get3A_3525 = arith.index_cast %get3A_3521 : i32 to index
    %get3A_3526 = arith.index_cast %get3A_3522 : i32 to index
    %get3A_3527 = arith.index_cast %get3A_3523 : i32 to index
    %get3A_3528 = arith.constant 80 : index
    %get3A_3529 = tpu.vector_load %arg6[%get3A_3524, %get3A_3525, %get3A_3526, %get3A_3527, %get3A_3528] {strides = array<i32>} : memref<4x3x2x8x128xf32, #tpu.memory_space<vmem>>, vector<16xf32>,
    %mul3A_3530 = arith.mulf %get3A_3529, %get3A_3529 : vector<16xf32>
    %add3A_3531 = arith.addf %add3A_3519, %mul3A_3530 : vector<16xf32>
    %get3A_3532 = arith.constant 2 : i32
    %get3A_3533 = arith.constant 2 : i32
    %get3A_3534 = arith.constant 1 : i32
    %get3A_3535 = arith.constant 7 : i32
    %get3A_3536 = arith.index_cast %get3A_3532 : i32 to index
    %get3A_3537 = arith.index_cast %get3A_3533 : i32 to index
    %get3A_3538 = arith.index_cast %get3A_3534 : i32 to index
    %get3A_3539 = arith.index_cast %get3A_3535 : i32 to index
    %get3A_3540 = arith.constant 96 : index
    %get3A_3541 = tpu.vector_load %arg6[%get3A_3536, %get3A_3537, %get3A_3538, %get3A_3539, %get3A_3540] {strides = array<i32>} : memref<4x3x2x8x128xf32, #tpu.memory_space<vmem>>, vector<16xf32>,
    %mul3A_3542 = arith.mulf %get3A_3541, %get3A_3541 : vector<16xf32>
    %add3A_3543 = arith.addf %add3A_3531, %mul3A_3542 : vector<16xf32>
    %get3A_3544 = arith.constant 2 : i32
    %get3A_3545 = arith.constant 2 : i32
    %get3A_3546 = arith.constant 1 : i32
    %get3A_3547 = arith.constant 7 : i32
    %get3A_3548 = arith.index_cast %get3A_3544 : i32 to index
    %get3A_3549 = arith.index_cast %get3A_3545 : i32 to index
    %get3A_3550 = arith.index_cast %get3A_3546 : i32 to index
    %get3A_3551 = arith.index_cast %get3A_3547 : i32 to index
    %get3A_3552 = arith.constant 112 : index
    %get3A_3553 = tpu.vector_load %arg6[%get3A_3548, %get3A_3549, %get3A_3550, %get3A_3551, %get3A_3552] {strides = array<i32>} : memref<4x3x2x8x128xf32, #tpu.memory_space<vmem>>, vector<16xf32>,
    %mul3A_3554 = arith.mulf %get3A_3553, %get3A_3553 : vector<16xf32>
    %add3A_3555 = arith.addf %add3A_3543, %mul3A_3554 : vector<16xf32>
    %broadcast_in_dim3A_3556 = arith.constant 3 : i32
    %broadcast_in_dim3A_3557 = vector.broadcast %broadcast_in_dim3A_3556 : i32 to vector<16xi32>
    %add3A_3558 = arith.constant 0 : i32
    %add3A_3559 = vector.broadcast %add3A_3558 : i32 to vector<16xi32>
    %add3A_3560 = arith.addi %iota3A, %add3A_3559 : vector<16xi32>
    %min3A_3561 = arith.constant 19 : i32
    %min3A_3562 = vector.broadcast %min3A_3561 : i32 to vector<16xi32>
    %min3A_3563 = arith.minsi %add3A_3560, %min3A_3562 : vector<16xi32>
    %mul3A_3564 = arith.constant 5 : i32
    %mul3A_3565 = vector.broadcast %mul3A_3564 : i32 to vector<16xi32>
    %mul3A_3566 = arith.muli %min3A_3563, %mul3A_3565 : vector<16xi32>
    %add3A_3567 = arith.constant 0 : i32
    %add3A_3568 = vector.broadcast %add3A_3567 : i32 to vector<16xi32>
    %add3A_3569 = arith.addi %mul3A_3566, %add3A_3568 : vector<16xi32>
    %gather3A_3570 = tpu.vector_load_idx %arg5[%broadcast_in_dim3A_3557, %add3A_3569] : memref<4x104xf32, #tpu.memory_space<vmem>>[vector<16xi32>, vector<16xi32>], vector<16xf32>,
    %add3A_3571 = arith.constant 1 : i32
    %add3A_3572 = vector.broadcast %add3A_3571 : i32 to vector<16xi32>
    %add3A_3573 = arith.addi %mul3A_3566, %add3A_3572 : vector<16xi32>
    %gather3A_3574 = tpu.vector_load_idx %arg5[%broadcast_in_dim3A_3557, %add3A_3573] : memref<4x104xf32, #tpu.memory_space<vmem>>[vector<16xi32>, vector<16xi32>], vector<16xf32>,
    %add3A_3575 = arith.constant 2 : i32
    %add3A_3576 = vector.broadcast %add3A_3575 : i32 to vector<16xi32>
    %add3A_3577 = arith.addi %mul3A_3566, %add3A_3576 : vector<16xi32>
    %gather3A_3578 = tpu.vector_load_idx %arg5[%broadcast_in_dim3A_3557, %add3A_3577] : memref<4x104xf32, #tpu.memory_space<vmem>>[vector<16xi32>, vector<16xi32>], vector<16xf32>,
    %add3A_3579 = arith.constant 3 : i32
    %add3A_3580 = vector.broadcast %add3A_3579 : i32 to vector<16xi32>
    %add3A_3581 = arith.addi %mul3A_3566, %add3A_3580 : vector<16xi32>
    %gather3A_3582 = tpu.vector_load_idx %arg5[%broadcast_in_dim3A_3557, %add3A_3581] : memref<4x104xf32, #tpu.memory_space<vmem>>[vector<16xi32>, vector<16xi32>], vector<16xf32>,
    %add3A_3583 = arith.constant 4 : i32
    %add3A_3584 = vector.broadcast %add3A_3583 : i32 to vector<16xi32>
    %add3A_3585 = arith.addi %mul3A_3566, %add3A_3584 : vector<16xi32>
    %gather3A_3586 = tpu.vector_load_idx %arg5[%broadcast_in_dim3A_3557, %add3A_3585] : memref<4x104xf32, #tpu.memory_space<vmem>>[vector<16xi32>, vector<16xi32>], vector<16xf32>,
    %mul3A_3587 = arith.constant 1.300000e+01 : f32
    %mul3A_3588 = vector.broadcast %mul3A_3587 : f32 to vector<16xf32>
    %mul3A_3589 = arith.mulf %gather3A_3574, %mul3A_3588 : vector<16xf32>
    %convert_element_type3A_3590 = arith.fptosi %mul3A_3589 : vector<16xf32> to vector<16xi32>
    %mul3A_3591 = arith.constant 1.300000e+01 : f32
    %mul3A_3592 = vector.broadcast %mul3A_3591 : f32 to vector<16xf32>
    %mul3A_3593 = arith.mulf %gather3A_3578, %mul3A_3592 : vector<16xf32>
    %convert_element_type3A_3594 = arith.fptosi %mul3A_3593 : vector<16xf32> to vector<16xi32>
    %lt3A_3595 = arith.constant 13 : i32
    %lt3A_3596 = vector.broadcast %lt3A_3595 : i32 to vector<16xi32>
    %lt3A_3597 = arith.cmpi slt, %convert_element_type3A_3590, %lt3A_3596 : vector<16xi32>
    %lt3A_3598 = arith.constant 13 : i32
    %lt3A_3599 = vector.broadcast %lt3A_3598 : i32 to vector<16xi32>
    %lt3A_3600 = arith.cmpi slt, %convert_element_type3A_3594, %lt3A_3599 : vector<16xi32>
    %and3A_3601 = arith.andi %lt3A_3597, %lt3A_3600 : vector<16xi1>
    %lt3A_3602 = arith.constant 20 : i32
    %lt3A_3603 = vector.broadcast %lt3A_3602 : i32 to vector<16xi32>
    %lt3A_3604 = arith.cmpi slt, %add3A_3560, %lt3A_3603 : vector<16xi32>
    %and3A_3605 = arith.andi %and3A_3601, %lt3A_3604 : vector<16xi1>
    %jit3A_3606 = arith.constant 0 : i32
    %jit3A_3607 = arith.constant 12 : i32
    %max3A_3608 = vector.broadcast %jit3A_3606 : i32 to vector<16xi32>
    %max3A_3609 = arith.maxsi %max3A_3608, %convert_element_type3A_3590 : vector<16xi32>
    %min3A_3610 = vector.broadcast %jit3A_3607 : i32 to vector<16xi32>
    %min3A_3611 = arith.minsi %min3A_3610, %max3A_3609 : vector<16xi32>
    %jit3A_3612 = arith.constant 0 : i32
    %jit3A_3613 = arith.constant 12 : i32
    %max3A_3614 = vector.broadcast %jit3A_3612 : i32 to vector<16xi32>
    %max3A_3615 = arith.maxsi %max3A_3614, %convert_element_type3A_3594 : vector<16xi32>
    %min3A_3616 = vector.broadcast %jit3A_3613 : i32 to vector<16xi32>
    %min3A_3617 = arith.minsi %min3A_3616, %max3A_3615 : vector<16xi32>
    %mul3A_3618 = arith.constant 13 : i32
    %mul3A_3619 = vector.broadcast %mul3A_3618 : i32 to vector<16xi32>
    %mul3A_3620 = arith.muli %min3A_3617, %mul3A_3619 : vector<16xi32>
    %add3A_3621 = arith.addi %mul3A_3620, %min3A_3611 : vector<16xi32>
    %shift_right_logical3A_3622 = arith.constant 7 : i32
    %shift_right_logical3A_3623 = vector.broadcast %shift_right_logical3A_3622 : i32 to vector<16xi32>
    %shift_right_logical3A_3624 = arith.shrui %add3A_3621, %shift_right_logical3A_3623 : vector<16xi32>
    %and3A_3625 = arith.constant 127 : i32
    %and3A_3626 = vector.broadcast %and3A_3625 : i32 to vector<16xi32>
    %and3A_3627 = arith.andi %add3A_3621, %and3A_3626 : vector<16xi32>
    %broadcast_in_dim3A_3628 = arith.constant 0 : i32
    %broadcast_in_dim3A_3629 = vector.broadcast %broadcast_in_dim3A_3628 : i32 to vector<16xi32>
    %broadcast_in_dim3A_3630 = arith.constant 1 : i32
    %broadcast_in_dim3A_3631 = vector.broadcast %broadcast_in_dim3A_3630 : i32 to vector<16xi32>
    %gather3A_3632 = tpu.vector_load_idx %arg6[%broadcast_in_dim3A_3557, %broadcast_in_dim3A_3629, %shift_right_logical3A_3624, %broadcast_in_dim3A_3631, %and3A_3627] : memref<4x3x2x8x128xf32, #tpu.memory_space<vmem>>[vector<16xi32>, vector<16xi32>, vector<16xi32>, vector<16xi32>, vector<16xi32>], vector<16xf32>,
    %sub3A_3633 = arith.subf %gather3A_3632, %gather3A_3574 : vector<16xf32>
    %broadcast_in_dim3A_3634 = arith.constant 0 : i32
    %broadcast_in_dim3A_3635 = vector.broadcast %broadcast_in_dim3A_3634 : i32 to vector<16xi32>
    %broadcast_in_dim3A_3636 = arith.constant 2 : i32
    %broadcast_in_dim3A_3637 = vector.broadcast %broadcast_in_dim3A_3636 : i32 to vector<16xi32>
    %gather3A_3638 = tpu.vector_load_idx %arg6[%broadcast_in_dim3A_3557, %broadcast_in_dim3A_3635, %shift_right_logical3A_3624, %broadcast_in_dim3A_3637, %and3A_3627] : memref<4x3x2x8x128xf32, #tpu.memory_space<vmem>>[vector<16xi32>, vector<16xi32>, vector<16xi32>, vector<16xi32>, vector<16xi32>], vector<16xf32>,
    %sub3A_3639 = arith.subf %gather3A_3638, %gather3A_3578 : vector<16xf32>
    %broadcast_in_dim3A_3640 = arith.constant 0 : i32
    %broadcast_in_dim3A_3641 = vector.broadcast %broadcast_in_dim3A_3640 : i32 to vector<16xi32>
    %broadcast_in_dim3A_3642 = arith.constant 3 : i32
    %broadcast_in_dim3A_3643 = vector.broadcast %broadcast_in_dim3A_3642 : i32 to vector<16xi32>
    %gather3A_3644 = tpu.vector_load_idx %arg6[%broadcast_in_dim3A_3557, %broadcast_in_dim3A_3641, %shift_right_logical3A_3624, %broadcast_in_dim3A_3643, %and3A_3627] : memref<4x3x2x8x128xf32, #tpu.memory_space<vmem>>[vector<16xi32>, vector<16xi32>, vector<16xi32>, vector<16xi32>, vector<16xi32>], vector<16xf32>,
    %sub3A_3645 = arith.subf %gather3A_3644, %gather3A_3582 : vector<16xf32>
    %broadcast_in_dim3A_3646 = arith.constant 0 : i32
    %broadcast_in_dim3A_3647 = vector.broadcast %broadcast_in_dim3A_3646 : i32 to vector<16xi32>
    %broadcast_in_dim3A_3648 = arith.constant 4 : i32
    %broadcast_in_dim3A_3649 = vector.broadcast %broadcast_in_dim3A_3648 : i32 to vector<16xi32>
    %gather3A_3650 = tpu.vector_load_idx %arg6[%broadcast_in_dim3A_3557, %broadcast_in_dim3A_3647, %shift_right_logical3A_3624, %broadcast_in_dim3A_3649, %and3A_3627] : memref<4x3x2x8x128xf32, #tpu.memory_space<vmem>>[vector<16xi32>, vector<16xi32>, vector<16xi32>, vector<16xi32>, vector<16xi32>], vector<16xf32>,
    %sub3A_3651 = arith.subf %gather3A_3650, %gather3A_3586 : vector<16xf32>
    %mul3A_3652 = arith.mulf %sub3A_3633, %sub3A_3633 : vector<16xf32>
    %mul3A_3653 = arith.mulf %sub3A_3639, %sub3A_3639 : vector<16xf32>
    %add3A_3654 = arith.addf %mul3A_3652, %mul3A_3653 : vector<16xf32>
    %mul3A_3655 = arith.mulf %sub3A_3645, %sub3A_3645 : vector<16xf32>
    %add3A_3656 = arith.addf %add3A_3654, %mul3A_3655 : vector<16xf32>
    %mul3A_3657 = arith.mulf %sub3A_3651, %sub3A_3651 : vector<16xf32>
    %add3A_3658 = arith.addf %add3A_3656, %mul3A_3657 : vector<16xf32>
    %convert_element_type3A_3659 = arith.fptosi %gather3A_3570 : vector<16xf32> to vector<16xi32>
    %broadcast_in_dim3A_3660 = arith.constant 0 : i32
    %broadcast_in_dim3A_3661 = vector.broadcast %broadcast_in_dim3A_3660 : i32 to vector<16xi32>
    %broadcast_in_dim3A_3662 = arith.constant 5 : i32
    %broadcast_in_dim3A_3663 = vector.broadcast %broadcast_in_dim3A_3662 : i32 to vector<16xi32>
    %gather3A_3664 = tpu.vector_load_idx %arg6[%broadcast_in_dim3A_3557, %broadcast_in_dim3A_3661, %shift_right_logical3A_3624, %broadcast_in_dim3A_3663, %and3A_3627] : memref<4x3x2x8x128xf32, #tpu.memory_space<vmem>>[vector<16xi32>, vector<16xi32>, vector<16xi32>, vector<16xi32>, vector<16xi32>], vector<16xf32>,
    %eq3A_3665 = arith.constant 0 : i32
    %eq3A_3666 = vector.broadcast %eq3A_3665 : i32 to vector<16xi32>
    %eq3A_3667 = arith.cmpi eq, %convert_element_type3A_3659, %eq3A_3666 : vector<16xi32>
    %sub3A_3668 = arith.constant 1.000000e+00 : f32
    %sub3A_3669 = vector.broadcast %sub3A_3668 : f32 to vector<16xf32>
    %sub3A_3670 = arith.subf %gather3A_3664, %sub3A_3669 : vector<16xf32>
    %select_n3A_3671 = arith.select %eq3A_3667, %sub3A_3670, %gather3A_3664 : vector<16xi1>, vector<16xf32>
    %mul3A_3672 = arith.mulf %select_n3A_3671, %select_n3A_3671 : vector<16xf32>
    %add3A_3673 = arith.addf %broadcast_in_dim3A_1, %mul3A_3672 : vector<16xf32>
    %broadcast_in_dim3A_3674 = arith.constant 0 : i32
    %broadcast_in_dim3A_3675 = vector.broadcast %broadcast_in_dim3A_3674 : i32 to vector<16xi32>
    %broadcast_in_dim3A_3676 = arith.constant 6 : i32
    %broadcast_in_dim3A_3677 = vector.broadcast %broadcast_in_dim3A_3676 : i32 to vector<16xi32>
    %gather3A_3678 = tpu.vector_load_idx %arg6[%broadcast_in_dim3A_3557, %broadcast_in_dim3A_3675, %shift_right_logical3A_3624, %broadcast_in_dim3A_3677, %and3A_3627] : memref<4x3x2x8x128xf32, #tpu.memory_space<vmem>>[vector<16xi32>, vector<16xi32>, vector<16xi32>, vector<16xi32>, vector<16xi32>], vector<16xf32>,
    %eq3A_3679 = arith.constant 1 : i32
    %eq3A_3680 = vector.broadcast %eq3A_3679 : i32 to vector<16xi32>
    %eq3A_3681 = arith.cmpi eq, %convert_element_type3A_3659, %eq3A_3680 : vector<16xi32>
    %sub3A_3682 = arith.constant 1.000000e+00 : f32
    %sub3A_3683 = vector.broadcast %sub3A_3682 : f32 to vector<16xf32>
    %sub3A_3684 = arith.subf %gather3A_3678, %sub3A_3683 : vector<16xf32>
    %select_n3A_3685 = arith.select %eq3A_3681, %sub3A_3684, %gather3A_3678 : vector<16xi1>, vector<16xf32>
    %mul3A_3686 = arith.mulf %select_n3A_3685, %select_n3A_3685 : vector<16xf32>
    %add3A_3687 = arith.addf %add3A_3673, %mul3A_3686 : vector<16xf32>
    %broadcast_in_dim3A_3688 = arith.constant 0 : i32
    %broadcast_in_dim3A_3689 = vector.broadcast %broadcast_in_dim3A_3688 : i32 to vector<16xi32>
    %broadcast_in_dim3A_3690 = arith.constant 7 : i32
    %broadcast_in_dim3A_3691 = vector.broadcast %broadcast_in_dim3A_3690 : i32 to vector<16xi32>
    %gather3A_3692 = tpu.vector_load_idx %arg6[%broadcast_in_dim3A_3557, %broadcast_in_dim3A_3689, %shift_right_logical3A_3624, %broadcast_in_dim3A_3691, %and3A_3627] : memref<4x3x2x8x128xf32, #tpu.memory_space<vmem>>[vector<16xi32>, vector<16xi32>, vector<16xi32>, vector<16xi32>, vector<16xi32>], vector<16xf32>,
    %eq3A_3693 = arith.constant 2 : i32
    %eq3A_3694 = vector.broadcast %eq3A_3693 : i32 to vector<16xi32>
    %eq3A_3695 = arith.cmpi eq, %convert_element_type3A_3659, %eq3A_3694 : vector<16xi32>
    %sub3A_3696 = arith.constant 1.000000e+00 : f32
    %sub3A_3697 = vector.broadcast %sub3A_3696 : f32 to vector<16xf32>
    %sub3A_3698 = arith.subf %gather3A_3692, %sub3A_3697 : vector<16xf32>
    %select_n3A_3699 = arith.select %eq3A_3695, %sub3A_3698, %gather3A_3692 : vector<16xi1>, vector<16xf32>
    %mul3A_3700 = arith.mulf %select_n3A_3699, %select_n3A_3699 : vector<16xf32>
    %add3A_3701 = arith.addf %add3A_3687, %mul3A_3700 : vector<16xf32>
    %broadcast_in_dim3A_3702 = arith.constant 1 : i32
    %broadcast_in_dim3A_3703 = vector.broadcast %broadcast_in_dim3A_3702 : i32 to vector<16xi32>
    %broadcast_in_dim3A_3704 = arith.constant 0 : i32
    %broadcast_in_dim3A_3705 = vector.broadcast %broadcast_in_dim3A_3704 : i32 to vector<16xi32>
    %gather3A_3706 = tpu.vector_load_idx %arg6[%broadcast_in_dim3A_3557, %broadcast_in_dim3A_3703, %shift_right_logical3A_3624, %broadcast_in_dim3A_3705, %and3A_3627] : memref<4x3x2x8x128xf32, #tpu.memory_space<vmem>>[vector<16xi32>, vector<16xi32>, vector<16xi32>, vector<16xi32>, vector<16xi32>], vector<16xf32>,
    %eq3A_3707 = arith.constant 3 : i32
    %eq3A_3708 = vector.broadcast %eq3A_3707 : i32 to vector<16xi32>
    %eq3A_3709 = arith.cmpi eq, %convert_element_type3A_3659, %eq3A_3708 : vector<16xi32>
    %sub3A_3710 = arith.constant 1.000000e+00 : f32
    %sub3A_3711 = vector.broadcast %sub3A_3710 : f32 to vector<16xf32>
    %sub3A_3712 = arith.subf %gather3A_3706, %sub3A_3711 : vector<16xf32>
    %select_n3A_3713 = arith.select %eq3A_3709, %sub3A_3712, %gather3A_3706 : vector<16xi1>, vector<16xf32>
    %mul3A_3714 = arith.mulf %select_n3A_3713, %select_n3A_3713 : vector<16xf32>
    %add3A_3715 = arith.addf %add3A_3701, %mul3A_3714 : vector<16xf32>
    %broadcast_in_dim3A_3716 = arith.constant 1 : i32
    %broadcast_in_dim3A_3717 = vector.broadcast %broadcast_in_dim3A_3716 : i32 to vector<16xi32>
    %broadcast_in_dim3A_3718 = arith.constant 1 : i32
    %broadcast_in_dim3A_3719 = vector.broadcast %broadcast_in_dim3A_3718 : i32 to vector<16xi32>
    %gather3A_3720 = tpu.vector_load_idx %arg6[%broadcast_in_dim3A_3557, %broadcast_in_dim3A_3717, %shift_right_logical3A_3624, %broadcast_in_dim3A_3719, %and3A_3627] : memref<4x3x2x8x128xf32, #tpu.memory_space<vmem>>[vector<16xi32>, vector<16xi32>, vector<16xi32>, vector<16xi32>, vector<16xi32>], vector<16xf32>,
    %eq3A_3721 = arith.constant 4 : i32
    %eq3A_3722 = vector.broadcast %eq3A_3721 : i32 to vector<16xi32>
    %eq3A_3723 = arith.cmpi eq, %convert_element_type3A_3659, %eq3A_3722 : vector<16xi32>
    %sub3A_3724 = arith.constant 1.000000e+00 : f32
    %sub3A_3725 = vector.broadcast %sub3A_3724 : f32 to vector<16xf32>
    %sub3A_3726 = arith.subf %gather3A_3720, %sub3A_3725 : vector<16xf32>
    %select_n3A_3727 = arith.select %eq3A_3723, %sub3A_3726, %gather3A_3720 : vector<16xi1>, vector<16xf32>
    %mul3A_3728 = arith.mulf %select_n3A_3727, %select_n3A_3727 : vector<16xf32>
    %add3A_3729 = arith.addf %add3A_3715, %mul3A_3728 : vector<16xf32>
    %broadcast_in_dim3A_3730 = arith.constant 1 : i32
    %broadcast_in_dim3A_3731 = vector.broadcast %broadcast_in_dim3A_3730 : i32 to vector<16xi32>
    %broadcast_in_dim3A_3732 = arith.constant 2 : i32
    %broadcast_in_dim3A_3733 = vector.broadcast %broadcast_in_dim3A_3732 : i32 to vector<16xi32>
    %gather3A_3734 = tpu.vector_load_idx %arg6[%broadcast_in_dim3A_3557, %broadcast_in_dim3A_3731, %shift_right_logical3A_3624, %broadcast_in_dim3A_3733, %and3A_3627] : memref<4x3x2x8x128xf32, #tpu.memory_space<vmem>>[vector<16xi32>, vector<16xi32>, vector<16xi32>, vector<16xi32>, vector<16xi32>], vector<16xf32>,
    %eq3A_3735 = arith.constant 5 : i32
    %eq3A_3736 = vector.broadcast %eq3A_3735 : i32 to vector<16xi32>
    %eq3A_3737 = arith.cmpi eq, %convert_element_type3A_3659, %eq3A_3736 : vector<16xi32>
    %sub3A_3738 = arith.constant 1.000000e+00 : f32
    %sub3A_3739 = vector.broadcast %sub3A_3738 : f32 to vector<16xf32>
    %sub3A_3740 = arith.subf %gather3A_3734, %sub3A_3739 : vector<16xf32>
    %select_n3A_3741 = arith.select %eq3A_3737, %sub3A_3740, %gather3A_3734 : vector<16xi1>, vector<16xf32>
    %mul3A_3742 = arith.mulf %select_n3A_3741, %select_n3A_3741 : vector<16xf32>
    %add3A_3743 = arith.addf %add3A_3729, %mul3A_3742 : vector<16xf32>
    %broadcast_in_dim3A_3744 = arith.constant 1 : i32
    %broadcast_in_dim3A_3745 = vector.broadcast %broadcast_in_dim3A_3744 : i32 to vector<16xi32>
    %broadcast_in_dim3A_3746 = arith.constant 3 : i32
    %broadcast_in_dim3A_3747 = vector.broadcast %broadcast_in_dim3A_3746 : i32 to vector<16xi32>
    %gather3A_3748 = tpu.vector_load_idx %arg6[%broadcast_in_dim3A_3557, %broadcast_in_dim3A_3745, %shift_right_logical3A_3624, %broadcast_in_dim3A_3747, %and3A_3627] : memref<4x3x2x8x128xf32, #tpu.memory_space<vmem>>[vector<16xi32>, vector<16xi32>, vector<16xi32>, vector<16xi32>, vector<16xi32>], vector<16xf32>,
    %eq3A_3749 = arith.constant 6 : i32
    %eq3A_3750 = vector.broadcast %eq3A_3749 : i32 to vector<16xi32>
    %eq3A_3751 = arith.cmpi eq, %convert_element_type3A_3659, %eq3A_3750 : vector<16xi32>
    %sub3A_3752 = arith.constant 1.000000e+00 : f32
    %sub3A_3753 = vector.broadcast %sub3A_3752 : f32 to vector<16xf32>
    %sub3A_3754 = arith.subf %gather3A_3748, %sub3A_3753 : vector<16xf32>
    %select_n3A_3755 = arith.select %eq3A_3751, %sub3A_3754, %gather3A_3748 : vector<16xi1>, vector<16xf32>
    %mul3A_3756 = arith.mulf %select_n3A_3755, %select_n3A_3755 : vector<16xf32>
    %add3A_3757 = arith.addf %add3A_3743, %mul3A_3756 : vector<16xf32>
    %broadcast_in_dim3A_3758 = arith.constant 1 : i32
    %broadcast_in_dim3A_3759 = vector.broadcast %broadcast_in_dim3A_3758 : i32 to vector<16xi32>
    %broadcast_in_dim3A_3760 = arith.constant 4 : i32
    %broadcast_in_dim3A_3761 = vector.broadcast %broadcast_in_dim3A_3760 : i32 to vector<16xi32>
    %gather3A_3762 = tpu.vector_load_idx %arg6[%broadcast_in_dim3A_3557, %broadcast_in_dim3A_3759, %shift_right_logical3A_3624, %broadcast_in_dim3A_3761, %and3A_3627] : memref<4x3x2x8x128xf32, #tpu.memory_space<vmem>>[vector<16xi32>, vector<16xi32>, vector<16xi32>, vector<16xi32>, vector<16xi32>], vector<16xf32>,
    %eq3A_3763 = arith.constant 7 : i32
    %eq3A_3764 = vector.broadcast %eq3A_3763 : i32 to vector<16xi32>
    %eq3A_3765 = arith.cmpi eq, %convert_element_type3A_3659, %eq3A_3764 : vector<16xi32>
    %sub3A_3766 = arith.constant 1.000000e+00 : f32
    %sub3A_3767 = vector.broadcast %sub3A_3766 : f32 to vector<16xf32>
    %sub3A_3768 = arith.subf %gather3A_3762, %sub3A_3767 : vector<16xf32>
    %select_n3A_3769 = arith.select %eq3A_3765, %sub3A_3768, %gather3A_3762 : vector<16xi1>, vector<16xf32>
    %mul3A_3770 = arith.mulf %select_n3A_3769, %select_n3A_3769 : vector<16xf32>
    %add3A_3771 = arith.addf %add3A_3757, %mul3A_3770 : vector<16xf32>
    %broadcast_in_dim3A_3772 = arith.constant 1 : i32
    %broadcast_in_dim3A_3773 = vector.broadcast %broadcast_in_dim3A_3772 : i32 to vector<16xi32>
    %broadcast_in_dim3A_3774 = arith.constant 5 : i32
    %broadcast_in_dim3A_3775 = vector.broadcast %broadcast_in_dim3A_3774 : i32 to vector<16xi32>
    %gather3A_3776 = tpu.vector_load_idx %arg6[%broadcast_in_dim3A_3557, %broadcast_in_dim3A_3773, %shift_right_logical3A_3624, %broadcast_in_dim3A_3775, %and3A_3627] : memref<4x3x2x8x128xf32, #tpu.memory_space<vmem>>[vector<16xi32>, vector<16xi32>, vector<16xi32>, vector<16xi32>, vector<16xi32>], vector<16xf32>,
    %eq3A_3777 = arith.constant 8 : i32
    %eq3A_3778 = vector.broadcast %eq3A_3777 : i32 to vector<16xi32>
    %eq3A_3779 = arith.cmpi eq, %convert_element_type3A_3659, %eq3A_3778 : vector<16xi32>
    %sub3A_3780 = arith.constant 1.000000e+00 : f32
    %sub3A_3781 = vector.broadcast %sub3A_3780 : f32 to vector<16xf32>
    %sub3A_3782 = arith.subf %gather3A_3776, %sub3A_3781 : vector<16xf32>
    %select_n3A_3783 = arith.select %eq3A_3779, %sub3A_3782, %gather3A_3776 : vector<16xi1>, vector<16xf32>
    %mul3A_3784 = arith.mulf %select_n3A_3783, %select_n3A_3783 : vector<16xf32>
    %add3A_3785 = arith.addf %add3A_3771, %mul3A_3784 : vector<16xf32>
    %broadcast_in_dim3A_3786 = arith.constant 1 : i32
    %broadcast_in_dim3A_3787 = vector.broadcast %broadcast_in_dim3A_3786 : i32 to vector<16xi32>
    %broadcast_in_dim3A_3788 = arith.constant 6 : i32
    %broadcast_in_dim3A_3789 = vector.broadcast %broadcast_in_dim3A_3788 : i32 to vector<16xi32>
    %gather3A_3790 = tpu.vector_load_idx %arg6[%broadcast_in_dim3A_3557, %broadcast_in_dim3A_3787, %shift_right_logical3A_3624, %broadcast_in_dim3A_3789, %and3A_3627] : memref<4x3x2x8x128xf32, #tpu.memory_space<vmem>>[vector<16xi32>, vector<16xi32>, vector<16xi32>, vector<16xi32>, vector<16xi32>], vector<16xf32>,
    %eq3A_3791 = arith.constant 9 : i32
    %eq3A_3792 = vector.broadcast %eq3A_3791 : i32 to vector<16xi32>
    %eq3A_3793 = arith.cmpi eq, %convert_element_type3A_3659, %eq3A_3792 : vector<16xi32>
    %sub3A_3794 = arith.constant 1.000000e+00 : f32
    %sub3A_3795 = vector.broadcast %sub3A_3794 : f32 to vector<16xf32>
    %sub3A_3796 = arith.subf %gather3A_3790, %sub3A_3795 : vector<16xf32>
    %select_n3A_3797 = arith.select %eq3A_3793, %sub3A_3796, %gather3A_3790 : vector<16xi1>, vector<16xf32>
    %mul3A_3798 = arith.mulf %select_n3A_3797, %select_n3A_3797 : vector<16xf32>
    %add3A_3799 = arith.addf %add3A_3785, %mul3A_3798 : vector<16xf32>
    %broadcast_in_dim3A_3800 = arith.constant 1 : i32
    %broadcast_in_dim3A_3801 = vector.broadcast %broadcast_in_dim3A_3800 : i32 to vector<16xi32>
    %broadcast_in_dim3A_3802 = arith.constant 7 : i32
    %broadcast_in_dim3A_3803 = vector.broadcast %broadcast_in_dim3A_3802 : i32 to vector<16xi32>
    %gather3A_3804 = tpu.vector_load_idx %arg6[%broadcast_in_dim3A_3557, %broadcast_in_dim3A_3801, %shift_right_logical3A_3624, %broadcast_in_dim3A_3803, %and3A_3627] : memref<4x3x2x8x128xf32, #tpu.memory_space<vmem>>[vector<16xi32>, vector<16xi32>, vector<16xi32>, vector<16xi32>, vector<16xi32>], vector<16xf32>,
    %eq3A_3805 = arith.constant 10 : i32
    %eq3A_3806 = vector.broadcast %eq3A_3805 : i32 to vector<16xi32>
    %eq3A_3807 = arith.cmpi eq, %convert_element_type3A_3659, %eq3A_3806 : vector<16xi32>
    %sub3A_3808 = arith.constant 1.000000e+00 : f32
    %sub3A_3809 = vector.broadcast %sub3A_3808 : f32 to vector<16xf32>
    %sub3A_3810 = arith.subf %gather3A_3804, %sub3A_3809 : vector<16xf32>
    %select_n3A_3811 = arith.select %eq3A_3807, %sub3A_3810, %gather3A_3804 : vector<16xi1>, vector<16xf32>
    %mul3A_3812 = arith.mulf %select_n3A_3811, %select_n3A_3811 : vector<16xf32>
    %add3A_3813 = arith.addf %add3A_3799, %mul3A_3812 : vector<16xf32>
    %broadcast_in_dim3A_3814 = arith.constant 2 : i32
    %broadcast_in_dim3A_3815 = vector.broadcast %broadcast_in_dim3A_3814 : i32 to vector<16xi32>
    %broadcast_in_dim3A_3816 = arith.constant 0 : i32
    %broadcast_in_dim3A_3817 = vector.broadcast %broadcast_in_dim3A_3816 : i32 to vector<16xi32>
    %gather3A_3818 = tpu.vector_load_idx %arg6[%broadcast_in_dim3A_3557, %broadcast_in_dim3A_3815, %shift_right_logical3A_3624, %broadcast_in_dim3A_3817, %and3A_3627] : memref<4x3x2x8x128xf32, #tpu.memory_space<vmem>>[vector<16xi32>, vector<16xi32>, vector<16xi32>, vector<16xi32>, vector<16xi32>], vector<16xf32>,
    %eq3A_3819 = arith.constant 11 : i32
    %eq3A_3820 = vector.broadcast %eq3A_3819 : i32 to vector<16xi32>
    %eq3A_3821 = arith.cmpi eq, %convert_element_type3A_3659, %eq3A_3820 : vector<16xi32>
    %sub3A_3822 = arith.constant 1.000000e+00 : f32
    %sub3A_3823 = vector.broadcast %sub3A_3822 : f32 to vector<16xf32>
    %sub3A_3824 = arith.subf %gather3A_3818, %sub3A_3823 : vector<16xf32>
    %select_n3A_3825 = arith.select %eq3A_3821, %sub3A_3824, %gather3A_3818 : vector<16xi1>, vector<16xf32>
    %mul3A_3826 = arith.mulf %select_n3A_3825, %select_n3A_3825 : vector<16xf32>
    %add3A_3827 = arith.addf %add3A_3813, %mul3A_3826 : vector<16xf32>
    %broadcast_in_dim3A_3828 = arith.constant 2 : i32
    %broadcast_in_dim3A_3829 = vector.broadcast %broadcast_in_dim3A_3828 : i32 to vector<16xi32>
    %broadcast_in_dim3A_3830 = arith.constant 1 : i32
    %broadcast_in_dim3A_3831 = vector.broadcast %broadcast_in_dim3A_3830 : i32 to vector<16xi32>
    %gather3A_3832 = tpu.vector_load_idx %arg6[%broadcast_in_dim3A_3557, %broadcast_in_dim3A_3829, %shift_right_logical3A_3624, %broadcast_in_dim3A_3831, %and3A_3627] : memref<4x3x2x8x128xf32, #tpu.memory_space<vmem>>[vector<16xi32>, vector<16xi32>, vector<16xi32>, vector<16xi32>, vector<16xi32>], vector<16xf32>,
    %eq3A_3833 = arith.constant 12 : i32
    %eq3A_3834 = vector.broadcast %eq3A_3833 : i32 to vector<16xi32>
    %eq3A_3835 = arith.cmpi eq, %convert_element_type3A_3659, %eq3A_3834 : vector<16xi32>
    %sub3A_3836 = arith.constant 1.000000e+00 : f32
    %sub3A_3837 = vector.broadcast %sub3A_3836 : f32 to vector<16xf32>
    %sub3A_3838 = arith.subf %gather3A_3832, %sub3A_3837 : vector<16xf32>
    %select_n3A_3839 = arith.select %eq3A_3835, %sub3A_3838, %gather3A_3832 : vector<16xi1>, vector<16xf32>
    %mul3A_3840 = arith.mulf %select_n3A_3839, %select_n3A_3839 : vector<16xf32>
    %add3A_3841 = arith.addf %add3A_3827, %mul3A_3840 : vector<16xf32>
    %mul3A_3842 = arith.constant 5.000000e+00 : f32
    %mul3A_3843 = vector.broadcast %mul3A_3842 : f32 to vector<16xf32>
    %mul3A_3844 = arith.mulf %mul3A_3843, %add3A_3658 : vector<16xf32>
    %add3A_3845 = arith.addf %mul3A_3844, %add3A_3841 : vector<16xf32>
    %jit3A_3846 = arith.constant 0.000000e+00 : f32
    %broadcast_in_dim3A_3847 = vector.broadcast %jit3A_3846 : f32 to vector<16xf32>
    %select_n3A_3848 = arith.select %and3A_3605, %add3A_3845, %broadcast_in_dim3A_3847 : vector<16xi1>, vector<16xf32>
    %add3A_3849 = arith.addf %add3A_2953, %select_n3A_3848 : vector<16xf32>
    tpu.vector_store_idx %arg7[%add3A_3621], %add3A_3560 masked %and3A_3605 : memref<169xi32, #tpu.memory_space<vmem>>[vector<16xi32>], vector<16xi32>, vector<16xi1>
    %add3A_3850 = arith.constant 16 : i32
    %add3A_3851 = vector.broadcast %add3A_3850 : i32 to vector<16xi32>
    %add3A_3852 = arith.addi %iota3A, %add3A_3851 : vector<16xi32>
    %min3A_3853 = arith.constant 19 : i32
    %min3A_3854 = vector.broadcast %min3A_3853 : i32 to vector<16xi32>
    %min3A_3855 = arith.minsi %add3A_3852, %min3A_3854 : vector<16xi32>
    %mul3A_3856 = arith.constant 5 : i32
    %mul3A_3857 = vector.broadcast %mul3A_3856 : i32 to vector<16xi32>
    %mul3A_3858 = arith.muli %min3A_3855, %mul3A_3857 : vector<16xi32>
    %add3A_3859 = arith.constant 0 : i32
    %add3A_3860 = vector.broadcast %add3A_3859 : i32 to vector<16xi32>
    %add3A_3861 = arith.addi %mul3A_3858, %add3A_3860 : vector<16xi32>
    %gather3A_3862 = tpu.vector_load_idx %arg5[%broadcast_in_dim3A_3557, %add3A_3861] : memref<4x104xf32, #tpu.memory_space<vmem>>[vector<16xi32>, vector<16xi32>], vector<16xf32>,
    %add3A_3863 = arith.constant 1 : i32
    %add3A_3864 = vector.broadcast %add3A_3863 : i32 to vector<16xi32>
    %add3A_3865 = arith.addi %mul3A_3858, %add3A_3864 : vector<16xi32>
    %gather3A_3866 = tpu.vector_load_idx %arg5[%broadcast_in_dim3A_3557, %add3A_3865] : memref<4x104xf32, #tpu.memory_space<vmem>>[vector<16xi32>, vector<16xi32>], vector<16xf32>,
    %add3A_3867 = arith.constant 2 : i32
    %add3A_3868 = vector.broadcast %add3A_3867 : i32 to vector<16xi32>
    %add3A_3869 = arith.addi %mul3A_3858, %add3A_3868 : vector<16xi32>
    %gather3A_3870 = tpu.vector_load_idx %arg5[%broadcast_in_dim3A_3557, %add3A_3869] : memref<4x104xf32, #tpu.memory_space<vmem>>[vector<16xi32>, vector<16xi32>], vector<16xf32>,
    %add3A_3871 = arith.constant 3 : i32
    %add3A_3872 = vector.broadcast %add3A_3871 : i32 to vector<16xi32>
    %add3A_3873 = arith.addi %mul3A_3858, %add3A_3872 : vector<16xi32>
    %gather3A_3874 = tpu.vector_load_idx %arg5[%broadcast_in_dim3A_3557, %add3A_3873] : memref<4x104xf32, #tpu.memory_space<vmem>>[vector<16xi32>, vector<16xi32>], vector<16xf32>,
    %add3A_3875 = arith.constant 4 : i32
    %add3A_3876 = vector.broadcast %add3A_3875 : i32 to vector<16xi32>
    %add3A_3877 = arith.addi %mul3A_3858, %add3A_3876 : vector<16xi32>
    %gather3A_3878 = tpu.vector_load_idx %arg5[%broadcast_in_dim3A_3557, %add3A_3877] : memref<4x104xf32, #tpu.memory_space<vmem>>[vector<16xi32>, vector<16xi32>], vector<16xf32>,
    %mul3A_3879 = arith.constant 1.300000e+01 : f32
    %mul3A_3880 = vector.broadcast %mul3A_3879 : f32 to vector<16xf32>
    %mul3A_3881 = arith.mulf %gather3A_3866, %mul3A_3880 : vector<16xf32>
    %convert_element_type3A_3882 = arith.fptosi %mul3A_3881 : vector<16xf32> to vector<16xi32>
    %mul3A_3883 = arith.constant 1.300000e+01 : f32
    %mul3A_3884 = vector.broadcast %mul3A_3883 : f32 to vector<16xf32>
    %mul3A_3885 = arith.mulf %gather3A_3870, %mul3A_3884 : vector<16xf32>
    %convert_element_type3A_3886 = arith.fptosi %mul3A_3885 : vector<16xf32> to vector<16xi32>
    %lt3A_3887 = arith.constant 13 : i32
    %lt3A_3888 = vector.broadcast %lt3A_3887 : i32 to vector<16xi32>
    %lt3A_3889 = arith.cmpi slt, %convert_element_type3A_3882, %lt3A_3888 : vector<16xi32>
    %lt3A_3890 = arith.constant 13 : i32
    %lt3A_3891 = vector.broadcast %lt3A_3890 : i32 to vector<16xi32>
    %lt3A_3892 = arith.cmpi slt, %convert_element_type3A_3886, %lt3A_3891 : vector<16xi32>
    %and3A_3893 = arith.andi %lt3A_3889, %lt3A_3892 : vector<16xi1>
    %lt3A_3894 = arith.constant 20 : i32
    %lt3A_3895 = vector.broadcast %lt3A_3894 : i32 to vector<16xi32>
    %lt3A_3896 = arith.cmpi slt, %add3A_3852, %lt3A_3895 : vector<16xi32>
    %and3A_3897 = arith.andi %and3A_3893, %lt3A_3896 : vector<16xi1>
    %jit3A_3898 = arith.constant 0 : i32
    %jit3A_3899 = arith.constant 12 : i32
    %max3A_3900 = vector.broadcast %jit3A_3898 : i32 to vector<16xi32>
    %max3A_3901 = arith.maxsi %max3A_3900, %convert_element_type3A_3882 : vector<16xi32>
    %min3A_3902 = vector.broadcast %jit3A_3899 : i32 to vector<16xi32>
    %min3A_3903 = arith.minsi %min3A_3902, %max3A_3901 : vector<16xi32>
    %jit3A_3904 = arith.constant 0 : i32
    %jit3A_3905 = arith.constant 12 : i32
    %max3A_3906 = vector.broadcast %jit3A_3904 : i32 to vector<16xi32>
    %max3A_3907 = arith.maxsi %max3A_3906, %convert_element_type3A_3886 : vector<16xi32>
    %min3A_3908 = vector.broadcast %jit3A_3905 : i32 to vector<16xi32>
    %min3A_3909 = arith.minsi %min3A_3908, %max3A_3907 : vector<16xi32>
    %mul3A_3910 = arith.constant 13 : i32
    %mul3A_3911 = vector.broadcast %mul3A_3910 : i32 to vector<16xi32>
    %mul3A_3912 = arith.muli %min3A_3909, %mul3A_3911 : vector<16xi32>
    %add3A_3913 = arith.addi %mul3A_3912, %min3A_3903 : vector<16xi32>
    %shift_right_logical3A_3914 = arith.constant 7 : i32
    %shift_right_logical3A_3915 = vector.broadcast %shift_right_logical3A_3914 : i32 to vector<16xi32>
    %shift_right_logical3A_3916 = arith.shrui %add3A_3913, %shift_right_logical3A_3915 : vector<16xi32>
    %and3A_3917 = arith.constant 127 : i32
    %and3A_3918 = vector.broadcast %and3A_3917 : i32 to vector<16xi32>
    %and3A_3919 = arith.andi %add3A_3913, %and3A_3918 : vector<16xi32>
    %broadcast_in_dim3A_3920 = arith.constant 0 : i32
    %broadcast_in_dim3A_3921 = vector.broadcast %broadcast_in_dim3A_3920 : i32 to vector<16xi32>
    %broadcast_in_dim3A_3922 = arith.constant 1 : i32
    %broadcast_in_dim3A_3923 = vector.broadcast %broadcast_in_dim3A_3922 : i32 to vector<16xi32>
    %gather3A_3924 = tpu.vector_load_idx %arg6[%broadcast_in_dim3A_3557, %broadcast_in_dim3A_3921, %shift_right_logical3A_3916, %broadcast_in_dim3A_3923, %and3A_3919] : memref<4x3x2x8x128xf32, #tpu.memory_space<vmem>>[vector<16xi32>, vector<16xi32>, vector<16xi32>, vector<16xi32>, vector<16xi32>], vector<16xf32>,
    %sub3A_3925 = arith.subf %gather3A_3924, %gather3A_3866 : vector<16xf32>
    %broadcast_in_dim3A_3926 = arith.constant 0 : i32
    %broadcast_in_dim3A_3927 = vector.broadcast %broadcast_in_dim3A_3926 : i32 to vector<16xi32>
    %broadcast_in_dim3A_3928 = arith.constant 2 : i32
    %broadcast_in_dim3A_3929 = vector.broadcast %broadcast_in_dim3A_3928 : i32 to vector<16xi32>
    %gather3A_3930 = tpu.vector_load_idx %arg6[%broadcast_in_dim3A_3557, %broadcast_in_dim3A_3927, %shift_right_logical3A_3916, %broadcast_in_dim3A_3929, %and3A_3919] : memref<4x3x2x8x128xf32, #tpu.memory_space<vmem>>[vector<16xi32>, vector<16xi32>, vector<16xi32>, vector<16xi32>, vector<16xi32>], vector<16xf32>,
    %sub3A_3931 = arith.subf %gather3A_3930, %gather3A_3870 : vector<16xf32>
    %broadcast_in_dim3A_3932 = arith.constant 0 : i32
    %broadcast_in_dim3A_3933 = vector.broadcast %broadcast_in_dim3A_3932 : i32 to vector<16xi32>
    %broadcast_in_dim3A_3934 = arith.constant 3 : i32
    %broadcast_in_dim3A_3935 = vector.broadcast %broadcast_in_dim3A_3934 : i32 to vector<16xi32>
    %gather3A_3936 = tpu.vector_load_idx %arg6[%broadcast_in_dim3A_3557, %broadcast_in_dim3A_3933, %shift_right_logical3A_3916, %broadcast_in_dim3A_3935, %and3A_3919] : memref<4x3x2x8x128xf32, #tpu.memory_space<vmem>>[vector<16xi32>, vector<16xi32>, vector<16xi32>, vector<16xi32>, vector<16xi32>], vector<16xf32>,
    %sub3A_3937 = arith.subf %gather3A_3936, %gather3A_3874 : vector<16xf32>
    %broadcast_in_dim3A_3938 = arith.constant 0 : i32
    %broadcast_in_dim3A_3939 = vector.broadcast %broadcast_in_dim3A_3938 : i32 to vector<16xi32>
    %broadcast_in_dim3A_3940 = arith.constant 4 : i32
    %broadcast_in_dim3A_3941 = vector.broadcast %broadcast_in_dim3A_3940 : i32 to vector<16xi32>
    %gather3A_3942 = tpu.vector_load_idx %arg6[%broadcast_in_dim3A_3557, %broadcast_in_dim3A_3939, %shift_right_logical3A_3916, %broadcast_in_dim3A_3941, %and3A_3919] : memref<4x3x2x8x128xf32, #tpu.memory_space<vmem>>[vector<16xi32>, vector<16xi32>, vector<16xi32>, vector<16xi32>, vector<16xi32>], vector<16xf32>,
    %sub3A_3943 = arith.subf %gather3A_3942, %gather3A_3878 : vector<16xf32>
    %mul3A_3944 = arith.mulf %sub3A_3925, %sub3A_3925 : vector<16xf32>
    %mul3A_3945 = arith.mulf %sub3A_3931, %sub3A_3931 : vector<16xf32>
    %add3A_3946 = arith.addf %mul3A_3944, %mul3A_3945 : vector<16xf32>
    %mul3A_3947 = arith.mulf %sub3A_3937, %sub3A_3937 : vector<16xf32>
    %add3A_3948 = arith.addf %add3A_3946, %mul3A_3947 : vector<16xf32>
    %mul3A_3949 = arith.mulf %sub3A_3943, %sub3A_3943 : vector<16xf32>
    %add3A_3950 = arith.addf %add3A_3948, %mul3A_3949 : vector<16xf32>
    %convert_element_type3A_3951 = arith.fptosi %gather3A_3862 : vector<16xf32> to vector<16xi32>
    %broadcast_in_dim3A_3952 = arith.constant 0 : i32
    %broadcast_in_dim3A_3953 = vector.broadcast %broadcast_in_dim3A_3952 : i32 to vector<16xi32>
    %broadcast_in_dim3A_3954 = arith.constant 5 : i32
    %broadcast_in_dim3A_3955 = vector.broadcast %broadcast_in_dim3A_3954 : i32 to vector<16xi32>
    %gather3A_3956 = tpu.vector_load_idx %arg6[%broadcast_in_dim3A_3557, %broadcast_in_dim3A_3953, %shift_right_logical3A_3916, %broadcast_in_dim3A_3955, %and3A_3919] : memref<4x3x2x8x128xf32, #tpu.memory_space<vmem>>[vector<16xi32>, vector<16xi32>, vector<16xi32>, vector<16xi32>, vector<16xi32>], vector<16xf32>,
    %eq3A_3957 = arith.constant 0 : i32
    %eq3A_3958 = vector.broadcast %eq3A_3957 : i32 to vector<16xi32>
    %eq3A_3959 = arith.cmpi eq, %convert_element_type3A_3951, %eq3A_3958 : vector<16xi32>
    %sub3A_3960 = arith.constant 1.000000e+00 : f32
    %sub3A_3961 = vector.broadcast %sub3A_3960 : f32 to vector<16xf32>
    %sub3A_3962 = arith.subf %gather3A_3956, %sub3A_3961 : vector<16xf32>
    %select_n3A_3963 = arith.select %eq3A_3959, %sub3A_3962, %gather3A_3956 : vector<16xi1>, vector<16xf32>
    %mul3A_3964 = arith.mulf %select_n3A_3963, %select_n3A_3963 : vector<16xf32>
    %add3A_3965 = arith.addf %broadcast_in_dim3A_1, %mul3A_3964 : vector<16xf32>
    %broadcast_in_dim3A_3966 = arith.constant 0 : i32
    %broadcast_in_dim3A_3967 = vector.broadcast %broadcast_in_dim3A_3966 : i32 to vector<16xi32>
    %broadcast_in_dim3A_3968 = arith.constant 6 : i32
    %broadcast_in_dim3A_3969 = vector.broadcast %broadcast_in_dim3A_3968 : i32 to vector<16xi32>
    %gather3A_3970 = tpu.vector_load_idx %arg6[%broadcast_in_dim3A_3557, %broadcast_in_dim3A_3967, %shift_right_logical3A_3916, %broadcast_in_dim3A_3969, %and3A_3919] : memref<4x3x2x8x128xf32, #tpu.memory_space<vmem>>[vector<16xi32>, vector<16xi32>, vector<16xi32>, vector<16xi32>, vector<16xi32>], vector<16xf32>,
    %eq3A_3971 = arith.constant 1 : i32
    %eq3A_3972 = vector.broadcast %eq3A_3971 : i32 to vector<16xi32>
    %eq3A_3973 = arith.cmpi eq, %convert_element_type3A_3951, %eq3A_3972 : vector<16xi32>
    %sub3A_3974 = arith.constant 1.000000e+00 : f32
    %sub3A_3975 = vector.broadcast %sub3A_3974 : f32 to vector<16xf32>
    %sub3A_3976 = arith.subf %gather3A_3970, %sub3A_3975 : vector<16xf32>
    %select_n3A_3977 = arith.select %eq3A_3973, %sub3A_3976, %gather3A_3970 : vector<16xi1>, vector<16xf32>
    %mul3A_3978 = arith.mulf %select_n3A_3977, %select_n3A_3977 : vector<16xf32>
    %add3A_3979 = arith.addf %add3A_3965, %mul3A_3978 : vector<16xf32>
    %broadcast_in_dim3A_3980 = arith.constant 0 : i32
    %broadcast_in_dim3A_3981 = vector.broadcast %broadcast_in_dim3A_3980 : i32 to vector<16xi32>
    %broadcast_in_dim3A_3982 = arith.constant 7 : i32
    %broadcast_in_dim3A_3983 = vector.broadcast %broadcast_in_dim3A_3982 : i32 to vector<16xi32>
    %gather3A_3984 = tpu.vector_load_idx %arg6[%broadcast_in_dim3A_3557, %broadcast_in_dim3A_3981, %shift_right_logical3A_3916, %broadcast_in_dim3A_3983, %and3A_3919] : memref<4x3x2x8x128xf32, #tpu.memory_space<vmem>>[vector<16xi32>, vector<16xi32>, vector<16xi32>, vector<16xi32>, vector<16xi32>], vector<16xf32>,
    %eq3A_3985 = arith.constant 2 : i32
    %eq3A_3986 = vector.broadcast %eq3A_3985 : i32 to vector<16xi32>
    %eq3A_3987 = arith.cmpi eq, %convert_element_type3A_3951, %eq3A_3986 : vector<16xi32>
    %sub3A_3988 = arith.constant 1.000000e+00 : f32
    %sub3A_3989 = vector.broadcast %sub3A_3988 : f32 to vector<16xf32>
    %sub3A_3990 = arith.subf %gather3A_3984, %sub3A_3989 : vector<16xf32>
    %select_n3A_3991 = arith.select %eq3A_3987, %sub3A_3990, %gather3A_3984 : vector<16xi1>, vector<16xf32>
    %mul3A_3992 = arith.mulf %select_n3A_3991, %select_n3A_3991 : vector<16xf32>
    %add3A_3993 = arith.addf %add3A_3979, %mul3A_3992 : vector<16xf32>
    %broadcast_in_dim3A_3994 = arith.constant 1 : i32
    %broadcast_in_dim3A_3995 = vector.broadcast %broadcast_in_dim3A_3994 : i32 to vector<16xi32>
    %broadcast_in_dim3A_3996 = arith.constant 0 : i32
    %broadcast_in_dim3A_3997 = vector.broadcast %broadcast_in_dim3A_3996 : i32 to vector<16xi32>
    %gather3A_3998 = tpu.vector_load_idx %arg6[%broadcast_in_dim3A_3557, %broadcast_in_dim3A_3995, %shift_right_logical3A_3916, %broadcast_in_dim3A_3997, %and3A_3919] : memref<4x3x2x8x128xf32, #tpu.memory_space<vmem>>[vector<16xi32>, vector<16xi32>, vector<16xi32>, vector<16xi32>, vector<16xi32>], vector<16xf32>,
    %eq3A_3999 = arith.constant 3 : i32
    %eq3A_4000 = vector.broadcast %eq3A_3999 : i32 to vector<16xi32>
    %eq3A_4001 = arith.cmpi eq, %convert_element_type3A_3951, %eq3A_4000 : vector<16xi32>
    %sub3A_4002 = arith.constant 1.000000e+00 : f32
    %sub3A_4003 = vector.broadcast %sub3A_4002 : f32 to vector<16xf32>
    %sub3A_4004 = arith.subf %gather3A_3998, %sub3A_4003 : vector<16xf32>
    %select_n3A_4005 = arith.select %eq3A_4001, %sub3A_4004, %gather3A_3998 : vector<16xi1>, vector<16xf32>
    %mul3A_4006 = arith.mulf %select_n3A_4005, %select_n3A_4005 : vector<16xf32>
    %add3A_4007 = arith.addf %add3A_3993, %mul3A_4006 : vector<16xf32>
    %broadcast_in_dim3A_4008 = arith.constant 1 : i32
    %broadcast_in_dim3A_4009 = vector.broadcast %broadcast_in_dim3A_4008 : i32 to vector<16xi32>
    %broadcast_in_dim3A_4010 = arith.constant 1 : i32
    %broadcast_in_dim3A_4011 = vector.broadcast %broadcast_in_dim3A_4010 : i32 to vector<16xi32>
    %gather3A_4012 = tpu.vector_load_idx %arg6[%broadcast_in_dim3A_3557, %broadcast_in_dim3A_4009, %shift_right_logical3A_3916, %broadcast_in_dim3A_4011, %and3A_3919] : memref<4x3x2x8x128xf32, #tpu.memory_space<vmem>>[vector<16xi32>, vector<16xi32>, vector<16xi32>, vector<16xi32>, vector<16xi32>], vector<16xf32>,
    %eq3A_4013 = arith.constant 4 : i32
    %eq3A_4014 = vector.broadcast %eq3A_4013 : i32 to vector<16xi32>
    %eq3A_4015 = arith.cmpi eq, %convert_element_type3A_3951, %eq3A_4014 : vector<16xi32>
    %sub3A_4016 = arith.constant 1.000000e+00 : f32
    %sub3A_4017 = vector.broadcast %sub3A_4016 : f32 to vector<16xf32>
    %sub3A_4018 = arith.subf %gather3A_4012, %sub3A_4017 : vector<16xf32>
    %select_n3A_4019 = arith.select %eq3A_4015, %sub3A_4018, %gather3A_4012 : vector<16xi1>, vector<16xf32>
    %mul3A_4020 = arith.mulf %select_n3A_4019, %select_n3A_4019 : vector<16xf32>
    %add3A_4021 = arith.addf %add3A_4007, %mul3A_4020 : vector<16xf32>
    %broadcast_in_dim3A_4022 = arith.constant 1 : i32
    %broadcast_in_dim3A_4023 = vector.broadcast %broadcast_in_dim3A_4022 : i32 to vector<16xi32>
    %broadcast_in_dim3A_4024 = arith.constant 2 : i32
    %broadcast_in_dim3A_4025 = vector.broadcast %broadcast_in_dim3A_4024 : i32 to vector<16xi32>
    %gather3A_4026 = tpu.vector_load_idx %arg6[%broadcast_in_dim3A_3557, %broadcast_in_dim3A_4023, %shift_right_logical3A_3916, %broadcast_in_dim3A_4025, %and3A_3919] : memref<4x3x2x8x128xf32, #tpu.memory_space<vmem>>[vector<16xi32>, vector<16xi32>, vector<16xi32>, vector<16xi32>, vector<16xi32>], vector<16xf32>,
    %eq3A_4027 = arith.constant 5 : i32
    %eq3A_4028 = vector.broadcast %eq3A_4027 : i32 to vector<16xi32>
    %eq3A_4029 = arith.cmpi eq, %convert_element_type3A_3951, %eq3A_4028 : vector<16xi32>
    %sub3A_4030 = arith.constant 1.000000e+00 : f32
    %sub3A_4031 = vector.broadcast %sub3A_4030 : f32 to vector<16xf32>
    %sub3A_4032 = arith.subf %gather3A_4026, %sub3A_4031 : vector<16xf32>
    %select_n3A_4033 = arith.select %eq3A_4029, %sub3A_4032, %gather3A_4026 : vector<16xi1>, vector<16xf32>
    %mul3A_4034 = arith.mulf %select_n3A_4033, %select_n3A_4033 : vector<16xf32>
    %add3A_4035 = arith.addf %add3A_4021, %mul3A_4034 : vector<16xf32>
    %broadcast_in_dim3A_4036 = arith.constant 1 : i32
    %broadcast_in_dim3A_4037 = vector.broadcast %broadcast_in_dim3A_4036 : i32 to vector<16xi32>
    %broadcast_in_dim3A_4038 = arith.constant 3 : i32
    %broadcast_in_dim3A_4039 = vector.broadcast %broadcast_in_dim3A_4038 : i32 to vector<16xi32>
    %gather3A_4040 = tpu.vector_load_idx %arg6[%broadcast_in_dim3A_3557, %broadcast_in_dim3A_4037, %shift_right_logical3A_3916, %broadcast_in_dim3A_4039, %and3A_3919] : memref<4x3x2x8x128xf32, #tpu.memory_space<vmem>>[vector<16xi32>, vector<16xi32>, vector<16xi32>, vector<16xi32>, vector<16xi32>], vector<16xf32>,
    %eq3A_4041 = arith.constant 6 : i32
    %eq3A_4042 = vector.broadcast %eq3A_4041 : i32 to vector<16xi32>
    %eq3A_4043 = arith.cmpi eq, %convert_element_type3A_3951, %eq3A_4042 : vector<16xi32>
    %sub3A_4044 = arith.constant 1.000000e+00 : f32
    %sub3A_4045 = vector.broadcast %sub3A_4044 : f32 to vector<16xf32>
    %sub3A_4046 = arith.subf %gather3A_4040, %sub3A_4045 : vector<16xf32>
    %select_n3A_4047 = arith.select %eq3A_4043, %sub3A_4046, %gather3A_4040 : vector<16xi1>, vector<16xf32>
    %mul3A_4048 = arith.mulf %select_n3A_4047, %select_n3A_4047 : vector<16xf32>
    %add3A_4049 = arith.addf %add3A_4035, %mul3A_4048 : vector<16xf32>
    %broadcast_in_dim3A_4050 = arith.constant 1 : i32
    %broadcast_in_dim3A_4051 = vector.broadcast %broadcast_in_dim3A_4050 : i32 to vector<16xi32>
    %broadcast_in_dim3A_4052 = arith.constant 4 : i32
    %broadcast_in_dim3A_4053 = vector.broadcast %broadcast_in_dim3A_4052 : i32 to vector<16xi32>
    %gather3A_4054 = tpu.vector_load_idx %arg6[%broadcast_in_dim3A_3557, %broadcast_in_dim3A_4051, %shift_right_logical3A_3916, %broadcast_in_dim3A_4053, %and3A_3919] : memref<4x3x2x8x128xf32, #tpu.memory_space<vmem>>[vector<16xi32>, vector<16xi32>, vector<16xi32>, vector<16xi32>, vector<16xi32>], vector<16xf32>,
    %eq3A_4055 = arith.constant 7 : i32
    %eq3A_4056 = vector.broadcast %eq3A_4055 : i32 to vector<16xi32>
    %eq3A_4057 = arith.cmpi eq, %convert_element_type3A_3951, %eq3A_4056 : vector<16xi32>
    %sub3A_4058 = arith.constant 1.000000e+00 : f32
    %sub3A_4059 = vector.broadcast %sub3A_4058 : f32 to vector<16xf32>
    %sub3A_4060 = arith.subf %gather3A_4054, %sub3A_4059 : vector<16xf32>
    %select_n3A_4061 = arith.select %eq3A_4057, %sub3A_4060, %gather3A_4054 : vector<16xi1>, vector<16xf32>
    %mul3A_4062 = arith.mulf %select_n3A_4061, %select_n3A_4061 : vector<16xf32>
    %add3A_4063 = arith.addf %add3A_4049, %mul3A_4062 : vector<16xf32>
    %broadcast_in_dim3A_4064 = arith.constant 1 : i32
    %broadcast_in_dim3A_4065 = vector.broadcast %broadcast_in_dim3A_4064 : i32 to vector<16xi32>
    %broadcast_in_dim3A_4066 = arith.constant 5 : i32
    %broadcast_in_dim3A_4067 = vector.broadcast %broadcast_in_dim3A_4066 : i32 to vector<16xi32>
    %gather3A_4068 = tpu.vector_load_idx %arg6[%broadcast_in_dim3A_3557, %broadcast_in_dim3A_4065, %shift_right_logical3A_3916, %broadcast_in_dim3A_4067, %and3A_3919] : memref<4x3x2x8x128xf32, #tpu.memory_space<vmem>>[vector<16xi32>, vector<16xi32>, vector<16xi32>, vector<16xi32>, vector<16xi32>], vector<16xf32>,
    %eq3A_4069 = arith.constant 8 : i32
    %eq3A_4070 = vector.broadcast %eq3A_4069 : i32 to vector<16xi32>
    %eq3A_4071 = arith.cmpi eq, %convert_element_type3A_3951, %eq3A_4070 : vector<16xi32>
    %sub3A_4072 = arith.constant 1.000000e+00 : f32
    %sub3A_4073 = vector.broadcast %sub3A_4072 : f32 to vector<16xf32>
    %sub3A_4074 = arith.subf %gather3A_4068, %sub3A_4073 : vector<16xf32>
    %select_n3A_4075 = arith.select %eq3A_4071, %sub3A_4074, %gather3A_4068 : vector<16xi1>, vector<16xf32>
    %mul3A_4076 = arith.mulf %select_n3A_4075, %select_n3A_4075 : vector<16xf32>
    %add3A_4077 = arith.addf %add3A_4063, %mul3A_4076 : vector<16xf32>
    %broadcast_in_dim3A_4078 = arith.constant 1 : i32
    %broadcast_in_dim3A_4079 = vector.broadcast %broadcast_in_dim3A_4078 : i32 to vector<16xi32>
    %broadcast_in_dim3A_4080 = arith.constant 6 : i32
    %broadcast_in_dim3A_4081 = vector.broadcast %broadcast_in_dim3A_4080 : i32 to vector<16xi32>
    %gather3A_4082 = tpu.vector_load_idx %arg6[%broadcast_in_dim3A_3557, %broadcast_in_dim3A_4079, %shift_right_logical3A_3916, %broadcast_in_dim3A_4081, %and3A_3919] : memref<4x3x2x8x128xf32, #tpu.memory_space<vmem>>[vector<16xi32>, vector<16xi32>, vector<16xi32>, vector<16xi32>, vector<16xi32>], vector<16xf32>,
    %eq3A_4083 = arith.constant 9 : i32
    %eq3A_4084 = vector.broadcast %eq3A_4083 : i32 to vector<16xi32>
    %eq3A_4085 = arith.cmpi eq, %convert_element_type3A_3951, %eq3A_4084 : vector<16xi32>
    %sub3A_4086 = arith.constant 1.000000e+00 : f32
    %sub3A_4087 = vector.broadcast %sub3A_4086 : f32 to vector<16xf32>
    %sub3A_4088 = arith.subf %gather3A_4082, %sub3A_4087 : vector<16xf32>
    %select_n3A_4089 = arith.select %eq3A_4085, %sub3A_4088, %gather3A_4082 : vector<16xi1>, vector<16xf32>
    %mul3A_4090 = arith.mulf %select_n3A_4089, %select_n3A_4089 : vector<16xf32>
    %add3A_4091 = arith.addf %add3A_4077, %mul3A_4090 : vector<16xf32>
    %broadcast_in_dim3A_4092 = arith.constant 1 : i32
    %broadcast_in_dim3A_4093 = vector.broadcast %broadcast_in_dim3A_4092 : i32 to vector<16xi32>
    %broadcast_in_dim3A_4094 = arith.constant 7 : i32
    %broadcast_in_dim3A_4095 = vector.broadcast %broadcast_in_dim3A_4094 : i32 to vector<16xi32>
    %gather3A_4096 = tpu.vector_load_idx %arg6[%broadcast_in_dim3A_3557, %broadcast_in_dim3A_4093, %shift_right_logical3A_3916, %broadcast_in_dim3A_4095, %and3A_3919] : memref<4x3x2x8x128xf32, #tpu.memory_space<vmem>>[vector<16xi32>, vector<16xi32>, vector<16xi32>, vector<16xi32>, vector<16xi32>], vector<16xf32>,
    %eq3A_4097 = arith.constant 10 : i32
    %eq3A_4098 = vector.broadcast %eq3A_4097 : i32 to vector<16xi32>
    %eq3A_4099 = arith.cmpi eq, %convert_element_type3A_3951, %eq3A_4098 : vector<16xi32>
    %sub3A_4100 = arith.constant 1.000000e+00 : f32
    %sub3A_4101 = vector.broadcast %sub3A_4100 : f32 to vector<16xf32>
    %sub3A_4102 = arith.subf %gather3A_4096, %sub3A_4101 : vector<16xf32>
    %select_n3A_4103 = arith.select %eq3A_4099, %sub3A_4102, %gather3A_4096 : vector<16xi1>, vector<16xf32>
    %mul3A_4104 = arith.mulf %select_n3A_4103, %select_n3A_4103 : vector<16xf32>
    %add3A_4105 = arith.addf %add3A_4091, %mul3A_4104 : vector<16xf32>
    %broadcast_in_dim3A_4106 = arith.constant 2 : i32
    %broadcast_in_dim3A_4107 = vector.broadcast %broadcast_in_dim3A_4106 : i32 to vector<16xi32>
    %broadcast_in_dim3A_4108 = arith.constant 0 : i32
    %broadcast_in_dim3A_4109 = vector.broadcast %broadcast_in_dim3A_4108 : i32 to vector<16xi32>
    %gather3A_4110 = tpu.vector_load_idx %arg6[%broadcast_in_dim3A_3557, %broadcast_in_dim3A_4107, %shift_right_logical3A_3916, %broadcast_in_dim3A_4109, %and3A_3919] : memref<4x3x2x8x128xf32, #tpu.memory_space<vmem>>[vector<16xi32>, vector<16xi32>, vector<16xi32>, vector<16xi32>, vector<16xi32>], vector<16xf32>,
    %eq3A_4111 = arith.constant 11 : i32
    %eq3A_4112 = vector.broadcast %eq3A_4111 : i32 to vector<16xi32>
    %eq3A_4113 = arith.cmpi eq, %convert_element_type3A_3951, %eq3A_4112 : vector<16xi32>
    %sub3A_4114 = arith.constant 1.000000e+00 : f32
    %sub3A_4115 = vector.broadcast %sub3A_4114 : f32 to vector<16xf32>
    %sub3A_4116 = arith.subf %gather3A_4110, %sub3A_4115 : vector<16xf32>
    %select_n3A_4117 = arith.select %eq3A_4113, %sub3A_4116, %gather3A_4110 : vector<16xi1>, vector<16xf32>
    %mul3A_4118 = arith.mulf %select_n3A_4117, %select_n3A_4117 : vector<16xf32>
    %add3A_4119 = arith.addf %add3A_4105, %mul3A_4118 : vector<16xf32>
    %broadcast_in_dim3A_4120 = arith.constant 2 : i32
    %broadcast_in_dim3A_4121 = vector.broadcast %broadcast_in_dim3A_4120 : i32 to vector<16xi32>
    %broadcast_in_dim3A_4122 = arith.constant 1 : i32
    %broadcast_in_dim3A_4123 = vector.broadcast %broadcast_in_dim3A_4122 : i32 to vector<16xi32>
    %gather3A_4124 = tpu.vector_load_idx %arg6[%broadcast_in_dim3A_3557, %broadcast_in_dim3A_4121, %shift_right_logical3A_3916, %broadcast_in_dim3A_4123, %and3A_3919] : memref<4x3x2x8x128xf32, #tpu.memory_space<vmem>>[vector<16xi32>, vector<16xi32>, vector<16xi32>, vector<16xi32>, vector<16xi32>], vector<16xf32>,
    %eq3A_4125 = arith.constant 12 : i32
    %eq3A_4126 = vector.broadcast %eq3A_4125 : i32 to vector<16xi32>
    %eq3A_4127 = arith.cmpi eq, %convert_element_type3A_3951, %eq3A_4126 : vector<16xi32>
    %sub3A_4128 = arith.constant 1.000000e+00 : f32
    %sub3A_4129 = vector.broadcast %sub3A_4128 : f32 to vector<16xf32>
    %sub3A_4130 = arith.subf %gather3A_4124, %sub3A_4129 : vector<16xf32>
    %select_n3A_4131 = arith.select %eq3A_4127, %sub3A_4130, %gather3A_4124 : vector<16xi1>, vector<16xf32>
    %mul3A_4132 = arith.mulf %select_n3A_4131, %select_n3A_4131 : vector<16xf32>
    %add3A_4133 = arith.addf %add3A_4119, %mul3A_4132 : vector<16xf32>
    %mul3A_4134 = arith.constant 5.000000e+00 : f32
    %mul3A_4135 = vector.broadcast %mul3A_4134 : f32 to vector<16xf32>
    %mul3A_4136 = arith.mulf %mul3A_4135, %add3A_3950 : vector<16xf32>
    %add3A_4137 = arith.addf %mul3A_4136, %add3A_4133 : vector<16xf32>
    %jit3A_4138 = arith.constant 0.000000e+00 : f32
    %broadcast_in_dim3A_4139 = vector.broadcast %jit3A_4138 : f32 to vector<16xf32>
    %select_n3A_4140 = arith.select %and3A_3897, %add3A_4137, %broadcast_in_dim3A_4139 : vector<16xi1>, vector<16xf32>
    %add3A_4141 = arith.addf %add3A_3849, %select_n3A_4140 : vector<16xf32>
    tpu.vector_store_idx %arg7[%add3A_3913], %add3A_3852 masked %and3A_3897 : memref<169xi32, #tpu.memory_space<vmem>>[vector<16xi32>], vector<16xi32>, vector<16xi1>
    %gather3A_4142 = tpu.vector_load_idx %arg7[%add3A_3621] : memref<169xi32, #tpu.memory_space<vmem>>[vector<16xi32>], vector<16xi32>,
    %eq3A_4143 = arith.cmpi eq, %gather3A_4142, %add3A_3560 : vector<16xi32>
    %and3A_4144 = arith.andi %and3A_3605, %eq3A_4143 : vector<16xi1>
    %broadcast_in_dim3A_4145 = arith.constant 0 : i32
    %broadcast_in_dim3A_4146 = vector.broadcast %broadcast_in_dim3A_4145 : i32 to vector<16xi32>
    %broadcast_in_dim3A_4147 = arith.constant 0 : i32
    %broadcast_in_dim3A_4148 = vector.broadcast %broadcast_in_dim3A_4147 : i32 to vector<16xi32>
    %gather3A_4149 = tpu.vector_load_idx %arg6[%broadcast_in_dim3A_3557, %broadcast_in_dim3A_4146, %shift_right_logical3A_3624, %broadcast_in_dim3A_4148, %and3A_3627] : memref<4x3x2x8x128xf32, #tpu.memory_space<vmem>>[vector<16xi32>, vector<16xi32>, vector<16xi32>, vector<16xi32>, vector<16xi32>], vector<16xf32>,
    %mul3A_4150 = arith.mulf %gather3A_4149, %gather3A_4149 : vector<16xf32>
    %jit3A_4151 = arith.constant 0.000000e+00 : f32
    %broadcast_in_dim3A_4152 = vector.broadcast %jit3A_4151 : f32 to vector<16xf32>
    %select_n3A_4153 = arith.select %and3A_4144, %mul3A_4150, %broadcast_in_dim3A_4152 : vector<16xi1>, vector<16xf32>
    %sub3A_4154 = arith.subf %add3A_3555, %select_n3A_4153 : vector<16xf32>
    %gather3A_4155 = tpu.vector_load_idx %arg7[%add3A_3913] : memref<169xi32, #tpu.memory_space<vmem>>[vector<16xi32>], vector<16xi32>,
    %eq3A_4156 = arith.cmpi eq, %gather3A_4155, %add3A_3852 : vector<16xi32>
    %and3A_4157 = arith.andi %and3A_3897, %eq3A_4156 : vector<16xi1>
    %broadcast_in_dim3A_4158 = arith.constant 0 : i32
    %broadcast_in_dim3A_4159 = vector.broadcast %broadcast_in_dim3A_4158 : i32 to vector<16xi32>
    %broadcast_in_dim3A_4160 = arith.constant 0 : i32
    %broadcast_in_dim3A_4161 = vector.broadcast %broadcast_in_dim3A_4160 : i32 to vector<16xi32>
    %gather3A_4162 = tpu.vector_load_idx %arg6[%broadcast_in_dim3A_3557, %broadcast_in_dim3A_4159, %shift_right_logical3A_3916, %broadcast_in_dim3A_4161, %and3A_3919] : memref<4x3x2x8x128xf32, #tpu.memory_space<vmem>>[vector<16xi32>, vector<16xi32>, vector<16xi32>, vector<16xi32>, vector<16xi32>], vector<16xf32>,
    %mul3A_4163 = arith.mulf %gather3A_4162, %gather3A_4162 : vector<16xf32>
    %jit3A_4164 = arith.constant 0.000000e+00 : f32
    %broadcast_in_dim3A_4165 = vector.broadcast %jit3A_4164 : f32 to vector<16xf32>
    %select_n3A_4166 = arith.select %and3A_4157, %mul3A_4163, %broadcast_in_dim3A_4165 : vector<16xi1>, vector<16xf32>
    %sub3A_4167 = arith.subf %sub3A_4154, %select_n3A_4166 : vector<16xf32>
    %get3A_4168 = arith.constant 3 : i32
    %get3A_4169 = arith.constant 0 : i32
    %get3A_4170 = arith.constant 0 : i32
    %get3A_4171 = arith.constant 0 : i32
    %get3A_4172 = arith.index_cast %get3A_4168 : i32 to index
    %get3A_4173 = arith.index_cast %get3A_4169 : i32 to index
    %get3A_4174 = arith.index_cast %get3A_4170 : i32 to index
    %get3A_4175 = arith.index_cast %get3A_4171 : i32 to index
    %get3A_4176 = arith.constant 0 : index
    %get3A_4177 = tpu.vector_load %arg6[%get3A_4172, %get3A_4173, %get3A_4174, %get3A_4175, %get3A_4176] {strides = array<i32>} : memref<4x3x2x8x128xf32, #tpu.memory_space<vmem>>, vector<16xf32>,
    %mul3A_4178 = arith.mulf %get3A_4177, %get3A_4177 : vector<16xf32>
    %add3A_4179 = arith.addf %sub3A_4167, %mul3A_4178 : vector<16xf32>
    %get3A_4180 = arith.constant 3 : i32
    %get3A_4181 = arith.constant 0 : i32
    %get3A_4182 = arith.constant 0 : i32
    %get3A_4183 = arith.constant 0 : i32
    %get3A_4184 = arith.index_cast %get3A_4180 : i32 to index
    %get3A_4185 = arith.index_cast %get3A_4181 : i32 to index
    %get3A_4186 = arith.index_cast %get3A_4182 : i32 to index
    %get3A_4187 = arith.index_cast %get3A_4183 : i32 to index
    %get3A_4188 = arith.constant 16 : index
    %get3A_4189 = tpu.vector_load %arg6[%get3A_4184, %get3A_4185, %get3A_4186, %get3A_4187, %get3A_4188] {strides = array<i32>} : memref<4x3x2x8x128xf32, #tpu.memory_space<vmem>>, vector<16xf32>,
    %mul3A_4190 = arith.mulf %get3A_4189, %get3A_4189 : vector<16xf32>
    %add3A_4191 = arith.addf %add3A_4179, %mul3A_4190 : vector<16xf32>
    %get3A_4192 = arith.constant 3 : i32
    %get3A_4193 = arith.constant 0 : i32
    %get3A_4194 = arith.constant 0 : i32
    %get3A_4195 = arith.constant 0 : i32
    %get3A_4196 = arith.index_cast %get3A_4192 : i32 to index
    %get3A_4197 = arith.index_cast %get3A_4193 : i32 to index
    %get3A_4198 = arith.index_cast %get3A_4194 : i32 to index
    %get3A_4199 = arith.index_cast %get3A_4195 : i32 to index
    %get3A_4200 = arith.constant 32 : index
    %get3A_4201 = tpu.vector_load %arg6[%get3A_4196, %get3A_4197, %get3A_4198, %get3A_4199, %get3A_4200] {strides = array<i32>} : memref<4x3x2x8x128xf32, #tpu.memory_space<vmem>>, vector<16xf32>,
    %mul3A_4202 = arith.mulf %get3A_4201, %get3A_4201 : vector<16xf32>
    %add3A_4203 = arith.addf %add3A_4191, %mul3A_4202 : vector<16xf32>
    %get3A_4204 = arith.constant 3 : i32
    %get3A_4205 = arith.constant 0 : i32
    %get3A_4206 = arith.constant 0 : i32
    %get3A_4207 = arith.constant 0 : i32
    %get3A_4208 = arith.index_cast %get3A_4204 : i32 to index
    %get3A_4209 = arith.index_cast %get3A_4205 : i32 to index
    %get3A_4210 = arith.index_cast %get3A_4206 : i32 to index
    %get3A_4211 = arith.index_cast %get3A_4207 : i32 to index
    %get3A_4212 = arith.constant 48 : index
    %get3A_4213 = tpu.vector_load %arg6[%get3A_4208, %get3A_4209, %get3A_4210, %get3A_4211, %get3A_4212] {strides = array<i32>} : memref<4x3x2x8x128xf32, #tpu.memory_space<vmem>>, vector<16xf32>,
    %mul3A_4214 = arith.mulf %get3A_4213, %get3A_4213 : vector<16xf32>
    %add3A_4215 = arith.addf %add3A_4203, %mul3A_4214 : vector<16xf32>
    %get3A_4216 = arith.constant 3 : i32
    %get3A_4217 = arith.constant 0 : i32
    %get3A_4218 = arith.constant 0 : i32
    %get3A_4219 = arith.constant 0 : i32
    %get3A_4220 = arith.index_cast %get3A_4216 : i32 to index
    %get3A_4221 = arith.index_cast %get3A_4217 : i32 to index
    %get3A_4222 = arith.index_cast %get3A_4218 : i32 to index
    %get3A_4223 = arith.index_cast %get3A_4219 : i32 to index
    %get3A_4224 = arith.constant 64 : index
    %get3A_4225 = tpu.vector_load %arg6[%get3A_4220, %get3A_4221, %get3A_4222, %get3A_4223, %get3A_4224] {strides = array<i32>} : memref<4x3x2x8x128xf32, #tpu.memory_space<vmem>>, vector<16xf32>,
    %mul3A_4226 = arith.mulf %get3A_4225, %get3A_4225 : vector<16xf32>
    %add3A_4227 = arith.addf %add3A_4215, %mul3A_4226 : vector<16xf32>
    %get3A_4228 = arith.constant 3 : i32
    %get3A_4229 = arith.constant 0 : i32
    %get3A_4230 = arith.constant 0 : i32
    %get3A_4231 = arith.constant 0 : i32
    %get3A_4232 = arith.index_cast %get3A_4228 : i32 to index
    %get3A_4233 = arith.index_cast %get3A_4229 : i32 to index
    %get3A_4234 = arith.index_cast %get3A_4230 : i32 to index
    %get3A_4235 = arith.index_cast %get3A_4231 : i32 to index
    %get3A_4236 = arith.constant 80 : index
    %get3A_4237 = tpu.vector_load %arg6[%get3A_4232, %get3A_4233, %get3A_4234, %get3A_4235, %get3A_4236] {strides = array<i32>} : memref<4x3x2x8x128xf32, #tpu.memory_space<vmem>>, vector<16xf32>,
    %mul3A_4238 = arith.mulf %get3A_4237, %get3A_4237 : vector<16xf32>
    %add3A_4239 = arith.addf %add3A_4227, %mul3A_4238 : vector<16xf32>
    %get3A_4240 = arith.constant 3 : i32
    %get3A_4241 = arith.constant 0 : i32
    %get3A_4242 = arith.constant 0 : i32
    %get3A_4243 = arith.constant 0 : i32
    %get3A_4244 = arith.index_cast %get3A_4240 : i32 to index
    %get3A_4245 = arith.index_cast %get3A_4241 : i32 to index
    %get3A_4246 = arith.index_cast %get3A_4242 : i32 to index
    %get3A_4247 = arith.index_cast %get3A_4243 : i32 to index
    %get3A_4248 = arith.constant 96 : index
    %get3A_4249 = tpu.vector_load %arg6[%get3A_4244, %get3A_4245, %get3A_4246, %get3A_4247, %get3A_4248] {strides = array<i32>} : memref<4x3x2x8x128xf32, #tpu.memory_space<vmem>>, vector<16xf32>,
    %mul3A_4250 = arith.mulf %get3A_4249, %get3A_4249 : vector<16xf32>
    %add3A_4251 = arith.addf %add3A_4239, %mul3A_4250 : vector<16xf32>
    %get3A_4252 = arith.constant 3 : i32
    %get3A_4253 = arith.constant 0 : i32
    %get3A_4254 = arith.constant 0 : i32
    %get3A_4255 = arith.constant 0 : i32
    %get3A_4256 = arith.index_cast %get3A_4252 : i32 to index
    %get3A_4257 = arith.index_cast %get3A_4253 : i32 to index
    %get3A_4258 = arith.index_cast %get3A_4254 : i32 to index
    %get3A_4259 = arith.index_cast %get3A_4255 : i32 to index
    %get3A_4260 = arith.constant 112 : index
    %get3A_4261 = tpu.vector_load %arg6[%get3A_4256, %get3A_4257, %get3A_4258, %get3A_4259, %get3A_4260] {strides = array<i32>} : memref<4x3x2x8x128xf32, #tpu.memory_space<vmem>>, vector<16xf32>,
    %mul3A_4262 = arith.mulf %get3A_4261, %get3A_4261 : vector<16xf32>
    %add3A_4263 = arith.addf %add3A_4251, %mul3A_4262 : vector<16xf32>
    %get3A_4264 = arith.constant 3 : i32
    %get3A_4265 = arith.constant 0 : i32
    %get3A_4266 = arith.constant 1 : i32
    %get3A_4267 = arith.constant 0 : i32
    %get3A_4268 = arith.index_cast %get3A_4264 : i32 to index
    %get3A_4269 = arith.index_cast %get3A_4265 : i32 to index
    %get3A_4270 = arith.index_cast %get3A_4266 : i32 to index
    %get3A_4271 = arith.index_cast %get3A_4267 : i32 to index
    %get3A_4272 = arith.constant 0 : index
    %get3A_4273 = tpu.vector_load %arg6[%get3A_4268, %get3A_4269, %get3A_4270, %get3A_4271, %get3A_4272] {strides = array<i32>} : memref<4x3x2x8x128xf32, #tpu.memory_space<vmem>>, vector<16xf32>,
    %mul3A_4274 = arith.mulf %get3A_4273, %get3A_4273 : vector<16xf32>
    %add3A_4275 = arith.addf %add3A_4263, %mul3A_4274 : vector<16xf32>
    %get3A_4276 = arith.constant 3 : i32
    %get3A_4277 = arith.constant 0 : i32
    %get3A_4278 = arith.constant 1 : i32
    %get3A_4279 = arith.constant 0 : i32
    %get3A_4280 = arith.index_cast %get3A_4276 : i32 to index
    %get3A_4281 = arith.index_cast %get3A_4277 : i32 to index
    %get3A_4282 = arith.index_cast %get3A_4278 : i32 to index
    %get3A_4283 = arith.index_cast %get3A_4279 : i32 to index
    %get3A_4284 = arith.constant 16 : index
    %get3A_4285 = tpu.vector_load %arg6[%get3A_4280, %get3A_4281, %get3A_4282, %get3A_4283, %get3A_4284] {strides = array<i32>} : memref<4x3x2x8x128xf32, #tpu.memory_space<vmem>>, vector<16xf32>,
    %mul3A_4286 = arith.mulf %get3A_4285, %get3A_4285 : vector<16xf32>
    %add3A_4287 = arith.addf %add3A_4275, %mul3A_4286 : vector<16xf32>
    %get3A_4288 = arith.constant 3 : i32
    %get3A_4289 = arith.constant 0 : i32
    %get3A_4290 = arith.constant 1 : i32
    %get3A_4291 = arith.constant 0 : i32
    %get3A_4292 = arith.index_cast %get3A_4288 : i32 to index
    %get3A_4293 = arith.index_cast %get3A_4289 : i32 to index
    %get3A_4294 = arith.index_cast %get3A_4290 : i32 to index
    %get3A_4295 = arith.index_cast %get3A_4291 : i32 to index
    %get3A_4296 = arith.constant 32 : index
    %get3A_4297 = tpu.vector_load %arg6[%get3A_4292, %get3A_4293, %get3A_4294, %get3A_4295, %get3A_4296] {strides = array<i32>} : memref<4x3x2x8x128xf32, #tpu.memory_space<vmem>>, vector<16xf32>,
    %mul3A_4298 = arith.mulf %get3A_4297, %get3A_4297 : vector<16xf32>
    %add3A_4299 = arith.addf %add3A_4287, %mul3A_4298 : vector<16xf32>
    %get3A_4300 = arith.constant 3 : i32
    %get3A_4301 = arith.constant 0 : i32
    %get3A_4302 = arith.constant 1 : i32
    %get3A_4303 = arith.constant 0 : i32
    %get3A_4304 = arith.index_cast %get3A_4300 : i32 to index
    %get3A_4305 = arith.index_cast %get3A_4301 : i32 to index
    %get3A_4306 = arith.index_cast %get3A_4302 : i32 to index
    %get3A_4307 = arith.index_cast %get3A_4303 : i32 to index
    %get3A_4308 = arith.constant 48 : index
    %get3A_4309 = tpu.vector_load %arg6[%get3A_4304, %get3A_4305, %get3A_4306, %get3A_4307, %get3A_4308] {strides = array<i32>} : memref<4x3x2x8x128xf32, #tpu.memory_space<vmem>>, vector<16xf32>,
    %mul3A_4310 = arith.mulf %get3A_4309, %get3A_4309 : vector<16xf32>
    %add3A_4311 = arith.addf %add3A_4299, %mul3A_4310 : vector<16xf32>
    %get3A_4312 = arith.constant 3 : i32
    %get3A_4313 = arith.constant 0 : i32
    %get3A_4314 = arith.constant 1 : i32
    %get3A_4315 = arith.constant 0 : i32
    %get3A_4316 = arith.index_cast %get3A_4312 : i32 to index
    %get3A_4317 = arith.index_cast %get3A_4313 : i32 to index
    %get3A_4318 = arith.index_cast %get3A_4314 : i32 to index
    %get3A_4319 = arith.index_cast %get3A_4315 : i32 to index
    %get3A_4320 = arith.constant 64 : index
    %get3A_4321 = tpu.vector_load %arg6[%get3A_4316, %get3A_4317, %get3A_4318, %get3A_4319, %get3A_4320] {strides = array<i32>} : memref<4x3x2x8x128xf32, #tpu.memory_space<vmem>>, vector<16xf32>,
    %mul3A_4322 = arith.mulf %get3A_4321, %get3A_4321 : vector<16xf32>
    %add3A_4323 = arith.addf %add3A_4311, %mul3A_4322 : vector<16xf32>
    %get3A_4324 = arith.constant 3 : i32
    %get3A_4325 = arith.constant 0 : i32
    %get3A_4326 = arith.constant 1 : i32
    %get3A_4327 = arith.constant 0 : i32
    %get3A_4328 = arith.index_cast %get3A_4324 : i32 to index
    %get3A_4329 = arith.index_cast %get3A_4325 : i32 to index
    %get3A_4330 = arith.index_cast %get3A_4326 : i32 to index
    %get3A_4331 = arith.index_cast %get3A_4327 : i32 to index
    %get3A_4332 = arith.constant 80 : index
    %get3A_4333 = tpu.vector_load %arg6[%get3A_4328, %get3A_4329, %get3A_4330, %get3A_4331, %get3A_4332] {strides = array<i32>} : memref<4x3x2x8x128xf32, #tpu.memory_space<vmem>>, vector<16xf32>,
    %mul3A_4334 = arith.mulf %get3A_4333, %get3A_4333 : vector<16xf32>
    %add3A_4335 = arith.addf %add3A_4323, %mul3A_4334 : vector<16xf32>
    %get3A_4336 = arith.constant 3 : i32
    %get3A_4337 = arith.constant 0 : i32
    %get3A_4338 = arith.constant 1 : i32
    %get3A_4339 = arith.constant 0 : i32
    %get3A_4340 = arith.index_cast %get3A_4336 : i32 to index
    %get3A_4341 = arith.index_cast %get3A_4337 : i32 to index
    %get3A_4342 = arith.index_cast %get3A_4338 : i32 to index
    %get3A_4343 = arith.index_cast %get3A_4339 : i32 to index
    %get3A_4344 = arith.constant 96 : index
    %get3A_4345 = tpu.vector_load %arg6[%get3A_4340, %get3A_4341, %get3A_4342, %get3A_4343, %get3A_4344] {strides = array<i32>} : memref<4x3x2x8x128xf32, #tpu.memory_space<vmem>>, vector<16xf32>,
    %mul3A_4346 = arith.mulf %get3A_4345, %get3A_4345 : vector<16xf32>
    %add3A_4347 = arith.addf %add3A_4335, %mul3A_4346 : vector<16xf32>
    %get3A_4348 = arith.constant 3 : i32
    %get3A_4349 = arith.constant 0 : i32
    %get3A_4350 = arith.constant 1 : i32
    %get3A_4351 = arith.constant 0 : i32
    %get3A_4352 = arith.index_cast %get3A_4348 : i32 to index
    %get3A_4353 = arith.index_cast %get3A_4349 : i32 to index
    %get3A_4354 = arith.index_cast %get3A_4350 : i32 to index
    %get3A_4355 = arith.index_cast %get3A_4351 : i32 to index
    %get3A_4356 = arith.constant 112 : index
    %get3A_4357 = tpu.vector_load %arg6[%get3A_4352, %get3A_4353, %get3A_4354, %get3A_4355, %get3A_4356] {strides = array<i32>} : memref<4x3x2x8x128xf32, #tpu.memory_space<vmem>>, vector<16xf32>,
    %mul3A_4358 = arith.mulf %get3A_4357, %get3A_4357 : vector<16xf32>
    %add3A_4359 = arith.addf %add3A_4347, %mul3A_4358 : vector<16xf32>
    %get3A_4360 = arith.constant 3 : i32
    %get3A_4361 = arith.constant 2 : i32
    %get3A_4362 = arith.constant 0 : i32
    %get3A_4363 = arith.constant 2 : i32
    %get3A_4364 = arith.index_cast %get3A_4360 : i32 to index
    %get3A_4365 = arith.index_cast %get3A_4361 : i32 to index
    %get3A_4366 = arith.index_cast %get3A_4362 : i32 to index
    %get3A_4367 = arith.index_cast %get3A_4363 : i32 to index
    %get3A_4368 = arith.constant 0 : index
    %get3A_4369 = tpu.vector_load %arg6[%get3A_4364, %get3A_4365, %get3A_4366, %get3A_4367, %get3A_4368] {strides = array<i32>} : memref<4x3x2x8x128xf32, #tpu.memory_space<vmem>>, vector<16xf32>,
    %mul3A_4370 = arith.mulf %get3A_4369, %get3A_4369 : vector<16xf32>
    %add3A_4371 = arith.addf %add3A_4359, %mul3A_4370 : vector<16xf32>
    %get3A_4372 = arith.constant 3 : i32
    %get3A_4373 = arith.constant 2 : i32
    %get3A_4374 = arith.constant 0 : i32
    %get3A_4375 = arith.constant 2 : i32
    %get3A_4376 = arith.index_cast %get3A_4372 : i32 to index
    %get3A_4377 = arith.index_cast %get3A_4373 : i32 to index
    %get3A_4378 = arith.index_cast %get3A_4374 : i32 to index
    %get3A_4379 = arith.index_cast %get3A_4375 : i32 to index
    %get3A_4380 = arith.constant 16 : index
    %get3A_4381 = tpu.vector_load %arg6[%get3A_4376, %get3A_4377, %get3A_4378, %get3A_4379, %get3A_4380] {strides = array<i32>} : memref<4x3x2x8x128xf32, #tpu.memory_space<vmem>>, vector<16xf32>,
    %mul3A_4382 = arith.mulf %get3A_4381, %get3A_4381 : vector<16xf32>
    %add3A_4383 = arith.addf %add3A_4371, %mul3A_4382 : vector<16xf32>
    %get3A_4384 = arith.constant 3 : i32
    %get3A_4385 = arith.constant 2 : i32
    %get3A_4386 = arith.constant 0 : i32
    %get3A_4387 = arith.constant 2 : i32
    %get3A_4388 = arith.index_cast %get3A_4384 : i32 to index
    %get3A_4389 = arith.index_cast %get3A_4385 : i32 to index
    %get3A_4390 = arith.index_cast %get3A_4386 : i32 to index
    %get3A_4391 = arith.index_cast %get3A_4387 : i32 to index
    %get3A_4392 = arith.constant 32 : index
    %get3A_4393 = tpu.vector_load %arg6[%get3A_4388, %get3A_4389, %get3A_4390, %get3A_4391, %get3A_4392] {strides = array<i32>} : memref<4x3x2x8x128xf32, #tpu.memory_space<vmem>>, vector<16xf32>,
    %mul3A_4394 = arith.mulf %get3A_4393, %get3A_4393 : vector<16xf32>
    %add3A_4395 = arith.addf %add3A_4383, %mul3A_4394 : vector<16xf32>
    %get3A_4396 = arith.constant 3 : i32
    %get3A_4397 = arith.constant 2 : i32
    %get3A_4398 = arith.constant 0 : i32
    %get3A_4399 = arith.constant 2 : i32
    %get3A_4400 = arith.index_cast %get3A_4396 : i32 to index
    %get3A_4401 = arith.index_cast %get3A_4397 : i32 to index
    %get3A_4402 = arith.index_cast %get3A_4398 : i32 to index
    %get3A_4403 = arith.index_cast %get3A_4399 : i32 to index
    %get3A_4404 = arith.constant 48 : index
    %get3A_4405 = tpu.vector_load %arg6[%get3A_4400, %get3A_4401, %get3A_4402, %get3A_4403, %get3A_4404] {strides = array<i32>} : memref<4x3x2x8x128xf32, #tpu.memory_space<vmem>>, vector<16xf32>,
    %mul3A_4406 = arith.mulf %get3A_4405, %get3A_4405 : vector<16xf32>
    %add3A_4407 = arith.addf %add3A_4395, %mul3A_4406 : vector<16xf32>
    %get3A_4408 = arith.constant 3 : i32
    %get3A_4409 = arith.constant 2 : i32
    %get3A_4410 = arith.constant 0 : i32
    %get3A_4411 = arith.constant 2 : i32
    %get3A_4412 = arith.index_cast %get3A_4408 : i32 to index
    %get3A_4413 = arith.index_cast %get3A_4409 : i32 to index
    %get3A_4414 = arith.index_cast %get3A_4410 : i32 to index
    %get3A_4415 = arith.index_cast %get3A_4411 : i32 to index
    %get3A_4416 = arith.constant 64 : index
    %get3A_4417 = tpu.vector_load %arg6[%get3A_4412, %get3A_4413, %get3A_4414, %get3A_4415, %get3A_4416] {strides = array<i32>} : memref<4x3x2x8x128xf32, #tpu.memory_space<vmem>>, vector<16xf32>,
    %mul3A_4418 = arith.mulf %get3A_4417, %get3A_4417 : vector<16xf32>
    %add3A_4419 = arith.addf %add3A_4407, %mul3A_4418 : vector<16xf32>
    %get3A_4420 = arith.constant 3 : i32
    %get3A_4421 = arith.constant 2 : i32
    %get3A_4422 = arith.constant 0 : i32
    %get3A_4423 = arith.constant 2 : i32
    %get3A_4424 = arith.index_cast %get3A_4420 : i32 to index
    %get3A_4425 = arith.index_cast %get3A_4421 : i32 to index
    %get3A_4426 = arith.index_cast %get3A_4422 : i32 to index
    %get3A_4427 = arith.index_cast %get3A_4423 : i32 to index
    %get3A_4428 = arith.constant 80 : index
    %get3A_4429 = tpu.vector_load %arg6[%get3A_4424, %get3A_4425, %get3A_4426, %get3A_4427, %get3A_4428] {strides = array<i32>} : memref<4x3x2x8x128xf32, #tpu.memory_space<vmem>>, vector<16xf32>,
    %mul3A_4430 = arith.mulf %get3A_4429, %get3A_4429 : vector<16xf32>
    %add3A_4431 = arith.addf %add3A_4419, %mul3A_4430 : vector<16xf32>
    %get3A_4432 = arith.constant 3 : i32
    %get3A_4433 = arith.constant 2 : i32
    %get3A_4434 = arith.constant 0 : i32
    %get3A_4435 = arith.constant 2 : i32
    %get3A_4436 = arith.index_cast %get3A_4432 : i32 to index
    %get3A_4437 = arith.index_cast %get3A_4433 : i32 to index
    %get3A_4438 = arith.index_cast %get3A_4434 : i32 to index
    %get3A_4439 = arith.index_cast %get3A_4435 : i32 to index
    %get3A_4440 = arith.constant 96 : index
    %get3A_4441 = tpu.vector_load %arg6[%get3A_4436, %get3A_4437, %get3A_4438, %get3A_4439, %get3A_4440] {strides = array<i32>} : memref<4x3x2x8x128xf32, #tpu.memory_space<vmem>>, vector<16xf32>,
    %mul3A_4442 = arith.mulf %get3A_4441, %get3A_4441 : vector<16xf32>
    %add3A_4443 = arith.addf %add3A_4431, %mul3A_4442 : vector<16xf32>
    %get3A_4444 = arith.constant 3 : i32
    %get3A_4445 = arith.constant 2 : i32
    %get3A_4446 = arith.constant 0 : i32
    %get3A_4447 = arith.constant 2 : i32
    %get3A_4448 = arith.index_cast %get3A_4444 : i32 to index
    %get3A_4449 = arith.index_cast %get3A_4445 : i32 to index
    %get3A_4450 = arith.index_cast %get3A_4446 : i32 to index
    %get3A_4451 = arith.index_cast %get3A_4447 : i32 to index
    %get3A_4452 = arith.constant 112 : index
    %get3A_4453 = tpu.vector_load %arg6[%get3A_4448, %get3A_4449, %get3A_4450, %get3A_4451, %get3A_4452] {strides = array<i32>} : memref<4x3x2x8x128xf32, #tpu.memory_space<vmem>>, vector<16xf32>,
    %mul3A_4454 = arith.mulf %get3A_4453, %get3A_4453 : vector<16xf32>
    %add3A_4455 = arith.addf %add3A_4443, %mul3A_4454 : vector<16xf32>
    %get3A_4456 = arith.constant 3 : i32
    %get3A_4457 = arith.constant 2 : i32
    %get3A_4458 = arith.constant 1 : i32
    %get3A_4459 = arith.constant 2 : i32
    %get3A_4460 = arith.index_cast %get3A_4456 : i32 to index
    %get3A_4461 = arith.index_cast %get3A_4457 : i32 to index
    %get3A_4462 = arith.index_cast %get3A_4458 : i32 to index
    %get3A_4463 = arith.index_cast %get3A_4459 : i32 to index
    %get3A_4464 = arith.constant 0 : index
    %get3A_4465 = tpu.vector_load %arg6[%get3A_4460, %get3A_4461, %get3A_4462, %get3A_4463, %get3A_4464] {strides = array<i32>} : memref<4x3x2x8x128xf32, #tpu.memory_space<vmem>>, vector<16xf32>,
    %mul3A_4466 = arith.mulf %get3A_4465, %get3A_4465 : vector<16xf32>
    %add3A_4467 = arith.addf %add3A_4455, %mul3A_4466 : vector<16xf32>
    %get3A_4468 = arith.constant 3 : i32
    %get3A_4469 = arith.constant 2 : i32
    %get3A_4470 = arith.constant 1 : i32
    %get3A_4471 = arith.constant 2 : i32
    %get3A_4472 = arith.index_cast %get3A_4468 : i32 to index
    %get3A_4473 = arith.index_cast %get3A_4469 : i32 to index
    %get3A_4474 = arith.index_cast %get3A_4470 : i32 to index
    %get3A_4475 = arith.index_cast %get3A_4471 : i32 to index
    %get3A_4476 = arith.constant 16 : index
    %get3A_4477 = tpu.vector_load %arg6[%get3A_4472, %get3A_4473, %get3A_4474, %get3A_4475, %get3A_4476] {strides = array<i32>} : memref<4x3x2x8x128xf32, #tpu.memory_space<vmem>>, vector<16xf32>,
    %mul3A_4478 = arith.mulf %get3A_4477, %get3A_4477 : vector<16xf32>
    %add3A_4479 = arith.addf %add3A_4467, %mul3A_4478 : vector<16xf32>
    %get3A_4480 = arith.constant 3 : i32
    %get3A_4481 = arith.constant 2 : i32
    %get3A_4482 = arith.constant 1 : i32
    %get3A_4483 = arith.constant 2 : i32
    %get3A_4484 = arith.index_cast %get3A_4480 : i32 to index
    %get3A_4485 = arith.index_cast %get3A_4481 : i32 to index
    %get3A_4486 = arith.index_cast %get3A_4482 : i32 to index
    %get3A_4487 = arith.index_cast %get3A_4483 : i32 to index
    %get3A_4488 = arith.constant 32 : index
    %get3A_4489 = tpu.vector_load %arg6[%get3A_4484, %get3A_4485, %get3A_4486, %get3A_4487, %get3A_4488] {strides = array<i32>} : memref<4x3x2x8x128xf32, #tpu.memory_space<vmem>>, vector<16xf32>,
    %mul3A_4490 = arith.mulf %get3A_4489, %get3A_4489 : vector<16xf32>
    %add3A_4491 = arith.addf %add3A_4479, %mul3A_4490 : vector<16xf32>
    %get3A_4492 = arith.constant 3 : i32
    %get3A_4493 = arith.constant 2 : i32
    %get3A_4494 = arith.constant 1 : i32
    %get3A_4495 = arith.constant 2 : i32
    %get3A_4496 = arith.index_cast %get3A_4492 : i32 to index
    %get3A_4497 = arith.index_cast %get3A_4493 : i32 to index
    %get3A_4498 = arith.index_cast %get3A_4494 : i32 to index
    %get3A_4499 = arith.index_cast %get3A_4495 : i32 to index
    %get3A_4500 = arith.constant 48 : index
    %get3A_4501 = tpu.vector_load %arg6[%get3A_4496, %get3A_4497, %get3A_4498, %get3A_4499, %get3A_4500] {strides = array<i32>} : memref<4x3x2x8x128xf32, #tpu.memory_space<vmem>>, vector<16xf32>,
    %mul3A_4502 = arith.mulf %get3A_4501, %get3A_4501 : vector<16xf32>
    %add3A_4503 = arith.addf %add3A_4491, %mul3A_4502 : vector<16xf32>
    %get3A_4504 = arith.constant 3 : i32
    %get3A_4505 = arith.constant 2 : i32
    %get3A_4506 = arith.constant 1 : i32
    %get3A_4507 = arith.constant 2 : i32
    %get3A_4508 = arith.index_cast %get3A_4504 : i32 to index
    %get3A_4509 = arith.index_cast %get3A_4505 : i32 to index
    %get3A_4510 = arith.index_cast %get3A_4506 : i32 to index
    %get3A_4511 = arith.index_cast %get3A_4507 : i32 to index
    %get3A_4512 = arith.constant 64 : index
    %get3A_4513 = tpu.vector_load %arg6[%get3A_4508, %get3A_4509, %get3A_4510, %get3A_4511, %get3A_4512] {strides = array<i32>} : memref<4x3x2x8x128xf32, #tpu.memory_space<vmem>>, vector<16xf32>,
    %mul3A_4514 = arith.mulf %get3A_4513, %get3A_4513 : vector<16xf32>
    %add3A_4515 = arith.addf %add3A_4503, %mul3A_4514 : vector<16xf32>
    %get3A_4516 = arith.constant 3 : i32
    %get3A_4517 = arith.constant 2 : i32
    %get3A_4518 = arith.constant 1 : i32
    %get3A_4519 = arith.constant 2 : i32
    %get3A_4520 = arith.index_cast %get3A_4516 : i32 to index
    %get3A_4521 = arith.index_cast %get3A_4517 : i32 to index
    %get3A_4522 = arith.index_cast %get3A_4518 : i32 to index
    %get3A_4523 = arith.index_cast %get3A_4519 : i32 to index
    %get3A_4524 = arith.constant 80 : index
    %get3A_4525 = tpu.vector_load %arg6[%get3A_4520, %get3A_4521, %get3A_4522, %get3A_4523, %get3A_4524] {strides = array<i32>} : memref<4x3x2x8x128xf32, #tpu.memory_space<vmem>>, vector<16xf32>,
    %mul3A_4526 = arith.mulf %get3A_4525, %get3A_4525 : vector<16xf32>
    %add3A_4527 = arith.addf %add3A_4515, %mul3A_4526 : vector<16xf32>
    %get3A_4528 = arith.constant 3 : i32
    %get3A_4529 = arith.constant 2 : i32
    %get3A_4530 = arith.constant 1 : i32
    %get3A_4531 = arith.constant 2 : i32
    %get3A_4532 = arith.index_cast %get3A_4528 : i32 to index
    %get3A_4533 = arith.index_cast %get3A_4529 : i32 to index
    %get3A_4534 = arith.index_cast %get3A_4530 : i32 to index
    %get3A_4535 = arith.index_cast %get3A_4531 : i32 to index
    %get3A_4536 = arith.constant 96 : index
    %get3A_4537 = tpu.vector_load %arg6[%get3A_4532, %get3A_4533, %get3A_4534, %get3A_4535, %get3A_4536] {strides = array<i32>} : memref<4x3x2x8x128xf32, #tpu.memory_space<vmem>>, vector<16xf32>,
    %mul3A_4538 = arith.mulf %get3A_4537, %get3A_4537 : vector<16xf32>
    %add3A_4539 = arith.addf %add3A_4527, %mul3A_4538 : vector<16xf32>
    %get3A_4540 = arith.constant 3 : i32
    %get3A_4541 = arith.constant 2 : i32
    %get3A_4542 = arith.constant 1 : i32
    %get3A_4543 = arith.constant 2 : i32
    %get3A_4544 = arith.index_cast %get3A_4540 : i32 to index
    %get3A_4545 = arith.index_cast %get3A_4541 : i32 to index
    %get3A_4546 = arith.index_cast %get3A_4542 : i32 to index
    %get3A_4547 = arith.index_cast %get3A_4543 : i32 to index
    %get3A_4548 = arith.constant 112 : index
    %get3A_4549 = tpu.vector_load %arg6[%get3A_4544, %get3A_4545, %get3A_4546, %get3A_4547, %get3A_4548] {strides = array<i32>} : memref<4x3x2x8x128xf32, #tpu.memory_space<vmem>>, vector<16xf32>,
    %mul3A_4550 = arith.mulf %get3A_4549, %get3A_4549 : vector<16xf32>
    %add3A_4551 = arith.addf %add3A_4539, %mul3A_4550 : vector<16xf32>
    %get3A_4552 = arith.constant 3 : i32
    %get3A_4553 = arith.constant 2 : i32
    %get3A_4554 = arith.constant 0 : i32
    %get3A_4555 = arith.constant 7 : i32
    %get3A_4556 = arith.index_cast %get3A_4552 : i32 to index
    %get3A_4557 = arith.index_cast %get3A_4553 : i32 to index
    %get3A_4558 = arith.index_cast %get3A_4554 : i32 to index
    %get3A_4559 = arith.index_cast %get3A_4555 : i32 to index
    %get3A_4560 = arith.constant 0 : index
    %get3A_4561 = tpu.vector_load %arg6[%get3A_4556, %get3A_4557, %get3A_4558, %get3A_4559, %get3A_4560] {strides = array<i32>} : memref<4x3x2x8x128xf32, #tpu.memory_space<vmem>>, vector<16xf32>,
    %mul3A_4562 = arith.mulf %get3A_4561, %get3A_4561 : vector<16xf32>
    %add3A_4563 = arith.addf %add3A_4551, %mul3A_4562 : vector<16xf32>
    %get3A_4564 = arith.constant 3 : i32
    %get3A_4565 = arith.constant 2 : i32
    %get3A_4566 = arith.constant 0 : i32
    %get3A_4567 = arith.constant 7 : i32
    %get3A_4568 = arith.index_cast %get3A_4564 : i32 to index
    %get3A_4569 = arith.index_cast %get3A_4565 : i32 to index
    %get3A_4570 = arith.index_cast %get3A_4566 : i32 to index
    %get3A_4571 = arith.index_cast %get3A_4567 : i32 to index
    %get3A_4572 = arith.constant 16 : index
    %get3A_4573 = tpu.vector_load %arg6[%get3A_4568, %get3A_4569, %get3A_4570, %get3A_4571, %get3A_4572] {strides = array<i32>} : memref<4x3x2x8x128xf32, #tpu.memory_space<vmem>>, vector<16xf32>,
    %mul3A_4574 = arith.mulf %get3A_4573, %get3A_4573 : vector<16xf32>
    %add3A_4575 = arith.addf %add3A_4563, %mul3A_4574 : vector<16xf32>
    %get3A_4576 = arith.constant 3 : i32
    %get3A_4577 = arith.constant 2 : i32
    %get3A_4578 = arith.constant 0 : i32
    %get3A_4579 = arith.constant 7 : i32
    %get3A_4580 = arith.index_cast %get3A_4576 : i32 to index
    %get3A_4581 = arith.index_cast %get3A_4577 : i32 to index
    %get3A_4582 = arith.index_cast %get3A_4578 : i32 to index
    %get3A_4583 = arith.index_cast %get3A_4579 : i32 to index
    %get3A_4584 = arith.constant 32 : index
    %get3A_4585 = tpu.vector_load %arg6[%get3A_4580, %get3A_4581, %get3A_4582, %get3A_4583, %get3A_4584] {strides = array<i32>} : memref<4x3x2x8x128xf32, #tpu.memory_space<vmem>>, vector<16xf32>,
    %mul3A_4586 = arith.mulf %get3A_4585, %get3A_4585 : vector<16xf32>
    %add3A_4587 = arith.addf %add3A_4575, %mul3A_4586 : vector<16xf32>
    %get3A_4588 = arith.constant 3 : i32
    %get3A_4589 = arith.constant 2 : i32
    %get3A_4590 = arith.constant 0 : i32
    %get3A_4591 = arith.constant 7 : i32
    %get3A_4592 = arith.index_cast %get3A_4588 : i32 to index
    %get3A_4593 = arith.index_cast %get3A_4589 : i32 to index
    %get3A_4594 = arith.index_cast %get3A_4590 : i32 to index
    %get3A_4595 = arith.index_cast %get3A_4591 : i32 to index
    %get3A_4596 = arith.constant 48 : index
    %get3A_4597 = tpu.vector_load %arg6[%get3A_4592, %get3A_4593, %get3A_4594, %get3A_4595, %get3A_4596] {strides = array<i32>} : memref<4x3x2x8x128xf32, #tpu.memory_space<vmem>>, vector<16xf32>,
    %mul3A_4598 = arith.mulf %get3A_4597, %get3A_4597 : vector<16xf32>
    %add3A_4599 = arith.addf %add3A_4587, %mul3A_4598 : vector<16xf32>
    %get3A_4600 = arith.constant 3 : i32
    %get3A_4601 = arith.constant 2 : i32
    %get3A_4602 = arith.constant 0 : i32
    %get3A_4603 = arith.constant 7 : i32
    %get3A_4604 = arith.index_cast %get3A_4600 : i32 to index
    %get3A_4605 = arith.index_cast %get3A_4601 : i32 to index
    %get3A_4606 = arith.index_cast %get3A_4602 : i32 to index
    %get3A_4607 = arith.index_cast %get3A_4603 : i32 to index
    %get3A_4608 = arith.constant 64 : index
    %get3A_4609 = tpu.vector_load %arg6[%get3A_4604, %get3A_4605, %get3A_4606, %get3A_4607, %get3A_4608] {strides = array<i32>} : memref<4x3x2x8x128xf32, #tpu.memory_space<vmem>>, vector<16xf32>,
    %mul3A_4610 = arith.mulf %get3A_4609, %get3A_4609 : vector<16xf32>
    %add3A_4611 = arith.addf %add3A_4599, %mul3A_4610 : vector<16xf32>
    %get3A_4612 = arith.constant 3 : i32
    %get3A_4613 = arith.constant 2 : i32
    %get3A_4614 = arith.constant 0 : i32
    %get3A_4615 = arith.constant 7 : i32
    %get3A_4616 = arith.index_cast %get3A_4612 : i32 to index
    %get3A_4617 = arith.index_cast %get3A_4613 : i32 to index
    %get3A_4618 = arith.index_cast %get3A_4614 : i32 to index
    %get3A_4619 = arith.index_cast %get3A_4615 : i32 to index
    %get3A_4620 = arith.constant 80 : index
    %get3A_4621 = tpu.vector_load %arg6[%get3A_4616, %get3A_4617, %get3A_4618, %get3A_4619, %get3A_4620] {strides = array<i32>} : memref<4x3x2x8x128xf32, #tpu.memory_space<vmem>>, vector<16xf32>,
    %mul3A_4622 = arith.mulf %get3A_4621, %get3A_4621 : vector<16xf32>
    %add3A_4623 = arith.addf %add3A_4611, %mul3A_4622 : vector<16xf32>
    %get3A_4624 = arith.constant 3 : i32
    %get3A_4625 = arith.constant 2 : i32
    %get3A_4626 = arith.constant 0 : i32
    %get3A_4627 = arith.constant 7 : i32
    %get3A_4628 = arith.index_cast %get3A_4624 : i32 to index
    %get3A_4629 = arith.index_cast %get3A_4625 : i32 to index
    %get3A_4630 = arith.index_cast %get3A_4626 : i32 to index
    %get3A_4631 = arith.index_cast %get3A_4627 : i32 to index
    %get3A_4632 = arith.constant 96 : index
    %get3A_4633 = tpu.vector_load %arg6[%get3A_4628, %get3A_4629, %get3A_4630, %get3A_4631, %get3A_4632] {strides = array<i32>} : memref<4x3x2x8x128xf32, #tpu.memory_space<vmem>>, vector<16xf32>,
    %mul3A_4634 = arith.mulf %get3A_4633, %get3A_4633 : vector<16xf32>
    %add3A_4635 = arith.addf %add3A_4623, %mul3A_4634 : vector<16xf32>
    %get3A_4636 = arith.constant 3 : i32
    %get3A_4637 = arith.constant 2 : i32
    %get3A_4638 = arith.constant 0 : i32
    %get3A_4639 = arith.constant 7 : i32
    %get3A_4640 = arith.index_cast %get3A_4636 : i32 to index
    %get3A_4641 = arith.index_cast %get3A_4637 : i32 to index
    %get3A_4642 = arith.index_cast %get3A_4638 : i32 to index
    %get3A_4643 = arith.index_cast %get3A_4639 : i32 to index
    %get3A_4644 = arith.constant 112 : index
    %get3A_4645 = tpu.vector_load %arg6[%get3A_4640, %get3A_4641, %get3A_4642, %get3A_4643, %get3A_4644] {strides = array<i32>} : memref<4x3x2x8x128xf32, #tpu.memory_space<vmem>>, vector<16xf32>,
    %mul3A_4646 = arith.mulf %get3A_4645, %get3A_4645 : vector<16xf32>
    %add3A_4647 = arith.addf %add3A_4635, %mul3A_4646 : vector<16xf32>
    %get3A_4648 = arith.constant 3 : i32
    %get3A_4649 = arith.constant 2 : i32
    %get3A_4650 = arith.constant 1 : i32
    %get3A_4651 = arith.constant 7 : i32
    %get3A_4652 = arith.index_cast %get3A_4648 : i32 to index
    %get3A_4653 = arith.index_cast %get3A_4649 : i32 to index
    %get3A_4654 = arith.index_cast %get3A_4650 : i32 to index
    %get3A_4655 = arith.index_cast %get3A_4651 : i32 to index
    %get3A_4656 = arith.constant 0 : index
    %get3A_4657 = tpu.vector_load %arg6[%get3A_4652, %get3A_4653, %get3A_4654, %get3A_4655, %get3A_4656] {strides = array<i32>} : memref<4x3x2x8x128xf32, #tpu.memory_space<vmem>>, vector<16xf32>,
    %mul3A_4658 = arith.mulf %get3A_4657, %get3A_4657 : vector<16xf32>
    %add3A_4659 = arith.addf %add3A_4647, %mul3A_4658 : vector<16xf32>
    %get3A_4660 = arith.constant 3 : i32
    %get3A_4661 = arith.constant 2 : i32
    %get3A_4662 = arith.constant 1 : i32
    %get3A_4663 = arith.constant 7 : i32
    %get3A_4664 = arith.index_cast %get3A_4660 : i32 to index
    %get3A_4665 = arith.index_cast %get3A_4661 : i32 to index
    %get3A_4666 = arith.index_cast %get3A_4662 : i32 to index
    %get3A_4667 = arith.index_cast %get3A_4663 : i32 to index
    %get3A_4668 = arith.constant 16 : index
    %get3A_4669 = tpu.vector_load %arg6[%get3A_4664, %get3A_4665, %get3A_4666, %get3A_4667, %get3A_4668] {strides = array<i32>} : memref<4x3x2x8x128xf32, #tpu.memory_space<vmem>>, vector<16xf32>,
    %mul3A_4670 = arith.mulf %get3A_4669, %get3A_4669 : vector<16xf32>
    %add3A_4671 = arith.addf %add3A_4659, %mul3A_4670 : vector<16xf32>
    %get3A_4672 = arith.constant 3 : i32
    %get3A_4673 = arith.constant 2 : i32
    %get3A_4674 = arith.constant 1 : i32
    %get3A_4675 = arith.constant 7 : i32
    %get3A_4676 = arith.index_cast %get3A_4672 : i32 to index
    %get3A_4677 = arith.index_cast %get3A_4673 : i32 to index
    %get3A_4678 = arith.index_cast %get3A_4674 : i32 to index
    %get3A_4679 = arith.index_cast %get3A_4675 : i32 to index
    %get3A_4680 = arith.constant 32 : index
    %get3A_4681 = tpu.vector_load %arg6[%get3A_4676, %get3A_4677, %get3A_4678, %get3A_4679, %get3A_4680] {strides = array<i32>} : memref<4x3x2x8x128xf32, #tpu.memory_space<vmem>>, vector<16xf32>,
    %mul3A_4682 = arith.mulf %get3A_4681, %get3A_4681 : vector<16xf32>
    %add3A_4683 = arith.addf %add3A_4671, %mul3A_4682 : vector<16xf32>
    %get3A_4684 = arith.constant 3 : i32
    %get3A_4685 = arith.constant 2 : i32
    %get3A_4686 = arith.constant 1 : i32
    %get3A_4687 = arith.constant 7 : i32
    %get3A_4688 = arith.index_cast %get3A_4684 : i32 to index
    %get3A_4689 = arith.index_cast %get3A_4685 : i32 to index
    %get3A_4690 = arith.index_cast %get3A_4686 : i32 to index
    %get3A_4691 = arith.index_cast %get3A_4687 : i32 to index
    %get3A_4692 = arith.constant 48 : index
    %get3A_4693 = tpu.vector_load %arg6[%get3A_4688, %get3A_4689, %get3A_4690, %get3A_4691, %get3A_4692] {strides = array<i32>} : memref<4x3x2x8x128xf32, #tpu.memory_space<vmem>>, vector<16xf32>,
    %mul3A_4694 = arith.mulf %get3A_4693, %get3A_4693 : vector<16xf32>
    %add3A_4695 = arith.addf %add3A_4683, %mul3A_4694 : vector<16xf32>
    %get3A_4696 = arith.constant 3 : i32
    %get3A_4697 = arith.constant 2 : i32
    %get3A_4698 = arith.constant 1 : i32
    %get3A_4699 = arith.constant 7 : i32
    %get3A_4700 = arith.index_cast %get3A_4696 : i32 to index
    %get3A_4701 = arith.index_cast %get3A_4697 : i32 to index
    %get3A_4702 = arith.index_cast %get3A_4698 : i32 to index
    %get3A_4703 = arith.index_cast %get3A_4699 : i32 to index
    %get3A_4704 = arith.constant 64 : index
    %get3A_4705 = tpu.vector_load %arg6[%get3A_4700, %get3A_4701, %get3A_4702, %get3A_4703, %get3A_4704] {strides = array<i32>} : memref<4x3x2x8x128xf32, #tpu.memory_space<vmem>>, vector<16xf32>,
    %mul3A_4706 = arith.mulf %get3A_4705, %get3A_4705 : vector<16xf32>
    %add3A_4707 = arith.addf %add3A_4695, %mul3A_4706 : vector<16xf32>
    %get3A_4708 = arith.constant 3 : i32
    %get3A_4709 = arith.constant 2 : i32
    %get3A_4710 = arith.constant 1 : i32
    %get3A_4711 = arith.constant 7 : i32
    %get3A_4712 = arith.index_cast %get3A_4708 : i32 to index
    %get3A_4713 = arith.index_cast %get3A_4709 : i32 to index
    %get3A_4714 = arith.index_cast %get3A_4710 : i32 to index
    %get3A_4715 = arith.index_cast %get3A_4711 : i32 to index
    %get3A_4716 = arith.constant 80 : index
    %get3A_4717 = tpu.vector_load %arg6[%get3A_4712, %get3A_4713, %get3A_4714, %get3A_4715, %get3A_4716] {strides = array<i32>} : memref<4x3x2x8x128xf32, #tpu.memory_space<vmem>>, vector<16xf32>,
    %mul3A_4718 = arith.mulf %get3A_4717, %get3A_4717 : vector<16xf32>
    %add3A_4719 = arith.addf %add3A_4707, %mul3A_4718 : vector<16xf32>
    %get3A_4720 = arith.constant 3 : i32
    %get3A_4721 = arith.constant 2 : i32
    %get3A_4722 = arith.constant 1 : i32
    %get3A_4723 = arith.constant 7 : i32
    %get3A_4724 = arith.index_cast %get3A_4720 : i32 to index
    %get3A_4725 = arith.index_cast %get3A_4721 : i32 to index
    %get3A_4726 = arith.index_cast %get3A_4722 : i32 to index
    %get3A_4727 = arith.index_cast %get3A_4723 : i32 to index
    %get3A_4728 = arith.constant 96 : index
    %get3A_4729 = tpu.vector_load %arg6[%get3A_4724, %get3A_4725, %get3A_4726, %get3A_4727, %get3A_4728] {strides = array<i32>} : memref<4x3x2x8x128xf32, #tpu.memory_space<vmem>>, vector<16xf32>,
    %mul3A_4730 = arith.mulf %get3A_4729, %get3A_4729 : vector<16xf32>
    %add3A_4731 = arith.addf %add3A_4719, %mul3A_4730 : vector<16xf32>
    %get3A_4732 = arith.constant 3 : i32
    %get3A_4733 = arith.constant 2 : i32
    %get3A_4734 = arith.constant 1 : i32
    %get3A_4735 = arith.constant 7 : i32
    %get3A_4736 = arith.index_cast %get3A_4732 : i32 to index
    %get3A_4737 = arith.index_cast %get3A_4733 : i32 to index
    %get3A_4738 = arith.index_cast %get3A_4734 : i32 to index
    %get3A_4739 = arith.index_cast %get3A_4735 : i32 to index
    %get3A_4740 = arith.constant 112 : index
    %get3A_4741 = tpu.vector_load %arg6[%get3A_4736, %get3A_4737, %get3A_4738, %get3A_4739, %get3A_4740] {strides = array<i32>} : memref<4x3x2x8x128xf32, #tpu.memory_space<vmem>>, vector<16xf32>,
    %mul3A_4742 = arith.mulf %get3A_4741, %get3A_4741 : vector<16xf32>
    %add3A_4743 = arith.addf %add3A_4731, %mul3A_4742 : vector<16xf32>
    %mul3A_4744 = arith.constant 5.000000e-01 : f32
    %mul3A_4745 = vector.broadcast %mul3A_4744 : f32 to vector<16xf32>
    %mul3A_4746 = arith.mulf %mul3A_4745, %add3A_4743 : vector<16xf32>
    %add3A_4747 = arith.addf %add3A_4141, %mul3A_4746 : vector<16xf32>
    %swap3A = arith.constant 0 : index
    %swap3A_4748 = tpu.vector_load %arg8[%swap3A] {strides = array<i32>} : memref<16xf32, #tpu.memory_space<vmem>>, vector<16xf32>,
    tpu.vector_store %arg8[%swap3A], %add3A_4747 {strides = array<i32>} : memref<16xf32, #tpu.memory_space<vmem>>, vector<16xf32>,
    "tpu.region"() ({
      %run_scoped3A = tpu.sem_alloc : memref<!tpu.dma_semaphore, #tpu.memory_space<semaphore_mem>>
      %dma_start3A = arith.constant 0 : i32
      %dma_start3A_4749 = tpu.memref_slice %arg4[%add3A, %dma_start3A] : memref<32x16xf32, #tpu.memory_space<hbm>> -> memref<1x16xf32, #tpu.memory_space<hbm>>
      %dma_start3A_4750 = tpu.memref_squeeze %dma_start3A_4749 : memref<1x16xf32, #tpu.memory_space<hbm>> -> memref<16xf32, #tpu.memory_space<hbm>>
      %dma_start3A_4751 = arith.constant 0 : i32
      %dma_start3A_4752 = tpu.memref_slice %arg4[%add3A, %dma_start3A_4751] : memref<32x16xf32, #tpu.memory_space<hbm>> -> memref<1x16xf32, #tpu.memory_space<hbm>>
      %dma_start3A_4753 = tpu.memref_squeeze %dma_start3A_4752 : memref<1x16xf32, #tpu.memory_space<hbm>> -> memref<16xf32, #tpu.memory_space<hbm>>
      tpu.enqueue_dma source(%arg8 : memref<16xf32, #tpu.memory_space<vmem>>) target(%dma_start3A_4753 : memref<16xf32, #tpu.memory_space<hbm>>) target_semaphore(%run_scoped3A : memref<!tpu.dma_semaphore, #tpu.memory_space<semaphore_mem>>)
      %dma_wait3A = arith.constant 0 : i32
      %dma_wait3A_4754 = tpu.memref_slice %arg4[%add3A, %dma_wait3A] : memref<32x16xf32, #tpu.memory_space<hbm>> -> memref<1x16xf32, #tpu.memory_space<hbm>>
      %dma_wait3A_4755 = tpu.memref_squeeze %dma_wait3A_4754 : memref<1x16xf32, #tpu.memory_space<hbm>> -> memref<16xf32, #tpu.memory_space<hbm>>
      %dma_wait3A_4756 = arith.constant 0 : i32
      %dma_wait3A_4757 = tpu.memref_slice %arg4[%add3A, %dma_wait3A_4756] : memref<32x16xf32, #tpu.memory_space<hbm>> -> memref<1x16xf32, #tpu.memory_space<hbm>>
      %dma_wait3A_4758 = tpu.memref_squeeze %dma_wait3A_4757 : memref<1x16xf32, #tpu.memory_space<hbm>> -> memref<16xf32, #tpu.memory_space<hbm>>
      tpu.wait_dma2 semaphore(%run_scoped3A : memref<!tpu.dma_semaphore, #tpu.memory_space<semaphore_mem>>) src(%arg8 : memref<16xf32, #tpu.memory_space<vmem>>) dst(%dma_wait3A_4758 : memref<16xf32, #tpu.memory_space<hbm>>)
      tpu.yield
    }) : () -> ()
    return
  }
}

</mosaic_0001>

<sc_bundles>
// kernel: kernel.3.cloned.1.call-start
scs
__scs_entry_jumppad:
0x0: {  	(pc) =	sbr.rel $0x88, $3  }
0x1: {  	(tag) =	ssettag $0x0;
	lr =	simm.s32 $0x1  }
0x2: {  	[smem:$0x3F9F] =	sst lr;
	_ =	strace $0xD0000000  }
0x3: {  	_ = 	snop  }
0x4: {  	_ = 	snop  }
0x5: {  	_ = 	snop  }
0x6: {  	_ = 	snop  }
0x7: {  	_ = 	snop  }
__scs_overlays_trampoline_lowered:
0x8: {  	[smem:$0x3FAE] =	sst s0  }
0x9: {  	[smem:$0x3FAF] =	sst s1  }
0xa: {  	[smem:$0x3FB0] =	sst s2  }
0xb: {  	[smem:$0x3FB1] =	sst s3  }
0xc: {  	[smem:$0x3FB2] =	sst s4  }
0xd: {  	[smem:$0x3FB3] =	sst s5  }
0xe: {  	[smem:$0x3FB4] =	sst s6  }
0xf: {  	[smem:$0x3FB5] =	sst s7  }
0x10: {  	[smem:$0x3FB6] =	sst s8  }
0x11: {  	[smem:$0x3FB7] =	sst s9;
	s0 =	simm.s32 @!p0 $0x0  }
0x12: {  	s1 =	sld [smem:$0x3F9D];
	s0 =	simm.s32 @p0 $0x1  }
0x13: {  	[smem:$0x3FB8] =	sst s0;
	s0 =	simm.s32 @!p1 $0x0  }
0x14: {  	s2 =	sld [smem:$0x3F9C];
	s0 =	simm.s32 @p1 $0x1  }
0x15: {  	[smem:$0x3FB9] =	sst s0;
	s0 =	simm.s32 @!p2 $0x0  }
0x16: {  	s3 =	sld [smem:$0x3FDB];
	s0 =	simm.s32 @p2 $0x1  }
0x17: {  	s4 =	simm.s32 $0x1BF5;
	[smem:$0x3FBB] =	sst s0  }
0x18: {  	s0 =	sld [smem:$0x3F9E];
	_ =	swait.ge [sflag:s4], $0x0  }
0x19: {  	s7 =	sld [smem:$0x3F9F]  }
0x1a: {  	s8 =	sadd.s32 $0xFFFFE003, lr  }
0x1b: {  	s9 =	sadd.s32 $0xFFFFFEF7, lr;
	s5 =	simm.s32 $0xFFFFFFFF;
	p2 =	slt.u32 s8, $0xFFFFF086  }
0x1c: {  	p1 =	slt.u32 s9, $0xF7A;
	s5 =	simm.s32 @!p2 $0x0  }
0x1d: {  	s5 =	simm.s32 @p1 $0x1;
	p0 =	seq.s32 s7, s2  }
0x1e: {  	s7 =	smul.u32 @!p0 $0xF7A, s2;
	p2 =	seq.s32 @!p0 s5, $0x0  }
0x1f: {  	s9 =	smul.u32 $0xF7A, s1;
	s8 =	simm.s32 @!p0 $0x1BF5;
	p2 =	por !p2, p0  }
0x20: {  	[sflag:s8] =	ssyncset.s32 @!p0 $0xFFFFF086;
	s6 =	sadd.s32 @!p0 s3, s7;
	s7 =	simm.s32 @!p0 $0x108  }
0x21: {  	s3 =	sadd.s32 s3, s9;
	s6 =	sadd.s32 @!p0 $0x88, s6;
	s7 =	simm.s32 @p2 $0x1082  }
0x22: {  	[simem:s7], [sflag:s8] =	dma.local @!p0 [hbm:s6], $0xF7A  }
0x23: {  	s9 =	sor.u32 $0xD0000000, s2;
	s6 =	simm.s32 $0x108;
	_ =	swait.ge @!p0 [sflag:s8], $0x0  }
0x24: {  	s3 =	sadd.s32 $0x88, s3;
	s6 =	simm.s32 @!p1 $0x1082;
	[sflag:s4] =	ssyncset.s32 $0xFFFFF086  }
0x25: {  	[simem:s6], [sflag:s4] =	dma.local [hbm:s3], $0xF7A  }
0x26: {  	[smem:$0x3F9F] =	sst s1;
	(tag) =	ssettag s2;
	_ =	strace s9  }
0x27: {  	s1 =	sld [smem:$0x3FAF]  }
0x28: {  	s2 =	sld [smem:$0x3FB0]  }
0x29: {  	s4 =	sld [smem:$0x3FB2]  }
0x2a: {  	p0 =	seq.s32 s5, $0x0;
	s5 =	sld [smem:$0x3FB3]  }
0x2b: {  	s6 =	sld [smem:$0x3FB4]  }
0x2c: {  	s7 =	sld [smem:$0x3FB5]  }
0x2d: {  	s3 =	simm.s32 $0x108;
	s8 =	sld [smem:$0x3FB6]  }
0x2e: {  	s3 =	simm.s32 @!p0 $0x1082;
	s9 =	sld [smem:$0x3FB7]  }
0x2f: {  	lr =	sadd.s32 s0, s3;
	s0 =	sld [smem:$0x3FAE]  }
0x30: {  	s3 =	sld [smem:$0x3FB1]  }
0x31: {  	[smem:$0x3FBA] =	sst s10  }
0x32: {  	s10 =	sld [smem:$0x3FB8];
	_ =	sdelay $0x3  }
0x33: {  	p0 =	seq.s32 s10, $0x1;
	s10 =	sld [smem:$0x3FBA];
	_ =	sdelay $0x3  }
0x34: {  	[smem:$0x3FBA] =	sst s10  }
0x35: {  	s10 =	sld [smem:$0x3FB9];
	_ =	sdelay $0x3  }
0x36: {  	p1 =	seq.s32 s10, $0x1;
	s10 =	sld [smem:$0x3FBA];
	_ =	sdelay $0x3  }
0x37: {  	[smem:$0x3FBA] =	sst s10  }
0x38: {  	s10 =	sld [smem:$0x3FBB]  }
0x39: {  	_ = 	snop;
	(pc) =	sbr.ind lr, $3  }
0x3a: {  	_ = 	snop  }
0x3b: {  	_ = 	snop  }
0x3c: {  	p2 =	seq.s32 s10, $0x1;
	s10 =	sld [smem:$0x3FBA]  }
0x3d: {  	_ =	shalt  }
0x3e: {  	_ =	shalt  }
0x3f: {  	_ =	shalt  }
0x40: {  	_ =	shalt  }
0x41: {  	_ =	shalt  }
0x42: {  	_ =	shalt  }
0x43: {  	_ =	shalt  }
0x44: {  	_ =	shalt  }
0x45: {  	_ =	shalt  }
0x46: {  	_ =	shalt  }
0x47: {  	_ =	shalt  }
0x48: {  	_ =	shalt  }
0x49: {  	_ =	shalt  }
0x4a: {  	_ =	shalt  }
0x4b: {  	_ =	shalt  }
0x4c: {  	_ =	shalt  }
0x4d: {  	_ =	shalt  }
0x4e: {  	_ =	shalt  }
0x4f: {  	_ =	shalt  }
0x50: {  	_ =	shalt  }
0x51: {  	_ =	shalt  }
0x52: {  	_ =	shalt  }
0x53: {  	_ =	shalt  }
0x54: {  	_ =	shalt  }
0x55: {  	_ =	shalt  }
0x56: {  	_ =	shalt  }
0x57: {  	_ =	shalt  }
0x58: {  	_ =	shalt  }
0x59: {  	_ =	shalt  }
0x5a: {  	_ =	shalt  }
0x5b: {  	_ =	shalt  }
0x5c: {  	_ =	shalt  }
0x5d: {  	_ =	shalt  }
0x5e: {  	_ =	shalt  }
0x5f: {  	_ =	shalt  }
0x60: {  	_ =	shalt  }
0x61: {  	_ =	shalt  }
0x62: {  	_ =	shalt  }
0x63: {  	_ =	shalt  }
0x64: {  	_ =	shalt  }
0x65: {  	_ =	shalt  }
0x66: {  	_ =	shalt  }
0x67: {  	_ =	shalt  }
0x68: {  	_ =	shalt  }
0x69: {  	_ =	shalt  }
0x6a: {  	_ =	shalt  }
0x6b: {  	_ =	shalt  }
0x6c: {  	_ =	shalt  }
0x6d: {  	_ =	shalt  }
0x6e: {  	_ =	shalt  }
0x6f: {  	_ =	shalt  }
0x70: {  	_ =	shalt  }
0x71: {  	_ =	shalt  }
0x72: {  	_ =	shalt  }
0x73: {  	_ =	shalt  }
0x74: {  	_ =	shalt  }
0x75: {  	_ =	shalt  }
0x76: {  	_ =	shalt  }
0x77: {  	_ =	shalt  }
0x78: {  	_ =	shalt  }
0x79: {  	_ =	shalt  }
0x7a: {  	_ =	shalt  }
0x7b: {  	_ =	shalt  }
0x7c: {  	_ =	shalt  }
0x7d: {  	_ =	shalt  }
0x7e: {  	_ =	shalt  }
0x7f: {  	_ =	shalt  }
0x80: {  	_ =	shalt  }
0x81: {  	_ =	shalt  }
0x82: {  	_ =	shalt  }
0x83: {  	_ =	shalt  }
0x84: {  	_ =	shalt  }
0x85: {  	_ =	shalt  }
0x86: {  	_ =	shalt  }
0x87: {  	_ =	shalt  }
.Lfunc_end0:
.L_simem_size_0:
called_computation_lowered:
.L_overlay_start_0:
0x88: {  	s2 =	sld [smem:$0x3FD9]  }
0x89: {  	s3 =	sld [smem:$0x3FFE];
	_ =	sdelay $0x1  }
0x8a: {  	s1 =	srdreg.scid  }
0x8b: {  	s0 =	sand.u32 $0x1, s1  }
0x8c: {  	s16 =	sshll.u32 s0, $0xA;
	s2 =	sadd.s32 s3, s2  }
0x8d: {  	s2 =	sadd.s32 s2, s16  }
0x8e: {  	[smem:$0x3FC6] =	sst s2  }
0x8f: {  	_ = 	snop  }
0x90: {  	(tm) =	ssettm $0x1  }
0x91: {  	s17 =	sld [smem:$0x3FFB];
	_ =	sdelay $0x3  }
0x92: {  	_ =	strace s17  }
0x93: {  	s2 =	sld [smem:$0x3FFC];
	_ =	sdelay $0x3  }
0x94: {  	_ =	strace s2  }
0x95: {  	s2 =	sld [smem:$0x3FFD];
	_ =	sdelay $0x3  }
0x96: {  	_ =	strace s2  }
0x97: {  	_ =	strace $0x8FFFFFFF  }
0x98: {  	s18 =	sld [smem:$0x3FDB];
	_ =	sdelay $0x1  }
0x99: {  	s19 =	simm.s32 $_scs_section_size  }
0x9a: {  	s4 =	simm.s32 $_size__tile_overlayer_lowered;
	s5 =	simm.s32 $_tile_overlayer_lowered  }
0x9b: {  	s22 =	simm.s32 $0x1BFF;
	s21 =	sshll.u32 s5, $0x1;
	s2 =	sadd.s32 s19, s18  }
0x9c: {  	s6 =	simm.s32 $0x0;
	s20 =	sshll.u32 s4, $0x1;
	s4 =	sadd.s32 s21, s2  }
0x9d: {  	[timem:s6], [sflag:s22] =	dma.local [hbm:s4], s20  }
0x9e: {  	_ =	swait.ge [sflag:s22], s20  }
0x9f: {  	s3 =	ssub.s32 $0x0, s20;
	[sflag:s22] =	ssyncset.done $0x0  }
0xa0: {  	[sflag:s22] =	ssyncadd.s32 s3;
	_ =	sdelay $0x1  }
0xa1: {  	s23 =	simm.s32 $0x1B8B  }
0xa2: {  	_ =	swait.ge [sflag:s23], $0x1  }
0xa3: {  	[sflag:s23] =	ssyncset.done $0x0  }
0xa4: {  	s25 =	simm.s32 $0x1B8E;
	s24 =	sld [smem:$0x3FFE];
	[sflag:s23] =	ssyncadd.s32 $0xFFFFFFFF  }
0xa5: {  	s26 =	simm.s32 $execute0_lowered;
	[smem:$0x3FD2] =	sst s25  }
0xa6: {  	s4 =	sshll.u32 s26, $0x1;
	_ =	strace $0x80000046;
	[dreg:$0x1] =	wrdreg $0xFFFFFFFF  }
0xa7: {  	s28 =	simm.s32 $_size_execute0_lowered;
	s2 =	sadd.s32 s2, s4;
	[dreg:$0x0] =	wrdreg $0x0  }
0xa8: {  	s4 =	sshll.u32 s28, $0x1;
	[dreg:$0x2] =	wrdreg s2  }
0xa9: {  	[dreg:$0x3] =	wrdreg s4  }
0xaa: {  	[dreg:$0x4] =	wrdreg $0xC0  }
0xab: {  	_ =	task [dreg:s6], $0x5FFFF  }
0xac: {  	[dreg:$0x1] =	wrdreg $0xFFFFFFFF  }
0xad: {  	[dreg:$0x0] =	wrdreg $0x60  }
0xae: {  	[dreg:$0x2] =	wrdreg s24  }
0xaf: {  	[dreg:$0x3] =	wrdreg $0x9  }
0xb0: {  	_ =	task.clear_ibuf [dreg:s6], $0x4FFFF;
	_ =	strace $0x90000046  }
0xb1: {  	s29 =	simm.s32 $0x9;
	_ =	strace $0x80000048  }
0xb2: {  	_ =	swait.ge [sflag:s29], $0x1  }
0xb3: {  	[sflag:s29] =	ssyncadd.s32 $0xFFFFFFFF  }
0xb4: {  	_ =	strace $0x90000048  }
0xb5: {  	_ =	sfence  }
0xb6: {  	s30 =	sld [smem:$0x0];
	_ =	sdelay $0x2  }
0xb7: {  	s31 =	sshll.u32 s1, $0xD;
	s1 =	sshrl.u32 s1, $0x2  }
0xb8: {  	s3 =	sand.u32 $0x4000, s31;
	s1 =	sadd.s32 s1, s30  }
0xb9: {  	s0 =	sor.u32 s3, s0;
	s1 =	sshll.u32 s1, $0x11  }
0xba: {  	s0 =	sor.u32 s1, s0  }
0xbb: {  	s0 =	sadd.s32 $0x8F2B, s0  }
0xbc: {  	[sflag:s0] =	ssyncadd.remote.s32 $0x1  }
0xbd: {  	_ =	sfence.sel $0xFFFF  }
0xbe: {  	[dreg:$0x0] =	wrdreg $0xFFFFFFFF;
	(pc) =	sbr.abs _section_cstart, $3  }
0xbf: {  	[dreg:$0x1] =	wrdreg $0xFFFFFFFF  }
0xc0: {  	_ =	task.clear_ibuf [dreg:s6], $0x2FFFF;
	_ =	strace $0x9FFFFFFF  }
0xc1: {  	(tm) =	ssettm $0x7FFFFFFF  }
tec
execute0_lowered:
.L_overlay_start_1:
0x0: {  	(tag) =	ssettag $0x1  }
0x1: {  	v5 =	vlaneseq.u32  }
0x2: {  	v6 =	vmul.u32 $0x5, v5  }
0x3: {  	v21 =	vor.u32 $0x10, v5  }
0x4: {  	[tilespmem:$0x1FE00] =	vst v21;
	v0 =	vadd.s32 $0x1, v6  }
0x5: {  	vm1 =	vcmask $0xF00;
	v1 =	vimm.s32 $0x605B5651;
	v14 =	vadd.s32 $0x2, v6;
	[tilespmem:$0x1FD70] =	vst v0  }
0x6: {  	v2 =	vimm.s32 $0x615C5752;
	v1 =	vunpack.c.0.s8.s32 v1;
	v15 =	vadd.s32 $0x3, v6;
	[tilespmem:$0x1FD80] =	vst v14  }
0x7: {  	v3 =	vimm.s32 $0x625D5853;
	v2 =	vunpack.c.0.s8.s32 v2;
	v7 =	vadd.s32 $0x4, v6;
	[tilespmem:$0x1FD90] =	vst v15  }
0x8: {  	v3 =	vunpack.c.0.s8.s32 v3;
	v1 =	vnsel vm1, $0x60, v1;
	[tilespmem:$0x1FDA0] =	vst v7  }
0x9: {  	v18 =	vnsel vm1, $0x61, v2;
	[tilespmem:$0x1FDC0] =	vst v1  }
0xa: {  	v19 =	vnsel vm1, $0x62, v3;
	[tilespmem:$0x1FDD0] =	vst v18  }
0xb: {  	v22 =	vadd.s32 $0x68, v6;
	[tilespmem:$0x1FDE0] =	vst v19  }
0xc: {  	v23 =	vadd.s32 $0x69, v6;
	[tilespmem:$0x1FE10] =	vst v22  }
0xd: {  	v24 =	vadd.s32 $0x6A, v6;
	[tilespmem:$0x1FE20] =	vst v23  }
0xe: {  	v25 =	vadd.s32 $0x6B, v6;
	[tilespmem:$0x1FE30] =	vst v24  }
0xf: {  	v26 =	vadd.s32 $0x6C, v6;
	[tilespmem:$0x1FE40] =	vst v25  }
0x10: {  	v16 =	vimm.s32 $0x5F5A5550;
	v4 =	vimm.s32 $0x635E5954;
	v37 =	vadd.s32 $0xD0, v6;
	[tilespmem:$0x1FE50] =	vst v26  }
0x11: {  	v20 =	vimm.s32 $0xC7C2BDB8;
	v27 =	vimm.s32 $0xC8C3BEB9;
	v38 =	vadd.s32 $0xD1, v6;
	[tilespmem:$0x1FEB0] =	vst v37  }
0x12: {  	v28 =	vimm.s32 $0xC9C4BFBA;
	v39 =	vadd.s32 $0xD2, v6;
	v0 =	vunpack.c.0.s8.s32 v16;
	[tilespmem:$0x1FEC0] =	vst v38  }
0x13: {  	v29 =	vimm.s32 $0xCAC5C0BB;
	v17 =	vunpack.c.0.s8.s32 v4;
	v40 =	vadd.s32 $0xD3, v6;
	[tilespmem:$0x1FED0] =	vst v39  }
0x14: {  	v30 =	vimm.s32 $0xCBC6C1BC;
	v42 =	vimm.s32 $0x12F;
	[tilespmem:$0x1FEE0] =	vst v40;
	v0 =	vnsel vm1, $0x5F, v0  }
0x15: {  	vm3 =	vcmask $0x300;
	v43 =	vimm.s32 $0x130;
	[tilespmem:$0x1FDB0] =	vst v0;
	v0 =	vnsel vm1, $0x63, v17  }
0x16: {  	vm2 =	vcmask $0x704;
	v41 =	vadd.s32 $0xD4, v6;
	[tilespmem:$0x1FDF0] =	vst v0;
	v0 =	vunpack.c.0.s8.s32 v20  }
0x17: {  	v45 =	vimm.s32 $0x131;
	v51 =	vadd.s32 $0x138, v6;
	v1 =	vunpack.c.0.s8.s32 v27;
	[tilespmem:$0x1FEF0] =	vst v41  }
0x18: {  	v2 =	vunpack.c.0.s8.s32 v28;
	v52 =	vadd.s32 $0x139, v6;
	[tilespmem:$0x1FF50] =	vst v51;
	v0 =	vand.u32 $0xFF, v0  }
0x19: {  	v32 =	vunpack.c.0.s8.s32 v30;
	[tilespmem:$0x1FF60] =	vst v52;
	v31 =	vand.u32 $0xFF, v1;
	v0 =	vnsel vm1, $0xC7, v0  }
0x1a: {  	v3 =	vunpack.c.0.s8.s32 v29;
	v33 =	vand.u32 $0xFF, v2;
	[tilespmem:$0x1FE60] =	vst v0;
	v0 =	vnsel vm1, $0xC8, v31  }
0x1b: {  	v46 =	vimm.s32 $0x132;
	v36 =	vand.u32 $0xFF, v32;
	[tilespmem:$0x1FE70] =	vst v0;
	v0 =	vnsel vm1, $0xC9, v33  }
0x1c: {  	v47 =	vimm.s32 $0x133;
	v34 =	vand.u32 $0xFF, v3;
	[tilespmem:$0x1FE80] =	vst v0;
	v0 =	vnsel vm1, $0xCB, v36  }
0x1d: {  	v55 =	vadd.s32 $0x13A, v6;
	v35 =	vnsel vm1, $0xCA, v34;
	[tilespmem:$0x1FEA0] =	vst v0;
	v0 =	vsel vm3, $0x120, v42  }
0x1e: {  	[tilespmem:$0x1FF70] =	vst v55;
	v1 =	vsel vm3, $0x121, v43;
	vm1 =	vcmask $0xB08;
	v0 =	vsel vm2, $0x125, v0  }
0x1f: {  	v2 =	vsel vm3, $0x124, v47;
	[tilespmem:$0x1FE90] =	vst v35;
	v1 =	vsel vm2, $0x126, v1;
	v0 =	vsel vm1, $0x12A, v0  }
0x20: {  	v49 =	vsel vm2, $0x129, v2;
	v44 =	vsel vm1, $0x12B, v1;
	[tilespmem:$0x1FF00] =	vst v0;
	v0 =	vsel vm3, $0x122, v45  }
0x21: {  	v1 =	vsel vm3, $0x123, v46;
	v50 =	vsel vm1, $0x12E, v49;
	[tilespmem:$0x1FF10] =	vst v44;
	v0 =	vsel vm2, $0x127, v0  }
0x22: {  	v48 =	vsel vm2, $0x128, v1;
	[tilespmem:$0x1FF40] =	vst v50;
	v0 =	vsel vm1, $0x12C, v0  }
0x23: {  	s1 =	srdreg.scid;
	s3 =	rddreg [dreg:$0x0];
	s2 =	simm.s32 $0x0;
	v53 =	vimm.s32 $0x197;
	[tilespmem:$0x1FF20] =	vst v0;
	v0 =	vsel vm1, $0x12D, v48  }
0x24: {  	s0 =	stileid.u32;
	v54 =	vimm.s32 $0x198;
	v59 =	vimm.s32 $0x199;
	s4 =	sand.u32 $0x1, s1;
	[smem:$0x7FF] =	sst s2;
	v56 =	vadd.s32 $0x13B, v6;
	[tilespmem:$0x1FF30] =	vst v0  }
0x25: {  	v60 =	vimm.s32 $0x19A;
	v61 =	vimm.s32 $0x19B;
	s5 =	sshll.u32 s0, $0x1;
	s1 =	rddreg [dreg:$0x1];
	v1 =	vsel vm3, $0x189, v54;
	_ =	strace $0x80000047;
	[tilespmem:$0x1FF80] =	vst v56  }
0x26: {  	s5 =	sor.u32 s4, s5;
	v57 =	vadd.s32 $0x13C, v6;
	v1 =	vsel vm2, $0x18E, v1;
	v0 =	vsel vm3, $0x188, v53;
	[tilespmem:$0x1FF90] =	vst v6  }
0x27: {  	s9 =	simm.s32 $0x61A0;
	s6 =	smul.u32 $0xC00, s5;
	v58 =	vsel vm1, $0x193, v1;
	v1 =	vsel vm3, $0x18B, v60;
	v0 =	vsel vm2, $0x18D, v0;
	[tilespmem:$0x1FFA0] =	vst v57  }
0x28: {  	s4 =	ssub.s32 $0x2, s4;
	s7 =	smul.u32 $0x34, s5;
	s5 =	sshll.u32 s5, $0x1;
	v2 =	vsel vm3, $0x18C, v61;
	v1 =	vsel vm2, $0x190, v1;
	[tilespmem:$0x1FFC0] =	vst v58;
	v0 =	vsel vm1, $0x192, v0  }
0x29: {  	s10 =	simm.s32 $0x6250;
	s31 =	sshrl.u32 s4, $0x1;
	s5 =	sadd.s32 s5, s3;
	v2 =	vsel vm2, $0x191, v2;
	v62 =	vsel vm1, $0x195, v1;
	[tilespmem:$0x1FFB0] =	vst v0;
	v0 =	vsel vm3, $0x18A, v59  }
0x2a: {  	s8 =	ssub.s32 s4, s31;
	s6 =	sadd.s32 s6, s3;
	s7 =	sadd.s32 s7, s3;
	v63 =	vsel vm1, $0x196, v2;
	[tilespmem:$0x1FFE0] =	vst v62;
	v0 =	vsel vm2, $0x18F, v0  }
0x2b: {  	s5 =	sadd.s32 $0x18E00, s5;
	s3 =	sadd.s32 $0x600, s6;
	s4 =	sadd.s32 $0x18600, s7;
	[tilespmem:$0x1FFF0] =	vst v63;
	v0 =	vsel vm1, $0x194, v0  }
0x2c: {  	vm0 =	vmmov $0xf;
	s6 =	smax.u32 s8, $0x1;
	s7 =	simm.s32 $0x1A0;
	s8 =	simm.s32 $0x1;
	[tilespmem:$0x1FFD0] =	vst v0  }
.LBB2_1:
0x2d: {  	[tilespmem:s7], [sflag:$0x1] =	stream.linear.gather [hbm4b:s3+s2], $0x6000, $0x38;
	[tilespmem:$0x6260] =	vst v63  }
0x2e: {  	_ =	swait.ge [sflag:s8], $0x6000  }
0x2f: {  	[sflag:s8] =	ssyncset.done $0x0  }
0x30: {  	[sflag:s8] =	ssyncadd.s32 $0xFFFFA000  }
0x31: {  	[tilespmem:s2], [sflag:$0x1] =	stream.linear.gather [hbm4b:s4+s2], $0x1A0, $0x38;
	[tilespmem:$0x6260] =	vst v63  }
0x32: {  	_ =	swait.ge [sflag:s8], $0x1A0  }
0x33: {  	v0 =	vld [tilespmem:$0x1FD80];
	_ =	sdelay $0x1  }
0x34: {  	v49 =	vld [tilespmem:$0x1FD70];
	_ =	sdelay $0x3  }
0x35: {  	[sflag:s8] =	ssyncset.done $0x0  }
0x36: {  	[sflag:s8] =	ssyncadd.s32 $0xFFFFFE60  }
0x37: {  	v33 =	vld.idx.msk [tilespmem:v0+s2+$0x0], $0xffff;
	_ =	sdelay $0x1  }
0x38: {  	v29 =	vld.idx.msk [tilespmem:v49+s2+$0x0], $0xffff;
	_ =	sdelay $0x1  }
0x39: {  	v2 =	vld [tilespmem:$0x1FF90]  }
0x3a: {  	v50 =	vmul.f32 $1.300000000e+01, v33;
	_ =	sdelay $0x1  }
0x3b: {  	v1 =	vmul.f32 $1.300000000e+01, v29;
	v0 =	vtrunc.f32 v50  }
0x3c: {  	v4 =	vcvt.f32.s32 v0  }
0x3d: {  	v55 =	vld [tilespmem:$0x1FD90];
	v51 =	vtrunc.f32 v1  }
0x3e: {  	v6 =	vcvt.f32.s32 v51;
	vm1 =	vgt.s32 v4, $0x0  }
0x3f: {  	v52 =	vnsel vm1, $0x0, v4  }
0x40: {  	v2 =	vld.idx.msk [tilespmem:v2+s2+$0x0], $0xffff;
	vm1 =	vgt.s32 v6, $0x0;
	v0 =	vmin.u32 v52, $0xC  }
0x41: {  	v53 =	vnsel vm1, $0x0, v6;
	v0 =	vmul.u32 $0xD, v0  }
0x42: {  	v56 =	vld [tilespmem:$0x1FDA0];
	v1 =	vmin.u32 v53, $0xC  }
0x43: {  	v0 =	vadd.s32 v1, v0  }
0x44: {  	v1 =	vshll.u32 v0, $0x3  }
0x45: {  	[tilespmem:$0x1F6B0] =	vst v2;
	v2 =	vld.idx.msk [tilespmem:v55+s2+$0x0], $0xffff;
	v54 =	vand.u32 $0x7F, v0;
	v5 =	vand.u32 $0xC00, v1  }
0x46: {  	v1 =	vor.u32 v5, v54  }
0x47: {  	v7 =	vor.u32 $0x80, v1  }
0x48: {  	v9 =	vor.u32 v5, v0;
	v8 =	vor.u32 $0x100, v1  }
0x49: {  	v19 =	vld [tilespmem:$0x1FDD0];
	v10 =	vor.u32 $0x180, v9  }
0x4a: {  	[tilespmem:$0x1F6C0] =	vst v2;
	v2 =	vld.idx.msk [tilespmem:v56+s2+$0x0], $0xffff;
	v11 =	vor.u32 $0x200, v1  }
0x4b: {  	v20 =	vld [tilespmem:$0x1FDC0];
	v12 =	vand.u32 $0x78, v0;
	v13 =	vor.u32 $0x280, v1  }
0x4c: {  	v14 =	vand.u32 $0x7, v0;
	v5 =	vor.u32 v12, v5;
	v58 =	vor.u32 $0x300, v1;
	v57 =	vld.idx.msk [tilespmem:v7+s7+$0x0], $0xffff  }
0x4d: {  	v60 =	vor.u32 $0x380, v9;
	v61 =	vor.u32 v14, v5;
	v59 =	vld.idx.msk [tilespmem:v8+s7+$0x0], $0xffff  }
0x4e: {  	v5 =	vadd.s32 $0x800, v61;
	v62 =	vld.idx.msk [tilespmem:v10+s7+$0x0], $0xffff  }
0x4f: {  	[tilespmem:$0x1F6E0] =	vst v2;
	v2 =	vadd.s32 $0x880, v61;
	v63 =	vld.idx.msk [tilespmem:v11+s7+$0x0], $0xffff  }
0x50: {  	v3 =	vadd.s32 $0x900, v61;
	v23 =	vld.idx.msk [tilespmem:v13+s7+$0x0], $0xffff  }
0x51: {  	v14 =	vadd.s32 $0x980, v61;
	v21 =	vld.idx.msk [tilespmem:v58+s7+$0x0], $0xffff  }
0x52: {  	v15 =	vadd.s32 $0xA00, v61;
	v26 =	vld.idx.msk [tilespmem:v60+s7+$0x0], $0xffff  }
0x53: {  	v16 =	vadd.s32 $0xA80, v61;
	v27 =	vld.idx.msk [tilespmem:v5+s7+$0x0], $0xffff  }
0x54: {  	v12 =	vadd.s32 $0xB00, v61;
	v32 =	vld.idx.msk [tilespmem:v2+s7+$0x0], $0xffff  }
0x55: {  	vm2 =	vlt.s32 v4, $0xD;
	vm1 =	vlt.s32 v6, $0xD;
	v9 =	vadd.s32 $0xB80, v61;
	v36 =	vld.idx.msk [tilespmem:v3+s7+$0x0], $0xffff  }
0x56: {  	vm1 =	vmand vm1, vm2;
	v39 =	vld.idx.msk [tilespmem:v14+s7+$0x0], $0xffff;
	v14 =	vor.u32 $0x1000, v1  }
0x57: {  	v56 =	vld.idx.msk [tilespmem:v15+s7+$0x0], $0xffff;
	v15 =	vor.u32 $0x1080, v1  }
0x58: {  	v40 =	vld.idx.msk [tilespmem:v16+s7+$0x0], $0xffff  }
0x59: {  	v44 =	vld.idx.msk [tilespmem:v12+s7+$0x0], $0xffff  }
0x5a: {  	[tilespmem:$0x1F690] =	vst v57;
	v57 =	vld.idx.msk [tilespmem:v9+s7+$0x0], $0xffff  }
0x5b: {  	v18 =	vlaneseq.u32;
	v16 =	vld.idx.msk [tilespmem:v14+s7+$0x0], $0xffff  }
0x5c: {  	v17 =	vld.idx.msk [tilespmem:v15+s7+$0x0], $0xffff;
	[tilespmem:v0+s9+$0x0] =	vst.idx.msk vm1, v18  }
0x5d: {  	v3 =	vld.idx.msk [tilespmem:v19+s2+$0x0], $0xffff;
	_ =	sdelay $0x1  }
0x5e: {  	v2 =	vld.idx.msk [tilespmem:v20+s2+$0x0], $0xffff;
	_ =	sdelay $0x2  }
0x5f: {  	v34 =	vld [tilespmem:$0x1FDB0];
	v22 =	vmul.f32 $1.300000000e+01, v3;
	_ =	sdelay $0x1  }
0x60: {  	v24 =	vmul.f32 $1.300000000e+01, v2;
	v4 =	vtrunc.f32 v22  }
0x61: {  	v4 =	vcvt.f32.s32 v4  }
0x62: {  	v6 =	vtrunc.f32 v24  }
0x63: {  	v35 =	vld [tilespmem:$0x1FDE0];
	v6 =	vcvt.f32.s32 v6;
	vm2 =	vgt.s32 v4, $0x0  }
0x64: {  	v25 =	vnsel vm2, $0x0, v4  }
0x65: {  	vm2 =	vgt.s32 v6, $0x0;
	v9 =	vmin.u32 v25, $0xC  }
0x66: {  	[tilespmem:$0x1F770] =	vst v2;
	v2 =	vld.idx.msk [tilespmem:v34+s2+$0x0], $0xffff;
	v28 =	vnsel vm2, $0x0, v6;
	v9 =	vmul.u32 $0xD, v9  }
0x67: {  	v11 =	vmin.u32 v28, $0xC  }
0x68: {  	v37 =	vld [tilespmem:$0x1FDF0];
	v14 =	vadd.s32 v11, v9  }
0x69: {  	v9 =	vshll.u32 v14, $0x3  }
0x6a: {  	v11 =	vand.u32 $0x7F, v14;
	v9 =	vand.u32 $0xC00, v9  }
0x6b: {  	[tilespmem:$0x1F710] =	vst v2;
	v2 =	vld.idx.msk [tilespmem:v35+s2+$0x0], $0xffff;
	v15 =	vor.u32 v9, v11  }
0x6c: {  	v11 =	vor.u32 $0x80, v15  }
0x6d: {  	v31 =	vor.u32 v9, v14;
	v30 =	vor.u32 $0x100, v15  }
0x6e: {  	[tilespmem:$0x1F720] =	vst v17;
	v17 =	vor.u32 $0x180, v31  }
0x6f: {  	[tilespmem:$0x1F700] =	vst v16;
	v16 =	vld [tilespmem:$0x1FE30];
	v18 =	vor.u32 $0x200, v15  }
0x70: {  	[tilespmem:$0x1F7D0] =	vst v2;
	v2 =	vld.idx.msk [tilespmem:v37+s2+$0x0], $0xffff;
	v20 =	vor.u32 $0x280, v15  }
0x71: {  	v41 =	vor.u32 $0x300, v15;
	v38 =	vld.idx.msk [tilespmem:v11+s7+$0x0], $0xffff  }
0x72: {  	v43 =	vor.u32 $0x380, v31;
	v42 =	vld.idx.msk [tilespmem:v30+s7+$0x0], $0xffff  }
0x73: {  	[tilespmem:$0x1F6F0] =	vst v63;
	v19 =	vand.u32 $0x78, v14;
	v63 =	vor.u32 $0x1000, v15;
	v49 =	vld.idx.msk [tilespmem:v17+s7+$0x0], $0xffff  }
0x74: {  	v22 =	vand.u32 $0x7, v14;
	v9 =	vor.u32 v19, v9;
	v7 =	vor.u32 $0x1080, v15;
	v50 =	vld.idx.msk [tilespmem:v18+s7+$0x0], $0xffff  }
0x75: {  	v48 =	vor.u32 v22, v9;
	v45 =	vld.idx.msk [tilespmem:v20+s7+$0x0], $0xffff  }
0x76: {  	v9 =	vadd.s32 $0x800, v48;
	v20 =	vld.idx.msk [tilespmem:v41+s7+$0x0], $0xffff  }
0x77: {  	v51 =	vadd.s32 $0x880, v48;
	v61 =	vld.idx.msk [tilespmem:v43+s7+$0x0], $0xffff  }
0x78: {  	v52 =	vadd.s32 $0x900, v48;
	v12 =	vld.idx.msk [tilespmem:v63+s7+$0x0], $0xffff  }
0x79: {  	v13 =	vld.idx.msk [tilespmem:v7+s7+$0x0], $0xffff  }
0x7a: {  	v53 =	vadd.s32 $0x980, v48;
	v18 =	vld [tilespmem:$0x1FE20]  }
0x7b: {  	vm3 =	vlt.s32 v4, $0xD;
	vm2 =	vlt.s32 v6, $0xD;
	v54 =	vadd.s32 $0xA00, v48;
	v55 =	vld.idx.msk [tilespmem:v9+s7+$0x0], $0xffff  }
0x7c: {  	vm2 =	vmand vm2, vm3;
	v22 =	vadd.s32 $0xA80, v48;
	v58 =	vld.idx.msk [tilespmem:v51+s7+$0x0], $0xffff  }
0x7d: {  	[tilespmem:$0x1F6A0] =	vst v59;
	vm2 =	vmand vm2, vm0;
	v24 =	vadd.s32 $0xB00, v48;
	v59 =	vld.idx.msk [tilespmem:v52+s7+$0x0], $0xffff  }
0x7e: {  	v60 =	vadd.s32 $0xB80, v48;
	[tilespmem:$0x1F7A0] =	vst v42;
	v42 =	vld [tilespmem:$0x1FE00]  }
0x7f: {  	[tilespmem:$0x1F6D0] =	vst v62;
	v62 =	vld.idx.msk [tilespmem:v53+s7+$0x0], $0xffff  }
0x80: {  	v19 =	vld.idx.msk [tilespmem:v54+s7+$0x0], $0xffff  }
0x81: {  	v8 =	vld.idx.msk [tilespmem:v22+s7+$0x0], $0xffff  }
0x82: {  	v9 =	vld.idx.msk [tilespmem:v24+s7+$0x0], $0xffff  }
0x83: {  	v10 =	vld.idx.msk [tilespmem:v60+s7+$0x0], $0xffff;
	[tilespmem:v14+s9+$0x0] =	vst.idx.msk vm2, v42  }
0x84: {  	v17 =	vld.idx.msk [tilespmem:v16+s2+$0x0], $0xffff;
	_ =	sdelay $0x1  }
0x85: {  	[tilespmem:$0x1F810] =	vst v2;
	v2 =	vld.idx.msk [tilespmem:v18+s2+$0x0], $0xffff;
	_ =	sdelay $0x2  }
0x86: {  	v22 =	vmul.f32 $1.300000000e+01, v17;
	_ =	sdelay $0x1  }
0x87: {  	v24 =	vmul.f32 $1.300000000e+01, v2;
	v4 =	vtrunc.f32 v22  }
0x88: {  	v4 =	vcvt.f32.s32 v4  }
0x89: {  	v6 =	vtrunc.f32 v24  }
0x8a: {  	v11 =	vcvt.f32.s32 v6;
	vm3 =	vgt.s32 v4, $0x0  }
0x8b: {  	v25 =	vnsel vm3, $0x0, v4  }
0x8c: {  	vm3 =	vgt.s32 v11, $0x0;
	v6 =	vmin.u32 v25, $0xC  }
0x8d: {  	v28 =	vnsel vm3, $0x0, v11;
	v6 =	vmul.u32 $0xD, v6  }
0x8e: {  	v0 =	vld.idx.msk [tilespmem:v0+s9+$0x0], $0xffff;
	v16 =	vmin.u32 v28, $0xC  }
0x8f: {  	v1 =	vld.idx.msk [tilespmem:v1+s7+$0x0], $0xffff;
	v6 =	vadd.s32 v16, v6  }
0x90: {  	v14 =	vld.idx.msk [tilespmem:v14+s9+$0x0], $0xffff;
	v16 =	vshll.u32 v6, $0x3  }
0x91: {  	v15 =	vld.idx.msk [tilespmem:v15+s7+$0x0], $0xffff;
	v30 =	vand.u32 $0x78, v6;
	v16 =	vand.u32 $0xC00, v16  }
0x92: {  	[tilespmem:$0x1F800] =	vst v12;
	v12 =	vld [tilespmem:$0x1A0];
	v31 =	vand.u32 $0x7, v6;
	v18 =	vor.u32 v30, v16  }
0x93: {  	[tilespmem:$0x1F830] =	vst v13;
	v13 =	vld [tilespmem:$0x1B0];
	v18 =	vor.u32 v31, v18  }
0x94: {  	[tilespmem:$0x1F790] =	vst v3;
	v3 =	vld [tilespmem:$0x12E0];
	v22 =	vadd.s32 $0x1880, v18  }
0x95: {  	[tilespmem:$0x1F860] =	vst v17;
	v17 =	vld [tilespmem:$0x1C0];
	v34 =	vadd.s32 $0x1900, v18  }
0x96: {  	[tilespmem:$0x1F840] =	vst v2;
	v2 =	vld [tilespmem:$0x12C0];
	v25 =	vadd.s32 $0x1980, v18  }
0x97: {  	vm4 =	veq.s32 v14, v42;
	v14 =	vld [tilespmem:$0x16E0];
	v28 =	vadd.s32 $0x1A00, v18  }
0x98: {  	v24 =	vld [tilespmem:$0x1D0];
	v30 =	vadd.s32 $0x1A80, v18  }
0x99: {  	v37 =	vadd.s32 $0x1B00, v18;
	v35 =	vld.idx.msk [tilespmem:v22+s7+$0x0], $0xffff  }
0x9a: {  	[tilespmem:$0x1F780] =	vst v38;
	v60 =	vadd.s32 $0x2800, v18;
	v38 =	vld.idx.msk [tilespmem:v34+s7+$0x0], $0xffff  }
0x9b: {  	v63 =	vadd.s32 $0x2880, v18;
	v41 =	vld.idx.msk [tilespmem:v25+s7+$0x0], $0xffff  }
0x9c: {  	v46 =	vld.idx.msk [tilespmem:v28+s7+$0x0], $0xffff  }
0x9d: {  	v31 =	vand.u32 $0x7F, v6;
	v47 =	vld.idx.msk [tilespmem:v30+s7+$0x0], $0xffff  }
0x9e: {  	[tilespmem:$0x1F7E0] =	vst v49;
	v31 =	vor.u32 v16, v31;
	v49 =	vld.idx.msk [tilespmem:v37+s7+$0x0], $0xffff  }
0x9f: {  	[tilespmem:$0x1F7C0] =	vst v9;
	v43 =	vor.u32 $0x2000, v31;
	v9 =	vld.idx.msk [tilespmem:v60+s7+$0x0], $0xffff  }
0xa0: {  	[tilespmem:$0x1F7F0] =	vst v10;
	v16 =	vor.u32 v16, v6;
	v48 =	vor.u32 $0x2100, v31;
	v10 =	vld.idx.msk [tilespmem:v63+s7+$0x0], $0xffff  }
0xa1: {  	[tilespmem:$0x1F820] =	vst v50;
	v50 =	vor.u32 $0x2180, v16;
	v37 =	vld [tilespmem:$0x210]  }
0xa2: {  	v52 =	vor.u32 $0x2200, v31;
	v60 =	vld [tilespmem:$0x610]  }
0xa3: {  	v54 =	vor.u32 $0x2280, v31;
	v63 =	vld [tilespmem:$0x12B0]  }
0xa4: {  	v16 =	vor.u32 $0x2380, v16;
	v53 =	vld.idx.msk [tilespmem:v43+s7+$0x0], $0xffff  }
0xa5: {  	[tilespmem:$0x1F740] =	vst v58;
	v58 =	vld.idx.msk [tilespmem:v48+s7+$0x0], $0xffff  }
0xa6: {  	[tilespmem:$0x1F750] =	vst v59;
	v59 =	vld.idx.msk [tilespmem:v50+s7+$0x0], $0xffff  }
0xa7: {  	[tilespmem:$0x1F760] =	vst v62;
	v62 =	vld.idx.msk [tilespmem:v52+s7+$0x0], $0xffff  }
0xa8: {  	v5 =	vld.idx.msk [tilespmem:v54+s7+$0x0], $0xffff  }
0xa9: {  	[tilespmem:$0x1F7B0] =	vst v8;
	v34 =	vadd.s32 $0x1B80, v18;
	v8 =	vld.idx.msk [tilespmem:v16+s7+$0x0], $0xffff  }
0xaa: {  	v43 =	vld [tilespmem:$0x5C0]  }
0xab: {  	v54 =	vld [tilespmem:$0x5F0]  }
0xac: {  	v48 =	vld [tilespmem:$0x12D0]  }
0xad: {  	v52 =	vmul.f32 v12, v12;
	v12 =	vld [tilespmem:$0x16C0]  }
0xae: {  	[tilespmem:$0x1F850] =	vst v35;
	v51 =	vld.idx.msk [tilespmem:v34+s7+$0x0], $0xffff  }
0xaf: {  	[tilespmem:$0x1F870] =	vst v38;
	v34 =	vld [tilespmem:$0x1F0]  }
0xb0: {  	[tilespmem:$0x1F890] =	vst v41;
	v38 =	vld [tilespmem:$0x5A0]  }
0xb1: {  	[tilespmem:$0x1F8B0] =	vst v47;
	v41 =	vld [tilespmem:$0x5B0]  }
0xb2: {  	v35 =	vor.u32 $0x2080, v31;
	[tilespmem:$0x1F8C0] =	vst v49;
	v47 =	vld [tilespmem:$0x5D0]  }
0xb3: {  	v1 =	vmul.f32 v1, v1;
	v28 =	vlaneseq.u32;
	[tilespmem:$0x1F980] =	vst v9;
	v49 =	vld [tilespmem:$0x5E0]  }
0xb4: {  	vm3 =	veq.s32 v0, v28;
	[tilespmem:$0x1F9A0] =	vst v10;
	v9 =	vld [tilespmem:$0x16A0]  }
0xb5: {  	v50 =	vsub.f32 $0.0e+00, v1;
	v31 =	vor.u32 $0x2300, v31;
	v10 =	vld [tilespmem:$0x16B0];
	[tilespmem:$0x1F8F0] =	vst v51;
	v51 =	vmul.f32 v15, v15  }
0xb6: {  	vm4 =	vmand vm2, vm4;
	vm3 =	vmand vm1, vm3;
	[tilespmem:$0x1F930] =	vst v59;
	v59 =	vld [tilespmem:$0x600]  }
0xb7: {  	[tilespmem:$0x1F730] =	vst v55;
	v0 =	vnsel vm3, $0x0, v50;
	v55 =	vld.idx.msk [tilespmem:v35+s7+$0x0], $0xffff;
	v1 =	vnsel vm4, $0x0, v51  }
0xb8: {  	[tilespmem:$0x1F940] =	vst v62;
	v62 =	vld [tilespmem:$0x12A0];
	v0 =	vsub.f32 v0, v1  }
0xb9: {  	[tilespmem:$0x1F950] =	vst v5;
	v5 =	vld [tilespmem:$0x12F0]  }
0xba: {  	[tilespmem:$0x1F900] =	vst v53;
	v53 =	vmul.f32 v13, v13;
	v7 =	vld.idx.msk [tilespmem:v31+s7+$0x0], $0xffff;
	v0 =	vadd.f32 v0, v52  }
0xbb: {  	[tilespmem:$0x1F970] =	vst v8;
	v31 =	vld [tilespmem:$0x1E0]  }
0xbc: {  	v8 =	vld [tilespmem:$0x1310];
	[tilespmem:$0x1F910] =	vst v55;
	v55 =	vmul.f32 v17, v17;
	v0 =	vadd.f32 v0, v53  }
0xbd: {  	[tilespmem:$0x1F8D0] =	vst v46;
	v13 =	vld [tilespmem:$0x16D0]  }
0xbe: {  	[tilespmem:$0x1F920] =	vst v58;
	v58 =	vmul.f32 v24, v24;
	v35 =	vld [tilespmem:$0x200];
	v0 =	vadd.f32 v0, v55  }
0xbf: {  	[tilespmem:$0x1F960] =	vst v7;
	v7 =	vld [tilespmem:$0x1300]  }
0xc0: {  	v22 =	vmul.f32 v31, v31;
	v15 =	vld [tilespmem:$0x16F0];
	v0 =	vadd.f32 v0, v58  }
0xc1: {  	v24 =	vld [tilespmem:$0x1700]  }
0xc2: {  	v34 =	vmul.f32 v34, v34;
	v30 =	vld [tilespmem:$0x1710];
	v0 =	vadd.f32 v0, v22  }
0xc3: {  	v25 =	vld [tilespmem:$0x1520]  }
0xc4: {  	v35 =	vmul.f32 v35, v35;
	v51 =	vld [tilespmem:$0x1560];
	v0 =	vadd.f32 v0, v34  }
0xc5: {  	v37 =	vmul.f32 v37, v37;
	v52 =	vld [tilespmem:$0x1570]  }
0xc6: {  	v50 =	vmul.f32 v41, v41;
	v41 =	vmul.f32 v49, v49;
	v49 =	vld [tilespmem:$0x1FE10];
	v1 =	vadd.f32 v0, v35  }
0xc7: {  	v46 =	vld [tilespmem:$0x1920]  }
0xc8: {  	v38 =	vmul.f32 v38, v38;
	v16 =	vld [tilespmem:$0x1930];
	v1 =	vadd.f32 v1, v37  }
0xc9: {  	v31 =	vld [tilespmem:$0x1940]  }
0xca: {  	v17 =	vmul.f32 v43, v43;
	v43 =	vld [tilespmem:$0x1980];
	v1 =	vadd.f32 v1, v38  }
0xcb: {  	v35 =	vld [tilespmem:$0x1FE40]  }
0xcc: {  	vm3 =	vlt.s32 v11, $0xD;
	v11 =	vld [tilespmem:$0x1990];
	v34 =	vadd.f32 v1, v50  }
0xcd: {  	v53 =	vld [tilespmem:$0x1590]  }
0xce: {  	v38 =	vmul.f32 v47, v47;
	v37 =	vadd.f32 v34, v17;
	v17 =	vld.idx.msk [tilespmem:v49+s2+$0x0], $0xffff  }
0xcf: {  	v55 =	vld [tilespmem:$0x1550]  }
0xd0: {  	vm9 =	vlt.s32 v4, $0xD;
	v4 =	vadd.f32 v37, v38;
	v37 =	vld [tilespmem:$0x1FE50]  }
0xd1: {  	v58 =	vld [tilespmem:$0x1540]  }
0xd2: {  	v4 =	vadd.f32 v4, v41;
	v41 =	vld [tilespmem:$0x1FE80]  }
0xd3: {  	v54 =	vmul.f32 v54, v54;
	[tilespmem:$0x1F880] =	vst v17;
	v17 =	vld.idx.msk [tilespmem:v35+s2+$0x0], $0xffff  }
0xd4: {  	vm4 =	vmand vm3, vm9;
	v22 =	vld [tilespmem:$0x1530]  }
0xd5: {  	v4 =	vadd.f32 v4, v54;
	v54 =	vld [tilespmem:$0x1FE70]  }
0xd6: {  	v0 =	vld [tilespmem:$0x1580]  }
0xd7: {  	v47 =	vld [tilespmem:$0x1970]  }
0xd8: {  	[tilespmem:$0x1F8A0] =	vst v17;
	v17 =	vld.idx.msk [tilespmem:v37+s2+$0x0], $0xffff  }
0xd9: {  	v50 =	vld [tilespmem:$0x1950]  }
0xda: {  	v1 =	vld [tilespmem:$0x1960];
	[tilespmem:v6+s9+$0x0] =	vst.idx.msk vm4, v28  }
0xdb: {  	v28 =	vld.idx.msk [tilespmem:v41+s2+$0x0], $0xffff  }
0xdc: {  	v38 =	vmul.f32 v59, v59  }
0xdd: {  	[tilespmem:$0x1F8E0] =	vst v17;
	v17 =	vld.idx.msk [tilespmem:v54+s2+$0x0], $0xffff  }
0xde: {  	v49 =	vmul.f32 v60, v60;
	v4 =	vadd.f32 v4, v38;
	_ =	sdelay $0x1  }
0xdf: {  	v59 =	vmul.f32 v62, v62;
	v4 =	vadd.f32 v4, v49;
	v62 =	vmul.f32 $1.300000000e+01, v28  }
0xe0: {  	v60 =	vmul.f32 v63, v63  }
0xe1: {  	v4 =	vadd.f32 v4, v59;
	v63 =	vtrunc.f32 v62;
	[tilespmem:$0x1FA80] =	vst v17;
	v17 =	vmul.f32 $1.300000000e+01, v17  }
0xe2: {  	v34 =	vcvt.f32.s32 v63  }
0xe3: {  	v2 =	vmul.f32 v2, v2;
	v4 =	vadd.f32 v4, v60;
	v35 =	vtrunc.f32 v17  }
0xe4: {  	[tilespmem:$0x1FAA0] =	vst v28;
	v28 =	vmul.f32 v48, v48;
	vm3 =	vgt.s32 v34, $0x0;
	v48 =	vcvt.f32.s32 v35  }
0xe5: {  	v35 =	vnsel vm3, $0x0, v34  }
0xe6: {  	v2 =	vadd.f32 v4, v2;
	v4 =	vmin.u32 v35, $0xC;
	vm3 =	vgt.s32 v48, $0x0  }
0xe7: {  	v4 =	vmul.u32 $0xD, v4;
	v35 =	vnsel vm3, $0x0, v48  }
0xe8: {  	v3 =	vmul.f32 v3, v3;
	v38 =	vmin.u32 v35, $0xC  }
0xe9: {  	v37 =	vmul.f32 v5, v5;
	v2 =	vadd.f32 v2, v28;
	v5 =	vadd.s32 v38, v4  }
0xea: {  	v41 =	vshll.u32 v5, $0x3  }
0xeb: {  	v2 =	vadd.f32 v2, v3;
	v54 =	vand.u32 $0x78, v5;
	v3 =	vand.u32 $0xC00, v41  }
0xec: {  	v49 =	vmul.f32 v7, v7;
	v59 =	vand.u32 $0x7, v5;
	v7 =	vor.u32 v54, v3  }
0xed: {  	v2 =	vadd.f32 v2, v37;
	v7 =	vor.u32 v59, v7  }
0xee: {  	v62 =	vadd.s32 $0x1880, v7  }
0xef: {  	v60 =	vmul.f32 v8, v8;
	v2 =	vadd.f32 v2, v49;
	_ =	sdelay $0x1  }
0xf0: {  	v63 =	vmul.f32 v9, v9;
	v2 =	vadd.f32 v2, v60;
	v35 =	vadd.s32 $0x1980, v7;
	_ =	sdelay $0x1  }
0xf1: {  	v28 =	vmul.f32 v10, v10;
	v2 =	vadd.f32 v2, v63;
	v49 =	vadd.s32 $0x1A80, v7;
	v54 =	vld.idx.msk [tilespmem:v62+s7+$0x0], $0xffff  }
0xf2: {  	v12 =	vmul.f32 v12, v12;
	v60 =	vand.u32 $0x7F, v5  }
0xf3: {  	v2 =	vadd.f32 v2, v28;
	v8 =	vor.u32 v3, v60;
	v62 =	vadd.s32 $0x1B80, v7  }
0xf4: {  	vm3 =	vlt.s32 v48, $0xD;
	v3 =	vor.u32 v3, v5;
	v38 =	vor.u32 $0x2100, v8;
	v63 =	vld.idx.msk [tilespmem:v35+s7+$0x0], $0xffff  }
0xf5: {  	v48 =	vld [tilespmem:$0x1FE90];
	v28 =	vmul.f32 v13, v13;
	v60 =	vor.u32 $0x2180, v3;
	v2 =	vadd.f32 v2, v12  }
0xf6: {  	v3 =	vor.u32 $0x2380, v3;
	v17 =	vadd.s32 $0x1900, v7;
	[tilespmem:$0x1FA90] =	vst v54;
	v54 =	vld.idx.msk [tilespmem:v49+s7+$0x0], $0xffff  }
0xf7: {  	v2 =	vadd.f32 v2, v28;
	v49 =	vmul.f32 v14, v14;
	v14 =	vmul.f32 v25, v25;
	v25 =	vld [tilespmem:$0x1FE60]  }
0xf8: {  	v28 =	vld.idx.msk [tilespmem:v62+s7+$0x0], $0xffff;
	v62 =	vor.u32 $0x2200, v8  }
0xf9: {  	v41 =	vadd.s32 $0x1A00, v7;
	v37 =	vld.idx.msk [tilespmem:v38+s7+$0x0], $0xffff;
	[tilespmem:$0x1FAD0] =	vst v63;
	v63 =	vmul.f32 v15, v15;
	v2 =	vadd.f32 v2, v49  }
0xfa: {  	v38 =	vld.idx.msk [tilespmem:v60+s7+$0x0], $0xffff  }
0xfb: {  	v9 =	vld.idx.msk [tilespmem:v17+s7+$0x0], $0xffff;
	v17 =	vor.u32 $0x2000, v8;
	v35 =	vmul.f32 v24, v24;
	v2 =	vadd.f32 v2, v63  }
0xfc: {  	vm5 =	vlt.s32 v34, $0xD;
	v34 =	vld.idx.msk [tilespmem:v3+s7+$0x0], $0xffff  }
0xfd: {  	v2 =	vadd.f32 v2, v35;
	v35 =	vld.idx.msk [tilespmem:v62+s7+$0x0], $0xffff;
	v62 =	vadd.s32 $0x2880, v7  }
0xfe: {  	v10 =	vld.idx.msk [tilespmem:v41+s7+$0x0], $0xffff  }
0xff: {  	v63 =	vmul.f32 v30, v30;
	v4 =	vld.idx.msk [tilespmem:v25+s2+$0x0], $0xffff  }
0x100: {  	v49 =	vld.idx.msk [tilespmem:v17+s7+$0x0], $0xffff  }
0x101: {  	v15 =	vor.u32 $0x2280, v8;
	v30 =	vmul.f32 v58, v58;
	v58 =	vld [tilespmem:$0x1FEA0];
	v2 =	vadd.f32 v2, v63  }
0x102: {  	v60 =	vadd.s32 $0x2800, v7;
	v17 =	vmul.f32 v22, v22;
	v22 =	vld.idx.msk [tilespmem:v62+s7+$0x0], $0xffff  }
0x103: {  	v59 =	vadd.s32 $0x1B00, v7;
	v2 =	vadd.f32 v2, v14;
	v62 =	vld [tilespmem:$0x1FED0]  }
0x104: {  	vm3 =	vmand vm3, vm5;
	[tilespmem:$0x1F990] =	vst v4;
	v4 =	vld.idx.msk [tilespmem:v48+s2+$0x0], $0xffff  }
0x105: {  	vm3 =	vmand vm3, vm0;
	v41 =	vor.u32 $0x2080, v8;
	[tilespmem:$0x1FAF0] =	vst v10;
	v10 =	vld [tilespmem:$0x1FEC0];
	v2 =	vadd.f32 v2, v17  }
0x106: {  	v8 =	vor.u32 $0x2300, v8;
	v13 =	vld.idx.msk [tilespmem:v15+s7+$0x0], $0xffff  }
0x107: {  	v15 =	vld.idx.msk [tilespmem:v60+s7+$0x0], $0xffff;
	v60 =	vmul.f32 v55, v55;
	v2 =	vadd.f32 v2, v30  }
0x108: {  	v59 =	vld.idx.msk [tilespmem:v59+s7+$0x0], $0xffff;
	[tilespmem:$0x1FAB0] =	vst v9  }
0x109: {  	v9 =	vmul.f32 v51, v51;
	v2 =	vadd.f32 v2, v60;
	[tilespmem:$0x1FAE0] =	vst v4;
	v4 =	vld.idx.msk [tilespmem:v58+s2+$0x0], $0xffff  }
0x10a: {  	v41 =	vld.idx.msk [tilespmem:v41+s7+$0x0], $0xffff  }
0x10b: {  	v12 =	vmul.f32 v52, v52;
	v24 =	vld.idx.msk [tilespmem:v8+s7+$0x0], $0xffff;
	[tilespmem:v5+s9+$0x0] =	vst.idx.msk vm3, v42;
	v2 =	vadd.f32 v2, v9  }
0x10c: {  	v63 =	vld.idx.msk [tilespmem:v62+s2+$0x0], $0xffff  }
0x10d: {  	v0 =	vmul.f32 v0, v0;
	v2 =	vadd.f32 v2, v12  }
0x10e: {  	[tilespmem:$0x1FB00] =	vst v4;
	v4 =	vld.idx.msk [tilespmem:v10+s2+$0x0], $0xffff  }
0x10f: {  	v14 =	vmul.f32 v53, v53;
	v0 =	vadd.f32 v2, v0  }
0x110: {  	[tilespmem:$0x1F9B0] =	vst v13  }
0x111: {  	[tilespmem:$0x1F9D0] =	vst v22;
	v22 =	vmul.f32 v46, v46;
	v13 =	vmul.f32 $1.300000000e+01, v63;
	v0 =	vadd.f32 v0, v14  }
0x112: {  	v30 =	vmul.f32 v16, v16  }
0x113: {  	[tilespmem:$0x1F9C0] =	vst v15;
	v15 =	vtrunc.f32 v13;
	v0 =	vadd.f32 v0, v22;
	v17 =	vmul.f32 $1.300000000e+01, v4  }
0x114: {  	v1 =	vmul.f32 v1, v1;
	v9 =	vcvt.f32.s32 v15  }
0x115: {  	v51 =	vmul.f32 v31, v31;
	v0 =	vadd.f32 v0, v30;
	v3 =	vtrunc.f32 v17  }
0x116: {  	v52 =	vadd.s32 $0x1800, v18;
	vm10 =	vgt.s32 v9, $0x0;
	v46 =	vcvt.f32.s32 v3  }
0x117: {  	v53 =	vmul.f32 v50, v50;
	v25 =	vnsel vm10, $0x0, v9;
	v0 =	vadd.f32 v0, v51  }
0x118: {  	v7 =	vadd.s32 $0x1800, v7;
	v2 =	vmin.u32 v25, $0xC;
	vm11 =	vgt.s32 v46, $0x0  }
0x119: {  	v58 =	vld.idx.msk [tilespmem:v6+s9+$0x0], $0xffff;
	v2 =	vmul.u32 $0xD, v2;
	v0 =	vadd.f32 v0, v53;
	v48 =	vnsel vm11, $0x0, v46  }
0x11a: {  	v5 =	vld.idx.msk [tilespmem:v5+s9+$0x0], $0xffff;
	v8 =	vmin.u32 v48, $0xC  }
0x11b: {  	v15 =	vmul.f32 v47, v47;
	v0 =	vadd.f32 v0, v1;
	v14 =	vadd.s32 v8, v2;
	v2 =	vld.idx.msk [tilespmem:v52+s7+$0x0], $0xffff  }
0x11c: {  	v16 =	vmul.f32 v43, v43  }
0x11d: {  	v7 =	vld.idx.msk [tilespmem:v7+s7+$0x0], $0xffff;
	v62 =	vlaneseq.u32;
	v0 =	vadd.f32 v0, v15;
	v8 =	vshll.u32 v14, $0x3  }
0x11e: {  	v31 =	vld [tilespmem:$0x19A0];
	vm12 =	veq.s32 v58, v62;
	v55 =	vand.u32 $0x7F, v14;
	v8 =	vand.u32 $0xC00, v8  }
0x11f: {  	v58 =	vld [tilespmem:$0x19C0];
	v25 =	vmul.f32 v11, v11;
	v0 =	vadd.f32 v0, v16;
	v18 =	vor.u32 v8, v55  }
0x120: {  	[tilespmem:$0x1FB80] =	vst v63;
	vm6 =	veq.s32 v5, v42;
	v5 =	vld [tilespmem:$0x2AA0];
	v63 =	vor.u32 $0x3080, v18;
	v2 =	vmul.f32 v2, v2  }
0x121: {  	vm5 =	vmand vm4, vm12;
	v13 =	vld [tilespmem:$0x19D0];
	v0 =	vadd.f32 v0, v25  }
0x122: {  	v50 =	vmul.f32 v7, v7;
	v51 =	vld [tilespmem:$0x19B0];
	v48 =	vnsel vm5, $0x0, v2  }
0x123: {  	vm13 =	vmand vm3, vm6;
	[tilespmem:$0x1FB60] =	vst v4;
	v4 =	vld [tilespmem:$0x2D30];
	v11 =	vand.u32 $0x78, v14;
	v0 =	vsub.f32 v0, v48  }
0x124: {  	v17 =	vor.u32 v8, v14;
	v55 =	vnsel vm13, $0x0, v50;
	v50 =	vld [tilespmem:$0x1A00];
	v10 =	vor.u32 $0x3100, v18  }
0x125: {  	v22 =	vor.u32 $0x3180, v17;
	v30 =	vld.idx.msk [tilespmem:v63+s7+$0x0], $0xffff;
	v63 =	vmul.f32 v31, v31;
	v0 =	vsub.f32 v0, v55  }
0x126: {  	v15 =	vand.u32 $0x7, v14;
	v43 =	vor.u32 $0x3200, v18;
	v12 =	vor.u32 $0x3380, v17;
	v17 =	vld [tilespmem:$0x19E0]  }
0x127: {  	v16 =	vmul.f32 v51, v51;
	v60 =	vor.u32 $0x3300, v18;
	v25 =	vld [tilespmem:$0x19F0];
	v0 =	vadd.f32 v0, v63  }
0x128: {  	v3 =	vor.u32 v11, v8;
	v52 =	vor.u32 $0x3280, v18;
	v48 =	vmul.f32 v13, v13;
	v13 =	vld [tilespmem:$0x1A10]  }
0x129: {  	v1 =	vor.u32 v15, v3;
	v2 =	vmul.f32 v58, v58;
	v47 =	vld.idx.msk [tilespmem:v10+s7+$0x0], $0xffff;
	v0 =	vadd.f32 v0, v16  }
0x12a: {  	v15 =	vadd.s32 $0x3980, v1;
	v53 =	vld.idx.msk [tilespmem:v22+s7+$0x0], $0xffff  }
0x12b: {  	v6 =	vld.idx.msk [tilespmem:v43+s7+$0x0], $0xffff;
	v0 =	vadd.f32 v0, v2  }
0x12c: {  	v63 =	vld.idx.msk [tilespmem:v60+s7+$0x0], $0xffff  }
0x12d: {  	v22 =	vadd.s32 $0x3800, v1;
	v60 =	vld.idx.msk [tilespmem:v12+s7+$0x0], $0xffff;
	v12 =	vmul.f32 v17, v17;
	v0 =	vadd.f32 v0, v48  }
0x12e: {  	v43 =	vld.idx.msk [tilespmem:v52+s7+$0x0], $0xffff  }
0x12f: {  	v51 =	vld.idx.msk [tilespmem:v15+s7+$0x0], $0xffff;
	v16 =	vmul.f32 v25, v25;
	v0 =	vadd.f32 v0, v12  }
0x130: {  	v15 =	vadd.s32 $0x3B00, v1;
	v17 =	vld [tilespmem:$0x1DA0]  }
0x131: {  	v31 =	vld [tilespmem:$0x1DB0];
	v25 =	vmul.f32 v50, v50;
	v0 =	vadd.f32 v0, v16  }
0x132: {  	[tilespmem:$0x1FB70] =	vst v30;
	v30 =	vld.idx.msk [tilespmem:v22+s7+$0x0], $0xffff;
	v22 =	vadd.s32 $0x3A00, v1  }
0x133: {  	v10 =	vld [tilespmem:$0x1DF0];
	v12 =	vmul.f32 v13, v13;
	v0 =	vadd.f32 v0, v25  }
0x134: {  	[tilespmem:$0x1FB90] =	vst v47;
	v47 =	vadd.s32 $0x3880, v1;
	v13 =	vld [tilespmem:$0x1DC0]  }
0x135: {  	v50 =	vld.idx.msk [tilespmem:v15+s7+$0x0], $0xffff;
	v16 =	vmul.f32 v17, v17;
	v0 =	vadd.f32 v0, v12  }
0x136: {  	v17 =	vld [tilespmem:$0x1DD0]  }
0x137: {  	v55 =	vld.idx.msk [tilespmem:v22+s7+$0x0], $0xffff;
	v22 =	vmul.f32 v31, v31;
	v0 =	vadd.f32 v0, v16  }
0x138: {  	v31 =	vor.u32 $0x4000, v18;
	v25 =	vld [tilespmem:$0x1DE0]  }
0x139: {  	[tilespmem:$0x1FBA0] =	vst v53;
	v52 =	vld.idx.msk [tilespmem:v47+s7+$0x0], $0xffff;
	v53 =	vmul.f32 v13, v13;
	v0 =	vadd.f32 v0, v22  }
0x13a: {  	v22 =	vld [tilespmem:$0x1F690]  }
0x13b: {  	v13 =	vld [tilespmem:$0x1E00];
	v12 =	vmul.f32 v17, v17;
	v0 =	vadd.f32 v0, v53  }
0x13c: {  	v58 =	vadd.s32 $0x3900, v1;
	v47 =	vadd.s32 $0x3A80, v1;
	v1 =	vadd.s32 $0x3B80, v1;
	v16 =	vld [tilespmem:$0x1E10]  }
0x13d: {  	v11 =	vor.u32 $0x4080, v18;
	v15 =	vmul.f32 v25, v25;
	v25 =	vld.idx.msk [tilespmem:v31+s7+$0x0], $0xffff;
	v0 =	vadd.f32 v0, v12  }
0x13e: {  	v31 =	vld [tilespmem:$0x1F6B0]  }
0x13f: {  	v17 =	vmul.f32 v10, v10;
	v7 =	vsub.f32 v22, v29;
	v29 =	vld [tilespmem:$0x1F6A0];
	v0 =	vadd.f32 v0, v15  }
0x140: {  	v2 =	vld [tilespmem:$0x2AB0]  }
0x141: {  	v53 =	vld.idx.msk [tilespmem:v1+s7+$0x0], $0xffff;
	v1 =	vmul.f32 v13, v13;
	v0 =	vadd.f32 v0, v17  }
0x142: {  	v48 =	vld.idx.msk [tilespmem:v11+s7+$0x0], $0xffff  }
0x143: {  	v17 =	vld [tilespmem:$0x1F6D0];
	v0 =	vadd.f32 v0, v1;
	v1 =	vmul.f32 v16, v16  }
0x144: {  	v11 =	vsub.f32 v29, v33;
	v33 =	vtrunc.f32 v31;
	v16 =	vld [tilespmem:$0x1F6C0]  }
0x145: {  	v5 =	vmul.f32 v5, v5;
	v8 =	vld [tilespmem:$0x2AF0];
	v1 =	vadd.f32 v0, v1;
	v0 =	vcvt.f32.s32 v33  }
0x146: {  	v3 =	vld [tilespmem:$0x2AD0];
	v2 =	vmul.f32 v2, v2;
	v22 =	vadd.f32 $-1.000000000e+00, v23;
	v33 =	vadd.f32 $-1.000000000e+00, v21  }
0x147: {  	[tilespmem:$0x1FBD0] =	vst v6;
	v6 =	vld [tilespmem:$0x2AC0];
	vm14 =	veq.s32 v0, $0x0;
	vm15 =	veq.s32 v0, $0x1;
	v1 =	vadd.f32 v1, v5  }
0x148: {  	v58 =	vld.idx.msk [tilespmem:v58+s7+$0x0], $0xffff;
	vm8 =	veq.s32 v0, $0x2;
	vm9 =	veq.s32 v0, $0x3;
	vm10 =	veq.s32 v0, $0x4  }
0x149: {  	v47 =	vld.idx.msk [tilespmem:v47+s7+$0x0], $0xffff;
	vm11 =	veq.s32 v0, $0x5;
	vm12 =	veq.s32 v0, $0x6;
	v13 =	vsub.f32 v17, v16  }
0x14a: {  	v10 =	vld [tilespmem:$0x2AE0];
	v12 =	vsel vm14, v22, v23;
	v16 =	vsel vm15, v33, v21;
	v17 =	vadd.f32 $-1.000000000e+00, v26  }
0x14b: {  	v15 =	vld [tilespmem:$0x2D40];
	v12 =	vmul.f32 v12, v12;
	v16 =	vmul.f32 v16, v16;
	v1 =	vadd.f32 v1, v2  }
0x14c: {  	v29 =	vld [tilespmem:$0x2B00];
	v2 =	vmul.f32 v6, v6;
	v6 =	vadd.f32 $-1.000000000e+00, v27;
	v21 =	vsel vm8, v17, v26  }
0x14d: {  	v31 =	vld [tilespmem:$0x2B10];
	vm13 =	veq.s32 v0, $0x7;
	v12 =	vadd.f32 v16, v12;
	v16 =	vmul.f32 v21, v21  }
0x14e: {  	v5 =	vld [tilespmem:$0x2EB0];
	v6 =	vsel vm9, v6, v27;
	v1 =	vadd.f32 v1, v2;
	v2 =	vmul.f32 v3, v3  }
0x14f: {  	v33 =	vld [tilespmem:$0x2EA0];
	v22 =	vadd.f32 $-1.000000000e+00, v32;
	v6 =	vmul.f32 v6, v6;
	v12 =	vadd.f32 v16, v12  }
0x150: {  	v23 =	vld [tilespmem:$0x2ED0];
	vm15 =	vlt.s32 v46, $0xD;
	v1 =	vadd.f32 v1, v2;
	v2 =	vmul.f32 v10, v10  }
0x151: {  	v46 =	vld [tilespmem:$0x3160];
	v6 =	vadd.f32 v6, v12;
	v12 =	vsel vm10, v22, v32;
	v22 =	vadd.f32 $-1.000000000e+00, v36  }
0x152: {  	v26 =	vld [tilespmem:$0x2EC0];
	v1 =	vadd.f32 v1, v2;
	v2 =	vmul.f32 v8, v8;
	v12 =	vmul.f32 v12, v12  }
0x153: {  	v29 =	vmul.f32 v29, v29;
	v17 =	vld [tilespmem:$0x2D50];
	v36 =	vsel vm11, v22, v36;
	v22 =	vadd.f32 $-1.000000000e+00, v39  }
0x154: {  	v21 =	vld [tilespmem:$0x2EE0];
	v1 =	vadd.f32 v1, v2;
	v6 =	vadd.f32 v12, v6;
	v8 =	vmul.f32 v36, v36  }
0x155: {  	v3 =	vld [tilespmem:$0x2EF0];
	v16 =	vmul.f32 v31, v31;
	v36 =	vadd.f32 $-1.000000000e+00, v56;
	v22 =	vsel vm12, v22, v39  }
0x156: {  	v27 =	vld [tilespmem:$0x2F00];
	v2 =	vadd.f32 v1, v29;
	v6 =	vadd.f32 v8, v6;
	v8 =	vmul.f32 v22, v22  }
0x157: {  	v22 =	vsel vm13, v36, v56;
	v36 =	vmul.f32 v33, v33;
	v33 =	vadd.f32 $-1.000000000e+00, v40;
	v56 =	vld [tilespmem:$0x1F6F0]  }
0x158: {  	vm14 =	veq.s32 v0, $0x8;
	v6 =	vadd.f32 v8, v6;
	v8 =	vmul.f32 v22, v22;
	v22 =	vld [tilespmem:$0x1F6E0]  }
0x159: {  	v10 =	vld [tilespmem:$0x2F10];
	v16 =	vadd.f32 v2, v16;
	v33 =	vsel vm14, v33, v40;
	v40 =	vadd.f32 $-1.000000000e+00, v44  }
0x15a: {  	vm9 =	vlt.s32 v9, $0xD;
	v5 =	vmul.f32 v5, v5;
	v31 =	vld [tilespmem:$0x3150];
	vm10 =	veq.s32 v0, $0x9  }
0x15b: {  	v16 =	vadd.f32 v16, v36;
	v9 =	vmul.f32 v33, v33;
	v33 =	vsel vm10, v40, v44;
	v44 =	vld [tilespmem:$0x1FEB0]  }
0x15c: {  	v32 =	vld [tilespmem:$0x2D20]  }
0x15d: {  	v12 =	vld [tilespmem:$0x3120];
	v16 =	vadd.f32 v16, v5;
	v56 =	vsub.f32 v56, v22;
	v22 =	vmul.f32 v26, v26  }
0x15e: {  	v39 =	vld [tilespmem:$0x2D60]  }
0x15f: {  	v5 =	vmul.f32 v7, v7;
	v7 =	vmul.f32 v11, v11;
	v11 =	vadd.f32 v16, v22;
	v16 =	vld [tilespmem:$0x1FEE0]  }
0x160: {  	v1 =	vld [tilespmem:$0x2D70]  }
0x161: {  	v29 =	vld [tilespmem:$0x2D80]  }
0x162: {  	v2 =	vld [tilespmem:$0x2D90]  }
0x163: {  	v22 =	vld.idx.msk [tilespmem:v44+s2+$0x0], $0xffff  }
0x164: {  	v23 =	vmul.f32 v23, v23;
	v44 =	vld [tilespmem:$0x1FEF0]  }
0x165: {  	v36 =	vld [tilespmem:$0x3130]  }
0x166: {  	v21 =	vmul.f32 v21, v21;
	v6 =	vadd.f32 v8, v6;
	v8 =	vld [tilespmem:$0x3140];
	v11 =	vadd.f32 v11, v23  }
0x167: {  	vm6 =	vmand vm15, vm9;
	v23 =	vld.idx.msk [tilespmem:v16+s2+$0x0], $0xffff  }
0x168: {  	v11 =	vadd.f32 v11, v21;
	v21 =	vmul.f32 v56, v56;
	v56 =	vld [tilespmem:$0x1F700]  }
0x169: {  	v6 =	vadd.f32 v9, v6;
	v9 =	vld [tilespmem:$0x3190]  }
0x16a: {  	v26 =	vld [tilespmem:$0x3170]  }
0x16b: {  	v40 =	vadd.f32 $-1.000000000e+00, v57;
	v7 =	vadd.f32 v7, v5;
	v5 =	vld [tilespmem:$0x3180]  }
0x16c: {  	vm11 =	veq.s32 v0, $0xA;
	[tilespmem:$0x1FBB0] =	vst v23;
	v23 =	vld.idx.msk [tilespmem:v44+s2+$0x0], $0xffff  }
0x16d: {  	v40 =	vsel vm11, v40, v57;
	v57 =	vadd.f32 $-1.000000000e+00, v56;
	[tilespmem:v14+s9+$0x0] =	vst.idx.msk vm6, v62;
	v62 =	vld [tilespmem:$0x1FF20]  }
0x16e: {  	vm12 =	veq.s32 v0, $0xB  }
0x16f: {  	v3 =	vmul.f32 v3, v3;
	v44 =	vsel vm12, v57, v56;
	v57 =	vld [tilespmem:$0x1FF10];
	_ =	sdelay $0x1  }
0x170: {  	v27 =	vmul.f32 v27, v27;
	v3 =	vadd.f32 v11, v3  }
0x171: {  	v13 =	vmul.f32 v13, v13;
	v33 =	vmul.f32 v33, v33  }
0x172: {  	vm13 =	veq.s32 v0, $0xC;
	v0 =	vadd.f32 v3, v27;
	v27 =	vld [tilespmem:$0x1F710]  }
0x173: {  	v7 =	vadd.f32 v13, v7;
	v13 =	vadd.f32 v33, v6;
	v33 =	vld [tilespmem:$0x1F720]  }
0x174: {  	[tilespmem:$0x1FBE0] =	vst v23;
	v23 =	vmul.f32 v40, v40;
	v40 =	vld.idx.msk [tilespmem:v62+s2+$0x0], $0xffff  }
0x175: {  	v15 =	vmul.f32 v15, v15  }
0x176: {  	v6 =	vadd.f32 v21, v7;
	v56 =	vmul.f32 v10, v10;
	v7 =	vadd.f32 v23, v13;
	v23 =	vld.idx.msk [tilespmem:v57+s2+$0x0], $0xffff  }
0x177: {  	v39 =	vmul.f32 v39, v39;
	v11 =	vtrunc.f32 v27  }
0x178: {  	v0 =	vadd.f32 v0, v56;
	v56 =	vmul.f32 v32, v32;
	v62 =	vmul.f32 v44, v44  }
0x179: {  	v32 =	vadd.f32 $-1.000000000e+00, v45;
	v44 =	vadd.f32 $-1.000000000e+00, v33;
	v57 =	vmul.f32 $1.300000000e+01, v40  }
0x17a: {  	v0 =	vadd.f32 v0, v56;
	v10 =	vadd.f32 v62, v7;
	v7 =	vcvt.f32.s32 v11  }
0x17b: {  	v13 =	vsel vm13, v44, v33;
	[tilespmem:$0x1FC00] =	vst v23;
	v23 =	vmul.f32 $1.300000000e+01, v23;
	v27 =	vtrunc.f32 v57  }
0x17c: {  	v62 =	vmul.f32 v4, v4;
	v33 =	vadd.f32 $-1.000000000e+00, v20;
	v4 =	vcvt.f32.s32 v27  }
0x17d: {  	vm14 =	veq.s32 v7, $0x0;
	vm7 =	veq.s32 v7, $0x1;
	[tilespmem:$0x1FC20] =	vst v40;
	v40 =	vtrunc.f32 v23  }
0x17e: {  	v11 =	vsel vm14, v32, v45;
	v3 =	vcvt.f32.s32 v40;
	vm15 =	vgt.s32 v4, $0x0  }
0x17f: {  	v20 =	vsel vm7, v33, v20;
	v11 =	vmul.f32 v11, v11;
	v44 =	vnsel vm15, $0x0, v4  }
0x180: {  	v20 =	vmul.f32 v20, v20;
	vm8 =	vgt.s32 v3, $0x0;
	v21 =	vmin.u32 v44, $0xC  }
0x181: {  	v1 =	vmul.f32 v1, v1;
	v45 =	vnsel vm8, $0x0, v3;
	v21 =	vmul.u32 $0xD, v21  }
0x182: {  	v0 =	vadd.f32 v0, v62;
	v62 =	vadd.f32 v20, v11;
	v20 =	vmin.u32 v45, $0xC  }
0x183: {  	v13 =	vmul.f32 v13, v13;
	vm9 =	veq.s32 v7, $0x2;
	v11 =	vadd.s32 v20, v21  }
0x184: {  	v0 =	vadd.f32 v0, v15;
	v23 =	vadd.f32 $-1.000000000e+00, v61;
	v40 =	vld [tilespmem:$0x1F730];
	v32 =	vshll.u32 v11, $0x3  }
0x185: {  	v27 =	vmul.f32 v17, v17;
	v33 =	vand.u32 $0x7F, v11;
	v17 =	vand.u32 $0xC00, v32  }
0x186: {  	vm10 =	veq.s32 v7, $0x3;
	v57 =	vadd.f32 v13, v10;
	v15 =	vor.u32 v17, v33  }
0x187: {  	v13 =	vsel vm9, v23, v61;
	v0 =	vadd.f32 v0, v27;
	v45 =	vor.u32 $0x3080, v15  }
0x188: {  	v13 =	vmul.f32 v13, v13;
	v61 =	vor.u32 v17, v11;
	v56 =	vor.u32 $0x3100, v15  }
0x189: {  	v44 =	vadd.f32 $-1.000000000e+00, v40;
	v21 =	vor.u32 $0x3180, v61;
	v27 =	vor.u32 $0x3380, v61;
	v61 =	vld [tilespmem:$0x1F740]  }
0x18a: {  	v10 =	vadd.f32 v13, v62;
	v0 =	vadd.f32 v0, v39;
	v33 =	vor.u32 $0x3200, v15  }
0x18b: {  	v62 =	vsel vm10, v44, v40;
	v40 =	vand.u32 $0x78, v11;
	v20 =	vor.u32 $0x3300, v15  }
0x18c: {  	v44 =	vand.u32 $0x7, v11;
	v17 =	vor.u32 v40, v17;
	v45 =	vld.idx.msk [tilespmem:v45+s7+$0x0], $0xffff  }
0x18d: {  	v0 =	vadd.f32 v0, v1;
	v17 =	vor.u32 v44, v17;
	v56 =	vld.idx.msk [tilespmem:v56+s7+$0x0], $0xffff  }
0x18e: {  	v13 =	vmul.f32 v62, v62;
	v1 =	vadd.s32 $0x3880, v17;
	v62 =	vadd.f32 $-1.000000000e+00, v61;
	v21 =	vld.idx.msk [tilespmem:v21+s7+$0x0], $0xffff  }
0x18f: {  	vm11 =	veq.s32 v7, $0x4;
	v39 =	vor.u32 $0x3280, v15;
	v44 =	vld.idx.msk [tilespmem:v33+s7+$0x0], $0xffff  }
0x190: {  	v40 =	vsel vm11, v62, v61;
	v62 =	vld.idx.msk [tilespmem:v20+s7+$0x0], $0xffff  }
0x191: {  	v29 =	vmul.f32 v29, v29;
	v33 =	vadd.s32 $0x3900, v17;
	v61 =	vld [tilespmem:$0x1F760]  }
0x192: {  	v20 =	vadd.s32 $0x3980, v17;
	[tilespmem:$0x1FC10] =	vst v45;
	v45 =	vld [tilespmem:$0x1F750]  }
0x193: {  	v0 =	vadd.f32 v0, v29;
	v29 =	vld.idx.msk [tilespmem:v1+s7+$0x0], $0xffff  }
0x194: {  	v10 =	vadd.f32 v13, v10;
	v13 =	vadd.s32 $0x3800, v17;
	[tilespmem:$0x1FC30] =	vst v56;
	v56 =	vld.idx.msk [tilespmem:v39+s7+$0x0], $0xffff  }
0x195: {  	[tilespmem:$0x1FC60] =	vst v44;
	v44 =	vld.idx.msk [tilespmem:v27+s7+$0x0], $0xffff;
	v27 =	vadd.s32 $0x3A00, v17  }
0x196: {  	v32 =	vld.idx.msk [tilespmem:v33+s7+$0x0], $0xffff;
	v23 =	vadd.f32 $-1.000000000e+00, v61  }
0x197: {  	vm13 =	veq.s32 v7, $0x6;
	v33 =	vld.idx.msk [tilespmem:v20+s7+$0x0], $0xffff;
	v39 =	vadd.f32 $-1.000000000e+00, v45  }
0x198: {  	v2 =	vmul.f32 v2, v2;
	vm12 =	veq.s32 v7, $0x5;
	v1 =	vsel vm13, v23, v61;
	v23 =	vld [tilespmem:$0x1F770]  }
0x199: {  	[tilespmem:$0x1FC40] =	vst v21;
	v21 =	vmul.f32 v40, v40;
	v40 =	vsel vm12, v39, v45;
	v45 =	vld.idx.msk [tilespmem:v13+s7+$0x0], $0xffff  }
0x19a: {  	vm14 =	vlt.s32 v3, $0xD;
	v13 =	vld.idx.msk [tilespmem:v27+s7+$0x0], $0xffff  }
0x19b: {  	vm15 =	vlt.s32 v4, $0xD;
	v0 =	vadd.f32 v0, v2;
	v20 =	vmul.f32 v12, v12;
	v27 =	vld [tilespmem:$0x1F780]  }
0x19c: {  	vm8 =	veq.s32 v7, $0x7;
	v4 =	vmul.f32 v36, v36;
	v61 =	vadd.f32 $-1.000000000e+00, v19  }
0x19d: {  	v2 =	vor.u32 $0x4000, v15;
	v10 =	vadd.f32 v21, v10;
	v0 =	vadd.f32 v0, v20  }
0x19e: {  	v36 =	vld [tilespmem:$0x1F790];
	v1 =	vmul.f32 v1, v1;
	v3 =	vsel vm8, v61, v19;
	v21 =	vmul.f32 v40, v40  }
0x19f: {  	v61 =	vld [tilespmem:$0x1F7A0];
	v39 =	vadd.s32 $0x3A80, v17;
	v40 =	vadd.s32 $0x3B00, v17;
	v17 =	vadd.s32 $0x3B80, v17  }
0x1a0: {  	v10 =	vadd.f32 v21, v10;
	v21 =	vor.u32 $0x4080, v15;
	v12 =	vsub.f32 v27, v23;
	v27 =	vld [tilespmem:$0x1F7B0]  }
0x1a1: {  	v0 =	vadd.f32 v0, v4;
	v23 =	vmul.f32 v8, v8  }
0x1a2: {  	v1 =	vadd.f32 v1, v10;
	v10 =	vld.idx.msk [tilespmem:v2+s7+$0x0], $0xffff  }
0x1a3: {  	v0 =	vadd.f32 v0, v23;
	v23 =	vld [tilespmem:$0x1FF30]  }
0x1a4: {  	v20 =	vld.idx.msk [tilespmem:v17+s7+$0x0], $0xffff  }
0x1a5: {  	v2 =	vsub.f32 v61, v36;
	v8 =	vld.idx.msk [tilespmem:v21+s7+$0x0], $0xffff;
	v61 =	vadd.f32 $-1.000000000e+00, v27  }
0x1a6: {  	vm10 =	veq.s32 v7, $0x8;
	v21 =	vld [tilespmem:$0x1FF00]  }
0x1a7: {  	v17 =	vsel vm10, v61, v27;
	v61 =	vld [tilespmem:$0x1FF40];
	_ =	sdelay $0x1  }
0x1a8: {  	v3 =	vmul.f32 v3, v3;
	v27 =	vld [tilespmem:$0x1F7C0]  }
0x1a9: {  	vm5 =	vmand vm14, vm15;
	v39 =	vld.idx.msk [tilespmem:v39+s7+$0x0], $0xffff  }
0x1aa: {  	vm5 =	vmand vm5, vm0;
	v1 =	vadd.f32 v3, v1;
	v3 =	vor.u32 $0x3000, v18;
	v18 =	vld.idx.msk [tilespmem:v23+s2+$0x0], $0xffff  }
0x1ab: {  	v40 =	vld.idx.msk [tilespmem:v40+s7+$0x0], $0xffff  }
0x1ac: {  	v23 =	vmul.f32 v46, v46;
	v46 =	vld [tilespmem:$0x1F7E0]  }
0x1ad: {  	v4 =	vmul.f32 v31, v31;
	v36 =	vld.idx.msk [tilespmem:v21+s2+$0x0], $0xffff;
	v31 =	vadd.f32 $-1.000000000e+00, v27  }
0x1ae: {  	vm11 =	veq.s32 v7, $0x9;
	v19 =	vld.idx.msk [tilespmem:v61+s2+$0x0], $0xffff  }
0x1af: {  	v15 =	vor.u32 $0x3000, v15;
	[tilespmem:$0x1FC50] =	vst v18;
	v18 =	vsel vm11, v31, v27;
	v31 =	vld [tilespmem:$0x1F7D0]  }
0x1b0: {  	v0 =	vadd.f32 v0, v4;
	[tilespmem:v11+s9+$0x0] =	vst.idx.msk vm5, v42;
	v27 =	vmul.f32 v26, v26;
	v26 =	vld [tilespmem:$0x1F7F0]  }
0x1b1: {  	v17 =	vmul.f32 v17, v17;
	v14 =	vld.idx.msk [tilespmem:v14+s9+$0x0], $0xffff  }
0x1b2: {  	v0 =	vadd.f32 v0, v23;
	v3 =	vld.idx.msk [tilespmem:v3+s7+$0x0], $0xffff  }
0x1b3: {  	v12 =	vmul.f32 v12, v12;
	v2 =	vmul.f32 v2, v2;
	v1 =	vadd.f32 v17, v1;
	v11 =	vld.idx.msk [tilespmem:v11+s9+$0x0], $0xffff  }
0x1b4: {  	v21 =	vmul.f32 v5, v5;
	v61 =	vmul.f32 v18, v18;
	v23 =	vld.idx.msk [tilespmem:v15+s7+$0x0], $0xffff;
	v0 =	vadd.f32 v0, v27  }
0x1b5: {  	v16 =	vlaneseq.u32;
	v2 =	vadd.f32 v2, v12  }
0x1b6: {  	v6 =	vmul.f32 $5.000000000e+00, v6;
	v1 =	vadd.f32 v61, v1;
	v61 =	vld [tilespmem:$0x31A0];
	v0 =	vadd.f32 v0, v21  }
0x1b7: {  	vm12 =	veq.s32 v7, $0xA;
	v21 =	vld [tilespmem:$0x31B0];
	[tilespmem:$0x1FC70] =	vst v19;
	v19 =	vsub.f32 v46, v31;
	v27 =	vadd.f32 $-1.000000000e+00, v26  }
0x1b8: {  	v17 =	vld [tilespmem:$0x1F800];
	v31 =	vmul.f32 v9, v9;
	vm13 =	veq.s32 v14, v16;
	v3 =	vmul.f32 v3, v3  }
0x1b9: {  	vm14 =	veq.s32 v11, v42;
	v16 =	vmul.f32 v23, v23;
	v46 =	vsel vm12, v27, v26  }
0x1ba: {  	v0 =	vadd.f32 v0, v31;
	vm7 =	vmand vm6, vm13;
	v26 =	vmul.f32 v46, v46;
	v46 =	vld [tilespmem:$0x1F810]  }
0x1bb: {  	vm15 =	vmand vm5, vm14;
	v3 =	vnsel vm7, $0x0, v3;
	v12 =	vmul.f32 v61, v61;
	v61 =	vld [tilespmem:$0x1F820]  }
0x1bc: {  	v31 =	vmul.f32 v19, v19;
	v0 =	vsub.f32 v0, v3;
	v19 =	vmul.f32 v21, v21;
	v21 =	vld [tilespmem:$0x1F830]  }
0x1bd: {  	v57 =	vadd.f32 v57, v6;
	v18 =	vadd.f32 $-1.000000000e+00, v17;
	v6 =	vld [tilespmem:$0x3200];
	v4 =	vnsel vm15, $0x0, v16  }
0x1be: {  	vm12 =	veq.s32 v7, $0xB;
	v27 =	vld [tilespmem:$0x31C0];
	v0 =	vsub.f32 v0, v4  }
0x1bf: {  	v23 =	vsel vm12, v18, v17;
	v18 =	vld [tilespmem:$0x31D0]  }
0x1c0: {  	v1 =	vadd.f32 v26, v1;
	v26 =	vld [tilespmem:$0x31E0];
	v0 =	vadd.f32 v0, v12  }
0x1c1: {  	v3 =	vmul.f32 v23, v23;
	v14 =	vsub.f32 v61, v46;
	v61 =	vld [tilespmem:$0x31F0];
	v23 =	vadd.f32 $-1.000000000e+00, v21  }
0x1c2: {  	vm13 =	veq.s32 v7, $0xC;
	v0 =	vadd.f32 v0, v19;
	v19 =	vld [tilespmem:$0x1F880]  }
0x1c3: {  	v1 =	vadd.f32 v3, v1;
	v3 =	vsel vm13, v23, v21;
	v21 =	vld [tilespmem:$0x1F890]  }
0x1c4: {  	v2 =	vadd.f32 v31, v2;
	v27 =	vmul.f32 v27, v27;
	v31 =	vmul.f32 v14, v14;
	v23 =	vld [tilespmem:$0x1F8A0]  }
0x1c5: {  	v14 =	vmul.f32 v26, v26;
	v26 =	vld [tilespmem:$0x1F8B0];
	v3 =	vmul.f32 v3, v3  }
0x1c6: {  	v46 =	vmul.f32 v18, v18;
	v0 =	vadd.f32 v0, v27;
	v2 =	vadd.f32 v31, v2;
	v31 =	vld [tilespmem:$0x1F8C0]  }
0x1c7: {  	[tilespmem:$0x1FA50] =	vst v57;
	v57 =	vld [tilespmem:$0x3210];
	v1 =	vadd.f32 v3, v1  }
0x1c8: {  	[tilespmem:$0x1F9E0] =	vst v2;
	v0 =	vadd.f32 v0, v46;
	v2 =	vmul.f32 v61, v61;
	v61 =	vld [tilespmem:$0x1F8D0];
	v5 =	vtrunc.f32 v19  }
0x1c9: {  	[tilespmem:$0x1FA10] =	vst v1;
	v7 =	vsub.f32 v21, v23;
	v1 =	vcvt.f32.s32 v5;
	v21 =	vld [tilespmem:$0x1F8E0]  }
0x1ca: {  	v15 =	vld [tilespmem:$0x1F840];
	v27 =	vadd.f32 $-1.000000000e+00, v26;
	v0 =	vadd.f32 v0, v14  }
0x1cb: {  	v23 =	vld [tilespmem:$0x35A0];
	v46 =	vadd.f32 $-1.000000000e+00, v31;
	vm14 =	veq.s32 v1, $0x0;
	vm15 =	veq.s32 v1, $0x1  }
0x1cc: {  	v0 =	vadd.f32 v0, v2;
	v5 =	vsel vm14, v27, v26;
	v26 =	vmul.f32 v6, v6;
	v27 =	vld [tilespmem:$0x1F8F0]  }
0x1cd: {  	v9 =	vsel vm15, v46, v31;
	v46 =	vld [tilespmem:$0x35B0]  }
0x1ce: {  	v57 =	vmul.f32 v57, v57;
	v12 =	vsub.f32 v61, v21;
	v0 =	vadd.f32 v0, v26;
	v61 =	vld [tilespmem:$0x1F900]  }
0x1cf: {  	v11 =	vld [tilespmem:$0x35C0]  }
0x1d0: {  	v21 =	vmul.f32 v23, v23;
	v26 =	vld [tilespmem:$0x1F910];
	v0 =	vadd.f32 v0, v57  }
0x1d1: {  	v17 =	vld [tilespmem:$0x1F860];
	vm10 =	veq.s32 v1, $0x2;
	v5 =	vmul.f32 v5, v5;
	v31 =	vadd.f32 $-1.000000000e+00, v27  }
0x1d2: {  	v9 =	vmul.f32 v9, v9;
	v57 =	vld [tilespmem:$0x1F920];
	v46 =	vmul.f32 v46, v46;
	v0 =	vadd.f32 v0, v21  }
0x1d3: {  	v18 =	vld [tilespmem:$0x1F870];
	vm11 =	veq.s32 v1, $0x3;
	v6 =	vsel vm10, v31, v27;
	v19 =	vadd.f32 $-1.000000000e+00, v61  }
0x1d4: {  	v5 =	vadd.f32 v9, v5;
	v6 =	vmul.f32 v6, v6;
	v0 =	vadd.f32 v0, v46;
	v46 =	vld [tilespmem:$0x1F930]  }
0x1d5: {  	vm12 =	veq.s32 v1, $0x4;
	v27 =	vadd.f32 $-1.000000000e+00, v26;
	v31 =	vld [tilespmem:$0x35D0];
	v23 =	vsel vm11, v19, v61  }
0x1d6: {  	v16 =	vld [tilespmem:$0x1F850];
	v5 =	vadd.f32 v6, v5;
	v6 =	vmul.f32 v23, v23;
	v23 =	vmul.f32 v11, v11  }
0x1d7: {  	vm13 =	veq.s32 v1, $0x5;
	v21 =	vld [tilespmem:$0x35E0];
	v9 =	vsel vm12, v27, v26;
	v61 =	vadd.f32 $-1.000000000e+00, v57  }
0x1d8: {  	v9 =	vmul.f32 v9, v9;
	v5 =	vadd.f32 v6, v5;
	v0 =	vadd.f32 v0, v23;
	v23 =	vld [tilespmem:$0x1F940]  }
0x1d9: {  	v4 =	vsub.f32 v18, v17;
	v27 =	vld [tilespmem:$0x35F0];
	v26 =	vsel vm13, v61, v57;
	v57 =	vadd.f32 $-1.000000000e+00, v46  }
0x1da: {  	vm14 =	veq.s32 v1, $0x6;
	v31 =	vmul.f32 v31, v31;
	v5 =	vadd.f32 v9, v5;
	v9 =	vld [tilespmem:$0x3600]  }
0x1db: {  	v3 =	vsub.f32 v16, v15;
	v4 =	vmul.f32 v4, v4;
	v14 =	vsel vm14, v57, v46;
	v46 =	vld [tilespmem:$0x1F950]  }
0x1dc: {  	vm9 =	veq.s32 v1, $0x8;
	v61 =	vmul.f32 v21, v21;
	v0 =	vadd.f32 v0, v31  }
0x1dd: {  	v15 =	vld [tilespmem:$0x3610];
	vm15 =	veq.s32 v1, $0x7;
	v6 =	vmul.f32 v26, v26;
	v26 =	vadd.f32 $-1.000000000e+00, v23  }
0x1de: {  	v27 =	vmul.f32 v27, v27;
	v21 =	vmul.f32 v14, v14;
	v0 =	vadd.f32 v0, v61;
	v14 =	vld [tilespmem:$0x42A0]  }
0x1df: {  	v7 =	vmul.f32 v7, v7;
	v5 =	vadd.f32 v6, v5;
	v31 =	vsel vm15, v26, v23;
	v23 =	vld [tilespmem:$0x1F960]  }
0x1e0: {  	v0 =	vadd.f32 v0, v27;
	v27 =	vld [tilespmem:$0x42B0];
	v61 =	vmul.f32 v9, v9;
	v57 =	vadd.f32 $-1.000000000e+00, v46  }
0x1e1: {  	v18 =	vld [tilespmem:$0x42D0];
	vm10 =	veq.s32 v1, $0x9;
	v5 =	vadd.f32 v21, v5;
	v6 =	vmul.f32 v31, v31  }
0x1e2: {  	v31 =	vmul.f32 v15, v15;
	v0 =	vadd.f32 v0, v61;
	v21 =	vsel vm9, v57, v46  }
0x1e3: {  	vm11 =	veq.s32 v1, $0xA;
	v5 =	vadd.f32 v6, v5;
	v57 =	vld [tilespmem:$0x42C0];
	v9 =	vmul.f32 v21, v21  }
0x1e4: {  	v16 =	vmul.f32 v14, v14;
	v0 =	vadd.f32 v0, v31;
	v21 =	vld [tilespmem:$0x1F970];
	v26 =	vadd.f32 $-1.000000000e+00, v23  }
0x1e5: {  	v17 =	vld [tilespmem:$0x42F0];
	v61 =	vmul.f32 v3, v3;
	v19 =	vmul.f32 v27, v27;
	v5 =	vadd.f32 v9, v5  }
0x1e6: {  	v0 =	vadd.f32 v0, v16;
	v9 =	vmul.f32 v18, v18;
	v18 =	vld [tilespmem:$0x1F990];
	v46 =	vsel vm10, v26, v23  }
0x1e7: {  	vm12 =	veq.s32 v1, $0xB;
	v2 =	vadd.f32 v4, v61;
	v6 =	vmul.f32 v46, v46;
	v46 =	vld [tilespmem:$0x42E0]  }
0x1e8: {  	vm13 =	veq.s32 v1, $0xC;
	v0 =	vadd.f32 v0, v19;
	v31 =	vmul.f32 v57, v57;
	v57 =	vld [tilespmem:$0x1F980]  }
0x1e9: {  	v2 =	vadd.f32 v7, v2;
	v16 =	vmul.f32 v12, v12;
	v19 =	vld [tilespmem:$0x1F9A0];
	v23 =	vadd.f32 $-1.000000000e+00, v21  }
0x1ea: {  	v14 =	vadd.f32 $-1.000000000e+00, v41;
	v7 =	vmul.f32 v17, v17;
	v0 =	vadd.f32 v0, v31  }
0x1eb: {  	v2 =	vadd.f32 v16, v2;
	v26 =	vadd.f32 v6, v5;
	v27 =	vsel vm11, v23, v21  }
0x1ec: {  	v5 =	vmul.f32 v27, v27;
	v0 =	vadd.f32 v0, v9;
	v9 =	vtrunc.f32 v18  }
0x1ed: {  	v27 =	vadd.f32 $-1.000000000e+00, v59;
	v61 =	vadd.f32 $-1.000000000e+00, v57;
	v1 =	vcvt.f32.s32 v9  }
0x1ee: {  	v23 =	vld [tilespmem:$0x4300];
	v6 =	vmul.f32 v46, v46;
	v21 =	vadd.f32 $-1.000000000e+00, v19;
	v46 =	vadd.f32 $-1.000000000e+00, v28  }
0x1ef: {  	v4 =	vadd.f32 v5, v26;
	v26 =	vadd.f32 $-1.000000000e+00, v54;
	vm15 =	veq.s32 v1, $0x1  }
0x1f0: {  	v15 =	vsel vm12, v61, v57;
	v0 =	vadd.f32 v0, v6;
	v6 =	vsel vm15, v27, v59;
	v59 =	vld [tilespmem:$0x1FF70]  }
0x1f1: {  	v31 =	vld [tilespmem:$0x4310];
	vm14 =	veq.s32 v1, $0x0;
	vm10 =	veq.s32 v1, $0x2;
	vm11 =	veq.s32 v1, $0x3  }
0x1f2: {  	vm9 =	veq.s32 v1, $0xA;
	v5 =	vmul.f32 v15, v15;
	v11 =	vsel vm10, v46, v28;
	v27 =	vld [tilespmem:$0x1FF60]  }
0x1f3: {  	[tilespmem:$0x1F9F0] =	vst v2;
	v57 =	vld [tilespmem:$0x46A0];
	v2 =	vmul.f32 v23, v23;
	vm10 =	veq.s32 v1, $0xC;
	v0 =	vadd.f32 v0, v7  }
0x1f4: {  	v6 =	vmul.f32 v6, v6;
	v3 =	vadd.f32 v5, v4;
	v5 =	vsel vm14, v26, v54  }
0x1f5: {  	v18 =	vld [tilespmem:$0x46E0];
	v4 =	vsel vm13, v21, v19;
	v21 =	vadd.f32 $-1.000000000e+00, v49;
	v5 =	vmul.f32 v5, v5  }
0x1f6: {  	v23 =	vld [tilespmem:$0x46B0];
	v46 =	vmul.f32 v11, v11;
	v26 =	vmul.f32 v31, v31;
	v19 =	vadd.f32 $-1.000000000e+00, v37  }
0x1f7: {  	v0 =	vadd.f32 v0, v2;
	v31 =	vsel vm11, v21, v49;
	v49 =	vld [tilespmem:$0x46C0];
	v5 =	vadd.f32 v6, v5  }
0x1f8: {  	v4 =	vmul.f32 v4, v4;
	v54 =	vmul.f32 v57, v57;
	v21 =	vadd.f32 $-1.000000000e+00, v38;
	v61 =	vld.idx.msk [tilespmem:v59+s2+$0x0], $0xffff  }
0x1f9: {  	v15 =	vld [tilespmem:$0x46D0];
	v0 =	vadd.f32 v0, v26;
	v6 =	vmul.f32 v31, v31;
	v5 =	vadd.f32 v46, v5  }
0x1fa: {  	vm13 =	veq.s32 v1, $0x4;
	v3 =	vadd.f32 v4, v3;
	v31 =	vadd.f32 $-1.000000000e+00, v35;
	v28 =	vld.idx.msk [tilespmem:v27+s2+$0x0], $0xffff  }
0x1fb: {  	vm14 =	veq.s32 v1, $0x5;
	v0 =	vadd.f32 v0, v54;
	v5 =	vadd.f32 v6, v5  }
0x1fc: {  	[tilespmem:$0x1FA20] =	vst v3;
	v54 =	vadd.f32 $-1.000000000e+00, v24;
	v59 =	vmul.f32 v23, v23;
	v27 =	vmul.f32 v18, v18  }
0x1fd: {  	v12 =	vmul.f32 v49, v49;
	[tilespmem:$0x1FA30] =	vst v5;
	v5 =	vsel vm13, v14, v41;
	v57 =	vmul.f32 $1.300000000e+01, v61  }
0x1fe: {  	v6 =	vmul.f32 v15, v15;
	v0 =	vadd.f32 v0, v59;
	vm13 =	veq.s32 v1, $0x7;
	v41 =	vld [tilespmem:$0x1F9B0];
	[tilespmem:$0x1FA00] =	vst v5  }
0x1ff: {  	v5 =	vsel vm14, v19, v37;
	v37 =	vld [tilespmem:$0x46F0];
	[tilespmem:$0x1FCD0] =	vst v61;
	v11 =	vmul.f32 $1.300000000e+01, v28;
	v61 =	vtrunc.f32 v57  }
0x200: {  	v0 =	vadd.f32 v0, v12;
	[tilespmem:$0x1FA40] =	vst v5;
	v5 =	vsel vm13, v31, v35;
	v35 =	vld [tilespmem:$0x1F9D0];
	v3 =	vcvt.f32.s32 v61  }
0x201: {  	vm14 =	veq.s32 v1, $0x8;
	v12 =	vadd.f32 $-1.000000000e+00, v47;
	v4 =	vtrunc.f32 v11  }
0x202: {  	v0 =	vadd.f32 v0, v6;
	v11 =	vcvt.f32.s32 v4;
	vm12 =	vgt.s32 v3, $0x0  }
0x203: {  	v57 =	vadd.f32 $-1.000000000e+00, v34;
	v46 =	vadd.f32 $-1.000000000e+00, v41;
	v16 =	vnsel vm12, $0x0, v3  }
0x204: {  	v6 =	vmul.f32 v37, v37;
	vm15 =	vgt.s32 v11, $0x0;
	v17 =	vmin.u32 v16, $0xC  }
0x205: {  	v37 =	vadd.f32 $-1.000000000e+00, v35;
	v23 =	vnsel vm15, $0x0, v11;
	v2 =	vmul.u32 $0xD, v17  }
0x206: {  	vm12 =	veq.s32 v1, $0x6;
	vm15 =	veq.s32 v1, $0x9;
	v9 =	vmin.u32 v23, $0xC  }
0x207: {  	v59 =	vld [tilespmem:$0x4710];
	v26 =	vsel vm12, v21, v38;
	v24 =	vsel vm15, v54, v24;
	v61 =	vadd.s32 v9, v2  }
0x208: {  	[tilespmem:$0x1FCB0] =	vst v28;
	v54 =	vtrunc.f32 v22;
	v2 =	vadd.f32 v0, v27;
	v27 =	vld [tilespmem:$0x1F9C0];
	v28 =	vshll.u32 v61, $0x3  }
0x209: {  	[tilespmem:$0x1FA60] =	vst v26;
	v26 =	vsel vm9, v57, v34;
	v38 =	vand.u32 $0x78, v61;
	v4 =	vand.u32 $0xC00, v28  }
0x20a: {  	vm9 =	veq.s32 v1, $0xB;
	v57 =	vld [tilespmem:$0x4530];
	v9 =	vand.u32 $0x7, v61;
	v7 =	vor.u32 v38, v4  }
0x20b: {  	v49 =	vld [tilespmem:$0x4700];
	v1 =	vcvt.f32.s32 v54;
	[tilespmem:$0x1FB30] =	vst v26;
	v26 =	vadd.f32 $-1.000000000e+00, v43;
	v23 =	vor.u32 v9, v7  }
0x20c: {  	v0 =	vsel vm14, v46, v41;
	v41 =	vmul.f32 v59, v59;
	v9 =	vadd.s32 $0x4880, v23  }
0x20d: {  	vm11 =	veq.s32 v1, $0x0;
	v21 =	vadd.s32 $0x4900, v23;
	v28 =	vadd.f32 $-1.000000000e+00, v27  }
0x20e: {  	vm12 =	veq.s32 v1, $0x1;
	v2 =	vadd.f32 v2, v6;
	v38 =	vld [tilespmem:$0x4520];
	v31 =	vadd.s32 $0x4980, v23  }
0x20f: {  	[tilespmem:$0x1FAC0] =	vst v0;
	v14 =	vmul.f32 v57, v57;
	v57 =	vld [tilespmem:$0x4920];
	v34 =	vadd.s32 $0x4A00, v23;
	v0 =	vsel vm9, v28, v27  }
0x210: {  	v7 =	vmul.f32 v49, v49;
	[tilespmem:$0x1FB40] =	vst v0;
	v0 =	vsel vm10, v37, v35;
	v35 =	vsel vm11, v26, v43;
	v43 =	vld [tilespmem:$0x4550]  }
0x211: {  	vm13 =	veq.s32 v1, $0x2;
	vm14 =	veq.s32 v1, $0x3;
	v49 =	vadd.s32 $0x4A80, v23;
	v9 =	vld.idx.msk [tilespmem:v9+s7+$0x0], $0xffff  }
0x212: {  	v22 =	vand.u32 $0x7F, v61;
	v59 =	vadd.s32 $0x4B00, v23;
	v2 =	vadd.f32 v2, v7;
	v46 =	vld.idx.msk [tilespmem:v21+s7+$0x0], $0xffff  }
0x213: {  	[tilespmem:$0x1FA70] =	vst v5;
	v6 =	vor.u32 v4, v22;
	v15 =	vor.u32 v4, v61;
	v27 =	vadd.s32 $0x4B80, v23;
	v21 =	vld.idx.msk [tilespmem:v31+s7+$0x0], $0xffff  }
0x214: {  	[tilespmem:$0x1FB10] =	vst v24;
	v2 =	vadd.f32 v2, v41;
	v28 =	vmul.f32 v38, v38;
	v38 =	vor.u32 $0x5080, v6;
	v24 =	vld.idx.msk [tilespmem:v34+s7+$0x0], $0xffff  }
0x215: {  	vm15 =	veq.s32 v1, $0x4;
	v37 =	vadd.f32 $-1.000000000e+00, v63;
	[tilespmem:$0x1FB50] =	vst v0;
	v0 =	vor.u32 $0x5180, v15;
	v31 =	vld [tilespmem:$0x4540]  }
0x216: {  	[tilespmem:$0x1FB20] =	vst v35;
	v35 =	vadd.f32 $-1.000000000e+00, v52;
	v34 =	vor.u32 $0x5000, v6;
	v5 =	vld.idx.msk [tilespmem:v49+s7+$0x0], $0xffff;
	v41 =	vadd.f32 v2, v28  }
0x217: {  	v2 =	vld.idx.msk [tilespmem:v59+s7+$0x0], $0xffff;
	v49 =	vsel vm12, v37, v63;
	v59 =	vadd.f32 $-1.000000000e+00, v60;
	v28 =	vor.u32 $0x5200, v6  }
0x218: {  	v37 =	vadd.f32 $-1.000000000e+00, v58;
	vm12 =	veq.s32 v1, $0x5;
	v14 =	vadd.f32 v41, v14;
	v63 =	vld.idx.msk [tilespmem:v27+s7+$0x0], $0xffff  }
0x219: {  	v27 =	vadd.f32 $-1.000000000e+00, v30;
	v59 =	vsel vm13, v59, v60;
	v60 =	vsel vm15, v35, v52;
	v18 =	vld.idx.msk [tilespmem:v38+s7+$0x0], $0xffff  }
0x21a: {  	v41 =	vsel vm12, v37, v58;
	v58 =	vadd.f32 $-1.000000000e+00, v51;
	v38 =	vld [tilespmem:$0x4570];
	[tilespmem:$0x1FCE0] =	vst v46;
	v46 =	vor.u32 $0x5100, v6  }
0x21b: {  	vm13 =	veq.s32 v1, $0x6;
	v35 =	vadd.f32 $-1.000000000e+00, v50;
	v37 =	vadd.f32 $-1.000000000e+00, v53;
	v22 =	vld.idx.msk [tilespmem:v0+s7+$0x0], $0xffff  }
0x21c: {  	vm15 =	veq.s32 v1, $0x8;
	vm12 =	veq.s32 v1, $0x9;
	v17 =	vmul.f32 v31, v31;
	v31 =	vld [tilespmem:$0x4560]  }
0x21d: {  	v7 =	vmul.f32 v43, v43;
	v54 =	vsel vm14, v27, v30;
	v4 =	vld.idx.msk [tilespmem:v34+s7+$0x0], $0xffff;
	v34 =	vor.u32 $0x5280, v6  }
0x21e: {  	v0 =	vadd.f32 $-1.000000000e+00, v55;
	vm14 =	veq.s32 v1, $0x7;
	v51 =	vsel vm13, v58, v51;
	v27 =	vld [tilespmem:$0x4980]  }
0x21f: {  	vm13 =	veq.s32 v1, $0xA;
	v6 =	vor.u32 $0x5300, v6;
	v14 =	vadd.f32 v14, v17;
	v19 =	vld.idx.msk [tilespmem:v46+s7+$0x0], $0xffff  }
0x220: {  	[tilespmem:$0x1FCC0] =	vst v9;
	v53 =	vsel vm13, v37, v53;
	v9 =	vadd.f32 $-1.000000000e+00, v48;
	v46 =	vor.u32 $0x5380, v15;
	v15 =	vld [tilespmem:$0x4580]  }
0x221: {  	v16 =	vmul.f32 v38, v38;
	v38 =	vld [tilespmem:$0x4590];
	v14 =	vadd.f32 v14, v7;
	v17 =	vmul.f32 v31, v31  }
0x222: {  	[tilespmem:$0x1FCF0] =	vst v21;
	vm13 =	vlt.s32 v3, $0xD;
	v43 =	vsel vm14, v0, v55;
	v21 =	vld.idx.msk [tilespmem:v34+s7+$0x0], $0xffff;
	v34 =	vadd.s32 $0x5880, v23  }
0x223: {  	v3 =	vld [tilespmem:$0x4960];
	v55 =	vsel vm15, v12, v47;
	vm15 =	veq.s32 v1, $0xC;
	v14 =	vadd.f32 v14, v17  }
0x224: {  	v47 =	vsel vm12, v35, v50;
	v35 =	vld [tilespmem:$0x4930];
	v48 =	vsel vm15, v9, v48  }
0x225: {  	[tilespmem:$0x1FBF0] =	vst v48;
	v48 =	vld [tilespmem:$0x1FF80];
	v14 =	vadd.f32 v14, v16;
	v15 =	vmul.f32 v15, v15  }
0x226: {  	v7 =	vld.idx.msk [tilespmem:v28+s7+$0x0], $0xffff  }
0x227: {  	v26 =	vadd.s32 $0x5800, v23;
	v28 =	vld.idx.msk [tilespmem:v34+s7+$0x0], $0xffff;
	v34 =	vmul.f32 v38, v38;
	v14 =	vadd.f32 v14, v15  }
0x228: {  	[tilespmem:$0x1FD10] =	vst v24;
	v24 =	vld.idx.msk [tilespmem:v6+s7+$0x0], $0xffff  }
0x229: {  	v6 =	vmul.f32 v57, v57;
	v15 =	vld [tilespmem:$0x4940];
	v14 =	vadd.f32 v14, v34  }
0x22a: {  	v31 =	vtrunc.f32 v36;
	v36 =	vld [tilespmem:$0x1FF50]  }
0x22b: {  	v52 =	vmul.f32 v35, v35;
	v16 =	vcvt.f32.s32 v31;
	v30 =	vld.idx.msk [tilespmem:v46+s7+$0x0], $0xffff;
	v6 =	vadd.f32 v14, v6  }
0x22c: {  	v9 =	vadd.f32 $-1.000000000e+00, v62;
	v46 =	vld.idx.msk [tilespmem:v26+s7+$0x0], $0xffff  }
0x22d: {  	v37 =	vadd.f32 $-1.000000000e+00, v29;
	vm15 =	veq.s32 v16, $0x1;
	v6 =	vadd.f32 v6, v52;
	v52 =	vld [tilespmem:$0x1FFA0]  }
0x22e: {  	vm12 =	vlt.s32 v11, $0xD;
	v34 =	vsel vm15, v9, v62;
	v9 =	vld [tilespmem:$0x1FFD0];
	v15 =	vmul.f32 v15, v15  }
0x22f: {  	vm14 =	veq.s32 v1, $0xB;
	v1 =	vadd.f32 $-1.000000000e+00, v25;
	vm7 =	vmand vm12, vm13;
	v0 =	vld.idx.msk [tilespmem:v48+s2+$0x0], $0xffff  }
0x230: {  	v50 =	vadd.f32 $-1.000000000e+00, v56;
	v6 =	vadd.f32 v6, v15;
	v15 =	vld [tilespmem:$0x1FFC0]  }
0x231: {  	v12 =	vadd.f32 $-1.000000000e+00, v44;
	v38 =	vsel vm14, v1, v25;
	v26 =	vld [tilespmem:$0x4950];
	vm14 =	veq.s32 v16, $0x0  }
0x232: {  	[tilespmem:$0x1FBC0] =	vst v53;
	v11 =	vadd.f32 $-1.000000000e+00, v13;
	v57 =	vadd.f32 $-1.000000000e+00, v33;
	v53 =	vsel vm14, v50, v56;
	v56 =	vld [tilespmem:$0x4990]  }
0x233: {  	v3 =	vmul.f32 v3, v3;
	v31 =	vadd.f32 $-1.000000000e+00, v45;
	v25 =	vlaneseq.u32;
	v17 =	vld.idx.msk [tilespmem:v36+s2+$0x0], $0xffff  }
0x234: {  	v1 =	vadd.f32 $-1.000000000e+00, v5;
	vm12 =	veq.s32 v16, $0x2;
	vm13 =	veq.s32 v16, $0x3;
	v14 =	vld [tilespmem:$0x4970];
	[tilespmem:$0x1FD00] =	vst v0  }
0x235: {  	v35 =	vsel vm12, v12, v44;
	v58 =	vsel vm13, v31, v45;
	v0 =	vld.idx.msk [tilespmem:v52+s2+$0x0], $0xffff;
	[tilespmem:v61+s9+$0x0] =	vst.idx.msk vm7, v25  }
0x236: {  	vm14 =	veq.s32 v16, $0x4;
	v50 =	vadd.f32 $-1.000000000e+00, v32;
	vm12 =	veq.s32 v16, $0x6;
	v36 =	vld.idx.msk [tilespmem:v9+s2+$0x0], $0xffff  }
0x237: {  	v12 =	vadd.f32 $-1.000000000e+00, v39;
	vm13 =	veq.s32 v16, $0x7;
	v44 =	vsel vm12, v57, v33  }
0x238: {  	v45 =	vsel vm13, v11, v13;
	vm12 =	veq.s32 v16, $0xA;
	vm13 =	veq.s32 v16, $0xB;
	v31 =	vld.idx.msk [tilespmem:v15+s2+$0x0], $0xffff  }
0x239: {  	v62 =	vsel vm14, v37, v29;
	vm15 =	veq.s32 v16, $0x5;
	vm14 =	veq.s32 v16, $0x8  }
0x23a: {  	v29 =	vadd.f32 $-1.000000000e+00, v40;
	v50 =	vsel vm15, v50, v32;
	v26 =	vmul.f32 v26, v26  }
0x23b: {  	v39 =	vsel vm14, v12, v39;
	vm15 =	veq.s32 v16, $0x9;
	v33 =	vmul.f32 $1.300000000e+01, v36  }
0x23c: {  	v32 =	vadd.f32 $-1.000000000e+00, v20;
	v57 =	vsel vm15, v29, v40;
	vm15 =	veq.s32 v16, $0xC  }
0x23d: {  	v6 =	vadd.f32 v6, v26;
	v52 =	vmul.f32 $1.300000000e+01, v31;
	v48 =	vtrunc.f32 v33  }
0x23e: {  	v40 =	vsel vm12, v32, v20;
	v32 =	vtrunc.f32 v17;
	v11 =	vcvt.f32.s32 v48  }
0x23f: {  	v37 =	vmul.f32 v14, v14;
	v3 =	vadd.f32 v6, v3;
	v14 =	vtrunc.f32 v52  }
0x240: {  	v9 =	vadd.f32 $-1.000000000e+00, v10;
	v14 =	vcvt.f32.s32 v14;
	vm14 =	vgt.s32 v11, $0x0  }
0x241: {  	v26 =	vmul.f32 v27, v27;
	v3 =	vadd.f32 v3, v37;
	v29 =	vnsel vm14, $0x0, v11  }
0x242: {  	v27 =	vsel vm13, v9, v10;
	vm12 =	vgt.s32 v14, $0x0;
	v10 =	vmin.u32 v29, $0xC  }
0x243: {  	[tilespmem:$0x1FC80] =	vst v40;
	v40 =	vcvt.f32.s32 v32;
	v37 =	vnsel vm12, $0x0, v14;
	v10 =	vmul.u32 $0xD, v10  }
0x244: {  	v3 =	vadd.f32 v3, v26;
	v33 =	vadd.f32 $-1.000000000e+00, v8;
	v52 =	vmin.u32 v37, $0xC  }
0x245: {  	vm13 =	veq.s32 v40, $0x0;
	v48 =	vmul.f32 v56, v56;
	v12 =	vadd.s32 v52, v10  }
0x246: {  	v56 =	vsel vm15, v33, v8;
	v33 =	vsel vm13, v1, v5;
	v10 =	vshll.u32 v12, $0x3  }
0x247: {  	v15 =	vadd.f32 v3, v48;
	v3 =	vand.u32 $0x78, v12;
	v5 =	vand.u32 $0xC00, v10  }
0x248: {  	v17 =	vand.u32 $0x7, v12;
	v8 =	vor.u32 v3, v5  }
0x249: {  	v8 =	vor.u32 v17, v8  }
0x24a: {  	v9 =	vadd.s32 $0x4900, v8;
	_ =	sdelay $0x4  }
0x24b: {  	v9 =	vld.idx.msk [tilespmem:v9+s7+$0x0], $0xffff;
	_ =	sdelay $0x2  }
0x24c: {  	v13 =	vadd.f32 $-1.000000000e+00, v22;
	v6 =	vadd.f32 $-1.000000000e+00, v2  }
0x24d: {  	v16 =	vadd.f32 $-1.000000000e+00, v63;
	[tilespmem:$0x1FC90] =	vst v27;
	vm14 =	veq.s32 v40, $0x1;
	v52 =	vadd.s32 $0x4880, v8  }
0x24e: {  	vm15 =	veq.s32 v40, $0x2;
	v27 =	vsel vm14, v6, v2;
	v2 =	vadd.s32 $0x4980, v8;
	[tilespmem:$0x1FD40] =	vst v9;
	v9 =	vld [tilespmem:$0x1FFB0]  }
0x24f: {  	vm13 =	veq.s32 v40, $0x4;
	v32 =	vsel vm15, v16, v63;
	vm15 =	veq.s32 v40, $0x6  }
0x250: {  	[tilespmem:$0x1FCA0] =	vst v56;
	v29 =	vadd.f32 $-1.000000000e+00, v4;
	v37 =	vadd.f32 $-1.000000000e+00, v18;
	v56 =	vadd.s32 $0x4A00, v8  }
0x251: {  	v16 =	vadd.f32 $-1.000000000e+00, v21;
	v63 =	vsel vm15, v13, v22;
	vm12 =	veq.s32 v40, $0x3  }
0x252: {  	v29 =	vsel vm12, v29, v4;
	v20 =	vsel vm13, v37, v18;
	v37 =	vld.idx.msk [tilespmem:v52+s7+$0x0], $0xffff;
	v52 =	vand.u32 $0x7F, v12  }
0x253: {  	v10 =	vadd.f32 $-1.000000000e+00, v19;
	v48 =	vadd.s32 $0x4B00, v8;
	v13 =	vld.idx.msk [tilespmem:v2+s7+$0x0], $0xffff;
	v4 =	vor.u32 v5, v52  }
0x254: {  	vm15 =	veq.s32 v40, $0xA;
	vm14 =	veq.s32 v40, $0x5;
	v52 =	vor.u32 $0x5080, v4  }
0x255: {  	v19 =	vsel vm14, v10, v19;
	v10 =	vadd.f32 $-1.000000000e+00, v7;
	v1 =	vadd.s32 $0x4A80, v8;
	v17 =	vld.idx.msk [tilespmem:v56+s7+$0x0], $0xffff  }
0x256: {  	[tilespmem:$0x1FD20] =	vst v0;
	v22 =	vadd.f32 $-1.000000000e+00, v46;
	vm12 =	veq.s32 v40, $0x7;
	v0 =	vadd.s32 $0x4B80, v8;
	v56 =	vld.idx.msk [tilespmem:v9+s2+$0x0], $0xffff  }
0x257: {  	v26 =	vsel vm12, v10, v7;
	v5 =	vor.u32 v5, v12;
	v7 =	vor.u32 $0x5000, v4  }
0x258: {  	vm13 =	veq.s32 v40, $0x8;
	v18 =	vadd.f32 $-1.000000000e+00, v24;
	v2 =	vld.idx.msk [tilespmem:v48+s7+$0x0], $0xffff;
	[tilespmem:$0x1FD50] =	vst v13;
	v13 =	vor.u32 $0x5180, v5  }
0x259: {  	vm14 =	veq.s32 v40, $0x9;
	[tilespmem:$0x1FD30] =	vst v37;
	v37 =	vsel vm13, v16, v21;
	v21 =	vld.idx.msk [tilespmem:v52+s7+$0x0], $0xffff;
	v52 =	vor.u32 $0x5300, v4  }
0x25a: {  	v24 =	vsel vm14, v18, v24;
	vm14 =	vlt.s32 v14, $0xD;
	v10 =	vadd.f32 $-1.000000000e+00, v30;
	v1 =	vld.idx.msk [tilespmem:v1+s7+$0x0], $0xffff  }
0x25b: {  	vm12 =	veq.s32 v40, $0xB;
	v6 =	vld.idx.msk [tilespmem:v0+s7+$0x0], $0xffff;
	v14 =	vtrunc.f32 v56;
	v56 =	vadd.s32 $0x5880, v8  }
0x25c: {  	v48 =	vsel vm12, v22, v46;
	v16 =	vadd.f32 $-1.000000000e+00, v28;
	v7 =	vld.idx.msk [tilespmem:v7+s7+$0x0], $0xffff;
	v46 =	vcvt.f32.s32 v14  }
0x25d: {  	vm13 =	veq.s32 v40, $0xC;
	v22 =	vadd.f32 $-1.000000000e+00, v2;
	v3 =	vld.idx.msk [tilespmem:v13+s7+$0x0], $0xffff;
	v9 =	vor.u32 $0x5100, v4  }
0x25e: {  	v5 =	vor.u32 $0x5380, v5;
	v28 =	vsel vm13, v16, v28;
	v40 =	vld.idx.msk [tilespmem:v52+s7+$0x0], $0xffff;
	vm13 =	veq.s32 v46, $0x1  }
0x25f: {  	v18 =	vsel vm15, v10, v30;
	v0 =	vor.u32 $0x5200, v4;
	v10 =	vsel vm13, v22, v2;
	v22 =	vld [tilespmem:$0x1FFE0]  }
0x260: {  	vm10 =	vlt.s32 v11, $0xD;
	v30 =	vor.u32 $0x5280, v4;
	v2 =	vld.idx.msk [tilespmem:v56+s7+$0x0], $0xffff  }
0x261: {  	vm15 =	vmand vm14, vm10;
	v56 =	vld [tilespmem:$0x1FFF0]  }
0x262: {  	vm8 =	vmand vm15, vm0;
	[tilespmem:$0x1FD60] =	vst v17;
	v17 =	vadd.f32 $-1.000000000e+00, v1;
	v9 =	vld.idx.msk [tilespmem:v9+s7+$0x0], $0xffff;
	v14 =	vadd.s32 $0x5800, v8  }
0x263: {  	v52 =	vadd.f32 $-1.000000000e+00, v6;
	v4 =	vld.idx.msk [tilespmem:v5+s7+$0x0], $0xffff;
	v5 =	vadd.f32 $-1.000000000e+00, v3;
	vm12 =	veq.s32 v46, $0x0  }
0x264: {  	v11 =	vld.idx.msk [tilespmem:v0+s7+$0x0], $0xffff;
	vm14 =	veq.s32 v46, $0x2;
	v16 =	vsel vm12, v17, v1;
	v17 =	vadd.f32 $-1.000000000e+00, v7  }
0x265: {  	v30 =	vld.idx.msk [tilespmem:v30+s7+$0x0], $0xffff;
	vm15 =	veq.s32 v46, $0x3;
	v13 =	vsel vm14, v52, v6;
	v6 =	vadd.s32 $0x4800, v8  }
0x266: {  	vm12 =	veq.s32 v46, $0x4;
	v17 =	vsel vm15, v17, v7;
	v7 =	vadd.s32 $0x4800, v23  }
0x267: {  	vm13 =	veq.s32 v46, $0x5;
	vm14 =	veq.s32 v46, $0x6;
	v1 =	vadd.f32 $-1.000000000e+00, v9;
	v14 =	vld.idx.msk [tilespmem:v14+s7+$0x0], $0xffff  }
0x268: {  	v8 =	vsel vm14, v5, v3;
	vm14 =	veq.s32 v46, $0xA;
	v23 =	vadd.f32 $-1.000000000e+00, v21;
	v52 =	vld.idx.msk [tilespmem:v22+s2+$0x0], $0xffff  }
0x269: {  	vm15 =	veq.s32 v46, $0x7;
	v9 =	vsel vm13, v1, v9;
	v1 =	vadd.f32 $-1.000000000e+00, v11;
	v56 =	vld.idx.msk [tilespmem:v56+s2+$0x0], $0xffff;
	[tilespmem:v12+s9+$0x0] =	vst.idx.msk vm8, v42  }
0x26a: {  	vm13 =	veq.s32 v46, $0x9;
	v21 =	vsel vm12, v23, v21;
	v22 =	vadd.f32 $-1.000000000e+00, v30;
	v5 =	vld.idx.msk [tilespmem:v61+s9+$0x0], $0xffff  }
0x26b: {  	vm12 =	veq.s32 v46, $0x8;
	v23 =	vadd.f32 $-1.000000000e+00, v40;
	v61 =	vld.idx.msk [tilespmem:v7+s7+$0x0], $0xffff;
	v7 =	vsel vm15, v1, v11  }
0x26c: {  	v30 =	vsel vm12, v22, v30;
	vm15 =	veq.s32 v46, $0xB;
	vm12 =	veq.s32 v46, $0xC;
	v46 =	vld [tilespmem:$0x1F9F0];
	_ =	sdelay $0x1  }
0x26d: {  	v3 =	vld.idx.msk [tilespmem:v12+s9+$0x0], $0xffff;
	v11 =	vsel vm13, v23, v40;
	v22 =	vadd.f32 $-1.000000000e+00, v4;
	v23 =	vadd.f32 $-1.000000000e+00, v14  }
0x26e: {  	v40 =	vadd.f32 $-1.000000000e+00, v2  }
0x26f: {  	v12 =	vsel vm14, v22, v4;
	v22 =	vsel vm15, v23, v14  }
0x270: {  	v23 =	vsel vm12, v40, v2;
	v40 =	vmul.f32 v61, v61;
	v61 =	vmul.f32 $5.000000000e+00, v46;
	v46 =	vld [tilespmem:$0x1FA20]  }
0x271: {  	v0 =	vld.idx.msk [tilespmem:v6+s7+$0x0], $0xffff  }
0x272: {  	vm14 =	veq.s32 v3, v42;
	v42 =	vld [tilespmem:$0x1F9E0]  }
0x273: {  	vm13 =	veq.s32 v5, v25;
	v25 =	vld [tilespmem:$0x1FA00]  }
0x274: {  	v4 =	vld [tilespmem:$0x1FA40]  }
0x275: {  	v6 =	vadd.f32 v46, v61;
	v61 =	vld [tilespmem:$0x1FA30];
	_ =	sdelay $0x1  }
0x276: {  	vm9 =	vmand vm7, vm13;
	v3 =	vmul.f32 $5.000000000e+00, v42;
	v42 =	vld [tilespmem:$0x1FA10]  }
0x277: {  	v5 =	vld [tilespmem:$0x49A0];
	v0 =	vmul.f32 v0, v0;
	v2 =	vnsel vm9, $0x0, v40;
	v40 =	vmul.f32 v25, v25  }
0x278: {  	vm15 =	vmand vm8, vm14;
	v2 =	vsub.f32 v15, v2;
	v46 =	vld [tilespmem:$0x1FA50]  }
0x279: {  	v0 =	vnsel vm15, $0x0, v0;
	v25 =	vmul.f32 v4, v4;
	v14 =	vadd.f32 v40, v61  }
0x27a: {  	v15 =	vld [tilespmem:$0x49B0];
	v0 =	vsub.f32 v2, v0  }
0x27b: {  	v3 =	vadd.f32 v42, v3;
	v2 =	vadd.f32 v25, v14;
	v14 =	vld [tilespmem:$0x1FA60];
	_ =	sdelay $0x1  }
0x27c: {  	v5 =	vmul.f32 v5, v5;
	v61 =	vnsel vm1, $0x0, v46;
	v3 =	vnsel vm2, $0x0, v3  }
0x27d: {  	v40 =	vld [tilespmem:$0x49C0];
	v3 =	vadd.f32 v3, v61  }
0x27e: {  	v0 =	vadd.f32 v0, v5;
	v42 =	vnsel vm4, $0x0, v6;
	v61 =	vmul.f32 v15, v15;
	v15 =	vld [tilespmem:$0x1FA80]  }
0x27f: {  	v4 =	vadd.f32 v42, v3;
	v42 =	vld [tilespmem:$0x1FAA0];
	v25 =	vmul.f32 v14, v14  }
0x280: {  	v0 =	vadd.f32 v0, v61;
	v61 =	vld [tilespmem:$0x1FAB0]  }
0x281: {  	v2 =	vadd.f32 v25, v2;
	v25 =	vld [tilespmem:$0x1FA90];
	_ =	sdelay $0x1  }
0x282: {  	v14 =	vld [tilespmem:$0x1FA70]  }
0x283: {  	v46 =	vld [tilespmem:$0x49D0]  }
0x284: {  	v6 =	vmul.f32 v40, v40;
	v40 =	vsub.f32 v61, v42;
	v42 =	vld [tilespmem:$0x1FAE0]  }
0x285: {  	v15 =	vsub.f32 v25, v15;
	v25 =	vld [tilespmem:$0x1FAD0];
	_ =	sdelay $0x1  }
0x286: {  	v5 =	vmul.f32 v14, v14  }
0x287: {  	v0 =	vadd.f32 v0, v6;
	v6 =	vmul.f32 v46, v46;
	v46 =	vld [tilespmem:$0x1FB00]  }
0x288: {  	v2 =	vadd.f32 v5, v2;
	v5 =	vld [tilespmem:$0x1FAC0]  }
0x289: {  	v3 =	vsub.f32 v25, v42;
	v25 =	vld [tilespmem:$0x1FAF0];
	_ =	sdelay $0x1  }
0x28a: {  	v0 =	vadd.f32 v0, v6;
	v6 =	vmul.f32 v15, v15;
	v15 =	vld [tilespmem:$0x1FB20];
	_ =	sdelay $0x1  }
0x28b: {  	v14 =	vld [tilespmem:$0x49E0]  }
0x28c: {  	v5 =	vmul.f32 v5, v5;
	v46 =	vsub.f32 v25, v46;
	v25 =	vld [tilespmem:$0x1FB10]  }
0x28d: {  	v61 =	vld [tilespmem:$0x49F0]  }
0x28e: {  	v2 =	vadd.f32 v5, v2;
	v5 =	vmul.f32 v15, v15;
	v15 =	vmul.f32 v49, v49;
	_ =	sdelay $0x1  }
0x28f: {  	v59 =	vmul.f32 v59, v59;
	v1 =	vld [tilespmem:$0x4A00];
	v5 =	vadd.f32 v15, v5  }
0x290: {  	v14 =	vmul.f32 v14, v14;
	v49 =	vld [tilespmem:$0x4A10];
	v42 =	vmul.f32 v25, v25  }
0x291: {  	v5 =	vadd.f32 v59, v5;
	v59 =	vmul.f32 v54, v54;
	v25 =	vmul.f32 v61, v61;
	v61 =	vld [tilespmem:$0x4DA0]  }
0x292: {  	v0 =	vadd.f32 v0, v14;
	v2 =	vadd.f32 v42, v2;
	v42 =	vld [tilespmem:$0x1FB30]  }
0x293: {  	v54 =	vmul.f32 v60, v60;
	v5 =	vadd.f32 v59, v5  }
0x294: {  	v1 =	vmul.f32 v1, v1;
	v0 =	vadd.f32 v0, v25  }
0x295: {  	v14 =	vmul.f32 v40, v40;
	v59 =	vld [tilespmem:$0x4DC0];
	v5 =	vadd.f32 v54, v5;
	v54 =	vmul.f32 v51, v51  }
0x296: {  	v25 =	vmul.f32 v49, v49;
	v49 =	vld [tilespmem:$0x1FB40];
	v0 =	vadd.f32 v0, v1;
	v1 =	vmul.f32 v3, v3  }
0x297: {  	v6 =	vadd.f32 v14, v6;
	v51 =	vld [tilespmem:$0x1FB80];
	v60 =	vmul.f32 v61, v61;
	v15 =	vmul.f32 v42, v42  }
0x298: {  	v61 =	vmul.f32 v41, v41;
	v0 =	vadd.f32 v0, v25;
	v25 =	vmul.f32 v46, v46;
	v46 =	vld [tilespmem:$0x1FB50]  }
0x299: {  	v1 =	vadd.f32 v1, v6;
	v2 =	vadd.f32 v15, v2;
	v15 =	vld [tilespmem:$0x4DB0]  }
0x29a: {  	v5 =	vadd.f32 v61, v5;
	v61 =	vld [tilespmem:$0x1FB60]  }
0x29b: {  	v14 =	vmul.f32 v49, v49;
	v1 =	vadd.f32 v25, v1;
	v25 =	vld [tilespmem:$0x1FB70]  }
0x29c: {  	v0 =	vadd.f32 v0, v60;
	v60 =	vmul.f32 v43, v43;
	v5 =	vadd.f32 v54, v5;
	v54 =	vld [tilespmem:$0x1FB90]  }
0x29d: {  	v2 =	vadd.f32 v14, v2;
	v14 =	vld [tilespmem:$0x4DD0]  }
0x29e: {  	v55 =	vmul.f32 v55, v55;
	v43 =	vld [tilespmem:$0x4E00];
	v5 =	vadd.f32 v60, v5;
	v15 =	vmul.f32 v15, v15  }
0x29f: {  	v6 =	vmul.f32 v46, v46;
	v46 =	vld [tilespmem:$0x4DE0]  }
0x2a0: {  	v59 =	vmul.f32 v59, v59;
	v5 =	vadd.f32 v55, v5;
	v55 =	vld [tilespmem:$0x5AA0];
	v0 =	vadd.f32 v0, v15  }
0x2a1: {  	v15 =	vld [tilespmem:$0x4DF0]  }
0x2a2: {  	v49 =	vmul.f32 v14, v14;
	v14 =	vsub.f32 v54, v51;
	v51 =	vld [tilespmem:$0x1FBB0];
	v0 =	vadd.f32 v0, v59  }
0x2a3: {  	v40 =	vsub.f32 v25, v61;
	v25 =	vmul.f32 v47, v47;
	v54 =	vld [tilespmem:$0x1FBC0]  }
0x2a4: {  	v0 =	vadd.f32 v0, v49;
	v49 =	vld [tilespmem:$0x1FBA0]  }
0x2a5: {  	v38 =	vmul.f32 v38, v38;
	v5 =	vadd.f32 v25, v5;
	v25 =	vld [tilespmem:$0x1FBE0];
	v60 =	vmul.f32 v46, v46  }
0x2a6: {  	v46 =	vld [tilespmem:$0x4E10];
	v59 =	vmul.f32 v40, v40;
	v61 =	vmul.f32 v14, v14  }
0x2a7: {  	v2 =	vadd.f32 v6, v2;
	v14 =	vmul.f32 v55, v55;
	v55 =	vld [tilespmem:$0x1FBF0];
	v40 =	vmul.f32 v33, v33  }
0x2a8: {  	v33 =	vld [tilespmem:$0x1FCE0];
	v15 =	vmul.f32 v15, v15;
	v6 =	vmul.f32 v54, v54;
	v0 =	vadd.f32 v0, v60  }
0x2a9: {  	v3 =	vadd.f32 v61, v59;
	v61 =	vld [tilespmem:$0x1FBD0];
	v60 =	vmul.f32 v43, v43;
	v47 =	vsub.f32 v49, v51  }
0x2aa: {  	v5 =	vadd.f32 v6, v5;
	v0 =	vadd.f32 v0, v15;
	v51 =	vmul.f32 v53, v53;
	v53 =	vld [tilespmem:$0x5AC0]  }
0x2ab: {  	v35 =	vmul.f32 v35, v35;
	v59 =	vmul.f32 v47, v47;
	v47 =	vld [tilespmem:$0x5AB0]  }
0x2ac: {  	v49 =	vmul.f32 v46, v46;
	v5 =	vadd.f32 v38, v5;
	v38 =	vld [tilespmem:$0x5AE0];
	v0 =	vadd.f32 v0, v60  }
0x2ad: {  	v34 =	vmul.f32 v34, v34;
	v1 =	vmul.f32 $5.000000000e+00, v1;
	v46 =	vld [tilespmem:$0x5AF0]  }
0x2ae: {  	v41 =	vsub.f32 v61, v25;
	v25 =	vmul.f32 v58, v58;
	v58 =	vld [tilespmem:$0x5B10];
	v0 =	vadd.f32 v0, v49  }
0x2af: {  	v50 =	vmul.f32 v50, v50;
	v1 =	vadd.f32 v2, v1;
	v60 =	vld [tilespmem:$0x5AD0];
	v6 =	vadd.f32 v34, v51  }
0x2b0: {  	v54 =	vmul.f32 v41, v41;
	v51 =	vld [tilespmem:$0x5B00];
	v0 =	vadd.f32 v0, v14;
	v61 =	vmul.f32 v47, v47  }
0x2b1: {  	v41 =	vld [tilespmem:$0x5EE0];
	v3 =	vadd.f32 v59, v3;
	v59 =	vmul.f32 v55, v55;
	v6 =	vadd.f32 v35, v6  }
0x2b2: {  	v55 =	vmul.f32 v44, v44;
	v44 =	vld [tilespmem:$0x1FC30];
	v42 =	vmul.f32 v53, v53;
	v0 =	vadd.f32 v0, v61  }
0x2b3: {  	v43 =	vmul.f32 v62, v62;
	v5 =	vadd.f32 v59, v5;
	v6 =	vadd.f32 v25, v6;
	v25 =	vld [tilespmem:$0x5EA0]  }
0x2b4: {  	v59 =	vmul.f32 v46, v46;
	v46 =	vld [tilespmem:$0x1FC40];
	v47 =	vmul.f32 v60, v60;
	v0 =	vadd.f32 v0, v42  }
0x2b5: {  	v27 =	vmul.f32 v27, v27;
	v1 =	vnsel vm3, $0x0, v1;
	v3 =	vadd.f32 v54, v3;
	v60 =	vld [tilespmem:$0x1FC00]  }
0x2b6: {  	v53 =	vmul.f32 v38, v38;
	v49 =	vadd.f32 v43, v6;
	v43 =	vld [tilespmem:$0x1FC20];
	v0 =	vadd.f32 v0, v47  }
0x2b7: {  	v1 =	vadd.f32 v1, v4;
	v3 =	vmul.f32 $5.000000000e+00, v3;
	v6 =	vmul.f32 v58, v58;
	v58 =	vld [tilespmem:$0x1FC70]  }
0x2b8: {  	v10 =	vmul.f32 v10, v10;
	v61 =	vld [tilespmem:$0x1FC10];
	v54 =	vadd.f32 v50, v49;
	v0 =	vadd.f32 v0, v53  }
0x2b9: {  	v62 =	vmul.f32 v45, v45;
	v34 =	vmul.f32 v26, v26;
	v3 =	vadd.f32 v5, v3;
	v50 =	vld [tilespmem:$0x5EB0]  }
0x2ba: {  	v45 =	vmul.f32 v51, v51;
	v4 =	vadd.f32 v55, v54;
	v55 =	vld [tilespmem:$0x5EC0];
	v0 =	vadd.f32 v0, v59  }
0x2bb: {  	v49 =	vmul.f32 v39, v39;
	v54 =	vmul.f32 v57, v57;
	v57 =	vld [tilespmem:$0x1FC60]  }
0x2bc: {  	v2 =	vnsel vm6, $0x0, v3;
	v35 =	vsub.f32 v44, v43;
	v47 =	vld [tilespmem:$0x1FC50];
	v0 =	vadd.f32 v0, v45  }
0x2bd: {  	v42 =	vld [tilespmem:$0x1FC90];
	v44 =	vmul.f32 v32, v32;
	v15 =	vsub.f32 v61, v60;
	v4 =	vadd.f32 v62, v4  }
0x2be: {  	v32 =	vld [tilespmem:$0x1FCD0];
	v53 =	vmul.f32 v35, v35;
	v59 =	vmul.f32 v25, v25;
	v0 =	vadd.f32 v0, v6  }
0x2bf: {  	v61 =	vld [tilespmem:$0x5ED0];
	v39 =	vmul.f32 v50, v50;
	v51 =	vmul.f32 v15, v15;
	v4 =	vadd.f32 v49, v4  }
0x2c0: {  	v60 =	vld [tilespmem:$0x1FC80];
	v49 =	vmul.f32 v29, v29;
	v38 =	vsub.f32 v57, v58;
	v0 =	vadd.f32 v0, v59  }
0x2c1: {  	v50 =	vld [tilespmem:$0x5F00];
	v43 =	vmul.f32 v55, v55;
	v14 =	vsub.f32 v46, v47;
	v3 =	vadd.f32 v53, v51  }
0x2c2: {  	v35 =	vld [tilespmem:$0x5D40];
	v58 =	vmul.f32 v19, v19;
	v4 =	vadd.f32 v54, v4;
	v0 =	vadd.f32 v0, v39  }
0x2c3: {  	v53 =	vmul.f32 v41, v41;
	v54 =	vmul.f32 v20, v20;
	v15 =	vsub.f32 v33, v32;
	v45 =	vld [tilespmem:$0x5EF0]  }
0x2c4: {  	v55 =	vld [tilespmem:$0x5F10];
	v33 =	vmul.f32 v8, v8;
	v46 =	vmul.f32 v61, v61;
	v0 =	vadd.f32 v0, v43  }
0x2c5: {  	v25 =	vld [tilespmem:$0x1FCB0];
	v5 =	vmul.f32 v60, v60;
	v47 =	vmul.f32 v38, v38  }
0x2c6: {  	v51 =	vld [tilespmem:$0x1FCA0];
	v62 =	vmul.f32 v14, v14;
	v14 =	vmul.f32 v42, v42;
	v0 =	vadd.f32 v0, v46  }
0x2c7: {  	v1 =	vadd.f32 v2, v1;
	v41 =	vld [tilespmem:$0x1FD10];
	v60 =	vmul.f32 v50, v50;
	v50 =	vmul.f32 v18, v18  }
0x2c8: {  	v42 =	vld [tilespmem:$0x1FD20];
	v4 =	vadd.f32 v5, v4;
	v57 =	vmul.f32 v45, v45;
	v0 =	vadd.f32 v0, v53  }
0x2c9: {  	v5 =	vadd.f32 v27, v40;
	v3 =	vadd.f32 v62, v3;
	v62 =	vmul.f32 v63, v63;
	v59 =	vld [tilespmem:$0x5D20]  }
0x2ca: {  	v27 =	vld [tilespmem:$0x1FCC0];
	v29 =	vmul.f32 v55, v55;
	v4 =	vadd.f32 v14, v4;
	v0 =	vadd.f32 v0, v57  }
0x2cb: {  	v63 =	vld [tilespmem:$0x5D30];
	v5 =	vadd.f32 v44, v5;
	v14 =	vmul.f32 v51, v51;
	v51 =	vmul.f32 v35, v35  }
0x2cc: {  	v3 =	vadd.f32 v47, v3;
	v47 =	vmul.f32 v24, v24;
	v0 =	vadd.f32 v0, v60  }
0x2cd: {  	v44 =	vld [tilespmem:$0x5D50];
	v24 =	vmul.f32 v21, v21;
	v5 =	vadd.f32 v49, v5;
	v4 =	vadd.f32 v14, v4  }
0x2ce: {  	v38 =	vld [tilespmem:$0x1FCF0];
	v19 =	vsub.f32 v41, v42;
	v40 =	vmul.f32 v59, v59;
	v0 =	vadd.f32 v0, v29  }
0x2cf: {  	v39 =	vld [tilespmem:$0x1FD00];
	v3 =	vmul.f32 $5.000000000e+00, v3;
	v14 =	vsub.f32 v27, v25;
	v27 =	vmul.f32 v28, v28  }
0x2d0: {  	v28 =	vmul.f32 v9, v9;
	v6 =	vmul.f32 v63, v63;
	v0 =	vadd.f32 v0, v40  }
0x2d1: {  	v49 =	vld [tilespmem:$0x5D60];
	v5 =	vadd.f32 v54, v5;
	v43 =	vmul.f32 v37, v37;
	v3 =	vadd.f32 v4, v3  }
0x2d2: {  	v25 =	vld [tilespmem:$0x6120];
	v45 =	vmul.f32 v14, v14;
	v55 =	vmul.f32 v44, v44;
	v0 =	vadd.f32 v0, v6  }
0x2d3: {  	v54 =	vld [tilespmem:$0x5D70];
	v61 =	vadd.f32 v58, v5;
	v46 =	vmul.f32 v15, v15;
	v53 =	vmul.f32 v16, v16  }
0x2d4: {  	v35 =	vld [tilespmem:$0x1FD30];
	v26 =	vsub.f32 v38, v39;
	v39 =	vmul.f32 v7, v7;
	v0 =	vadd.f32 v0, v51  }
0x2d5: {  	v58 =	vld [tilespmem:$0x5D80];
	v4 =	vadd.f32 v62, v61;
	v5 =	vadd.f32 v10, v53;
	v57 =	vmul.f32 v13, v13  }
0x2d6: {  	v63 =	vld [tilespmem:$0x5D90];
	v2 =	vadd.f32 v46, v45;
	v60 =	vmul.f32 v49, v49;
	v0 =	vadd.f32 v0, v55  }
0x2d7: {  	v44 =	vld [tilespmem:$0x6160];
	v61 =	vmul.f32 v48, v48;
	v62 =	vmul.f32 v17, v17;
	v5 =	vadd.f32 v57, v5  }
0x2d8: {  	v38 =	vld [tilespmem:$0x1FD40];
	v37 =	vmul.f32 v25, v25;
	v20 =	vmul.f32 v54, v54;
	v0 =	vadd.f32 v0, v60  }
0x2d9: {  	v59 =	vmul.f32 v26, v26;
	v4 =	vadd.f32 v34, v4;
	v5 =	vadd.f32 v62, v5  }
0x2da: {  	v13 =	vsub.f32 v35, v31;
	v10 =	vmul.f32 v58, v58;
	v0 =	vadd.f32 v0, v20  }
0x2db: {  	v26 =	vmul.f32 v19, v19;
	v2 =	vadd.f32 v59, v2;
	v29 =	vld [tilespmem:$0x6130];
	v5 =	vadd.f32 v24, v5  }
0x2dc: {  	v45 =	vld [tilespmem:$0x1FD50];
	v32 =	vmul.f32 v63, v63;
	v4 =	vadd.f32 v43, v4;
	v0 =	vadd.f32 v0, v10  }
0x2dd: {  	v34 =	vld [tilespmem:$0x6140];
	v53 =	vmul.f32 v44, v44;
	v14 =	vsub.f32 v38, v36;
	v5 =	vadd.f32 v28, v5  }
0x2de: {  	v58 =	vmul.f32 v23, v23;
	v4 =	vadd.f32 v47, v4;
	v0 =	vadd.f32 v0, v32  }
0x2df: {  	v41 =	vmul.f32 v13, v13;
	v2 =	vadd.f32 v26, v2;
	v40 =	vld [tilespmem:$0x6150];
	v5 =	vadd.f32 v33, v5  }
0x2e0: {  	v4 =	vadd.f32 v50, v4;
	v50 =	vld [tilespmem:$0x1FD60];
	v9 =	vmul.f32 v29, v29;
	v0 =	vadd.f32 v0, v37  }
0x2e1: {  	v43 =	vmul.f32 v30, v30;
	v15 =	vsub.f32 v45, v52;
	v5 =	vadd.f32 v39, v5  }
0x2e2: {  	v42 =	vmul.f32 v14, v14;
	v8 =	vmul.f32 v34, v34;
	v0 =	vadd.f32 v0, v9  }
0x2e3: {  	v48 =	vld [tilespmem:$0x6170];
	v47 =	vmul.f32 v11, v11;
	v49 =	vmul.f32 v15, v15;
	v5 =	vadd.f32 v43, v5  }
0x2e4: {  	v46 =	vadd.f32 v42, v41;
	v7 =	vmul.f32 v40, v40;
	v0 =	vadd.f32 v0, v8  }
0x2e5: {  	v52 =	vld [tilespmem:$0x6180];
	v51 =	vmul.f32 v12, v12;
	v11 =	vsub.f32 v50, v56;
	v5 =	vadd.f32 v47, v5  }
0x2e6: {  	v4 =	vadd.f32 v61, v4;
	v55 =	vmul.f32 v22, v22;
	v0 =	vadd.f32 v0, v7  }
0x2e7: {  	v56 =	vld [tilespmem:$0x6190];
	v54 =	vmul.f32 v11, v11;
	v5 =	vadd.f32 v51, v5;
	v8 =	vadd.f32 v49, v46  }
0x2e8: {  	v57 =	vmul.f32 v48, v48;
	v4 =	vadd.f32 v27, v4;
	v0 =	vadd.f32 v0, v53  }
0x2e9: {  	v2 =	vmul.f32 $5.000000000e+00, v2;
	v5 =	vadd.f32 v55, v5;
	v8 =	vadd.f32 v54, v8  }
0x2ea: {  	v3 =	vnsel vm5, $0x0, v3;
	v59 =	vmul.f32 v52, v52;
	v0 =	vadd.f32 v0, v57  }
0x2eb: {  	v2 =	vadd.f32 v4, v2;
	v60 =	vadd.f32 v58, v5;
	v61 =	vmul.f32 $5.000000000e+00, v8  }
0x2ec: {  	v1 =	vadd.f32 v3, v1;
	v62 =	vmul.f32 v56, v56;
	v0 =	vadd.f32 v0, v59  }
0x2ed: {  	v2 =	vnsel vm7, $0x0, v2;
	v4 =	vadd.f32 v60, v61  }
0x2ee: {  	v1 =	vadd.f32 v2, v1;
	v0 =	vadd.f32 v0, v62  }
0x2ef: {  	v63 =	vnsel vm8, $0x0, v4  }
0x2f0: {  	v1 =	vadd.f32 v63, v1;
	v0 =	vmul.f32 $5.000000000e-01, v0;
	_ =	sdelay $0x1  }
0x2f1: {  	v0 =	vadd.f32 v0, v1  }
0x2f2: {  	p0 =	sne.s32 s6, $0x1  }
.Ltmp0:
0x2f3: {  	[tilespmem:$0x6250] =	vst v0;
	(pc) =	sbr.rel @p0 .LBB2_1-.Ltmp0, $4  }
0x2f4: {  	[hbm4b:s5+s2] =	stream.linear.scatter [tilespmem:s10], [sflag:$0x1], $0x10, $0x38;
	[tilespmem:$0x6260] =	vst v63  }
0x2f5: {  	_ =	swait.ge [sflag:s8], $0x10  }
0x2f6: {  	[sflag:s8] =	ssyncset.done $0x0  }
0x2f7: {  	s6 =	sadd.s32 $0xFFFFFFFF, s6;
	[sflag:s8] =	ssyncadd.s32 $0xFFFFFFF0  }
0x2f8: {  	_ =	sfence.sel $0x180000  }
0x2f9: {  	[bflag:$0x0] =	sbarrier.arrive $0xFFFF  }
0x2fa: {  	p0 =	sne.s32 s0, $0x0;
	_ =	strace $0x90000047  }
0x2fb: {  	s0 =	sadd.s32 @!p0 $0x100000, s1;
	[bflag:$0x2] =	sbarrier.arrive $0xFFFF  }
0x2fc: {  	[sflag:s0] =	ssyncadd.tile.s32 @!p0 $0x1;
	_ =	shalt  }
.Lfunc_end2:
_tile_overlayer_lowered:
.L_overlay_start_2:
0x2fd: {  	(tag) =	ssettag $0x2  }
0x2fe: {  	s0 =	rddreg [dreg:$0x0];
	s2 =	stileid.u32  }
0x2ff: {  	s1 =	rddreg [dreg:$0x1];
	p0 =	sne.s32 s2, $0x0  }
0x300: {  	s3 =	rddreg [dreg:$0x2];
	[bflag:$0x3] =	sbarrier.arrive $0xFFFF;
	s2 =	simm.s32 @!p0 $0x1C01  }
0x301: {  	[timem:s3], [sflag:s2] =	dma.local @!p0 [hbm:s0], s1  }
0x302: {  	s0 =	simm.s32 @!p0 $0x1  }
0x303: {  	_ =	swait.ge @!p0 [sflag:s0], s1  }
0x304: {  	s1 =	ssub.s32 @!p0 $0x0, s1;
	[sflag:s0] =	ssyncset.done @!p0 $0x0  }
0x305: {  	[sflag:s0] =	ssyncadd.s32 @!p0 s1  }
0x306: {  	[bflag:$0x3] =	sbarrier.arrive $0xFFFF  }
0x307: {  	_ =	shalt  }

</sc_bundles>
